<compile_context>
chip_gen: v7x
topology: tpu7x:2x2x1
jax: 0.10.2.dev20260603
libtpu: 0.0.44.dev20260713+nightly
codegen_flags: <defaults>
</compile_context>

<pallas_src>
import functools

import jax
import jax.numpy as jnp
from jax import lax
from jax.experimental import pallas as pl
from jax.experimental.pallas import tpu as pltpu
from jax.experimental.pallas import tpu_sc as plsc

N = 10000
E = 320000
H = 128
DE = 16
L = 3
NG = 128


_NC = 2
_NS = 16
_NW = _NC * _NS
_B = 128
_NBT = E // _B
_MAXB = (_NBT + _NW - 1) // _NW
_SPR = 624
_TAIL = N - _NS * _SPR

_C1 = -1.5957691216057308
_C2 = -0.07135481282006346


def _edge_body(h_hbm, ee_hbm, src_hbm, dst_hbm, em_hbm, out_hbm,
               src_v, dst_v, em_v, ee_v, hr_v, agg_sh, *sems):
    cid = lax.axis_index("c")
    sid = lax.axis_index("s")
    wid = cid * _NS + sid

    @plsc.parallel_loop(0, _SPR // 6)
    def _zero_row(r):
        for j in range(8):
            hr_v[r, pl.ds(16 * j, 16)] = jnp.zeros((16,), jnp.float32)

    r0 = sid * _SPR
    for k in range(6):
        pltpu.async_copy(hr_v.at[pl.ds(0, _SPR // 6)],
                         agg_sh.at[pl.ds(r0 + k * (_SPR // 6), _SPR // 6)],
                         sems[8])

    @pl.when(sid == _NS - 1)
    def _():
        pltpu.async_copy(hr_v.at[pl.ds(0, _TAIL)],
                         agg_sh.at[pl.ds(_NS * _SPR, _TAIL)], sems[8])
    for k in range(6):
        pltpu.make_async_copy(hr_v.at[pl.ds(0, _SPR // 6)],
                              agg_sh.at[pl.ds(r0, _SPR // 6)], sems[8]).wait()

    @pl.when(sid == _NS - 1)
    def _():
        pltpu.make_async_copy(hr_v.at[pl.ds(0, _TAIL)],
                              agg_sh.at[pl.ds(0, _TAIL)], sems[8]).wait()
    plsc.subcore_barrier()

    def _bi(k):
        return jnp.minimum(k * _NW + wid, _NBT - 1)

    def _issue_lin(k, b4):
        bi = _bi(k)
        pltpu.async_copy(src_hbm.at[pl.ds(bi, 1)],
                         src_v.at[pl.ds(b4, 1)], sems[b4])
        pltpu.async_copy(dst_hbm.at[pl.ds(bi, 1)],
                         dst_v.at[pl.ds(b4, 1)], sems[b4])

    def _wait_lin(b4):
        pltpu.make_async_copy(src_hbm.at[pl.ds(0, 1)],
                              src_v.at[pl.ds(b4, 1)], sems[b4]).wait()
        pltpu.make_async_copy(dst_hbm.at[pl.ds(0, 1)],
                              dst_v.at[pl.ds(b4, 1)], sems[b4]).wait()

    def _issue_eem(k, s2):
        bi = _bi(k)
        pltpu.async_copy(ee_hbm.at[pl.ds(bi * (_B // 2), _B // 2)],
                         ee_v.at[pl.ds(s2 * (_B // 2), _B // 2)], sems[4 + s2])
        pltpu.async_copy(em_hbm.at[pl.ds(bi, 1)],
                         em_v.at[pl.ds(s2, 1)], sems[4 + s2])

    def _wait_eem(s2):
        pltpu.make_async_copy(ee_hbm.at[pl.ds(0, _B // 2)],
                              ee_v.at[pl.ds(s2 * (_B // 2), _B // 2)],
                              sems[4 + s2]).wait()
        pltpu.make_async_copy(em_hbm.at[pl.ds(0, 1)],
                              em_v.at[pl.ds(s2, 1)], sems[4 + s2]).wait()

    def _issue_gather(s2, b4):
        pltpu.async_copy(h_hbm.at[src_v.at[b4]],
                         hr_v.at[pl.ds(s2 * _B, _B)], sems[6 + s2])

    def _wait_gather(s2):
        pltpu.make_async_copy(h_hbm.at[pl.ds(0, _B)],
                              hr_v.at[pl.ds(s2 * _B, _B)], sems[6 + s2]).wait()

    def _issue_scatter(s2, b4):
        pltpu.async_copy(hr_v.at[pl.ds(s2 * _B, _B)],
                         agg_sh.at[dst_v.at[b4]], sems[8 + s2], add=True)

    def _wait_scatter(s2):
        pltpu.make_async_copy(hr_v.at[pl.ds(s2 * _B, _B)],
                              agg_sh.at[pl.ds(0, _B)], sems[8 + s2]).wait()

    def _compute(k, s2):
        valid = (k * _NW + wid) < _NBT
        vmask = jnp.full((16,), jnp.where(valid, 1.0, 0.0), jnp.float32)
        for j in range(8):
            em_v[s2, pl.ds(16 * j, 16)] = em_v[s2, pl.ds(16 * j, 16)] * vmask

        @plsc.parallel_loop(0, _B)
        def _row(i):
            mv = em_v[s2, pl.ds((i // 16) * 16, 16)]
            lane = jnp.full((16,), 0, jnp.int32) + (i % 16)
            m = lax.gather(
                mv, lane[:, None],
                lax.GatherDimensionNumbers(
                    offset_dims=(), collapsed_slice_dims=(0,),
                    start_index_map=(0,)),
                (1,), mode=lax.GatherScatterMode.PROMISE_IN_BOUNDS)
            r = s2 * _B + i
            r2 = s2 * (_B // 2) + i // 2
            c0 = 64 * (i % 2)
            for q in range(4):
                ew = ee_v[r2, pl.ds(c0 + 16 * q, 16)]
                ea = lax.bitcast_convert_type(ew << 16, jnp.float32)
                eb = lax.bitcast_convert_type(ew, jnp.float32)
                for half, ex in ((0, ea), (1, eb)):
                    j8 = 2 * q + half
                    v = hr_v[r, pl.ds(16 * j8, 16)] + ex
                    t = v * (-1.702)
                    hr_v[r, pl.ds(16 * j8, 16)] = (v * m) / (1.0 + jnp.exp(t))

    NB = _MAXB

    _issue_lin(0, 0)
    _issue_lin(1, 1)
    _issue_eem(0, 0)
    _issue_eem(1, 1)
    _wait_lin(0)
    _issue_gather(0, 0)

    def _outer(k0, _):
        for b in range(4):
            k = k0 * 4 + b
            s2 = b & 1

            @pl.when(k < NB)
            def _():
                @pl.when(k + 1 < NB)
                def _():
                    _wait_lin((b + 1) % 4)

                    @pl.when(k >= 1)
                    def _():
                        _wait_scatter(1 - s2)
                    _issue_gather(1 - s2, (b + 1) % 4)

                @pl.when(k + 2 < NB)
                def _():
                    _issue_lin(k + 2, (b + 2) % 4)

                _wait_eem(s2)
                _wait_gather(s2)
                _compute(k, s2)
                _issue_scatter(s2, b)

                @pl.when(k + 2 < NB)
                def _():
                    _issue_eem(k + 2, s2)
        return 0
    lax.fori_loop(0, (NB + 3) // 4, _outer, 0)

    _wait_scatter((NB - 2) % 2)
    _wait_scatter((NB - 1) % 2)

    plsc.subcore_barrier()
    pltpu.sync_copy(agg_sh.at[pl.ds(r0, _SPR)],
                    out_hbm.at[cid, pl.ds(r0, _SPR)])

    @pl.when(sid == _NS - 1)
    def _():
        pltpu.sync_copy(agg_sh.at[pl.ds(_NS * _SPR, _TAIL)],
                        out_hbm.at[cid, pl.ds(_NS * _SPR, _TAIL)])


@functools.partial(jax.jit, static_argnames=())
def _edge_call(h, eeP, srcR, dstR, emR):
    mesh = plsc.VectorSubcoreMesh(core_axis_name="c", subcore_axis_name="s")
    f = pl.kernel(
        _edge_body,
        out_type=jax.ShapeDtypeStruct((_NC, N, H), jnp.float32),
        mesh=mesh,
        scratch_types=[
            pltpu.VMEM((4, 128), jnp.int32),
            pltpu.VMEM((4, 128), jnp.int32),
            pltpu.VMEM((2, 128), jnp.float32),
            pltpu.VMEM((_B, H), jnp.int32),
            pltpu.VMEM((2 * _B, H), jnp.float32),
            pltpu.VMEM_SHARED((N, H), jnp.float32),
        ] + [pltpu.SemaphoreType.DMA] * 10,
    )
    return f(h, eeP, srcR, dstR, emR)



def _gelu_tc(v):
    return 0.5 * v * (1.0 + lax.erf(v * 0.7071067811865476))


_BE = 6400


def _ee_body(ea_ref, wb_ref, bb_ref, o_ref):
    t = jnp.dot(ea_ref[...], wb_ref[...],
                preferred_element_type=jnp.float32) + bb_ref[...]
    a = jnp.concatenate([t[:, 0:16], t[:, 32:48], t[:, 64:80], t[:, 96:112]],
                        axis=1)
    b = jnp.concatenate([t[:, 16:32], t[:, 48:64], t[:, 80:96], t[:, 112:128]],
                        axis=1)
    a16 = lax.bitcast_convert_type(a.astype(jnp.bfloat16), jnp.uint16)
    b16 = lax.bitcast_convert_type(b.astype(jnp.bfloat16), jnp.uint16)
    o_ref[...] = ((b16.astype(jnp.uint32) << 16)
                  | a16.astype(jnp.uint32)).astype(jnp.int32)


def _ee_call(edge_attr, Wb, bb2):
    return pl.pallas_call(
        _ee_body,
        grid=(E // _BE,),
        in_specs=[
            pl.BlockSpec((_BE, DE), lambda i: (i, 0)),
            pl.BlockSpec((DE, H), lambda i: (0, 0)),
            pl.BlockSpec((1, H), lambda i: (0, 0)),
        ],
        out_specs=pl.BlockSpec((_BE, H // 2), lambda i: (i, 0)),
        out_shape=jax.ShapeDtypeStruct((E, H // 2), jnp.int32),
    )(edge_attr, Wb, bb2)


_BN = 2000


def _mlp_body(eps_ref, h_ref, a_ref, w1_ref, b1_ref, w2_ref, b2_ref,
              o_ref):
    t = eps_ref[0] * h_ref[...] + a_ref[0] + a_ref[1]
    u = _gelu_tc(jnp.dot(t, w1_ref[...], preferred_element_type=jnp.float32)
                 + b1_ref[...])
    v = jnp.dot(u, w2_ref[...], preferred_element_type=jnp.float32) + b2_ref[...]
    o_ref[...] = _gelu_tc(v)


def _mlp_call(epsp, h, parts, W1, b12, W2, b22):
    return pl.pallas_call(
        _mlp_body,
        grid=(N // _BN,),
        in_specs=[
            pl.BlockSpec(memory_space=pltpu.SMEM),
            pl.BlockSpec((_BN, H), lambda i: (i, 0)),
            pl.BlockSpec((_NC, _BN, H), lambda i: (0, i, 0)),
            pl.BlockSpec((H, H), lambda i: (0, 0)),
            pl.BlockSpec((1, H), lambda i: (0, 0)),
            pl.BlockSpec((H, H), lambda i: (0, 0)),
            pl.BlockSpec((1, H), lambda i: (0, 0)),
        ],
        out_specs=pl.BlockSpec((_BN, H), lambda i: (i, 0)),
        out_shape=jax.ShapeDtypeStruct((N, H), jnp.float32),
    )(epsp, h, parts, W1, b12, W2, b22)


def _pool_body(eps_ref, h_ref, a_ref, w1_ref, b1_ref, w2_ref, b2_ref,
               b_ref, m_ref, m1_ref, mb1_ref, m2_ref, mb2_ref,
               p_ref, num_sc, den_sc):
    i = pl.program_id(0)

    @pl.when(i == 0)
    def _():
        num_sc[...] = jnp.zeros_like(num_sc)
        den_sc[...] = jnp.zeros_like(den_sc)

    t0 = eps_ref[0] * h_ref[...] + a_ref[0] + a_ref[1]
    u0 = _gelu_tc(jnp.dot(t0, w1_ref[...], preferred_element_type=jnp.float32)
                  + b1_ref[...])
    hh = _gelu_tc(jnp.dot(u0, w2_ref[...], preferred_element_type=jnp.float32)
                  + b2_ref[...])
    t = jnp.dot(_gelu_tc(jnp.dot(hh, m1_ref[...],
                                 preferred_element_type=jnp.float32)
                         + mb1_ref[...]),
                m2_ref[...], preferred_element_type=jnp.float32) + mb2_ref[...]
    b = b_ref[0, 0, :]
    g = lax.broadcasted_iota(jnp.int32, (_BN, NG), 1)
    oh = (b[:, None] == g).astype(jnp.float32)
    mask = m_ref[0, 0, :][:, None]
    num_sc[...] += lax.dot_general(oh, t * mask, (((0,), (0,)), ((), ())))
    den_sc[...] += lax.dot_general(
        oh, jnp.broadcast_to(mask, (_BN, NG)), (((0,), (0,)), ((), ())))

    @pl.when(i == pl.num_programs(0) - 1)
    def _():
        p_ref[...] = num_sc[...] / (den_sc[...] + 1e-7)


def _pool_call(epsp, h, parts, W1, b12, W2, b22, batch3, mask3,
               M1, mb12, M2, mb22):
    return pl.pallas_call(
        _pool_body,
        grid=(N // _BN,),
        in_specs=[
            pl.BlockSpec(memory_space=pltpu.SMEM),
            pl.BlockSpec((_BN, H), lambda i: (i, 0)),
            pl.BlockSpec((_NC, _BN, H), lambda i: (0, i, 0)),
            pl.BlockSpec((H, H), lambda i: (0, 0)),
            pl.BlockSpec((1, H), lambda i: (0, 0)),
            pl.BlockSpec((H, H), lambda i: (0, 0)),
            pl.BlockSpec((1, H), lambda i: (0, 0)),
            pl.BlockSpec((1, 1, _BN), lambda i: (i, 0, 0)),
            pl.BlockSpec((1, 1, _BN), lambda i: (i, 0, 0)),
            pl.BlockSpec((H, H), lambda i: (0, 0)),
            pl.BlockSpec((1, H), lambda i: (0, 0)),
            pl.BlockSpec((H, H), lambda i: (0, 0)),
            pl.BlockSpec((1, H), lambda i: (0, 0)),
        ],
        out_specs=pl.BlockSpec((NG, H), lambda i: (0, 0)),
        out_shape=jax.ShapeDtypeStruct((NG, H), jnp.float32),
        scratch_shapes=[
            pltpu.VMEM((NG, H), jnp.float32),
            pltpu.VMEM((NG, NG), jnp.float32),
        ],
    )(epsp, h, parts, W1, b12, W2, b22, batch3, mask3, M1, mb12, M2, mb22)



def kernel(x, batch, edge_index, edge_attr, node_mask, edge_mask,
           conv_W1, conv_b1, conv_W2, conv_b2, eps, Wb, bb, M1, mb1, M2, mb2):
    srcR = edge_index[0].reshape(E // 128, 128)
    dstR = edge_index[1].reshape(E // 128, 128)
    emR = edge_mask.reshape(E // 128, 128)

    eeW = _ee_call(edge_attr, Wb, bb.reshape(1, H)).reshape(E // 2, H)

    h = x
    for i in range(L - 1):
        parts = _edge_call(h, eeW, srcR, dstR, emR)
        h = _mlp_call((1.0 + eps[i]).reshape(1), h, parts,
                      conv_W1[i], conv_b1[i].reshape(1, H),
                      conv_W2[i], conv_b2[i].reshape(1, H))

    parts = _edge_call(h, eeW, srcR, dstR, emR)
    return _pool_call((1.0 + eps[L - 1]).reshape(1), h, parts,
                      conv_W1[L - 1], conv_b1[L - 1].reshape(1, H),
                      conv_W2[L - 1], conv_b2[L - 1].reshape(1, H),
                      batch.reshape(N // _BN, 1, _BN),
                      node_mask.reshape(N // _BN, 1, _BN),
                      M1, mb1.reshape(1, H), M2, mb2.reshape(1, H))

# --- scband reference (transcript-rebuilt; emitter-appended) ---
"""Pipeline reference for scband-gnnmulti-edgeset-35055523070604 (READ-ONLY COPY).

The authoritative reference and input builder live on the scoring server;
editing this copy changes nothing except your own understanding.
"""

import jax, jax.numpy as jnp
import numpy as np

N = 10000
E = 320000
H = 128
DE = 16
L = 3
NG = 128

def _gelu(v):
    return jax.nn.gelu(v, approximate=False)

def setup_inputs(seed: int = 0):
    key = jax.random.key(seed)
    ks = jax.random.split(key, 12)
    s = 1.0 / np.sqrt(H)
    inp = {}
    inp["x"] = jax.random.normal(ks[0], (N, H), dtype=jnp.float32)
    inp["batch"] = jnp.sort(jax.random.randint(ks[1], (N,), 0, NG)).astype(jnp.int32)
    inp["edge_index"] = jax.random.randint(ks[2], (2, E), 0, N).astype(jnp.int32)
    inp["edge_attr"] = jax.random.normal(ks[3], (E, DE), dtype=jnp.float32)
    inp["node_mask"] = jnp.ones((1, 1, N, 1), dtype=jnp.float32)
    inp["edge_mask"] = jax.random.uniform(ks[4], (E, 1), dtype=jnp.float32)
    inp["conv_W1"] = jax.random.normal(ks[5], (L, H, H), dtype=jnp.float32) * s
    inp["conv_b1"] = jnp.zeros((L, H), dtype=jnp.float32)
    inp["conv_W2"] = jax.random.normal(ks[6], (L, H, H), dtype=jnp.float32) * s
    inp["conv_b2"] = jnp.zeros((L, H), dtype=jnp.float32)
    inp["eps"] = jnp.zeros((L,), dtype=jnp.float32)
    inp["Wb"] = jax.random.normal(ks[7], (DE, H), dtype=jnp.float32) * (1.0 / np.sqrt(DE))
    inp["bb"] = jnp.zeros((H,), dtype=jnp.float32)
    inp["M1"] = jax.random.normal(ks[8], (H, H), dtype=jnp.float32) * s
    inp["mb1"] = jnp.zeros((H,), dtype=jnp.float32)
    inp["M2"] = jax.random.normal(ks[9], (H, H), dtype=jnp.float32) * s
    inp["mb2"] = jnp.zeros((H,), dtype=jnp.float32)
    return inp

def reference(x, batch, edge_index, edge_attr, node_mask, edge_mask, conv_W1, conv_b1, conv_W2, conv_b2, eps, Wb, bb, M1, mb1, M2, mb2):
    # eval-mode branch of GNNMultiEdgeset (training=False; dropout no-op, norm=Identity)
    src = edge_index[0]
    dst = edge_index[1]
    # shared bond encoder (same module for every conv layer)
    ee = edge_attr @ Wb + bb
    h = x
    for i in range(L):
        # GINEConvMultiEdgeset, eval branch
        msg = _gelu(h[src] + ee) * edge_mask
        agg = jax.ops.segment_sum(msg, dst, num_segments=h.shape[0])
        out = (1.0 + eps[i]) * h + agg
        out = _gelu(out @ conv_W1[i] + conv_b1[i]) @ conv_W2[i] + conv_b2[i]
        h = _gelu(out)  # norm=Identity, dropout eval no-op
    # final MLP (num_layers=2, act=gelu, norm=None)
    h = _gelu(h @ M1 + mb1) @ M2 + mb2
    repeats, n_centroids, nnodes, _ = node_mask.shape
    n_graphs = NG
    flat_mask = node_mask.reshape(-1)
    dim_size = n_centroids * n_graphs * repeats
    num = jax.ops.segment_sum(h * flat_mask[:, None], batch, num_segments=dim_size)
    den = jax.ops.segment_sum(flat_mask[:, None], batch, num_segments=dim_size) + 1e-07
    p = num / den
    p = p.reshape(repeats, n_centroids, n_graphs, p.shape[-1])
    p = jnp.transpose(p, (0, 2, 1, 3)).reshape(-1, p.shape[-1])
    return p

if __name__ == "__main__":
    import jax
    _d = setup_inputs()
    print(jax.jit(kernel)(*tuple(_d.values())))

</pallas_src>

<mosaic_0001>
#map = affine_map<(d0, d1) -> (0, 0)>
#map1 = affine_map<(d0, d1) -> (0, 0, 0)>
module attributes {stable_mosaic.version = 14 : i64} {
  func.func @_edge_body(%arg0: i32, %arg1: i32, %arg2: memref<10000x128xf32, #tpu.memory_space<hbm>>, %arg3: memref<160000x128xi32, #tpu.memory_space<hbm>>, %arg4: memref<2500x128xi32, #tpu.memory_space<hbm>>, %arg5: memref<2500x128xi32, #tpu.memory_space<hbm>>, %arg6: memref<2500x128xf32, #tpu.memory_space<hbm>>, %arg7: memref<2x10000x128xf32, #tpu.memory_space<hbm>>, %arg8: memref<4x128xi32, #tpu.memory_space<vmem>>, %arg9: memref<4x128xi32, #tpu.memory_space<vmem>>, %arg10: memref<2x128xf32, #tpu.memory_space<vmem>>, %arg11: memref<128x128xi32, #tpu.memory_space<vmem>>, %arg12: memref<256x128xf32, #tpu.memory_space<vmem>>, %arg13: memref<10000x128xf32, #tpu.memory_space<vmem_shared>>, %arg14: memref<!tpu.dma_semaphore, #tpu.memory_space<semaphore_mem>>, %arg15: memref<!tpu.dma_semaphore, #tpu.memory_space<semaphore_mem>>, %arg16: memref<!tpu.dma_semaphore, #tpu.memory_space<semaphore_mem>>, %arg17: memref<!tpu.dma_semaphore, #tpu.memory_space<semaphore_mem>>, %arg18: memref<!tpu.dma_semaphore, #tpu.memory_space<semaphore_mem>>, %arg19: memref<!tpu.dma_semaphore, #tpu.memory_space<semaphore_mem>>, %arg20: memref<!tpu.dma_semaphore, #tpu.memory_space<semaphore_mem>>, %arg21: memref<!tpu.dma_semaphore, #tpu.memory_space<semaphore_mem>>, %arg22: memref<!tpu.dma_semaphore, #tpu.memory_space<semaphore_mem>>, %arg23: memref<!tpu.dma_semaphore, #tpu.memory_space<semaphore_mem>>) attributes {dimension_semantics = [#tpu.dimension_semantics<core_parallel>, #tpu.dimension_semantics<subcore_parallel>], iteration_bounds = array<i64: 2, 16>, scalar_prefetch = 0 : i64, scratch_operands = 16 : i64, tpu.core_type = #tpu.core_type<sc_vector_subcore>, window_params = [{transform_indices = #map}, {transform_indices = #map}, {transform_indices = #map}, {transform_indices = #map}, {transform_indices = #map}, {transform_indices = #map1}]} {
    %mul3A = arith.constant 16 : i32
    %mul3A_0 = arith.muli %arg0, %mul3A : i32
    %add3A = arith.addi %mul3A_0, %arg1 : i32
    %parallel_loop3A = arith.constant 0 : i32
    %parallel_loop3A_1 = arith.constant 104 : i32
    %parallel_loop3A_2 = arith.constant 1 : i32
    scf.for %parallel_loop3A_311 = %parallel_loop3A to %parallel_loop3A_1 step %parallel_loop3A_2  : i32 {
      %parallel_loop3A_312 = arith.constant 0.000000e+00 : f32
      %parallel_loop3A_313 = vector.broadcast %parallel_loop3A_312 : f32 to vector<16xf32>
      %parallel_loop3A_314 = arith.index_cast %parallel_loop3A_311 : i32 to index
      %parallel_loop3A_315 = arith.constant 0 : index
      %parallel_loop3A_316 = tpu.vector_load %arg12[%parallel_loop3A_314, %parallel_loop3A_315] {strides = array<i32>} : memref<256x128xf32, #tpu.memory_space<vmem>>, vector<1x16xf32>,
      %parallel_loop3A_317 = vector.shape_cast %parallel_loop3A_316 : vector<1x16xf32> to vector<16xf32>
      %parallel_loop3A_318 = vector.shape_cast %parallel_loop3A_313 : vector<16xf32> to vector<1x16xf32>
      tpu.vector_store %arg12[%parallel_loop3A_314, %parallel_loop3A_315], %parallel_loop3A_318 {strides = array<i32>} : memref<256x128xf32, #tpu.memory_space<vmem>>, vector<1x16xf32>,
      %parallel_loop3A_319 = arith.constant 0.000000e+00 : f32
      %parallel_loop3A_320 = vector.broadcast %parallel_loop3A_319 : f32 to vector<16xf32>
      %parallel_loop3A_321 = arith.index_cast %parallel_loop3A_311 : i32 to index
      %parallel_loop3A_322 = arith.constant 16 : index
      %parallel_loop3A_323 = tpu.vector_load %arg12[%parallel_loop3A_321, %parallel_loop3A_322] {strides = array<i32>} : memref<256x128xf32, #tpu.memory_space<vmem>>, vector<1x16xf32>,
      %parallel_loop3A_324 = vector.shape_cast %parallel_loop3A_323 : vector<1x16xf32> to vector<16xf32>
      %parallel_loop3A_325 = vector.shape_cast %parallel_loop3A_320 : vector<16xf32> to vector<1x16xf32>
      tpu.vector_store %arg12[%parallel_loop3A_321, %parallel_loop3A_322], %parallel_loop3A_325 {strides = array<i32>} : memref<256x128xf32, #tpu.memory_space<vmem>>, vector<1x16xf32>,
      %parallel_loop3A_326 = arith.constant 0.000000e+00 : f32
      %parallel_loop3A_327 = vector.broadcast %parallel_loop3A_326 : f32 to vector<16xf32>
      %parallel_loop3A_328 = arith.index_cast %parallel_loop3A_311 : i32 to index
      %parallel_loop3A_329 = arith.constant 32 : index
      %parallel_loop3A_330 = tpu.vector_load %arg12[%parallel_loop3A_328, %parallel_loop3A_329] {strides = array<i32>} : memref<256x128xf32, #tpu.memory_space<vmem>>, vector<1x16xf32>,
      %parallel_loop3A_331 = vector.shape_cast %parallel_loop3A_330 : vector<1x16xf32> to vector<16xf32>
      %parallel_loop3A_332 = vector.shape_cast %parallel_loop3A_327 : vector<16xf32> to vector<1x16xf32>
      tpu.vector_store %arg12[%parallel_loop3A_328, %parallel_loop3A_329], %parallel_loop3A_332 {strides = array<i32>} : memref<256x128xf32, #tpu.memory_space<vmem>>, vector<1x16xf32>,
      %parallel_loop3A_333 = arith.constant 0.000000e+00 : f32
      %parallel_loop3A_334 = vector.broadcast %parallel_loop3A_333 : f32 to vector<16xf32>
      %parallel_loop3A_335 = arith.index_cast %parallel_loop3A_311 : i32 to index
      %parallel_loop3A_336 = arith.constant 48 : index
      %parallel_loop3A_337 = tpu.vector_load %arg12[%parallel_loop3A_335, %parallel_loop3A_336] {strides = array<i32>} : memref<256x128xf32, #tpu.memory_space<vmem>>, vector<1x16xf32>,
      %parallel_loop3A_338 = vector.shape_cast %parallel_loop3A_337 : vector<1x16xf32> to vector<16xf32>
      %parallel_loop3A_339 = vector.shape_cast %parallel_loop3A_334 : vector<16xf32> to vector<1x16xf32>
      tpu.vector_store %arg12[%parallel_loop3A_335, %parallel_loop3A_336], %parallel_loop3A_339 {strides = array<i32>} : memref<256x128xf32, #tpu.memory_space<vmem>>, vector<1x16xf32>,
      %parallel_loop3A_340 = arith.constant 0.000000e+00 : f32
      %parallel_loop3A_341 = vector.broadcast %parallel_loop3A_340 : f32 to vector<16xf32>
      %parallel_loop3A_342 = arith.index_cast %parallel_loop3A_311 : i32 to index
      %parallel_loop3A_343 = arith.constant 64 : index
      %parallel_loop3A_344 = tpu.vector_load %arg12[%parallel_loop3A_342, %parallel_loop3A_343] {strides = array<i32>} : memref<256x128xf32, #tpu.memory_space<vmem>>, vector<1x16xf32>,
      %parallel_loop3A_345 = vector.shape_cast %parallel_loop3A_344 : vector<1x16xf32> to vector<16xf32>
      %parallel_loop3A_346 = vector.shape_cast %parallel_loop3A_341 : vector<16xf32> to vector<1x16xf32>
      tpu.vector_store %arg12[%parallel_loop3A_342, %parallel_loop3A_343], %parallel_loop3A_346 {strides = array<i32>} : memref<256x128xf32, #tpu.memory_space<vmem>>, vector<1x16xf32>,
      %parallel_loop3A_347 = arith.constant 0.000000e+00 : f32
      %parallel_loop3A_348 = vector.broadcast %parallel_loop3A_347 : f32 to vector<16xf32>
      %parallel_loop3A_349 = arith.index_cast %parallel_loop3A_311 : i32 to index
      %parallel_loop3A_350 = arith.constant 80 : index
      %parallel_loop3A_351 = tpu.vector_load %arg12[%parallel_loop3A_349, %parallel_loop3A_350] {strides = array<i32>} : memref<256x128xf32, #tpu.memory_space<vmem>>, vector<1x16xf32>,
      %parallel_loop3A_352 = vector.shape_cast %parallel_loop3A_351 : vector<1x16xf32> to vector<16xf32>
      %parallel_loop3A_353 = vector.shape_cast %parallel_loop3A_348 : vector<16xf32> to vector<1x16xf32>
      tpu.vector_store %arg12[%parallel_loop3A_349, %parallel_loop3A_350], %parallel_loop3A_353 {strides = array<i32>} : memref<256x128xf32, #tpu.memory_space<vmem>>, vector<1x16xf32>,
      %parallel_loop3A_354 = arith.constant 0.000000e+00 : f32
      %parallel_loop3A_355 = vector.broadcast %parallel_loop3A_354 : f32 to vector<16xf32>
      %parallel_loop3A_356 = arith.index_cast %parallel_loop3A_311 : i32 to index
      %parallel_loop3A_357 = arith.constant 96 : index
      %parallel_loop3A_358 = tpu.vector_load %arg12[%parallel_loop3A_356, %parallel_loop3A_357] {strides = array<i32>} : memref<256x128xf32, #tpu.memory_space<vmem>>, vector<1x16xf32>,
      %parallel_loop3A_359 = vector.shape_cast %parallel_loop3A_358 : vector<1x16xf32> to vector<16xf32>
      %parallel_loop3A_360 = vector.shape_cast %parallel_loop3A_355 : vector<16xf32> to vector<1x16xf32>
      tpu.vector_store %arg12[%parallel_loop3A_356, %parallel_loop3A_357], %parallel_loop3A_360 {strides = array<i32>} : memref<256x128xf32, #tpu.memory_space<vmem>>, vector<1x16xf32>,
      %parallel_loop3A_361 = arith.constant 0.000000e+00 : f32
      %parallel_loop3A_362 = vector.broadcast %parallel_loop3A_361 : f32 to vector<16xf32>
      %parallel_loop3A_363 = arith.index_cast %parallel_loop3A_311 : i32 to index
      %parallel_loop3A_364 = arith.constant 112 : index
      %parallel_loop3A_365 = tpu.vector_load %arg12[%parallel_loop3A_363, %parallel_loop3A_364] {strides = array<i32>} : memref<256x128xf32, #tpu.memory_space<vmem>>, vector<1x16xf32>,
      %parallel_loop3A_366 = vector.shape_cast %parallel_loop3A_365 : vector<1x16xf32> to vector<16xf32>
      %parallel_loop3A_367 = vector.shape_cast %parallel_loop3A_362 : vector<16xf32> to vector<1x16xf32>
      tpu.vector_store %arg12[%parallel_loop3A_363, %parallel_loop3A_364], %parallel_loop3A_367 {strides = array<i32>} : memref<256x128xf32, #tpu.memory_space<vmem>>, vector<1x16xf32>,
    } {sc.loop_unroll_factor = 1 : i64, sc.parallel_access}
    %mul3A_3 = arith.constant 624 : i32
    %mul3A_4 = arith.muli %arg1, %mul3A_3 : i32
    %add3A_5 = arith.constant 0 : i32
    %add3A_6 = arith.addi %mul3A_4, %add3A_5 : i32
    %dma_start3A = arith.constant 0 : i32
    %dma_start3A_7 = arith.constant 0 : i32
    %dma_start3A_8 = tpu.memref_slice %arg12[%dma_start3A, %dma_start3A_7] : memref<256x128xf32, #tpu.memory_space<vmem>> -> memref<104x128xf32, #tpu.memory_space<vmem>>
    %dma_start3A_9 = arith.constant 0 : i32
    %dma_start3A_10 = tpu.memref_slice %arg13[%add3A_6, %dma_start3A_9] : memref<10000x128xf32, #tpu.memory_space<vmem_shared>> -> memref<104x128xf32, #tpu.memory_space<vmem_shared>>
    %dma_start3A_11 = arith.constant 0 : i32
    %dma_start3A_12 = tpu.memref_slice %arg13[%add3A_6, %dma_start3A_11] : memref<10000x128xf32, #tpu.memory_space<vmem_shared>> -> memref<104x128xf32, #tpu.memory_space<vmem_shared>>
    %dma_start3A_13 = arith.constant 0 : i32
    %dma_start3A_14 = arith.constant 0 : i32
    %dma_start3A_15 = tpu.memref_slice %arg12[%dma_start3A_13, %dma_start3A_14] : memref<256x128xf32, #tpu.memory_space<vmem>> -> memref<104x128xf32, #tpu.memory_space<vmem>>
    tpu.enqueue_dma source(%dma_start3A_15 : memref<104x128xf32, #tpu.memory_space<vmem>>) target(%dma_start3A_12 : memref<104x128xf32, #tpu.memory_space<vmem_shared>>) target_semaphore(%arg22 : memref<!tpu.dma_semaphore, #tpu.memory_space<semaphore_mem>>)
    %add3A_16 = arith.constant 104 : i32
    %add3A_17 = arith.addi %mul3A_4, %add3A_16 : i32
    %dma_start3A_18 = arith.constant 0 : i32
    %dma_start3A_19 = arith.constant 0 : i32
    %dma_start3A_20 = tpu.memref_slice %arg12[%dma_start3A_18, %dma_start3A_19] : memref<256x128xf32, #tpu.memory_space<vmem>> -> memref<104x128xf32, #tpu.memory_space<vmem>>
    %dma_start3A_21 = arith.constant 0 : i32
    %dma_start3A_22 = tpu.memref_slice %arg13[%add3A_17, %dma_start3A_21] : memref<10000x128xf32, #tpu.memory_space<vmem_shared>> -> memref<104x128xf32, #tpu.memory_space<vmem_shared>>
    %dma_start3A_23 = arith.constant 0 : i32
    %dma_start3A_24 = tpu.memref_slice %arg13[%add3A_17, %dma_start3A_23] : memref<10000x128xf32, #tpu.memory_space<vmem_shared>> -> memref<104x128xf32, #tpu.memory_space<vmem_shared>>
    %dma_start3A_25 = arith.constant 0 : i32
    %dma_start3A_26 = arith.constant 0 : i32
    %dma_start3A_27 = tpu.memref_slice %arg12[%dma_start3A_25, %dma_start3A_26] : memref<256x128xf32, #tpu.memory_space<vmem>> -> memref<104x128xf32, #tpu.memory_space<vmem>>
    tpu.enqueue_dma source(%dma_start3A_27 : memref<104x128xf32, #tpu.memory_space<vmem>>) target(%dma_start3A_24 : memref<104x128xf32, #tpu.memory_space<vmem_shared>>) target_semaphore(%arg22 : memref<!tpu.dma_semaphore, #tpu.memory_space<semaphore_mem>>)
    %add3A_28 = arith.constant 208 : i32
    %add3A_29 = arith.addi %mul3A_4, %add3A_28 : i32
    %dma_start3A_30 = arith.constant 0 : i32
    %dma_start3A_31 = arith.constant 0 : i32
    %dma_start3A_32 = tpu.memref_slice %arg12[%dma_start3A_30, %dma_start3A_31] : memref<256x128xf32, #tpu.memory_space<vmem>> -> memref<104x128xf32, #tpu.memory_space<vmem>>
    %dma_start3A_33 = arith.constant 0 : i32
    %dma_start3A_34 = tpu.memref_slice %arg13[%add3A_29, %dma_start3A_33] : memref<10000x128xf32, #tpu.memory_space<vmem_shared>> -> memref<104x128xf32, #tpu.memory_space<vmem_shared>>
    %dma_start3A_35 = arith.constant 0 : i32
    %dma_start3A_36 = tpu.memref_slice %arg13[%add3A_29, %dma_start3A_35] : memref<10000x128xf32, #tpu.memory_space<vmem_shared>> -> memref<104x128xf32, #tpu.memory_space<vmem_shared>>
    %dma_start3A_37 = arith.constant 0 : i32
    %dma_start3A_38 = arith.constant 0 : i32
    %dma_start3A_39 = tpu.memref_slice %arg12[%dma_start3A_37, %dma_start3A_38] : memref<256x128xf32, #tpu.memory_space<vmem>> -> memref<104x128xf32, #tpu.memory_space<vmem>>
    tpu.enqueue_dma source(%dma_start3A_39 : memref<104x128xf32, #tpu.memory_space<vmem>>) target(%dma_start3A_36 : memref<104x128xf32, #tpu.memory_space<vmem_shared>>) target_semaphore(%arg22 : memref<!tpu.dma_semaphore, #tpu.memory_space<semaphore_mem>>)
    %add3A_40 = arith.constant 312 : i32
    %add3A_41 = arith.addi %mul3A_4, %add3A_40 : i32
    %dma_start3A_42 = arith.constant 0 : i32
    %dma_start3A_43 = arith.constant 0 : i32
    %dma_start3A_44 = tpu.memref_slice %arg12[%dma_start3A_42, %dma_start3A_43] : memref<256x128xf32, #tpu.memory_space<vmem>> -> memref<104x128xf32, #tpu.memory_space<vmem>>
    %dma_start3A_45 = arith.constant 0 : i32
    %dma_start3A_46 = tpu.memref_slice %arg13[%add3A_41, %dma_start3A_45] : memref<10000x128xf32, #tpu.memory_space<vmem_shared>> -> memref<104x128xf32, #tpu.memory_space<vmem_shared>>
    %dma_start3A_47 = arith.constant 0 : i32
    %dma_start3A_48 = tpu.memref_slice %arg13[%add3A_41, %dma_start3A_47] : memref<10000x128xf32, #tpu.memory_space<vmem_shared>> -> memref<104x128xf32, #tpu.memory_space<vmem_shared>>
    %dma_start3A_49 = arith.constant 0 : i32
    %dma_start3A_50 = arith.constant 0 : i32
    %dma_start3A_51 = tpu.memref_slice %arg12[%dma_start3A_49, %dma_start3A_50] : memref<256x128xf32, #tpu.memory_space<vmem>> -> memref<104x128xf32, #tpu.memory_space<vmem>>
    tpu.enqueue_dma source(%dma_start3A_51 : memref<104x128xf32, #tpu.memory_space<vmem>>) target(%dma_start3A_48 : memref<104x128xf32, #tpu.memory_space<vmem_shared>>) target_semaphore(%arg22 : memref<!tpu.dma_semaphore, #tpu.memory_space<semaphore_mem>>)
    %add3A_52 = arith.constant 416 : i32
    %add3A_53 = arith.addi %mul3A_4, %add3A_52 : i32
    %dma_start3A_54 = arith.constant 0 : i32
    %dma_start3A_55 = arith.constant 0 : i32
    %dma_start3A_56 = tpu.memref_slice %arg12[%dma_start3A_54, %dma_start3A_55] : memref<256x128xf32, #tpu.memory_space<vmem>> -> memref<104x128xf32, #tpu.memory_space<vmem>>
    %dma_start3A_57 = arith.constant 0 : i32
    %dma_start3A_58 = tpu.memref_slice %arg13[%add3A_53, %dma_start3A_57] : memref<10000x128xf32, #tpu.memory_space<vmem_shared>> -> memref<104x128xf32, #tpu.memory_space<vmem_shared>>
    %dma_start3A_59 = arith.constant 0 : i32
    %dma_start3A_60 = tpu.memref_slice %arg13[%add3A_53, %dma_start3A_59] : memref<10000x128xf32, #tpu.memory_space<vmem_shared>> -> memref<104x128xf32, #tpu.memory_space<vmem_shared>>
    %dma_start3A_61 = arith.constant 0 : i32
    %dma_start3A_62 = arith.constant 0 : i32
    %dma_start3A_63 = tpu.memref_slice %arg12[%dma_start3A_61, %dma_start3A_62] : memref<256x128xf32, #tpu.memory_space<vmem>> -> memref<104x128xf32, #tpu.memory_space<vmem>>
    tpu.enqueue_dma source(%dma_start3A_63 : memref<104x128xf32, #tpu.memory_space<vmem>>) target(%dma_start3A_60 : memref<104x128xf32, #tpu.memory_space<vmem_shared>>) target_semaphore(%arg22 : memref<!tpu.dma_semaphore, #tpu.memory_space<semaphore_mem>>)
    %add3A_64 = arith.constant 520 : i32
    %add3A_65 = arith.addi %mul3A_4, %add3A_64 : i32
    %dma_start3A_66 = arith.constant 0 : i32
    %dma_start3A_67 = arith.constant 0 : i32
    %dma_start3A_68 = tpu.memref_slice %arg12[%dma_start3A_66, %dma_start3A_67] : memref<256x128xf32, #tpu.memory_space<vmem>> -> memref<104x128xf32, #tpu.memory_space<vmem>>
    %dma_start3A_69 = arith.constant 0 : i32
    %dma_start3A_70 = tpu.memref_slice %arg13[%add3A_65, %dma_start3A_69] : memref<10000x128xf32, #tpu.memory_space<vmem_shared>> -> memref<104x128xf32, #tpu.memory_space<vmem_shared>>
    %dma_start3A_71 = arith.constant 0 : i32
    %dma_start3A_72 = tpu.memref_slice %arg13[%add3A_65, %dma_start3A_71] : memref<10000x128xf32, #tpu.memory_space<vmem_shared>> -> memref<104x128xf32, #tpu.memory_space<vmem_shared>>
    %dma_start3A_73 = arith.constant 0 : i32
    %dma_start3A_74 = arith.constant 0 : i32
    %dma_start3A_75 = tpu.memref_slice %arg12[%dma_start3A_73, %dma_start3A_74] : memref<256x128xf32, #tpu.memory_space<vmem>> -> memref<104x128xf32, #tpu.memory_space<vmem>>
    tpu.enqueue_dma source(%dma_start3A_75 : memref<104x128xf32, #tpu.memory_space<vmem>>) target(%dma_start3A_72 : memref<104x128xf32, #tpu.memory_space<vmem_shared>>) target_semaphore(%arg22 : memref<!tpu.dma_semaphore, #tpu.memory_space<semaphore_mem>>)
    %eq3A = arith.constant 15 : i32
    %eq3A_76 = arith.cmpi eq, %arg1, %eq3A : i32
    %convert_element_type3A = arith.extui %eq3A_76 : i1 to i32
    %cond3A = arith.constant 0 : i32
    %cond3A_77 = arith.cmpi ne, %convert_element_type3A, %cond3A : i32
    scf.if %cond3A_77 {
      %dma_start3A_311 = arith.constant 0 : i32
      %dma_start3A_312 = arith.constant 0 : i32
      %dma_start3A_313 = tpu.memref_slice %arg12[%dma_start3A_311, %dma_start3A_312] : memref<256x128xf32, #tpu.memory_space<vmem>> -> memref<16x128xf32, #tpu.memory_space<vmem>>
      %dma_start3A_314 = arith.constant 9984 : i32
      %dma_start3A_315 = arith.constant 0 : i32
      %dma_start3A_316 = tpu.memref_slice %arg13[%dma_start3A_314, %dma_start3A_315] : memref<10000x128xf32, #tpu.memory_space<vmem_shared>> -> memref<16x128xf32, #tpu.memory_space<vmem_shared>>
      %dma_start3A_317 = arith.constant 9984 : i32
      %dma_start3A_318 = arith.constant 0 : i32
      %dma_start3A_319 = tpu.memref_slice %arg13[%dma_start3A_317, %dma_start3A_318] : memref<10000x128xf32, #tpu.memory_space<vmem_shared>> -> memref<16x128xf32, #tpu.memory_space<vmem_shared>>
      %dma_start3A_320 = arith.constant 0 : i32
      %dma_start3A_321 = arith.constant 0 : i32
      %dma_start3A_322 = tpu.memref_slice %arg12[%dma_start3A_320, %dma_start3A_321] : memref<256x128xf32, #tpu.memory_space<vmem>> -> memref<16x128xf32, #tpu.memory_space<vmem>>
      tpu.enqueue_dma source(%dma_start3A_322 : memref<16x128xf32, #tpu.memory_space<vmem>>) target(%dma_start3A_319 : memref<16x128xf32, #tpu.memory_space<vmem_shared>>) target_semaphore(%arg22 : memref<!tpu.dma_semaphore, #tpu.memory_space<semaphore_mem>>)
    } else {
    }
    %dma_wait3A = arith.constant 0 : i32
    %dma_wait3A_78 = arith.constant 0 : i32
    %dma_wait3A_79 = tpu.memref_slice %arg12[%dma_wait3A, %dma_wait3A_78] : memref<256x128xf32, #tpu.memory_space<vmem>> -> memref<104x128xf32, #tpu.memory_space<vmem>>
    %dma_wait3A_80 = arith.constant 0 : i32
    %dma_wait3A_81 = tpu.memref_slice %arg13[%mul3A_4, %dma_wait3A_80] : memref<10000x128xf32, #tpu.memory_space<vmem_shared>> -> memref<104x128xf32, #tpu.memory_space<vmem_shared>>
    %dma_wait3A_82 = arith.constant 0 : i32
    %dma_wait3A_83 = tpu.memref_slice %arg13[%mul3A_4, %dma_wait3A_82] : memref<10000x128xf32, #tpu.memory_space<vmem_shared>> -> memref<104x128xf32, #tpu.memory_space<vmem_shared>>
    %dma_wait3A_84 = arith.constant 0 : i32
    %dma_wait3A_85 = arith.constant 0 : i32
    %dma_wait3A_86 = tpu.memref_slice %arg12[%dma_wait3A_84, %dma_wait3A_85] : memref<256x128xf32, #tpu.memory_space<vmem>> -> memref<104x128xf32, #tpu.memory_space<vmem>>
    tpu.wait_dma2 semaphore(%arg22 : memref<!tpu.dma_semaphore, #tpu.memory_space<semaphore_mem>>) src(%dma_wait3A_86 : memref<104x128xf32, #tpu.memory_space<vmem>>) dst(%dma_wait3A_83 : memref<104x128xf32, #tpu.memory_space<vmem_shared>>)
    %dma_wait3A_87 = arith.constant 0 : i32
    %dma_wait3A_88 = arith.constant 0 : i32
    %dma_wait3A_89 = tpu.memref_slice %arg12[%dma_wait3A_87, %dma_wait3A_88] : memref<256x128xf32, #tpu.memory_space<vmem>> -> memref<104x128xf32, #tpu.memory_space<vmem>>
    %dma_wait3A_90 = arith.constant 0 : i32
    %dma_wait3A_91 = tpu.memref_slice %arg13[%mul3A_4, %dma_wait3A_90] : memref<10000x128xf32, #tpu.memory_space<vmem_shared>> -> memref<104x128xf32, #tpu.memory_space<vmem_shared>>
    %dma_wait3A_92 = arith.constant 0 : i32
    %dma_wait3A_93 = tpu.memref_slice %arg13[%mul3A_4, %dma_wait3A_92] : memref<10000x128xf32, #tpu.memory_space<vmem_shared>> -> memref<104x128xf32, #tpu.memory_space<vmem_shared>>
    %dma_wait3A_94 = arith.constant 0 : i32
    %dma_wait3A_95 = arith.constant 0 : i32
    %dma_wait3A_96 = tpu.memref_slice %arg12[%dma_wait3A_94, %dma_wait3A_95] : memref<256x128xf32, #tpu.memory_space<vmem>> -> memref<104x128xf32, #tpu.memory_space<vmem>>
    tpu.wait_dma2 semaphore(%arg22 : memref<!tpu.dma_semaphore, #tpu.memory_space<semaphore_mem>>) src(%dma_wait3A_96 : memref<104x128xf32, #tpu.memory_space<vmem>>) dst(%dma_wait3A_93 : memref<104x128xf32, #tpu.memory_space<vmem_shared>>)
    %dma_wait3A_97 = arith.constant 0 : i32
    %dma_wait3A_98 = arith.constant 0 : i32
    %dma_wait3A_99 = tpu.memref_slice %arg12[%dma_wait3A_97, %dma_wait3A_98] : memref<256x128xf32, #tpu.memory_space<vmem>> -> memref<104x128xf32, #tpu.memory_space<vmem>>
    %dma_wait3A_100 = arith.constant 0 : i32
    %dma_wait3A_101 = tpu.memref_slice %arg13[%mul3A_4, %dma_wait3A_100] : memref<10000x128xf32, #tpu.memory_space<vmem_shared>> -> memref<104x128xf32, #tpu.memory_space<vmem_shared>>
    %dma_wait3A_102 = arith.constant 0 : i32
    %dma_wait3A_103 = tpu.memref_slice %arg13[%mul3A_4, %dma_wait3A_102] : memref<10000x128xf32, #tpu.memory_space<vmem_shared>> -> memref<104x128xf32, #tpu.memory_space<vmem_shared>>
    %dma_wait3A_104 = arith.constant 0 : i32
    %dma_wait3A_105 = arith.constant 0 : i32
    %dma_wait3A_106 = tpu.memref_slice %arg12[%dma_wait3A_104, %dma_wait3A_105] : memref<256x128xf32, #tpu.memory_space<vmem>> -> memref<104x128xf32, #tpu.memory_space<vmem>>
    tpu.wait_dma2 semaphore(%arg22 : memref<!tpu.dma_semaphore, #tpu.memory_space<semaphore_mem>>) src(%dma_wait3A_106 : memref<104x128xf32, #tpu.memory_space<vmem>>) dst(%dma_wait3A_103 : memref<104x128xf32, #tpu.memory_space<vmem_shared>>)
    %dma_wait3A_107 = arith.constant 0 : i32
    %dma_wait3A_108 = arith.constant 0 : i32
    %dma_wait3A_109 = tpu.memref_slice %arg12[%dma_wait3A_107, %dma_wait3A_108] : memref<256x128xf32, #tpu.memory_space<vmem>> -> memref<104x128xf32, #tpu.memory_space<vmem>>
    %dma_wait3A_110 = arith.constant 0 : i32
    %dma_wait3A_111 = tpu.memref_slice %arg13[%mul3A_4, %dma_wait3A_110] : memref<10000x128xf32, #tpu.memory_space<vmem_shared>> -> memref<104x128xf32, #tpu.memory_space<vmem_shared>>
    %dma_wait3A_112 = arith.constant 0 : i32
    %dma_wait3A_113 = tpu.memref_slice %arg13[%mul3A_4, %dma_wait3A_112] : memref<10000x128xf32, #tpu.memory_space<vmem_shared>> -> memref<104x128xf32, #tpu.memory_space<vmem_shared>>
    %dma_wait3A_114 = arith.constant 0 : i32
    %dma_wait3A_115 = arith.constant 0 : i32
    %dma_wait3A_116 = tpu.memref_slice %arg12[%dma_wait3A_114, %dma_wait3A_115] : memref<256x128xf32, #tpu.memory_space<vmem>> -> memref<104x128xf32, #tpu.memory_space<vmem>>
    tpu.wait_dma2 semaphore(%arg22 : memref<!tpu.dma_semaphore, #tpu.memory_space<semaphore_mem>>) src(%dma_wait3A_116 : memref<104x128xf32, #tpu.memory_space<vmem>>) dst(%dma_wait3A_113 : memref<104x128xf32, #tpu.memory_space<vmem_shared>>)
    %dma_wait3A_117 = arith.constant 0 : i32
    %dma_wait3A_118 = arith.constant 0 : i32
    %dma_wait3A_119 = tpu.memref_slice %arg12[%dma_wait3A_117, %dma_wait3A_118] : memref<256x128xf32, #tpu.memory_space<vmem>> -> memref<104x128xf32, #tpu.memory_space<vmem>>
    %dma_wait3A_120 = arith.constant 0 : i32
    %dma_wait3A_121 = tpu.memref_slice %arg13[%mul3A_4, %dma_wait3A_120] : memref<10000x128xf32, #tpu.memory_space<vmem_shared>> -> memref<104x128xf32, #tpu.memory_space<vmem_shared>>
    %dma_wait3A_122 = arith.constant 0 : i32
    %dma_wait3A_123 = tpu.memref_slice %arg13[%mul3A_4, %dma_wait3A_122] : memref<10000x128xf32, #tpu.memory_space<vmem_shared>> -> memref<104x128xf32, #tpu.memory_space<vmem_shared>>
    %dma_wait3A_124 = arith.constant 0 : i32
    %dma_wait3A_125 = arith.constant 0 : i32
    %dma_wait3A_126 = tpu.memref_slice %arg12[%dma_wait3A_124, %dma_wait3A_125] : memref<256x128xf32, #tpu.memory_space<vmem>> -> memref<104x128xf32, #tpu.memory_space<vmem>>
    tpu.wait_dma2 semaphore(%arg22 : memref<!tpu.dma_semaphore, #tpu.memory_space<semaphore_mem>>) src(%dma_wait3A_126 : memref<104x128xf32, #tpu.memory_space<vmem>>) dst(%dma_wait3A_123 : memref<104x128xf32, #tpu.memory_space<vmem_shared>>)
    %dma_wait3A_127 = arith.constant 0 : i32
    %dma_wait3A_128 = arith.constant 0 : i32
    %dma_wait3A_129 = tpu.memref_slice %arg12[%dma_wait3A_127, %dma_wait3A_128] : memref<256x128xf32, #tpu.memory_space<vmem>> -> memref<104x128xf32, #tpu.memory_space<vmem>>
    %dma_wait3A_130 = arith.constant 0 : i32
    %dma_wait3A_131 = tpu.memref_slice %arg13[%mul3A_4, %dma_wait3A_130] : memref<10000x128xf32, #tpu.memory_space<vmem_shared>> -> memref<104x128xf32, #tpu.memory_space<vmem_shared>>
    %dma_wait3A_132 = arith.constant 0 : i32
    %dma_wait3A_133 = tpu.memref_slice %arg13[%mul3A_4, %dma_wait3A_132] : memref<10000x128xf32, #tpu.memory_space<vmem_shared>> -> memref<104x128xf32, #tpu.memory_space<vmem_shared>>
    %dma_wait3A_134 = arith.constant 0 : i32
    %dma_wait3A_135 = arith.constant 0 : i32
    %dma_wait3A_136 = tpu.memref_slice %arg12[%dma_wait3A_134, %dma_wait3A_135] : memref<256x128xf32, #tpu.memory_space<vmem>> -> memref<104x128xf32, #tpu.memory_space<vmem>>
    tpu.wait_dma2 semaphore(%arg22 : memref<!tpu.dma_semaphore, #tpu.memory_space<semaphore_mem>>) src(%dma_wait3A_136 : memref<104x128xf32, #tpu.memory_space<vmem>>) dst(%dma_wait3A_133 : memref<104x128xf32, #tpu.memory_space<vmem_shared>>)
    %eq3A_137 = arith.constant 15 : i32
    %eq3A_138 = arith.cmpi eq, %arg1, %eq3A_137 : i32
    %convert_element_type3A_139 = arith.extui %eq3A_138 : i1 to i32
    %cond3A_140 = arith.constant 0 : i32
    %cond3A_141 = arith.cmpi ne, %convert_element_type3A_139, %cond3A_140 : i32
    scf.if %cond3A_141 {
      %dma_wait3A_311 = arith.constant 0 : i32
      %dma_wait3A_312 = arith.constant 0 : i32
      %dma_wait3A_313 = tpu.memref_slice %arg12[%dma_wait3A_311, %dma_wait3A_312] : memref<256x128xf32, #tpu.memory_space<vmem>> -> memref<16x128xf32, #tpu.memory_space<vmem>>
      %dma_wait3A_314 = arith.constant 0 : i32
      %dma_wait3A_315 = arith.constant 0 : i32
      %dma_wait3A_316 = tpu.memref_slice %arg13[%dma_wait3A_314, %dma_wait3A_315] : memref<10000x128xf32, #tpu.memory_space<vmem_shared>> -> memref<16x128xf32, #tpu.memory_space<vmem_shared>>
      %dma_wait3A_317 = arith.constant 0 : i32
      %dma_wait3A_318 = arith.constant 0 : i32
      %dma_wait3A_319 = tpu.memref_slice %arg13[%dma_wait3A_317, %dma_wait3A_318] : memref<10000x128xf32, #tpu.memory_space<vmem_shared>> -> memref<16x128xf32, #tpu.memory_space<vmem_shared>>
      %dma_wait3A_320 = arith.constant 0 : i32
      %dma_wait3A_321 = arith.constant 0 : i32
      %dma_wait3A_322 = tpu.memref_slice %arg12[%dma_wait3A_320, %dma_wait3A_321] : memref<256x128xf32, #tpu.memory_space<vmem>> -> memref<16x128xf32, #tpu.memory_space<vmem>>
      tpu.wait_dma2 semaphore(%arg22 : memref<!tpu.dma_semaphore, #tpu.memory_space<semaphore_mem>>) src(%dma_wait3A_322 : memref<16x128xf32, #tpu.memory_space<vmem>>) dst(%dma_wait3A_319 : memref<16x128xf32, #tpu.memory_space<vmem_shared>>)
    } else {
    }
    %barrier3A = arith.constant 0 : index
    tpu.barrier barrier_id(%barrier3A)
    %add3A_142 = arith.constant 0 : i32
    %add3A_143 = arith.addi %add3A_142, %add3A : i32
    %min3A = arith.constant 2499 : i32
    %min3A_144 = arith.minsi %add3A_143, %min3A : i32
    %dma_start3A_145 = arith.constant 0 : i32
    %dma_start3A_146 = arith.constant 0 : i32
    %dma_start3A_147 = tpu.memref_slice %arg8[%dma_start3A_145, %dma_start3A_146] : memref<4x128xi32, #tpu.memory_space<vmem>> -> memref<1x128xi32, #tpu.memory_space<vmem>>
    %dma_start3A_148 = arith.constant 0 : i32
    %dma_start3A_149 = tpu.memref_slice %arg4[%min3A_144, %dma_start3A_148] : memref<2500x128xi32, #tpu.memory_space<hbm>> -> memref<1x128xi32, #tpu.memory_space<hbm>>
    %dma_start3A_150 = arith.constant 0 : i32
    %dma_start3A_151 = arith.constant 0 : i32
    %dma_start3A_152 = tpu.memref_slice %arg8[%dma_start3A_150, %dma_start3A_151] : memref<4x128xi32, #tpu.memory_space<vmem>> -> memref<1x128xi32, #tpu.memory_space<vmem>>
    %dma_start3A_153 = arith.constant 0 : i32
    %dma_start3A_154 = tpu.memref_slice %arg4[%min3A_144, %dma_start3A_153] : memref<2500x128xi32, #tpu.memory_space<hbm>> -> memref<1x128xi32, #tpu.memory_space<hbm>>
    tpu.enqueue_dma source(%dma_start3A_154 : memref<1x128xi32, #tpu.memory_space<hbm>>) target(%dma_start3A_152 : memref<1x128xi32, #tpu.memory_space<vmem>>) target_semaphore(%arg14 : memref<!tpu.dma_semaphore, #tpu.memory_space<semaphore_mem>>)
    %dma_start3A_155 = arith.constant 0 : i32
    %dma_start3A_156 = arith.constant 0 : i32
    %dma_start3A_157 = tpu.memref_slice %arg9[%dma_start3A_155, %dma_start3A_156] : memref<4x128xi32, #tpu.memory_space<vmem>> -> memref<1x128xi32, #tpu.memory_space<vmem>>
    %dma_start3A_158 = arith.constant 0 : i32
    %dma_start3A_159 = tpu.memref_slice %arg5[%min3A_144, %dma_start3A_158] : memref<2500x128xi32, #tpu.memory_space<hbm>> -> memref<1x128xi32, #tpu.memory_space<hbm>>
    %dma_start3A_160 = arith.constant 0 : i32
    %dma_start3A_161 = arith.constant 0 : i32
    %dma_start3A_162 = tpu.memref_slice %arg9[%dma_start3A_160, %dma_start3A_161] : memref<4x128xi32, #tpu.memory_space<vmem>> -> memref<1x128xi32, #tpu.memory_space<vmem>>
    %dma_start3A_163 = arith.constant 0 : i32
    %dma_start3A_164 = tpu.memref_slice %arg5[%min3A_144, %dma_start3A_163] : memref<2500x128xi32, #tpu.memory_space<hbm>> -> memref<1x128xi32, #tpu.memory_space<hbm>>
    tpu.enqueue_dma source(%dma_start3A_164 : memref<1x128xi32, #tpu.memory_space<hbm>>) target(%dma_start3A_162 : memref<1x128xi32, #tpu.memory_space<vmem>>) target_semaphore(%arg14 : memref<!tpu.dma_semaphore, #tpu.memory_space<semaphore_mem>>)
    %add3A_165 = arith.constant 32 : i32
    %add3A_166 = arith.addi %add3A_165, %add3A : i32
    %min3A_167 = arith.constant 2499 : i32
    %min3A_168 = arith.minsi %add3A_166, %min3A_167 : i32
    %dma_start3A_169 = arith.constant 1 : i32
    %dma_start3A_170 = arith.constant 0 : i32
    %dma_start3A_171 = tpu.memref_slice %arg8[%dma_start3A_169, %dma_start3A_170] : memref<4x128xi32, #tpu.memory_space<vmem>> -> memref<1x128xi32, #tpu.memory_space<vmem>>
    %dma_start3A_172 = arith.constant 0 : i32
    %dma_start3A_173 = tpu.memref_slice %arg4[%min3A_168, %dma_start3A_172] : memref<2500x128xi32, #tpu.memory_space<hbm>> -> memref<1x128xi32, #tpu.memory_space<hbm>>
    %dma_start3A_174 = arith.constant 1 : i32
    %dma_start3A_175 = arith.constant 0 : i32
    %dma_start3A_176 = tpu.memref_slice %arg8[%dma_start3A_174, %dma_start3A_175] : memref<4x128xi32, #tpu.memory_space<vmem>> -> memref<1x128xi32, #tpu.memory_space<vmem>>
    %dma_start3A_177 = arith.constant 0 : i32
    %dma_start3A_178 = tpu.memref_slice %arg4[%min3A_168, %dma_start3A_177] : memref<2500x128xi32, #tpu.memory_space<hbm>> -> memref<1x128xi32, #tpu.memory_space<hbm>>
    tpu.enqueue_dma source(%dma_start3A_178 : memref<1x128xi32, #tpu.memory_space<hbm>>) target(%dma_start3A_176 : memref<1x128xi32, #tpu.memory_space<vmem>>) target_semaphore(%arg15 : memref<!tpu.dma_semaphore, #tpu.memory_space<semaphore_mem>>)
    %dma_start3A_179 = arith.constant 1 : i32
    %dma_start3A_180 = arith.constant 0 : i32
    %dma_start3A_181 = tpu.memref_slice %arg9[%dma_start3A_179, %dma_start3A_180] : memref<4x128xi32, #tpu.memory_space<vmem>> -> memref<1x128xi32, #tpu.memory_space<vmem>>
    %dma_start3A_182 = arith.constant 0 : i32
    %dma_start3A_183 = tpu.memref_slice %arg5[%min3A_168, %dma_start3A_182] : memref<2500x128xi32, #tpu.memory_space<hbm>> -> memref<1x128xi32, #tpu.memory_space<hbm>>
    %dma_start3A_184 = arith.constant 1 : i32
    %dma_start3A_185 = arith.constant 0 : i32
    %dma_start3A_186 = tpu.memref_slice %arg9[%dma_start3A_184, %dma_start3A_185] : memref<4x128xi32, #tpu.memory_space<vmem>> -> memref<1x128xi32, #tpu.memory_space<vmem>>
    %dma_start3A_187 = arith.constant 0 : i32
    %dma_start3A_188 = tpu.memref_slice %arg5[%min3A_168, %dma_start3A_187] : memref<2500x128xi32, #tpu.memory_space<hbm>> -> memref<1x128xi32, #tpu.memory_space<hbm>>
    tpu.enqueue_dma source(%dma_start3A_188 : memref<1x128xi32, #tpu.memory_space<hbm>>) target(%dma_start3A_186 : memref<1x128xi32, #tpu.memory_space<vmem>>) target_semaphore(%arg15 : memref<!tpu.dma_semaphore, #tpu.memory_space<semaphore_mem>>)
    %add3A_189 = arith.constant 0 : i32
    %add3A_190 = arith.addi %add3A_189, %add3A : i32
    %min3A_191 = arith.constant 2499 : i32
    %min3A_192 = arith.minsi %add3A_190, %min3A_191 : i32
    %mul3A_193 = arith.constant 64 : i32
    %mul3A_194 = arith.muli %min3A_192, %mul3A_193 : i32
    %dma_start3A_195 = arith.constant 0 : i32
    %dma_start3A_196 = arith.constant 0 : i32
    %dma_start3A_197 = tpu.memref_slice %arg11[%dma_start3A_195, %dma_start3A_196] : memref<128x128xi32, #tpu.memory_space<vmem>> -> memref<64x128xi32, #tpu.memory_space<vmem>>
    %dma_start3A_198 = arith.constant 0 : i32
    %dma_start3A_199 = tpu.memref_slice %arg3[%mul3A_194, %dma_start3A_198] : memref<160000x128xi32, #tpu.memory_space<hbm>> -> memref<64x128xi32, #tpu.memory_space<hbm>>
    %dma_start3A_200 = arith.constant 0 : i32
    %dma_start3A_201 = arith.constant 0 : i32
    %dma_start3A_202 = tpu.memref_slice %arg11[%dma_start3A_200, %dma_start3A_201] : memref<128x128xi32, #tpu.memory_space<vmem>> -> memref<64x128xi32, #tpu.memory_space<vmem>>
    %dma_start3A_203 = arith.constant 0 : i32
    %dma_start3A_204 = tpu.memref_slice %arg3[%mul3A_194, %dma_start3A_203] : memref<160000x128xi32, #tpu.memory_space<hbm>> -> memref<64x128xi32, #tpu.memory_space<hbm>>
    tpu.enqueue_dma source(%dma_start3A_204 : memref<64x128xi32, #tpu.memory_space<hbm>>) target(%dma_start3A_202 : memref<64x128xi32, #tpu.memory_space<vmem>>) target_semaphore(%arg18 : memref<!tpu.dma_semaphore, #tpu.memory_space<semaphore_mem>>)
    %dma_start3A_205 = arith.constant 0 : i32
    %dma_start3A_206 = arith.constant 0 : i32
    %dma_start3A_207 = tpu.memref_slice %arg10[%dma_start3A_205, %dma_start3A_206] : memref<2x128xf32, #tpu.memory_space<vmem>> -> memref<1x128xf32, #tpu.memory_space<vmem>>
    %dma_start3A_208 = arith.constant 0 : i32
    %dma_start3A_209 = tpu.memref_slice %arg6[%min3A_192, %dma_start3A_208] : memref<2500x128xf32, #tpu.memory_space<hbm>> -> memref<1x128xf32, #tpu.memory_space<hbm>>
    %dma_start3A_210 = arith.constant 0 : i32
    %dma_start3A_211 = arith.constant 0 : i32
    %dma_start3A_212 = tpu.memref_slice %arg10[%dma_start3A_210, %dma_start3A_211] : memref<2x128xf32, #tpu.memory_space<vmem>> -> memref<1x128xf32, #tpu.memory_space<vmem>>
    %dma_start3A_213 = arith.constant 0 : i32
    %dma_start3A_214 = tpu.memref_slice %arg6[%min3A_192, %dma_start3A_213] : memref<2500x128xf32, #tpu.memory_space<hbm>> -> memref<1x128xf32, #tpu.memory_space<hbm>>
    tpu.enqueue_dma source(%dma_start3A_214 : memref<1x128xf32, #tpu.memory_space<hbm>>) target(%dma_start3A_212 : memref<1x128xf32, #tpu.memory_space<vmem>>) target_semaphore(%arg18 : memref<!tpu.dma_semaphore, #tpu.memory_space<semaphore_mem>>)
    %add3A_215 = arith.constant 32 : i32
    %add3A_216 = arith.addi %add3A_215, %add3A : i32
    %min3A_217 = arith.constant 2499 : i32
    %min3A_218 = arith.minsi %add3A_216, %min3A_217 : i32
    %mul3A_219 = arith.constant 64 : i32
    %mul3A_220 = arith.muli %min3A_218, %mul3A_219 : i32
    %dma_start3A_221 = arith.constant 64 : i32
    %dma_start3A_222 = arith.constant 0 : i32
    %dma_start3A_223 = tpu.memref_slice %arg11[%dma_start3A_221, %dma_start3A_222] : memref<128x128xi32, #tpu.memory_space<vmem>> -> memref<64x128xi32, #tpu.memory_space<vmem>>
    %dma_start3A_224 = arith.constant 0 : i32
    %dma_start3A_225 = tpu.memref_slice %arg3[%mul3A_220, %dma_start3A_224] : memref<160000x128xi32, #tpu.memory_space<hbm>> -> memref<64x128xi32, #tpu.memory_space<hbm>>
    %dma_start3A_226 = arith.constant 64 : i32
    %dma_start3A_227 = arith.constant 0 : i32
    %dma_start3A_228 = tpu.memref_slice %arg11[%dma_start3A_226, %dma_start3A_227] : memref<128x128xi32, #tpu.memory_space<vmem>> -> memref<64x128xi32, #tpu.memory_space<vmem>>
    %dma_start3A_229 = arith.constant 0 : i32
    %dma_start3A_230 = tpu.memref_slice %arg3[%mul3A_220, %dma_start3A_229] : memref<160000x128xi32, #tpu.memory_space<hbm>> -> memref<64x128xi32, #tpu.memory_space<hbm>>
    tpu.enqueue_dma source(%dma_start3A_230 : memref<64x128xi32, #tpu.memory_space<hbm>>) target(%dma_start3A_228 : memref<64x128xi32, #tpu.memory_space<vmem>>) target_semaphore(%arg19 : memref<!tpu.dma_semaphore, #tpu.memory_space<semaphore_mem>>)
    %dma_start3A_231 = arith.constant 1 : i32
    %dma_start3A_232 = arith.constant 0 : i32
    %dma_start3A_233 = tpu.memref_slice %arg10[%dma_start3A_231, %dma_start3A_232] : memref<2x128xf32, #tpu.memory_space<vmem>> -> memref<1x128xf32, #tpu.memory_space<vmem>>
    %dma_start3A_234 = arith.constant 0 : i32
    %dma_start3A_235 = tpu.memref_slice %arg6[%min3A_218, %dma_start3A_234] : memref<2500x128xf32, #tpu.memory_space<hbm>> -> memref<1x128xf32, #tpu.memory_space<hbm>>
    %dma_start3A_236 = arith.constant 1 : i32
    %dma_start3A_237 = arith.constant 0 : i32
    %dma_start3A_238 = tpu.memref_slice %arg10[%dma_start3A_236, %dma_start3A_237] : memref<2x128xf32, #tpu.memory_space<vmem>> -> memref<1x128xf32, #tpu.memory_space<vmem>>
    %dma_start3A_239 = arith.constant 0 : i32
    %dma_start3A_240 = tpu.memref_slice %arg6[%min3A_218, %dma_start3A_239] : memref<2500x128xf32, #tpu.memory_space<hbm>> -> memref<1x128xf32, #tpu.memory_space<hbm>>
    tpu.enqueue_dma source(%dma_start3A_240 : memref<1x128xf32, #tpu.memory_space<hbm>>) target(%dma_start3A_238 : memref<1x128xf32, #tpu.memory_space<vmem>>) target_semaphore(%arg19 : memref<!tpu.dma_semaphore, #tpu.memory_space<semaphore_mem>>)
    %dma_wait3A_241 = arith.constant 0 : i32
    %dma_wait3A_242 = arith.constant 0 : i32
    %dma_wait3A_243 = tpu.memref_slice %arg8[%dma_wait3A_241, %dma_wait3A_242] : memref<4x128xi32, #tpu.memory_space<vmem>> -> memref<1x128xi32, #tpu.memory_space<vmem>>
    %dma_wait3A_244 = arith.constant 0 : i32
    %dma_wait3A_245 = arith.constant 0 : i32
    %dma_wait3A_246 = tpu.memref_slice %arg4[%dma_wait3A_244, %dma_wait3A_245] : memref<2500x128xi32, #tpu.memory_space<hbm>> -> memref<1x128xi32, #tpu.memory_space<hbm>>
    %dma_wait3A_247 = arith.constant 0 : i32
    %dma_wait3A_248 = arith.constant 0 : i32
    %dma_wait3A_249 = tpu.memref_slice %arg8[%dma_wait3A_247, %dma_wait3A_248] : memref<4x128xi32, #tpu.memory_space<vmem>> -> memref<1x128xi32, #tpu.memory_space<vmem>>
    %dma_wait3A_250 = arith.constant 0 : i32
    %dma_wait3A_251 = arith.constant 0 : i32
    %dma_wait3A_252 = tpu.memref_slice %arg4[%dma_wait3A_250, %dma_wait3A_251] : memref<2500x128xi32, #tpu.memory_space<hbm>> -> memref<1x128xi32, #tpu.memory_space<hbm>>
    tpu.wait_dma2 semaphore(%arg14 : memref<!tpu.dma_semaphore, #tpu.memory_space<semaphore_mem>>) src(%dma_wait3A_252 : memref<1x128xi32, #tpu.memory_space<hbm>>) dst(%dma_wait3A_249 : memref<1x128xi32, #tpu.memory_space<vmem>>)
    %dma_wait3A_253 = arith.constant 0 : i32
    %dma_wait3A_254 = arith.constant 0 : i32
    %dma_wait3A_255 = tpu.memref_slice %arg9[%dma_wait3A_253, %dma_wait3A_254] : memref<4x128xi32, #tpu.memory_space<vmem>> -> memref<1x128xi32, #tpu.memory_space<vmem>>
    %dma_wait3A_256 = arith.constant 0 : i32
    %dma_wait3A_257 = arith.constant 0 : i32
    %dma_wait3A_258 = tpu.memref_slice %arg5[%dma_wait3A_256, %dma_wait3A_257] : memref<2500x128xi32, #tpu.memory_space<hbm>> -> memref<1x128xi32, #tpu.memory_space<hbm>>
    %dma_wait3A_259 = arith.constant 0 : i32
    %dma_wait3A_260 = arith.constant 0 : i32
    %dma_wait3A_261 = tpu.memref_slice %arg9[%dma_wait3A_259, %dma_wait3A_260] : memref<4x128xi32, #tpu.memory_space<vmem>> -> memref<1x128xi32, #tpu.memory_space<vmem>>
    %dma_wait3A_262 = arith.constant 0 : i32
    %dma_wait3A_263 = arith.constant 0 : i32
    %dma_wait3A_264 = tpu.memref_slice %arg5[%dma_wait3A_262, %dma_wait3A_263] : memref<2500x128xi32, #tpu.memory_space<hbm>> -> memref<1x128xi32, #tpu.memory_space<hbm>>
    tpu.wait_dma2 semaphore(%arg14 : memref<!tpu.dma_semaphore, #tpu.memory_space<semaphore_mem>>) src(%dma_wait3A_264 : memref<1x128xi32, #tpu.memory_space<hbm>>) dst(%dma_wait3A_261 : memref<1x128xi32, #tpu.memory_space<vmem>>)
    %dma_start3A_265 = arith.constant 0 : i32
    %dma_start3A_266 = arith.constant 0 : i32
    %dma_start3A_267 = arith.constant 0 : i32
    %dma_start3A_268 = tpu.memref_slice %arg12[%dma_start3A_266, %dma_start3A_267] : memref<256x128xf32, #tpu.memory_space<vmem>> -> memref<128x128xf32, #tpu.memory_space<vmem>>
    %dma_start3A_269 = arith.constant 0 : i32
    %dma_start3A_270 = tpu.memref_slice %arg8[%dma_start3A_265, %dma_start3A_269] : memref<4x128xi32, #tpu.memory_space<vmem>> -> memref<1x128xi32, #tpu.memory_space<vmem>>
    %dma_start3A_271 = tpu.memref_squeeze %dma_start3A_270 : memref<1x128xi32, #tpu.memory_space<vmem>> -> memref<128xi32, #tpu.memory_space<vmem>>
    %dma_start3A_272 = arith.constant 0 : i32
    %dma_start3A_273 = arith.constant 0 : i32
    %dma_start3A_274 = tpu.memref_slice %arg2[%dma_start3A_272, %dma_start3A_273] : memref<10000x128xf32, #tpu.memory_space<hbm>> -> memref<10000x128xf32, #tpu.memory_space<hbm>>
    tpu.enqueue_indirect_dma source(%dma_start3A_274 : memref<10000x128xf32, #tpu.memory_space<hbm>>) target(%dma_start3A_268 : memref<128x128xf32, #tpu.memory_space<vmem>>) offsets(%dma_start3A_271 : memref<128xi32, #tpu.memory_space<vmem>>) semaphore(%arg20 : memref<!tpu.dma_semaphore, #tpu.memory_space<semaphore_mem>>)
    %scan3A = arith.constant 0 : i32
    %scan3A_275 = arith.constant 0 : i32
    %scan3A_276 = arith.constant 20 : i32
    %scan3A_277 = arith.addi %scan3A_275, %scan3A_276 : i32
    %scan3A_278 = arith.constant 1 : i32
    %scan3A_279 = scf.for %scan3A_311 = %scan3A_275 to %scan3A_277 step %scan3A_278 iter_args(%scan3A_312 = %scan3A) -> (i32)  : i32 {
      %mul3A_313 = arith.constant 4 : i32
      %mul3A_314 = arith.muli %scan3A_311, %mul3A_313 : i32
      %add3A_315 = arith.constant 0 : i32
      %add3A_316 = arith.addi %mul3A_314, %add3A_315 : i32
      %lt3A = arith.constant 79 : i32
      %lt3A_317 = arith.cmpi slt, %add3A_316, %lt3A : i32
      %convert_element_type3A_318 = arith.extui %lt3A_317 : i1 to i32
      %cond3A_319 = arith.constant 0 : i32
      %cond3A_320 = arith.cmpi ne, %convert_element_type3A_318, %cond3A_319 : i32
      scf.if %cond3A_320 {
        %add3A_349 = arith.constant 1 : i32
        %add3A_350 = arith.addi %add3A_316, %add3A_349 : i32
        %lt3A_351 = arith.constant 79 : i32
        %lt3A_352 = arith.cmpi slt, %add3A_350, %lt3A_351 : i32
        %convert_element_type3A_353 = arith.extui %lt3A_352 : i1 to i32
        %cond3A_354 = arith.constant 0 : i32
        %cond3A_355 = arith.cmpi ne, %convert_element_type3A_353, %cond3A_354 : i32
        scf.if %cond3A_355 {
          %dma_wait3A_519 = arith.constant 1 : i32
          %dma_wait3A_520 = arith.constant 0 : i32
          %dma_wait3A_521 = tpu.memref_slice %arg8[%dma_wait3A_519, %dma_wait3A_520] : memref<4x128xi32, #tpu.memory_space<vmem>> -> memref<1x128xi32, #tpu.memory_space<vmem>>
          %dma_wait3A_522 = arith.constant 0 : i32
          %dma_wait3A_523 = arith.constant 0 : i32
          %dma_wait3A_524 = tpu.memref_slice %arg4[%dma_wait3A_522, %dma_wait3A_523] : memref<2500x128xi32, #tpu.memory_space<hbm>> -> memref<1x128xi32, #tpu.memory_space<hbm>>
          %dma_wait3A_525 = arith.constant 1 : i32
          %dma_wait3A_526 = arith.constant 0 : i32
          %dma_wait3A_527 = tpu.memref_slice %arg8[%dma_wait3A_525, %dma_wait3A_526] : memref<4x128xi32, #tpu.memory_space<vmem>> -> memref<1x128xi32, #tpu.memory_space<vmem>>
          %dma_wait3A_528 = arith.constant 0 : i32
          %dma_wait3A_529 = arith.constant 0 : i32
          %dma_wait3A_530 = tpu.memref_slice %arg4[%dma_wait3A_528, %dma_wait3A_529] : memref<2500x128xi32, #tpu.memory_space<hbm>> -> memref<1x128xi32, #tpu.memory_space<hbm>>
          tpu.wait_dma2 semaphore(%arg15 : memref<!tpu.dma_semaphore, #tpu.memory_space<semaphore_mem>>) src(%dma_wait3A_530 : memref<1x128xi32, #tpu.memory_space<hbm>>) dst(%dma_wait3A_527 : memref<1x128xi32, #tpu.memory_space<vmem>>)
          %dma_wait3A_531 = arith.constant 1 : i32
          %dma_wait3A_532 = arith.constant 0 : i32
          %dma_wait3A_533 = tpu.memref_slice %arg9[%dma_wait3A_531, %dma_wait3A_532] : memref<4x128xi32, #tpu.memory_space<vmem>> -> memref<1x128xi32, #tpu.memory_space<vmem>>
          %dma_wait3A_534 = arith.constant 0 : i32
          %dma_wait3A_535 = arith.constant 0 : i32
          %dma_wait3A_536 = tpu.memref_slice %arg5[%dma_wait3A_534, %dma_wait3A_535] : memref<2500x128xi32, #tpu.memory_space<hbm>> -> memref<1x128xi32, #tpu.memory_space<hbm>>
          %dma_wait3A_537 = arith.constant 1 : i32
          %dma_wait3A_538 = arith.constant 0 : i32
          %dma_wait3A_539 = tpu.memref_slice %arg9[%dma_wait3A_537, %dma_wait3A_538] : memref<4x128xi32, #tpu.memory_space<vmem>> -> memref<1x128xi32, #tpu.memory_space<vmem>>
          %dma_wait3A_540 = arith.constant 0 : i32
          %dma_wait3A_541 = arith.constant 0 : i32
          %dma_wait3A_542 = tpu.memref_slice %arg5[%dma_wait3A_540, %dma_wait3A_541] : memref<2500x128xi32, #tpu.memory_space<hbm>> -> memref<1x128xi32, #tpu.memory_space<hbm>>
          tpu.wait_dma2 semaphore(%arg15 : memref<!tpu.dma_semaphore, #tpu.memory_space<semaphore_mem>>) src(%dma_wait3A_542 : memref<1x128xi32, #tpu.memory_space<hbm>>) dst(%dma_wait3A_539 : memref<1x128xi32, #tpu.memory_space<vmem>>)
          %ge3A = arith.constant 1 : i32
          %ge3A_543 = arith.cmpi sge, %add3A_316, %ge3A : i32
          %convert_element_type3A_544 = arith.extui %ge3A_543 : i1 to i32
          %cond3A_545 = arith.constant 0 : i32
          %cond3A_546 = arith.cmpi ne, %convert_element_type3A_544, %cond3A_545 : i32
          scf.if %cond3A_546 {
            %dma_wait3A_557 = arith.constant 128 : i32
            %dma_wait3A_558 = arith.constant 0 : i32
            %dma_wait3A_559 = tpu.memref_slice %arg12[%dma_wait3A_557, %dma_wait3A_558] : memref<256x128xf32, #tpu.memory_space<vmem>> -> memref<128x128xf32, #tpu.memory_space<vmem>>
            %dma_wait3A_560 = arith.constant 0 : i32
            %dma_wait3A_561 = arith.constant 0 : i32
            %dma_wait3A_562 = tpu.memref_slice %arg13[%dma_wait3A_560, %dma_wait3A_561] : memref<10000x128xf32, #tpu.memory_space<vmem_shared>> -> memref<128x128xf32, #tpu.memory_space<vmem_shared>>
            %dma_wait3A_563 = arith.constant 0 : i32
            %dma_wait3A_564 = arith.constant 0 : i32
            %dma_wait3A_565 = tpu.memref_slice %arg13[%dma_wait3A_563, %dma_wait3A_564] : memref<10000x128xf32, #tpu.memory_space<vmem_shared>> -> memref<128x128xf32, #tpu.memory_space<vmem_shared>>
            %dma_wait3A_566 = arith.constant 128 : i32
            %dma_wait3A_567 = arith.constant 0 : i32
            %dma_wait3A_568 = tpu.memref_slice %arg12[%dma_wait3A_566, %dma_wait3A_567] : memref<256x128xf32, #tpu.memory_space<vmem>> -> memref<128x128xf32, #tpu.memory_space<vmem>>
            tpu.wait_dma2 semaphore(%arg23 : memref<!tpu.dma_semaphore, #tpu.memory_space<semaphore_mem>>) src(%dma_wait3A_568 : memref<128x128xf32, #tpu.memory_space<vmem>>) dst(%dma_wait3A_565 : memref<128x128xf32, #tpu.memory_space<vmem_shared>>)
          } else {
          }
          %dma_start3A_547 = arith.constant 1 : i32
          %dma_start3A_548 = arith.constant 128 : i32
          %dma_start3A_549 = arith.constant 0 : i32
          %dma_start3A_550 = tpu.memref_slice %arg12[%dma_start3A_548, %dma_start3A_549] : memref<256x128xf32, #tpu.memory_space<vmem>> -> memref<128x128xf32, #tpu.memory_space<vmem>>
          %dma_start3A_551 = arith.constant 0 : i32
          %dma_start3A_552 = tpu.memref_slice %arg8[%dma_start3A_547, %dma_start3A_551] : memref<4x128xi32, #tpu.memory_space<vmem>> -> memref<1x128xi32, #tpu.memory_space<vmem>>
          %dma_start3A_553 = tpu.memref_squeeze %dma_start3A_552 : memref<1x128xi32, #tpu.memory_space<vmem>> -> memref<128xi32, #tpu.memory_space<vmem>>
          %dma_start3A_554 = arith.constant 0 : i32
          %dma_start3A_555 = arith.constant 0 : i32
          %dma_start3A_556 = tpu.memref_slice %arg2[%dma_start3A_554, %dma_start3A_555] : memref<10000x128xf32, #tpu.memory_space<hbm>> -> memref<10000x128xf32, #tpu.memory_space<hbm>>
          tpu.enqueue_indirect_dma source(%dma_start3A_556 : memref<10000x128xf32, #tpu.memory_space<hbm>>) target(%dma_start3A_550 : memref<128x128xf32, #tpu.memory_space<vmem>>) offsets(%dma_start3A_553 : memref<128xi32, #tpu.memory_space<vmem>>) semaphore(%arg21 : memref<!tpu.dma_semaphore, #tpu.memory_space<semaphore_mem>>)
        } else {
        }
        %add3A_356 = arith.constant 2 : i32
        %add3A_357 = arith.addi %add3A_316, %add3A_356 : i32
        %lt3A_358 = arith.constant 79 : i32
        %lt3A_359 = arith.cmpi slt, %add3A_357, %lt3A_358 : i32
        %convert_element_type3A_360 = arith.extui %lt3A_359 : i1 to i32
        %cond3A_361 = arith.constant 0 : i32
        %cond3A_362 = arith.cmpi ne, %convert_element_type3A_360, %cond3A_361 : i32
        scf.if %cond3A_362 {
          %add3A_519 = arith.constant 2 : i32
          %add3A_520 = arith.addi %add3A_316, %add3A_519 : i32
          %mul3A_521 = arith.constant 32 : i32
          %mul3A_522 = arith.muli %add3A_520, %mul3A_521 : i32
          %add3A_523 = arith.addi %mul3A_522, %add3A : i32
          %min3A_524 = arith.constant 2499 : i32
          %min3A_525 = arith.minsi %add3A_523, %min3A_524 : i32
          %dma_start3A_526 = arith.constant 2 : i32
          %dma_start3A_527 = arith.constant 0 : i32
          %dma_start3A_528 = tpu.memref_slice %arg8[%dma_start3A_526, %dma_start3A_527] : memref<4x128xi32, #tpu.memory_space<vmem>> -> memref<1x128xi32, #tpu.memory_space<vmem>>
          %dma_start3A_529 = arith.constant 0 : i32
          %dma_start3A_530 = tpu.memref_slice %arg4[%min3A_525, %dma_start3A_529] : memref<2500x128xi32, #tpu.memory_space<hbm>> -> memref<1x128xi32, #tpu.memory_space<hbm>>
          %dma_start3A_531 = arith.constant 2 : i32
          %dma_start3A_532 = arith.constant 0 : i32
          %dma_start3A_533 = tpu.memref_slice %arg8[%dma_start3A_531, %dma_start3A_532] : memref<4x128xi32, #tpu.memory_space<vmem>> -> memref<1x128xi32, #tpu.memory_space<vmem>>
          %dma_start3A_534 = arith.constant 0 : i32
          %dma_start3A_535 = tpu.memref_slice %arg4[%min3A_525, %dma_start3A_534] : memref<2500x128xi32, #tpu.memory_space<hbm>> -> memref<1x128xi32, #tpu.memory_space<hbm>>
          tpu.enqueue_dma source(%dma_start3A_535 : memref<1x128xi32, #tpu.memory_space<hbm>>) target(%dma_start3A_533 : memref<1x128xi32, #tpu.memory_space<vmem>>) target_semaphore(%arg16 : memref<!tpu.dma_semaphore, #tpu.memory_space<semaphore_mem>>)
          %dma_start3A_536 = arith.constant 2 : i32
          %dma_start3A_537 = arith.constant 0 : i32
          %dma_start3A_538 = tpu.memref_slice %arg9[%dma_start3A_536, %dma_start3A_537] : memref<4x128xi32, #tpu.memory_space<vmem>> -> memref<1x128xi32, #tpu.memory_space<vmem>>
          %dma_start3A_539 = arith.constant 0 : i32
          %dma_start3A_540 = tpu.memref_slice %arg5[%min3A_525, %dma_start3A_539] : memref<2500x128xi32, #tpu.memory_space<hbm>> -> memref<1x128xi32, #tpu.memory_space<hbm>>
          %dma_start3A_541 = arith.constant 2 : i32
          %dma_start3A_542 = arith.constant 0 : i32
          %dma_start3A_543 = tpu.memref_slice %arg9[%dma_start3A_541, %dma_start3A_542] : memref<4x128xi32, #tpu.memory_space<vmem>> -> memref<1x128xi32, #tpu.memory_space<vmem>>
          %dma_start3A_544 = arith.constant 0 : i32
          %dma_start3A_545 = tpu.memref_slice %arg5[%min3A_525, %dma_start3A_544] : memref<2500x128xi32, #tpu.memory_space<hbm>> -> memref<1x128xi32, #tpu.memory_space<hbm>>
          tpu.enqueue_dma source(%dma_start3A_545 : memref<1x128xi32, #tpu.memory_space<hbm>>) target(%dma_start3A_543 : memref<1x128xi32, #tpu.memory_space<vmem>>) target_semaphore(%arg16 : memref<!tpu.dma_semaphore, #tpu.memory_space<semaphore_mem>>)
        } else {
        }
        %dma_wait3A_363 = arith.constant 0 : i32
        %dma_wait3A_364 = arith.constant 0 : i32
        %dma_wait3A_365 = tpu.memref_slice %arg11[%dma_wait3A_363, %dma_wait3A_364] : memref<128x128xi32, #tpu.memory_space<vmem>> -> memref<64x128xi32, #tpu.memory_space<vmem>>
        %dma_wait3A_366 = arith.constant 0 : i32
        %dma_wait3A_367 = arith.constant 0 : i32
        %dma_wait3A_368 = tpu.memref_slice %arg3[%dma_wait3A_366, %dma_wait3A_367] : memref<160000x128xi32, #tpu.memory_space<hbm>> -> memref<64x128xi32, #tpu.memory_space<hbm>>
        %dma_wait3A_369 = arith.constant 0 : i32
        %dma_wait3A_370 = arith.constant 0 : i32
        %dma_wait3A_371 = tpu.memref_slice %arg11[%dma_wait3A_369, %dma_wait3A_370] : memref<128x128xi32, #tpu.memory_space<vmem>> -> memref<64x128xi32, #tpu.memory_space<vmem>>
        %dma_wait3A_372 = arith.constant 0 : i32
        %dma_wait3A_373 = arith.constant 0 : i32
        %dma_wait3A_374 = tpu.memref_slice %arg3[%dma_wait3A_372, %dma_wait3A_373] : memref<160000x128xi32, #tpu.memory_space<hbm>> -> memref<64x128xi32, #tpu.memory_space<hbm>>
        tpu.wait_dma2 semaphore(%arg18 : memref<!tpu.dma_semaphore, #tpu.memory_space<semaphore_mem>>) src(%dma_wait3A_374 : memref<64x128xi32, #tpu.memory_space<hbm>>) dst(%dma_wait3A_371 : memref<64x128xi32, #tpu.memory_space<vmem>>)
        %dma_wait3A_375 = arith.constant 0 : i32
        %dma_wait3A_376 = arith.constant 0 : i32
        %dma_wait3A_377 = tpu.memref_slice %arg10[%dma_wait3A_375, %dma_wait3A_376] : memref<2x128xf32, #tpu.memory_space<vmem>> -> memref<1x128xf32, #tpu.memory_space<vmem>>
        %dma_wait3A_378 = arith.constant 0 : i32
        %dma_wait3A_379 = arith.constant 0 : i32
        %dma_wait3A_380 = tpu.memref_slice %arg6[%dma_wait3A_378, %dma_wait3A_379] : memref<2500x128xf32, #tpu.memory_space<hbm>> -> memref<1x128xf32, #tpu.memory_space<hbm>>
        %dma_wait3A_381 = arith.constant 0 : i32
        %dma_wait3A_382 = arith.constant 0 : i32
        %dma_wait3A_383 = tpu.memref_slice %arg10[%dma_wait3A_381, %dma_wait3A_382] : memref<2x128xf32, #tpu.memory_space<vmem>> -> memref<1x128xf32, #tpu.memory_space<vmem>>
        %dma_wait3A_384 = arith.constant 0 : i32
        %dma_wait3A_385 = arith.constant 0 : i32
        %dma_wait3A_386 = tpu.memref_slice %arg6[%dma_wait3A_384, %dma_wait3A_385] : memref<2500x128xf32, #tpu.memory_space<hbm>> -> memref<1x128xf32, #tpu.memory_space<hbm>>
        tpu.wait_dma2 semaphore(%arg18 : memref<!tpu.dma_semaphore, #tpu.memory_space<semaphore_mem>>) src(%dma_wait3A_386 : memref<1x128xf32, #tpu.memory_space<hbm>>) dst(%dma_wait3A_383 : memref<1x128xf32, #tpu.memory_space<vmem>>)
        %dma_wait3A_387 = arith.constant 0 : i32
        %dma_wait3A_388 = arith.constant 0 : i32
        %dma_wait3A_389 = tpu.memref_slice %arg12[%dma_wait3A_387, %dma_wait3A_388] : memref<256x128xf32, #tpu.memory_space<vmem>> -> memref<128x128xf32, #tpu.memory_space<vmem>>
        %dma_wait3A_390 = arith.constant 0 : i32
        %dma_wait3A_391 = arith.constant 0 : i32
        %dma_wait3A_392 = tpu.memref_slice %arg2[%dma_wait3A_390, %dma_wait3A_391] : memref<10000x128xf32, #tpu.memory_space<hbm>> -> memref<128x128xf32, #tpu.memory_space<hbm>>
        %dma_wait3A_393 = arith.constant 0 : i32
        %dma_wait3A_394 = arith.constant 0 : i32
        %dma_wait3A_395 = tpu.memref_slice %arg12[%dma_wait3A_393, %dma_wait3A_394] : memref<256x128xf32, #tpu.memory_space<vmem>> -> memref<128x128xf32, #tpu.memory_space<vmem>>
        %dma_wait3A_396 = arith.constant 0 : i32
        %dma_wait3A_397 = arith.constant 0 : i32
        %dma_wait3A_398 = tpu.memref_slice %arg2[%dma_wait3A_396, %dma_wait3A_397] : memref<10000x128xf32, #tpu.memory_space<hbm>> -> memref<128x128xf32, #tpu.memory_space<hbm>>
        tpu.wait_dma2 semaphore(%arg20 : memref<!tpu.dma_semaphore, #tpu.memory_space<semaphore_mem>>) src(%dma_wait3A_398 : memref<128x128xf32, #tpu.memory_space<hbm>>) dst(%dma_wait3A_395 : memref<128x128xf32, #tpu.memory_space<vmem>>)
        %mul3A_399 = arith.constant 32 : i32
        %mul3A_400 = arith.muli %add3A_316, %mul3A_399 : i32
        %add3A_401 = arith.addi %mul3A_400, %add3A : i32
        %lt3A_402 = arith.constant 2500 : i32
        %lt3A_403 = arith.cmpi slt, %add3A_401, %lt3A_402 : i32
        %jit3A = arith.constant 1.000000e+00 : f32
        %jit3A_404 = arith.constant 0.000000e+00 : f32
        %select_n3A = arith.select %lt3A_403, %jit3A, %jit3A_404 : f32
        %broadcast_in_dim3A = vector.broadcast %select_n3A : f32 to vector<16xf32>
        %get3A = arith.constant 0 : i32
        %get3A_405 = arith.index_cast %get3A : i32 to index
        %get3A_406 = arith.constant 0 : index
        %get3A_407 = tpu.vector_load %arg10[%get3A_405, %get3A_406] {strides = array<i32>} : memref<2x128xf32, #tpu.memory_space<vmem>>, vector<1x16xf32>,
        %get3A_408 = vector.shape_cast %get3A_407 : vector<1x16xf32> to vector<16xf32>
        %mul3A_409 = arith.mulf %get3A_408, %broadcast_in_dim3A : vector<16xf32>
        %swap3A = arith.constant 0 : i32
        %swap3A_410 = arith.index_cast %swap3A : i32 to index
        %swap3A_411 = arith.constant 0 : index
        %swap3A_412 = tpu.vector_load %arg10[%swap3A_410, %swap3A_411] {strides = array<i32>} : memref<2x128xf32, #tpu.memory_space<vmem>>, vector<1x16xf32>,
        %swap3A_413 = vector.shape_cast %swap3A_412 : vector<1x16xf32> to vector<16xf32>
        %swap3A_414 = vector.shape_cast %mul3A_409 : vector<16xf32> to vector<1x16xf32>
        tpu.vector_store %arg10[%swap3A_410, %swap3A_411], %swap3A_414 {strides = array<i32>} : memref<2x128xf32, #tpu.memory_space<vmem>>, vector<1x16xf32>,
        %get3A_415 = arith.constant 0 : i32
        %get3A_416 = arith.index_cast %get3A_415 : i32 to index
        %get3A_417 = arith.constant 16 : index
        %get3A_418 = tpu.vector_load %arg10[%get3A_416, %get3A_417] {strides = array<i32>} : memref<2x128xf32, #tpu.memory_space<vmem>>, vector<1x16xf32>,
        %get3A_419 = vector.shape_cast %get3A_418 : vector<1x16xf32> to vector<16xf32>
        %mul3A_420 = arith.mulf %get3A_419, %broadcast_in_dim3A : vector<16xf32>
        %swap3A_421 = arith.constant 0 : i32
        %swap3A_422 = arith.index_cast %swap3A_421 : i32 to index
        %swap3A_423 = arith.constant 16 : index
        %swap3A_424 = tpu.vector_load %arg10[%swap3A_422, %swap3A_423] {strides = array<i32>} : memref<2x128xf32, #tpu.memory_space<vmem>>, vector<1x16xf32>,
        %swap3A_425 = vector.shape_cast %swap3A_424 : vector<1x16xf32> to vector<16xf32>
        %swap3A_426 = vector.shape_cast %mul3A_420 : vector<16xf32> to vector<1x16xf32>
        tpu.vector_store %arg10[%swap3A_422, %swap3A_423], %swap3A_426 {strides = array<i32>} : memref<2x128xf32, #tpu.memory_space<vmem>>, vector<1x16xf32>,
        %get3A_427 = arith.constant 0 : i32
        %get3A_428 = arith.index_cast %get3A_427 : i32 to index
        %get3A_429 = arith.constant 32 : index
        %get3A_430 = tpu.vector_load %arg10[%get3A_428, %get3A_429] {strides = array<i32>} : memref<2x128xf32, #tpu.memory_space<vmem>>, vector<1x16xf32>,
        %get3A_431 = vector.shape_cast %get3A_430 : vector<1x16xf32> to vector<16xf32>
        %mul3A_432 = arith.mulf %get3A_431, %broadcast_in_dim3A : vector<16xf32>
        %swap3A_433 = arith.constant 0 : i32
        %swap3A_434 = arith.index_cast %swap3A_433 : i32 to index
        %swap3A_435 = arith.constant 32 : index
        %swap3A_436 = tpu.vector_load %arg10[%swap3A_434, %swap3A_435] {strides = array<i32>} : memref<2x128xf32, #tpu.memory_space<vmem>>, vector<1x16xf32>,
        %swap3A_437 = vector.shape_cast %swap3A_436 : vector<1x16xf32> to vector<16xf32>
        %swap3A_438 = vector.shape_cast %mul3A_432 : vector<16xf32> to vector<1x16xf32>
        tpu.vector_store %arg10[%swap3A_434, %swap3A_435], %swap3A_438 {strides = array<i32>} : memref<2x128xf32, #tpu.memory_space<vmem>>, vector<1x16xf32>,
        %get3A_439 = arith.constant 0 : i32
        %get3A_440 = arith.index_cast %get3A_439 : i32 to index
        %get3A_441 = arith.constant 48 : index
        %get3A_442 = tpu.vector_load %arg10[%get3A_440, %get3A_441] {strides = array<i32>} : memref<2x128xf32, #tpu.memory_space<vmem>>, vector<1x16xf32>,
        %get3A_443 = vector.shape_cast %get3A_442 : vector<1x16xf32> to vector<16xf32>
        %mul3A_444 = arith.mulf %get3A_443, %broadcast_in_dim3A : vector<16xf32>
        %swap3A_445 = arith.constant 0 : i32
        %swap3A_446 = arith.index_cast %swap3A_445 : i32 to index
        %swap3A_447 = arith.constant 48 : index
        %swap3A_448 = tpu.vector_load %arg10[%swap3A_446, %swap3A_447] {strides = array<i32>} : memref<2x128xf32, #tpu.memory_space<vmem>>, vector<1x16xf32>,
        %swap3A_449 = vector.shape_cast %swap3A_448 : vector<1x16xf32> to vector<16xf32>
        %swap3A_450 = vector.shape_cast %mul3A_444 : vector<16xf32> to vector<1x16xf32>
        tpu.vector_store %arg10[%swap3A_446, %swap3A_447], %swap3A_450 {strides = array<i32>} : memref<2x128xf32, #tpu.memory_space<vmem>>, vector<1x16xf32>,
        %get3A_451 = arith.constant 0 : i32
        %get3A_452 = arith.index_cast %get3A_451 : i32 to index
        %get3A_453 = arith.constant 64 : index
        %get3A_454 = tpu.vector_load %arg10[%get3A_452, %get3A_453] {strides = array<i32>} : memref<2x128xf32, #tpu.memory_space<vmem>>, vector<1x16xf32>,
        %get3A_455 = vector.shape_cast %get3A_454 : vector<1x16xf32> to vector<16xf32>
        %mul3A_456 = arith.mulf %get3A_455, %broadcast_in_dim3A : vector<16xf32>
        %swap3A_457 = arith.constant 0 : i32
        %swap3A_458 = arith.index_cast %swap3A_457 : i32 to index
        %swap3A_459 = arith.constant 64 : index
        %swap3A_460 = tpu.vector_load %arg10[%swap3A_458, %swap3A_459] {strides = array<i32>} : memref<2x128xf32, #tpu.memory_space<vmem>>, vector<1x16xf32>,
        %swap3A_461 = vector.shape_cast %swap3A_460 : vector<1x16xf32> to vector<16xf32>
        %swap3A_462 = vector.shape_cast %mul3A_456 : vector<16xf32> to vector<1x16xf32>
        tpu.vector_store %arg10[%swap3A_458, %swap3A_459], %swap3A_462 {strides = array<i32>} : memref<2x128xf32, #tpu.memory_space<vmem>>, vector<1x16xf32>,
        %get3A_463 = arith.constant 0 : i32
        %get3A_464 = arith.index_cast %get3A_463 : i32 to index
        %get3A_465 = arith.constant 80 : index
        %get3A_466 = tpu.vector_load %arg10[%get3A_464, %get3A_465] {strides = array<i32>} : memref<2x128xf32, #tpu.memory_space<vmem>>, vector<1x16xf32>,
        %get3A_467 = vector.shape_cast %get3A_466 : vector<1x16xf32> to vector<16xf32>
        %mul3A_468 = arith.mulf %get3A_467, %broadcast_in_dim3A : vector<16xf32>
        %swap3A_469 = arith.constant 0 : i32
        %swap3A_470 = arith.index_cast %swap3A_469 : i32 to index
        %swap3A_471 = arith.constant 80 : index
        %swap3A_472 = tpu.vector_load %arg10[%swap3A_470, %swap3A_471] {strides = array<i32>} : memref<2x128xf32, #tpu.memory_space<vmem>>, vector<1x16xf32>,
        %swap3A_473 = vector.shape_cast %swap3A_472 : vector<1x16xf32> to vector<16xf32>
        %swap3A_474 = vector.shape_cast %mul3A_468 : vector<16xf32> to vector<1x16xf32>
        tpu.vector_store %arg10[%swap3A_470, %swap3A_471], %swap3A_474 {strides = array<i32>} : memref<2x128xf32, #tpu.memory_space<vmem>>, vector<1x16xf32>,
        %get3A_475 = arith.constant 0 : i32
        %get3A_476 = arith.index_cast %get3A_475 : i32 to index
        %get3A_477 = arith.constant 96 : index
        %get3A_478 = tpu.vector_load %arg10[%get3A_476, %get3A_477] {strides = array<i32>} : memref<2x128xf32, #tpu.memory_space<vmem>>, vector<1x16xf32>,
        %get3A_479 = vector.shape_cast %get3A_478 : vector<1x16xf32> to vector<16xf32>
        %mul3A_480 = arith.mulf %get3A_479, %broadcast_in_dim3A : vector<16xf32>
        %swap3A_481 = arith.constant 0 : i32
        %swap3A_482 = arith.index_cast %swap3A_481 : i32 to index
        %swap3A_483 = arith.constant 96 : index
        %swap3A_484 = tpu.vector_load %arg10[%swap3A_482, %swap3A_483] {strides = array<i32>} : memref<2x128xf32, #tpu.memory_space<vmem>>, vector<1x16xf32>,
        %swap3A_485 = vector.shape_cast %swap3A_484 : vector<1x16xf32> to vector<16xf32>
        %swap3A_486 = vector.shape_cast %mul3A_480 : vector<16xf32> to vector<1x16xf32>
        tpu.vector_store %arg10[%swap3A_482, %swap3A_483], %swap3A_486 {strides = array<i32>} : memref<2x128xf32, #tpu.memory_space<vmem>>, vector<1x16xf32>,
        %get3A_487 = arith.constant 0 : i32
        %get3A_488 = arith.index_cast %get3A_487 : i32 to index
        %get3A_489 = arith.constant 112 : index
        %get3A_490 = tpu.vector_load %arg10[%get3A_488, %get3A_489] {strides = array<i32>} : memref<2x128xf32, #tpu.memory_space<vmem>>, vector<1x16xf32>,
        %get3A_491 = vector.shape_cast %get3A_490 : vector<1x16xf32> to vector<16xf32>
        %mul3A_492 = arith.mulf %get3A_491, %broadcast_in_dim3A : vector<16xf32>
        %swap3A_493 = arith.constant 0 : i32
        %swap3A_494 = arith.index_cast %swap3A_493 : i32 to index
        %swap3A_495 = arith.constant 112 : index
        %swap3A_496 = tpu.vector_load %arg10[%swap3A_494, %swap3A_495] {strides = array<i32>} : memref<2x128xf32, #tpu.memory_space<vmem>>, vector<1x16xf32>,
        %swap3A_497 = vector.shape_cast %swap3A_496 : vector<1x16xf32> to vector<16xf32>
        %swap3A_498 = vector.shape_cast %mul3A_492 : vector<16xf32> to vector<1x16xf32>
        tpu.vector_store %arg10[%swap3A_494, %swap3A_495], %swap3A_498 {strides = array<i32>} : memref<2x128xf32, #tpu.memory_space<vmem>>, vector<1x16xf32>,
        %parallel_loop3A_499 = arith.constant 0 : i32
        %parallel_loop3A_500 = arith.constant 128 : i32
        %parallel_loop3A_501 = arith.constant 1 : i32
        scf.for %parallel_loop3A_519 = %parallel_loop3A_499 to %parallel_loop3A_500 step %parallel_loop3A_501  : i32 {
          %parallel_loop3A_520 = arith.constant 16 : i32
          %parallel_loop3A_521 = arith.divsi %parallel_loop3A_519, %parallel_loop3A_520 : i32
          %parallel_loop3A_522 = arith.constant 0 : i32
          %parallel_loop3A_523 = arith.cmpi sgt, %parallel_loop3A_519, %parallel_loop3A_522 : i32
          %parallel_loop3A_524 = arith.extui %parallel_loop3A_523 : i1 to i32
          %parallel_loop3A_525 = arith.constant 0 : i32
          %parallel_loop3A_526 = arith.cmpi slt, %parallel_loop3A_519, %parallel_loop3A_525 : i32
          %parallel_loop3A_527 = arith.extui %parallel_loop3A_526 : i1 to i32
          %parallel_loop3A_528 = arith.subi %parallel_loop3A_524, %parallel_loop3A_527 : i32
          %parallel_loop3A_529 = arith.constant 0 : i32
          %parallel_loop3A_530 = arith.cmpi sgt, %parallel_loop3A_520, %parallel_loop3A_529 : i32
          %parallel_loop3A_531 = arith.extui %parallel_loop3A_530 : i1 to i32
          %parallel_loop3A_532 = arith.constant 0 : i32
          %parallel_loop3A_533 = arith.cmpi slt, %parallel_loop3A_520, %parallel_loop3A_532 : i32
          %parallel_loop3A_534 = arith.extui %parallel_loop3A_533 : i1 to i32
          %parallel_loop3A_535 = arith.subi %parallel_loop3A_531, %parallel_loop3A_534 : i32
          %parallel_loop3A_536 = arith.cmpi ne, %parallel_loop3A_528, %parallel_loop3A_535 : i32
          %parallel_loop3A_537 = arith.remsi %parallel_loop3A_519, %parallel_loop3A_520 : i32
          %parallel_loop3A_538 = arith.constant 0 : i32
          %parallel_loop3A_539 = arith.cmpi ne, %parallel_loop3A_537, %parallel_loop3A_538 : i32
          %parallel_loop3A_540 = arith.andi %parallel_loop3A_536, %parallel_loop3A_539 : i1
          %parallel_loop3A_541 = arith.constant 1 : i32
          %parallel_loop3A_542 = arith.subi %parallel_loop3A_521, %parallel_loop3A_541 : i32
          %parallel_loop3A_543 = arith.select %parallel_loop3A_540, %parallel_loop3A_542, %parallel_loop3A_521 : i32
          %parallel_loop3A_544 = arith.constant 16 : i32
          %parallel_loop3A_545 = arith.muli %parallel_loop3A_543, %parallel_loop3A_544 : i32
          %parallel_loop3A_546 = arith.constant 0 : i32
          %parallel_loop3A_547 = arith.index_cast %parallel_loop3A_546 : i32 to index
          %parallel_loop3A_548 = arith.index_cast %parallel_loop3A_545 : i32 to index
          %parallel_loop3A_549 = tpu.vector_load %arg10[%parallel_loop3A_547, %parallel_loop3A_548] {strides = array<i32>} : memref<2x128xf32, #tpu.memory_space<vmem>>, vector<1x16xf32>,
          %parallel_loop3A_550 = vector.shape_cast %parallel_loop3A_549 : vector<1x16xf32> to vector<16xf32>
          %parallel_loop3A_551 = arith.constant 0 : i32
          %parallel_loop3A_552 = vector.broadcast %parallel_loop3A_551 : i32 to vector<16xi32>
          %parallel_loop3A_553 = arith.constant 16 : i32
          %parallel_loop3A_554 = arith.constant 0 : i32
          %parallel_loop3A_555 = arith.cmpi eq, %parallel_loop3A_553, %parallel_loop3A_554 : i32
          %parallel_loop3A_556 = arith.constant 1 : i32
          %parallel_loop3A_557 = arith.select %parallel_loop3A_555, %parallel_loop3A_556, %parallel_loop3A_553 : i32
          %parallel_loop3A_558 = arith.remsi %parallel_loop3A_519, %parallel_loop3A_557 : i32
          %parallel_loop3A_559 = arith.constant 0 : i32
          %parallel_loop3A_560 = arith.cmpi ne, %parallel_loop3A_558, %parallel_loop3A_559 : i32
          %parallel_loop3A_561 = arith.constant 0 : i32
          %parallel_loop3A_562 = arith.cmpi slt, %parallel_loop3A_558, %parallel_loop3A_561 : i32
          %parallel_loop3A_563 = arith.constant 0 : i32
          %parallel_loop3A_564 = arith.cmpi slt, %parallel_loop3A_557, %parallel_loop3A_563 : i32
          %parallel_loop3A_565 = arith.xori %parallel_loop3A_562, %parallel_loop3A_564 : i1
          %parallel_loop3A_566 = arith.andi %parallel_loop3A_565, %parallel_loop3A_560 : i1
          %parallel_loop3A_567 = arith.addi %parallel_loop3A_558, %parallel_loop3A_557 : i32
          %parallel_loop3A_568 = arith.select %parallel_loop3A_566, %parallel_loop3A_567, %parallel_loop3A_558 : i32
          %parallel_loop3A_569 = vector.broadcast %parallel_loop3A_568 : i32 to vector<16xi32>
          %parallel_loop3A_570 = arith.addi %parallel_loop3A_552, %parallel_loop3A_569 : vector<16xi32>
          %parallel_loop3A_571 = vector.shape_cast %parallel_loop3A_570 : vector<16xi32> to vector<16x1xi32>
          %parallel_loop3A_572 = vector.shape_cast %parallel_loop3A_571 : vector<16x1xi32> to vector<16xi32>
          %parallel_loop3A_573 = tpu.dynamic_gather %parallel_loop3A_550[%parallel_loop3A_572] in [0] : vector<16xf32>, vector<16xi32> -> vector<16xf32>
          %parallel_loop3A_574 = arith.constant 0 : i32
          %parallel_loop3A_575 = arith.addi %parallel_loop3A_574, %parallel_loop3A_519 : i32
          %parallel_loop3A_576 = arith.constant 2 : i32
          %parallel_loop3A_577 = arith.divsi %parallel_loop3A_519, %parallel_loop3A_576 : i32
          %parallel_loop3A_578 = arith.constant 0 : i32
          %parallel_loop3A_579 = arith.cmpi sgt, %parallel_loop3A_519, %parallel_loop3A_578 : i32
          %parallel_loop3A_580 = arith.extui %parallel_loop3A_579 : i1 to i32
          %parallel_loop3A_581 = arith.constant 0 : i32
          %parallel_loop3A_582 = arith.cmpi slt, %parallel_loop3A_519, %parallel_loop3A_581 : i32
          %parallel_loop3A_583 = arith.extui %parallel_loop3A_582 : i1 to i32
          %parallel_loop3A_584 = arith.subi %parallel_loop3A_580, %parallel_loop3A_583 : i32
          %parallel_loop3A_585 = arith.constant 0 : i32
          %parallel_loop3A_586 = arith.cmpi sgt, %parallel_loop3A_576, %parallel_loop3A_585 : i32
          %parallel_loop3A_587 = arith.extui %parallel_loop3A_586 : i1 to i32
          %parallel_loop3A_588 = arith.constant 0 : i32
          %parallel_loop3A_589 = arith.cmpi slt, %parallel_loop3A_576, %parallel_loop3A_588 : i32
          %parallel_loop3A_590 = arith.extui %parallel_loop3A_589 : i1 to i32
          %parallel_loop3A_591 = arith.subi %parallel_loop3A_587, %parallel_loop3A_590 : i32
          %parallel_loop3A_592 = arith.cmpi ne, %parallel_loop3A_584, %parallel_loop3A_591 : i32
          %parallel_loop3A_593 = arith.remsi %parallel_loop3A_519, %parallel_loop3A_576 : i32
          %parallel_loop3A_594 = arith.constant 0 : i32
          %parallel_loop3A_595 = arith.cmpi ne, %parallel_loop3A_593, %parallel_loop3A_594 : i32
          %parallel_loop3A_596 = arith.andi %parallel_loop3A_592, %parallel_loop3A_595 : i1
          %parallel_loop3A_597 = arith.constant 1 : i32
          %parallel_loop3A_598 = arith.subi %parallel_loop3A_577, %parallel_loop3A_597 : i32
          %parallel_loop3A_599 = arith.select %parallel_loop3A_596, %parallel_loop3A_598, %parallel_loop3A_577 : i32
          %parallel_loop3A_600 = arith.constant 0 : i32
          %parallel_loop3A_601 = arith.addi %parallel_loop3A_600, %parallel_loop3A_599 : i32
          %parallel_loop3A_602 = arith.constant 2 : i32
          %parallel_loop3A_603 = arith.constant 0 : i32
          %parallel_loop3A_604 = arith.cmpi eq, %parallel_loop3A_602, %parallel_loop3A_603 : i32
          %parallel_loop3A_605 = arith.constant 1 : i32
          %parallel_loop3A_606 = arith.select %parallel_loop3A_604, %parallel_loop3A_605, %parallel_loop3A_602 : i32
          %parallel_loop3A_607 = arith.remsi %parallel_loop3A_519, %parallel_loop3A_606 : i32
          %parallel_loop3A_608 = arith.constant 0 : i32
          %parallel_loop3A_609 = arith.cmpi ne, %parallel_loop3A_607, %parallel_loop3A_608 : i32
          %parallel_loop3A_610 = arith.constant 0 : i32
          %parallel_loop3A_611 = arith.cmpi slt, %parallel_loop3A_607, %parallel_loop3A_610 : i32
          %parallel_loop3A_612 = arith.constant 0 : i32
          %parallel_loop3A_613 = arith.cmpi slt, %parallel_loop3A_606, %parallel_loop3A_612 : i32
          %parallel_loop3A_614 = arith.xori %parallel_loop3A_611, %parallel_loop3A_613 : i1
          %parallel_loop3A_615 = arith.andi %parallel_loop3A_614, %parallel_loop3A_609 : i1
          %parallel_loop3A_616 = arith.addi %parallel_loop3A_607, %parallel_loop3A_606 : i32
          %parallel_loop3A_617 = arith.select %parallel_loop3A_615, %parallel_loop3A_616, %parallel_loop3A_607 : i32
          %parallel_loop3A_618 = arith.constant 64 : i32
          %parallel_loop3A_619 = arith.muli %parallel_loop3A_618, %parallel_loop3A_617 : i32
          %parallel_loop3A_620 = arith.constant 0 : i32
          %parallel_loop3A_621 = arith.addi %parallel_loop3A_619, %parallel_loop3A_620 : i32
          %parallel_loop3A_622 = arith.index_cast %parallel_loop3A_601 : i32 to index
          %parallel_loop3A_623 = arith.index_cast %parallel_loop3A_621 : i32 to index
          %parallel_loop3A_624 = tpu.vector_load %arg11[%parallel_loop3A_622, %parallel_loop3A_623] {strides = array<i32>} : memref<128x128xi32, #tpu.memory_space<vmem>>, vector<1x16xi32>,
          %parallel_loop3A_625 = vector.shape_cast %parallel_loop3A_624 : vector<1x16xi32> to vector<16xi32>
          %parallel_loop3A_626 = arith.constant 16 : i32
          %parallel_loop3A_627 = vector.broadcast %parallel_loop3A_626 : i32 to vector<16xi32>
          %parallel_loop3A_628 = arith.shli %parallel_loop3A_625, %parallel_loop3A_627 : vector<16xi32>
          %parallel_loop3A_629 = tpu.bitcast %parallel_loop3A_628 : vector<16xi32> -> vector<16xf32>
          %parallel_loop3A_630 = tpu.bitcast %parallel_loop3A_625 : vector<16xi32> -> vector<16xf32>
          %parallel_loop3A_631 = arith.index_cast %parallel_loop3A_575 : i32 to index
          %parallel_loop3A_632 = arith.constant 0 : index
          %parallel_loop3A_633 = tpu.vector_load %arg12[%parallel_loop3A_631, %parallel_loop3A_632] {strides = array<i32>} : memref<256x128xf32, #tpu.memory_space<vmem>>, vector<1x16xf32>,
          %parallel_loop3A_634 = vector.shape_cast %parallel_loop3A_633 : vector<1x16xf32> to vector<16xf32>
          %parallel_loop3A_635 = arith.addf %parallel_loop3A_634, %parallel_loop3A_629 : vector<16xf32>
          %parallel_loop3A_636 = arith.constant -1.702000e+00 : f32
          %parallel_loop3A_637 = vector.broadcast %parallel_loop3A_636 : f32 to vector<16xf32>
          %parallel_loop3A_638 = arith.mulf %parallel_loop3A_635, %parallel_loop3A_637 : vector<16xf32>
          %parallel_loop3A_639 = arith.mulf %parallel_loop3A_635, %parallel_loop3A_573 : vector<16xf32>
          %parallel_loop3A_640 = math.exp %parallel_loop3A_638 : vector<16xf32>
          %parallel_loop3A_641 = arith.constant 1.000000e+00 : f32
          %parallel_loop3A_642 = vector.broadcast %parallel_loop3A_641 : f32 to vector<16xf32>
          %parallel_loop3A_643 = arith.addf %parallel_loop3A_642, %parallel_loop3A_640 : vector<16xf32>
          %parallel_loop3A_644 = arith.divf %parallel_loop3A_639, %parallel_loop3A_643 : vector<16xf32>
          %parallel_loop3A_645 = arith.index_cast %parallel_loop3A_575 : i32 to index
          %parallel_loop3A_646 = arith.constant 0 : index
          %parallel_loop3A_647 = tpu.vector_load %arg12[%parallel_loop3A_645, %parallel_loop3A_646] {strides = array<i32>} : memref<256x128xf32, #tpu.memory_space<vmem>>, vector<1x16xf32>,
          %parallel_loop3A_648 = vector.shape_cast %parallel_loop3A_647 : vector<1x16xf32> to vector<16xf32>
          %parallel_loop3A_649 = vector.shape_cast %parallel_loop3A_644 : vector<16xf32> to vector<1x16xf32>
          tpu.vector_store %arg12[%parallel_loop3A_645, %parallel_loop3A_646], %parallel_loop3A_649 {strides = array<i32>} : memref<256x128xf32, #tpu.memory_space<vmem>>, vector<1x16xf32>,
          %parallel_loop3A_650 = arith.index_cast %parallel_loop3A_575 : i32 to index
          %parallel_loop3A_651 = arith.constant 16 : index
          %parallel_loop3A_652 = tpu.vector_load %arg12[%parallel_loop3A_650, %parallel_loop3A_651] {strides = array<i32>} : memref<256x128xf32, #tpu.memory_space<vmem>>, vector<1x16xf32>,
          %parallel_loop3A_653 = vector.shape_cast %parallel_loop3A_652 : vector<1x16xf32> to vector<16xf32>
          %parallel_loop3A_654 = arith.addf %parallel_loop3A_653, %parallel_loop3A_630 : vector<16xf32>
          %parallel_loop3A_655 = arith.constant -1.702000e+00 : f32
          %parallel_loop3A_656 = vector.broadcast %parallel_loop3A_655 : f32 to vector<16xf32>
          %parallel_loop3A_657 = arith.mulf %parallel_loop3A_654, %parallel_loop3A_656 : vector<16xf32>
          %parallel_loop3A_658 = arith.mulf %parallel_loop3A_654, %parallel_loop3A_573 : vector<16xf32>
          %parallel_loop3A_659 = math.exp %parallel_loop3A_657 : vector<16xf32>
          %parallel_loop3A_660 = arith.constant 1.000000e+00 : f32
          %parallel_loop3A_661 = vector.broadcast %parallel_loop3A_660 : f32 to vector<16xf32>
          %parallel_loop3A_662 = arith.addf %parallel_loop3A_661, %parallel_loop3A_659 : vector<16xf32>
          %parallel_loop3A_663 = arith.divf %parallel_loop3A_658, %parallel_loop3A_662 : vector<16xf32>
          %parallel_loop3A_664 = arith.index_cast %parallel_loop3A_575 : i32 to index
          %parallel_loop3A_665 = arith.constant 16 : index
          %parallel_loop3A_666 = tpu.vector_load %arg12[%parallel_loop3A_664, %parallel_loop3A_665] {strides = array<i32>} : memref<256x128xf32, #tpu.memory_space<vmem>>, vector<1x16xf32>,
          %parallel_loop3A_667 = vector.shape_cast %parallel_loop3A_666 : vector<1x16xf32> to vector<16xf32>
          %parallel_loop3A_668 = vector.shape_cast %parallel_loop3A_663 : vector<16xf32> to vector<1x16xf32>
          tpu.vector_store %arg12[%parallel_loop3A_664, %parallel_loop3A_665], %parallel_loop3A_668 {strides = array<i32>} : memref<256x128xf32, #tpu.memory_space<vmem>>, vector<1x16xf32>,
          %parallel_loop3A_669 = arith.constant 16 : i32
          %parallel_loop3A_670 = arith.addi %parallel_loop3A_619, %parallel_loop3A_669 : i32
          %parallel_loop3A_671 = arith.index_cast %parallel_loop3A_601 : i32 to index
          %parallel_loop3A_672 = arith.index_cast %parallel_loop3A_670 : i32 to index
          %parallel_loop3A_673 = tpu.vector_load %arg11[%parallel_loop3A_671, %parallel_loop3A_672] {strides = array<i32>} : memref<128x128xi32, #tpu.memory_space<vmem>>, vector<1x16xi32>,
          %parallel_loop3A_674 = vector.shape_cast %parallel_loop3A_673 : vector<1x16xi32> to vector<16xi32>
          %parallel_loop3A_675 = arith.constant 16 : i32
          %parallel_loop3A_676 = vector.broadcast %parallel_loop3A_675 : i32 to vector<16xi32>
          %parallel_loop3A_677 = arith.shli %parallel_loop3A_674, %parallel_loop3A_676 : vector<16xi32>
          %parallel_loop3A_678 = tpu.bitcast %parallel_loop3A_677 : vector<16xi32> -> vector<16xf32>
          %parallel_loop3A_679 = tpu.bitcast %parallel_loop3A_674 : vector<16xi32> -> vector<16xf32>
          %parallel_loop3A_680 = arith.index_cast %parallel_loop3A_575 : i32 to index
          %parallel_loop3A_681 = arith.constant 32 : index
          %parallel_loop3A_682 = tpu.vector_load %arg12[%parallel_loop3A_680, %parallel_loop3A_681] {strides = array<i32>} : memref<256x128xf32, #tpu.memory_space<vmem>>, vector<1x16xf32>,
          %parallel_loop3A_683 = vector.shape_cast %parallel_loop3A_682 : vector<1x16xf32> to vector<16xf32>
          %parallel_loop3A_684 = arith.addf %parallel_loop3A_683, %parallel_loop3A_678 : vector<16xf32>
          %parallel_loop3A_685 = arith.constant -1.702000e+00 : f32
          %parallel_loop3A_686 = vector.broadcast %parallel_loop3A_685 : f32 to vector<16xf32>
          %parallel_loop3A_687 = arith.mulf %parallel_loop3A_684, %parallel_loop3A_686 : vector<16xf32>
          %parallel_loop3A_688 = arith.mulf %parallel_loop3A_684, %parallel_loop3A_573 : vector<16xf32>
          %parallel_loop3A_689 = math.exp %parallel_loop3A_687 : vector<16xf32>
          %parallel_loop3A_690 = arith.constant 1.000000e+00 : f32
          %parallel_loop3A_691 = vector.broadcast %parallel_loop3A_690 : f32 to vector<16xf32>
          %parallel_loop3A_692 = arith.addf %parallel_loop3A_691, %parallel_loop3A_689 : vector<16xf32>
          %parallel_loop3A_693 = arith.divf %parallel_loop3A_688, %parallel_loop3A_692 : vector<16xf32>
          %parallel_loop3A_694 = arith.index_cast %parallel_loop3A_575 : i32 to index
          %parallel_loop3A_695 = arith.constant 32 : index
          %parallel_loop3A_696 = tpu.vector_load %arg12[%parallel_loop3A_694, %parallel_loop3A_695] {strides = array<i32>} : memref<256x128xf32, #tpu.memory_space<vmem>>, vector<1x16xf32>,
          %parallel_loop3A_697 = vector.shape_cast %parallel_loop3A_696 : vector<1x16xf32> to vector<16xf32>
          %parallel_loop3A_698 = vector.shape_cast %parallel_loop3A_693 : vector<16xf32> to vector<1x16xf32>
          tpu.vector_store %arg12[%parallel_loop3A_694, %parallel_loop3A_695], %parallel_loop3A_698 {strides = array<i32>} : memref<256x128xf32, #tpu.memory_space<vmem>>, vector<1x16xf32>,
          %parallel_loop3A_699 = arith.index_cast %parallel_loop3A_575 : i32 to index
          %parallel_loop3A_700 = arith.constant 48 : index
          %parallel_loop3A_701 = tpu.vector_load %arg12[%parallel_loop3A_699, %parallel_loop3A_700] {strides = array<i32>} : memref<256x128xf32, #tpu.memory_space<vmem>>, vector<1x16xf32>,
          %parallel_loop3A_702 = vector.shape_cast %parallel_loop3A_701 : vector<1x16xf32> to vector<16xf32>
          %parallel_loop3A_703 = arith.addf %parallel_loop3A_702, %parallel_loop3A_679 : vector<16xf32>
          %parallel_loop3A_704 = arith.constant -1.702000e+00 : f32
          %parallel_loop3A_705 = vector.broadcast %parallel_loop3A_704 : f32 to vector<16xf32>
          %parallel_loop3A_706 = arith.mulf %parallel_loop3A_703, %parallel_loop3A_705 : vector<16xf32>
          %parallel_loop3A_707 = arith.mulf %parallel_loop3A_703, %parallel_loop3A_573 : vector<16xf32>
          %parallel_loop3A_708 = math.exp %parallel_loop3A_706 : vector<16xf32>
          %parallel_loop3A_709 = arith.constant 1.000000e+00 : f32
          %parallel_loop3A_710 = vector.broadcast %parallel_loop3A_709 : f32 to vector<16xf32>
          %parallel_loop3A_711 = arith.addf %parallel_loop3A_710, %parallel_loop3A_708 : vector<16xf32>
          %parallel_loop3A_712 = arith.divf %parallel_loop3A_707, %parallel_loop3A_711 : vector<16xf32>
          %parallel_loop3A_713 = arith.index_cast %parallel_loop3A_575 : i32 to index
          %parallel_loop3A_714 = arith.constant 48 : index
          %parallel_loop3A_715 = tpu.vector_load %arg12[%parallel_loop3A_713, %parallel_loop3A_714] {strides = array<i32>} : memref<256x128xf32, #tpu.memory_space<vmem>>, vector<1x16xf32>,
          %parallel_loop3A_716 = vector.shape_cast %parallel_loop3A_715 : vector<1x16xf32> to vector<16xf32>
          %parallel_loop3A_717 = vector.shape_cast %parallel_loop3A_712 : vector<16xf32> to vector<1x16xf32>
          tpu.vector_store %arg12[%parallel_loop3A_713, %parallel_loop3A_714], %parallel_loop3A_717 {strides = array<i32>} : memref<256x128xf32, #tpu.memory_space<vmem>>, vector<1x16xf32>,
          %parallel_loop3A_718 = arith.constant 32 : i32
          %parallel_loop3A_719 = arith.addi %parallel_loop3A_619, %parallel_loop3A_718 : i32
          %parallel_loop3A_720 = arith.index_cast %parallel_loop3A_601 : i32 to index
          %parallel_loop3A_721 = arith.index_cast %parallel_loop3A_719 : i32 to index
          %parallel_loop3A_722 = tpu.vector_load %arg11[%parallel_loop3A_720, %parallel_loop3A_721] {strides = array<i32>} : memref<128x128xi32, #tpu.memory_space<vmem>>, vector<1x16xi32>,
          %parallel_loop3A_723 = vector.shape_cast %parallel_loop3A_722 : vector<1x16xi32> to vector<16xi32>
          %parallel_loop3A_724 = arith.constant 16 : i32
          %parallel_loop3A_725 = vector.broadcast %parallel_loop3A_724 : i32 to vector<16xi32>
          %parallel_loop3A_726 = arith.shli %parallel_loop3A_723, %parallel_loop3A_725 : vector<16xi32>
          %parallel_loop3A_727 = tpu.bitcast %parallel_loop3A_726 : vector<16xi32> -> vector<16xf32>
          %parallel_loop3A_728 = tpu.bitcast %parallel_loop3A_723 : vector<16xi32> -> vector<16xf32>
          %parallel_loop3A_729 = arith.index_cast %parallel_loop3A_575 : i32 to index
          %parallel_loop3A_730 = arith.constant 64 : index
          %parallel_loop3A_731 = tpu.vector_load %arg12[%parallel_loop3A_729, %parallel_loop3A_730] {strides = array<i32>} : memref<256x128xf32, #tpu.memory_space<vmem>>, vector<1x16xf32>,
          %parallel_loop3A_732 = vector.shape_cast %parallel_loop3A_731 : vector<1x16xf32> to vector<16xf32>
          %parallel_loop3A_733 = arith.addf %parallel_loop3A_732, %parallel_loop3A_727 : vector<16xf32>
          %parallel_loop3A_734 = arith.constant -1.702000e+00 : f32
          %parallel_loop3A_735 = vector.broadcast %parallel_loop3A_734 : f32 to vector<16xf32>
          %parallel_loop3A_736 = arith.mulf %parallel_loop3A_733, %parallel_loop3A_735 : vector<16xf32>
          %parallel_loop3A_737 = arith.mulf %parallel_loop3A_733, %parallel_loop3A_573 : vector<16xf32>
          %parallel_loop3A_738 = math.exp %parallel_loop3A_736 : vector<16xf32>
          %parallel_loop3A_739 = arith.constant 1.000000e+00 : f32
          %parallel_loop3A_740 = vector.broadcast %parallel_loop3A_739 : f32 to vector<16xf32>
          %parallel_loop3A_741 = arith.addf %parallel_loop3A_740, %parallel_loop3A_738 : vector<16xf32>
          %parallel_loop3A_742 = arith.divf %parallel_loop3A_737, %parallel_loop3A_741 : vector<16xf32>
          %parallel_loop3A_743 = arith.index_cast %parallel_loop3A_575 : i32 to index
          %parallel_loop3A_744 = arith.constant 64 : index
          %parallel_loop3A_745 = tpu.vector_load %arg12[%parallel_loop3A_743, %parallel_loop3A_744] {strides = array<i32>} : memref<256x128xf32, #tpu.memory_space<vmem>>, vector<1x16xf32>,
          %parallel_loop3A_746 = vector.shape_cast %parallel_loop3A_745 : vector<1x16xf32> to vector<16xf32>
          %parallel_loop3A_747 = vector.shape_cast %parallel_loop3A_742 : vector<16xf32> to vector<1x16xf32>
          tpu.vector_store %arg12[%parallel_loop3A_743, %parallel_loop3A_744], %parallel_loop3A_747 {strides = array<i32>} : memref<256x128xf32, #tpu.memory_space<vmem>>, vector<1x16xf32>,
          %parallel_loop3A_748 = arith.index_cast %parallel_loop3A_575 : i32 to index
          %parallel_loop3A_749 = arith.constant 80 : index
          %parallel_loop3A_750 = tpu.vector_load %arg12[%parallel_loop3A_748, %parallel_loop3A_749] {strides = array<i32>} : memref<256x128xf32, #tpu.memory_space<vmem>>, vector<1x16xf32>,
          %parallel_loop3A_751 = vector.shape_cast %parallel_loop3A_750 : vector<1x16xf32> to vector<16xf32>
          %parallel_loop3A_752 = arith.addf %parallel_loop3A_751, %parallel_loop3A_728 : vector<16xf32>
          %parallel_loop3A_753 = arith.constant -1.702000e+00 : f32
          %parallel_loop3A_754 = vector.broadcast %parallel_loop3A_753 : f32 to vector<16xf32>
          %parallel_loop3A_755 = arith.mulf %parallel_loop3A_752, %parallel_loop3A_754 : vector<16xf32>
          %parallel_loop3A_756 = arith.mulf %parallel_loop3A_752, %parallel_loop3A_573 : vector<16xf32>
          %parallel_loop3A_757 = math.exp %parallel_loop3A_755 : vector<16xf32>
          %parallel_loop3A_758 = arith.constant 1.000000e+00 : f32
          %parallel_loop3A_759 = vector.broadcast %parallel_loop3A_758 : f32 to vector<16xf32>
          %parallel_loop3A_760 = arith.addf %parallel_loop3A_759, %parallel_loop3A_757 : vector<16xf32>
          %parallel_loop3A_761 = arith.divf %parallel_loop3A_756, %parallel_loop3A_760 : vector<16xf32>
          %parallel_loop3A_762 = arith.index_cast %parallel_loop3A_575 : i32 to index
          %parallel_loop3A_763 = arith.constant 80 : index
          %parallel_loop3A_764 = tpu.vector_load %arg12[%parallel_loop3A_762, %parallel_loop3A_763] {strides = array<i32>} : memref<256x128xf32, #tpu.memory_space<vmem>>, vector<1x16xf32>,
          %parallel_loop3A_765 = vector.shape_cast %parallel_loop3A_764 : vector<1x16xf32> to vector<16xf32>
          %parallel_loop3A_766 = vector.shape_cast %parallel_loop3A_761 : vector<16xf32> to vector<1x16xf32>
          tpu.vector_store %arg12[%parallel_loop3A_762, %parallel_loop3A_763], %parallel_loop3A_766 {strides = array<i32>} : memref<256x128xf32, #tpu.memory_space<vmem>>, vector<1x16xf32>,
          %parallel_loop3A_767 = arith.constant 48 : i32
          %parallel_loop3A_768 = arith.addi %parallel_loop3A_619, %parallel_loop3A_767 : i32
          %parallel_loop3A_769 = arith.index_cast %parallel_loop3A_601 : i32 to index
          %parallel_loop3A_770 = arith.index_cast %parallel_loop3A_768 : i32 to index
          %parallel_loop3A_771 = tpu.vector_load %arg11[%parallel_loop3A_769, %parallel_loop3A_770] {strides = array<i32>} : memref<128x128xi32, #tpu.memory_space<vmem>>, vector<1x16xi32>,
          %parallel_loop3A_772 = vector.shape_cast %parallel_loop3A_771 : vector<1x16xi32> to vector<16xi32>
          %parallel_loop3A_773 = arith.constant 16 : i32
          %parallel_loop3A_774 = vector.broadcast %parallel_loop3A_773 : i32 to vector<16xi32>
          %parallel_loop3A_775 = arith.shli %parallel_loop3A_772, %parallel_loop3A_774 : vector<16xi32>
          %parallel_loop3A_776 = tpu.bitcast %parallel_loop3A_775 : vector<16xi32> -> vector<16xf32>
          %parallel_loop3A_777 = tpu.bitcast %parallel_loop3A_772 : vector<16xi32> -> vector<16xf32>
          %parallel_loop3A_778 = arith.index_cast %parallel_loop3A_575 : i32 to index
          %parallel_loop3A_779 = arith.constant 96 : index
          %parallel_loop3A_780 = tpu.vector_load %arg12[%parallel_loop3A_778, %parallel_loop3A_779] {strides = array<i32>} : memref<256x128xf32, #tpu.memory_space<vmem>>, vector<1x16xf32>,
          %parallel_loop3A_781 = vector.shape_cast %parallel_loop3A_780 : vector<1x16xf32> to vector<16xf32>
          %parallel_loop3A_782 = arith.addf %parallel_loop3A_781, %parallel_loop3A_776 : vector<16xf32>
          %parallel_loop3A_783 = arith.constant -1.702000e+00 : f32
          %parallel_loop3A_784 = vector.broadcast %parallel_loop3A_783 : f32 to vector<16xf32>
          %parallel_loop3A_785 = arith.mulf %parallel_loop3A_782, %parallel_loop3A_784 : vector<16xf32>
          %parallel_loop3A_786 = arith.mulf %parallel_loop3A_782, %parallel_loop3A_573 : vector<16xf32>
          %parallel_loop3A_787 = math.exp %parallel_loop3A_785 : vector<16xf32>
          %parallel_loop3A_788 = arith.constant 1.000000e+00 : f32
          %parallel_loop3A_789 = vector.broadcast %parallel_loop3A_788 : f32 to vector<16xf32>
          %parallel_loop3A_790 = arith.addf %parallel_loop3A_789, %parallel_loop3A_787 : vector<16xf32>
          %parallel_loop3A_791 = arith.divf %parallel_loop3A_786, %parallel_loop3A_790 : vector<16xf32>
          %parallel_loop3A_792 = arith.index_cast %parallel_loop3A_575 : i32 to index
          %parallel_loop3A_793 = arith.constant 96 : index
          %parallel_loop3A_794 = tpu.vector_load %arg12[%parallel_loop3A_792, %parallel_loop3A_793] {strides = array<i32>} : memref<256x128xf32, #tpu.memory_space<vmem>>, vector<1x16xf32>,
          %parallel_loop3A_795 = vector.shape_cast %parallel_loop3A_794 : vector<1x16xf32> to vector<16xf32>
          %parallel_loop3A_796 = vector.shape_cast %parallel_loop3A_791 : vector<16xf32> to vector<1x16xf32>
          tpu.vector_store %arg12[%parallel_loop3A_792, %parallel_loop3A_793], %parallel_loop3A_796 {strides = array<i32>} : memref<256x128xf32, #tpu.memory_space<vmem>>, vector<1x16xf32>,
          %parallel_loop3A_797 = arith.index_cast %parallel_loop3A_575 : i32 to index
          %parallel_loop3A_798 = arith.constant 112 : index
          %parallel_loop3A_799 = tpu.vector_load %arg12[%parallel_loop3A_797, %parallel_loop3A_798] {strides = array<i32>} : memref<256x128xf32, #tpu.memory_space<vmem>>, vector<1x16xf32>,
          %parallel_loop3A_800 = vector.shape_cast %parallel_loop3A_799 : vector<1x16xf32> to vector<16xf32>
          %parallel_loop3A_801 = arith.addf %parallel_loop3A_800, %parallel_loop3A_777 : vector<16xf32>
          %parallel_loop3A_802 = arith.constant -1.702000e+00 : f32
          %parallel_loop3A_803 = vector.broadcast %parallel_loop3A_802 : f32 to vector<16xf32>
          %parallel_loop3A_804 = arith.mulf %parallel_loop3A_801, %parallel_loop3A_803 : vector<16xf32>
          %parallel_loop3A_805 = arith.mulf %parallel_loop3A_801, %parallel_loop3A_573 : vector<16xf32>
          %parallel_loop3A_806 = math.exp %parallel_loop3A_804 : vector<16xf32>
          %parallel_loop3A_807 = arith.constant 1.000000e+00 : f32
          %parallel_loop3A_808 = vector.broadcast %parallel_loop3A_807 : f32 to vector<16xf32>
          %parallel_loop3A_809 = arith.addf %parallel_loop3A_808, %parallel_loop3A_806 : vector<16xf32>
          %parallel_loop3A_810 = arith.divf %parallel_loop3A_805, %parallel_loop3A_809 : vector<16xf32>
          %parallel_loop3A_811 = arith.index_cast %parallel_loop3A_575 : i32 to index
          %parallel_loop3A_812 = arith.constant 112 : index
          %parallel_loop3A_813 = tpu.vector_load %arg12[%parallel_loop3A_811, %parallel_loop3A_812] {strides = array<i32>} : memref<256x128xf32, #tpu.memory_space<vmem>>, vector<1x16xf32>,
          %parallel_loop3A_814 = vector.shape_cast %parallel_loop3A_813 : vector<1x16xf32> to vector<16xf32>
          %parallel_loop3A_815 = vector.shape_cast %parallel_loop3A_810 : vector<16xf32> to vector<1x16xf32>
          tpu.vector_store %arg12[%parallel_loop3A_811, %parallel_loop3A_812], %parallel_loop3A_815 {strides = array<i32>} : memref<256x128xf32, #tpu.memory_space<vmem>>, vector<1x16xf32>,
        } {sc.loop_unroll_factor = 1 : i64, sc.parallel_access}
        %dma_start3A_502 = arith.constant 0 : i32
        %dma_start3A_503 = arith.constant 0 : i32
        %dma_start3A_504 = arith.constant 0 : i32
        %dma_start3A_505 = tpu.memref_slice %arg12[%dma_start3A_503, %dma_start3A_504] : memref<256x128xf32, #tpu.memory_space<vmem>> -> memref<128x128xf32, #tpu.memory_space<vmem>>
        %dma_start3A_506 = arith.constant 0 : i32
        %dma_start3A_507 = tpu.memref_slice %arg9[%dma_start3A_502, %dma_start3A_506] : memref<4x128xi32, #tpu.memory_space<vmem>> -> memref<1x128xi32, #tpu.memory_space<vmem>>
        %dma_start3A_508 = tpu.memref_squeeze %dma_start3A_507 : memref<1x128xi32, #tpu.memory_space<vmem>> -> memref<128xi32, #tpu.memory_space<vmem>>
        %dma_start3A_509 = arith.constant 0 : i32
        %dma_start3A_510 = arith.constant 0 : i32
        %dma_start3A_511 = tpu.memref_slice %arg13[%dma_start3A_509, %dma_start3A_510] : memref<10000x128xf32, #tpu.memory_space<vmem_shared>> -> memref<10000x128xf32, #tpu.memory_space<vmem_shared>>
        tpu.enqueue_indirect_dma source(%dma_start3A_505 : memref<128x128xf32, #tpu.memory_space<vmem>>) target(%dma_start3A_511 : memref<10000x128xf32, #tpu.memory_space<vmem_shared>>) offsets(%dma_start3A_508 : memref<128xi32, #tpu.memory_space<vmem>>) semaphore(%arg22 : memref<!tpu.dma_semaphore, #tpu.memory_space<semaphore_mem>>) {add = true}
        %add3A_512 = arith.constant 2 : i32
        %add3A_513 = arith.addi %add3A_316, %add3A_512 : i32
        %lt3A_514 = arith.constant 79 : i32
        %lt3A_515 = arith.cmpi slt, %add3A_513, %lt3A_514 : i32
        %convert_element_type3A_516 = arith.extui %lt3A_515 : i1 to i32
        %cond3A_517 = arith.constant 0 : i32
        %cond3A_518 = arith.cmpi ne, %convert_element_type3A_516, %cond3A_517 : i32
        scf.if %cond3A_518 {
          %add3A_519 = arith.constant 2 : i32
          %add3A_520 = arith.addi %add3A_316, %add3A_519 : i32
          %mul3A_521 = arith.constant 32 : i32
          %mul3A_522 = arith.muli %add3A_520, %mul3A_521 : i32
          %add3A_523 = arith.addi %mul3A_522, %add3A : i32
          %min3A_524 = arith.constant 2499 : i32
          %min3A_525 = arith.minsi %add3A_523, %min3A_524 : i32
          %mul3A_526 = arith.constant 64 : i32
          %mul3A_527 = arith.muli %min3A_525, %mul3A_526 : i32
          %dma_start3A_528 = arith.constant 0 : i32
          %dma_start3A_529 = arith.constant 0 : i32
          %dma_start3A_530 = tpu.memref_slice %arg11[%dma_start3A_528, %dma_start3A_529] : memref<128x128xi32, #tpu.memory_space<vmem>> -> memref<64x128xi32, #tpu.memory_space<vmem>>
          %dma_start3A_531 = arith.constant 0 : i32
          %dma_start3A_532 = tpu.memref_slice %arg3[%mul3A_527, %dma_start3A_531] : memref<160000x128xi32, #tpu.memory_space<hbm>> -> memref<64x128xi32, #tpu.memory_space<hbm>>
          %dma_start3A_533 = arith.constant 0 : i32
          %dma_start3A_534 = arith.constant 0 : i32
          %dma_start3A_535 = tpu.memref_slice %arg11[%dma_start3A_533, %dma_start3A_534] : memref<128x128xi32, #tpu.memory_space<vmem>> -> memref<64x128xi32, #tpu.memory_space<vmem>>
          %dma_start3A_536 = arith.constant 0 : i32
          %dma_start3A_537 = tpu.memref_slice %arg3[%mul3A_527, %dma_start3A_536] : memref<160000x128xi32, #tpu.memory_space<hbm>> -> memref<64x128xi32, #tpu.memory_space<hbm>>
          tpu.enqueue_dma source(%dma_start3A_537 : memref<64x128xi32, #tpu.memory_space<hbm>>) target(%dma_start3A_535 : memref<64x128xi32, #tpu.memory_space<vmem>>) target_semaphore(%arg18 : memref<!tpu.dma_semaphore, #tpu.memory_space<semaphore_mem>>)
          %dma_start3A_538 = arith.constant 0 : i32
          %dma_start3A_539 = arith.constant 0 : i32
          %dma_start3A_540 = tpu.memref_slice %arg10[%dma_start3A_538, %dma_start3A_539] : memref<2x128xf32, #tpu.memory_space<vmem>> -> memref<1x128xf32, #tpu.memory_space<vmem>>
          %dma_start3A_541 = arith.constant 0 : i32
          %dma_start3A_542 = tpu.memref_slice %arg6[%min3A_525, %dma_start3A_541] : memref<2500x128xf32, #tpu.memory_space<hbm>> -> memref<1x128xf32, #tpu.memory_space<hbm>>
          %dma_start3A_543 = arith.constant 0 : i32
          %dma_start3A_544 = arith.constant 0 : i32
          %dma_start3A_545 = tpu.memref_slice %arg10[%dma_start3A_543, %dma_start3A_544] : memref<2x128xf32, #tpu.memory_space<vmem>> -> memref<1x128xf32, #tpu.memory_space<vmem>>
          %dma_start3A_546 = arith.constant 0 : i32
          %dma_start3A_547 = tpu.memref_slice %arg6[%min3A_525, %dma_start3A_546] : memref<2500x128xf32, #tpu.memory_space<hbm>> -> memref<1x128xf32, #tpu.memory_space<hbm>>
          tpu.enqueue_dma source(%dma_start3A_547 : memref<1x128xf32, #tpu.memory_space<hbm>>) target(%dma_start3A_545 : memref<1x128xf32, #tpu.memory_space<vmem>>) target_semaphore(%arg18 : memref<!tpu.dma_semaphore, #tpu.memory_space<semaphore_mem>>)
        } else {
        }
      } else {
      }
      %mul3A_321 = arith.constant 4 : i32
      %mul3A_322 = arith.muli %scan3A_311, %mul3A_321 : i32
      %add3A_323 = arith.constant 1 : i32
      %add3A_324 = arith.addi %mul3A_322, %add3A_323 : i32
      %lt3A_325 = arith.constant 79 : i32
      %lt3A_326 = arith.cmpi slt, %add3A_324, %lt3A_325 : i32
      %convert_element_type3A_327 = arith.extui %lt3A_326 : i1 to i32
      %cond3A_328 = arith.constant 0 : i32
      %cond3A_329 = arith.cmpi ne, %convert_element_type3A_327, %cond3A_328 : i32
      scf.if %cond3A_329 {
        %add3A_349 = arith.constant 1 : i32
        %add3A_350 = arith.addi %add3A_324, %add3A_349 : i32
        %lt3A_351 = arith.constant 79 : i32
        %lt3A_352 = arith.cmpi slt, %add3A_350, %lt3A_351 : i32
        %convert_element_type3A_353 = arith.extui %lt3A_352 : i1 to i32
        %cond3A_354 = arith.constant 0 : i32
        %cond3A_355 = arith.cmpi ne, %convert_element_type3A_353, %cond3A_354 : i32
        scf.if %cond3A_355 {
          %dma_wait3A_519 = arith.constant 2 : i32
          %dma_wait3A_520 = arith.constant 0 : i32
          %dma_wait3A_521 = tpu.memref_slice %arg8[%dma_wait3A_519, %dma_wait3A_520] : memref<4x128xi32, #tpu.memory_space<vmem>> -> memref<1x128xi32, #tpu.memory_space<vmem>>
          %dma_wait3A_522 = arith.constant 0 : i32
          %dma_wait3A_523 = arith.constant 0 : i32
          %dma_wait3A_524 = tpu.memref_slice %arg4[%dma_wait3A_522, %dma_wait3A_523] : memref<2500x128xi32, #tpu.memory_space<hbm>> -> memref<1x128xi32, #tpu.memory_space<hbm>>
          %dma_wait3A_525 = arith.constant 2 : i32
          %dma_wait3A_526 = arith.constant 0 : i32
          %dma_wait3A_527 = tpu.memref_slice %arg8[%dma_wait3A_525, %dma_wait3A_526] : memref<4x128xi32, #tpu.memory_space<vmem>> -> memref<1x128xi32, #tpu.memory_space<vmem>>
          %dma_wait3A_528 = arith.constant 0 : i32
          %dma_wait3A_529 = arith.constant 0 : i32
          %dma_wait3A_530 = tpu.memref_slice %arg4[%dma_wait3A_528, %dma_wait3A_529] : memref<2500x128xi32, #tpu.memory_space<hbm>> -> memref<1x128xi32, #tpu.memory_space<hbm>>
          tpu.wait_dma2 semaphore(%arg16 : memref<!tpu.dma_semaphore, #tpu.memory_space<semaphore_mem>>) src(%dma_wait3A_530 : memref<1x128xi32, #tpu.memory_space<hbm>>) dst(%dma_wait3A_527 : memref<1x128xi32, #tpu.memory_space<vmem>>)
          %dma_wait3A_531 = arith.constant 2 : i32
          %dma_wait3A_532 = arith.constant 0 : i32
          %dma_wait3A_533 = tpu.memref_slice %arg9[%dma_wait3A_531, %dma_wait3A_532] : memref<4x128xi32, #tpu.memory_space<vmem>> -> memref<1x128xi32, #tpu.memory_space<vmem>>
          %dma_wait3A_534 = arith.constant 0 : i32
          %dma_wait3A_535 = arith.constant 0 : i32
          %dma_wait3A_536 = tpu.memref_slice %arg5[%dma_wait3A_534, %dma_wait3A_535] : memref<2500x128xi32, #tpu.memory_space<hbm>> -> memref<1x128xi32, #tpu.memory_space<hbm>>
          %dma_wait3A_537 = arith.constant 2 : i32
          %dma_wait3A_538 = arith.constant 0 : i32
          %dma_wait3A_539 = tpu.memref_slice %arg9[%dma_wait3A_537, %dma_wait3A_538] : memref<4x128xi32, #tpu.memory_space<vmem>> -> memref<1x128xi32, #tpu.memory_space<vmem>>
          %dma_wait3A_540 = arith.constant 0 : i32
          %dma_wait3A_541 = arith.constant 0 : i32
          %dma_wait3A_542 = tpu.memref_slice %arg5[%dma_wait3A_540, %dma_wait3A_541] : memref<2500x128xi32, #tpu.memory_space<hbm>> -> memref<1x128xi32, #tpu.memory_space<hbm>>
          tpu.wait_dma2 semaphore(%arg16 : memref<!tpu.dma_semaphore, #tpu.memory_space<semaphore_mem>>) src(%dma_wait3A_542 : memref<1x128xi32, #tpu.memory_space<hbm>>) dst(%dma_wait3A_539 : memref<1x128xi32, #tpu.memory_space<vmem>>)
          %ge3A = arith.constant 1 : i32
          %ge3A_543 = arith.cmpi sge, %add3A_324, %ge3A : i32
          %convert_element_type3A_544 = arith.extui %ge3A_543 : i1 to i32
          %cond3A_545 = arith.constant 0 : i32
          %cond3A_546 = arith.cmpi ne, %convert_element_type3A_544, %cond3A_545 : i32
          scf.if %cond3A_546 {
            %dma_wait3A_557 = arith.constant 0 : i32
            %dma_wait3A_558 = arith.constant 0 : i32
            %dma_wait3A_559 = tpu.memref_slice %arg12[%dma_wait3A_557, %dma_wait3A_558] : memref<256x128xf32, #tpu.memory_space<vmem>> -> memref<128x128xf32, #tpu.memory_space<vmem>>
            %dma_wait3A_560 = arith.constant 0 : i32
            %dma_wait3A_561 = arith.constant 0 : i32
            %dma_wait3A_562 = tpu.memref_slice %arg13[%dma_wait3A_560, %dma_wait3A_561] : memref<10000x128xf32, #tpu.memory_space<vmem_shared>> -> memref<128x128xf32, #tpu.memory_space<vmem_shared>>
            %dma_wait3A_563 = arith.constant 0 : i32
            %dma_wait3A_564 = arith.constant 0 : i32
            %dma_wait3A_565 = tpu.memref_slice %arg13[%dma_wait3A_563, %dma_wait3A_564] : memref<10000x128xf32, #tpu.memory_space<vmem_shared>> -> memref<128x128xf32, #tpu.memory_space<vmem_shared>>
            %dma_wait3A_566 = arith.constant 0 : i32
            %dma_wait3A_567 = arith.constant 0 : i32
            %dma_wait3A_568 = tpu.memref_slice %arg12[%dma_wait3A_566, %dma_wait3A_567] : memref<256x128xf32, #tpu.memory_space<vmem>> -> memref<128x128xf32, #tpu.memory_space<vmem>>
            tpu.wait_dma2 semaphore(%arg22 : memref<!tpu.dma_semaphore, #tpu.memory_space<semaphore_mem>>) src(%dma_wait3A_568 : memref<128x128xf32, #tpu.memory_space<vmem>>) dst(%dma_wait3A_565 : memref<128x128xf32, #tpu.memory_space<vmem_shared>>)
          } else {
          }
          %dma_start3A_547 = arith.constant 2 : i32
          %dma_start3A_548 = arith.constant 0 : i32
          %dma_start3A_549 = arith.constant 0 : i32
          %dma_start3A_550 = tpu.memref_slice %arg12[%dma_start3A_548, %dma_start3A_549] : memref<256x128xf32, #tpu.memory_space<vmem>> -> memref<128x128xf32, #tpu.memory_space<vmem>>
          %dma_start3A_551 = arith.constant 0 : i32
          %dma_start3A_552 = tpu.memref_slice %arg8[%dma_start3A_547, %dma_start3A_551] : memref<4x128xi32, #tpu.memory_space<vmem>> -> memref<1x128xi32, #tpu.memory_space<vmem>>
          %dma_start3A_553 = tpu.memref_squeeze %dma_start3A_552 : memref<1x128xi32, #tpu.memory_space<vmem>> -> memref<128xi32, #tpu.memory_space<vmem>>
          %dma_start3A_554 = arith.constant 0 : i32
          %dma_start3A_555 = arith.constant 0 : i32
          %dma_start3A_556 = tpu.memref_slice %arg2[%dma_start3A_554, %dma_start3A_555] : memref<10000x128xf32, #tpu.memory_space<hbm>> -> memref<10000x128xf32, #tpu.memory_space<hbm>>
          tpu.enqueue_indirect_dma source(%dma_start3A_556 : memref<10000x128xf32, #tpu.memory_space<hbm>>) target(%dma_start3A_550 : memref<128x128xf32, #tpu.memory_space<vmem>>) offsets(%dma_start3A_553 : memref<128xi32, #tpu.memory_space<vmem>>) semaphore(%arg20 : memref<!tpu.dma_semaphore, #tpu.memory_space<semaphore_mem>>)
        } else {
        }
        %add3A_356 = arith.constant 2 : i32
        %add3A_357 = arith.addi %add3A_324, %add3A_356 : i32
        %lt3A_358 = arith.constant 79 : i32
        %lt3A_359 = arith.cmpi slt, %add3A_357, %lt3A_358 : i32
        %convert_element_type3A_360 = arith.extui %lt3A_359 : i1 to i32
        %cond3A_361 = arith.constant 0 : i32
        %cond3A_362 = arith.cmpi ne, %convert_element_type3A_360, %cond3A_361 : i32
        scf.if %cond3A_362 {
          %add3A_519 = arith.constant 2 : i32
          %add3A_520 = arith.addi %add3A_324, %add3A_519 : i32
          %mul3A_521 = arith.constant 32 : i32
          %mul3A_522 = arith.muli %add3A_520, %mul3A_521 : i32
          %add3A_523 = arith.addi %mul3A_522, %add3A : i32
          %min3A_524 = arith.constant 2499 : i32
          %min3A_525 = arith.minsi %add3A_523, %min3A_524 : i32
          %dma_start3A_526 = arith.constant 3 : i32
          %dma_start3A_527 = arith.constant 0 : i32
          %dma_start3A_528 = tpu.memref_slice %arg8[%dma_start3A_526, %dma_start3A_527] : memref<4x128xi32, #tpu.memory_space<vmem>> -> memref<1x128xi32, #tpu.memory_space<vmem>>
          %dma_start3A_529 = arith.constant 0 : i32
          %dma_start3A_530 = tpu.memref_slice %arg4[%min3A_525, %dma_start3A_529] : memref<2500x128xi32, #tpu.memory_space<hbm>> -> memref<1x128xi32, #tpu.memory_space<hbm>>
          %dma_start3A_531 = arith.constant 3 : i32
          %dma_start3A_532 = arith.constant 0 : i32
          %dma_start3A_533 = tpu.memref_slice %arg8[%dma_start3A_531, %dma_start3A_532] : memref<4x128xi32, #tpu.memory_space<vmem>> -> memref<1x128xi32, #tpu.memory_space<vmem>>
          %dma_start3A_534 = arith.constant 0 : i32
          %dma_start3A_535 = tpu.memref_slice %arg4[%min3A_525, %dma_start3A_534] : memref<2500x128xi32, #tpu.memory_space<hbm>> -> memref<1x128xi32, #tpu.memory_space<hbm>>
          tpu.enqueue_dma source(%dma_start3A_535 : memref<1x128xi32, #tpu.memory_space<hbm>>) target(%dma_start3A_533 : memref<1x128xi32, #tpu.memory_space<vmem>>) target_semaphore(%arg17 : memref<!tpu.dma_semaphore, #tpu.memory_space<semaphore_mem>>)
          %dma_start3A_536 = arith.constant 3 : i32
          %dma_start3A_537 = arith.constant 0 : i32
          %dma_start3A_538 = tpu.memref_slice %arg9[%dma_start3A_536, %dma_start3A_537] : memref<4x128xi32, #tpu.memory_space<vmem>> -> memref<1x128xi32, #tpu.memory_space<vmem>>
          %dma_start3A_539 = arith.constant 0 : i32
          %dma_start3A_540 = tpu.memref_slice %arg5[%min3A_525, %dma_start3A_539] : memref<2500x128xi32, #tpu.memory_space<hbm>> -> memref<1x128xi32, #tpu.memory_space<hbm>>
          %dma_start3A_541 = arith.constant 3 : i32
          %dma_start3A_542 = arith.constant 0 : i32
          %dma_start3A_543 = tpu.memref_slice %arg9[%dma_start3A_541, %dma_start3A_542] : memref<4x128xi32, #tpu.memory_space<vmem>> -> memref<1x128xi32, #tpu.memory_space<vmem>>
          %dma_start3A_544 = arith.constant 0 : i32
          %dma_start3A_545 = tpu.memref_slice %arg5[%min3A_525, %dma_start3A_544] : memref<2500x128xi32, #tpu.memory_space<hbm>> -> memref<1x128xi32, #tpu.memory_space<hbm>>
          tpu.enqueue_dma source(%dma_start3A_545 : memref<1x128xi32, #tpu.memory_space<hbm>>) target(%dma_start3A_543 : memref<1x128xi32, #tpu.memory_space<vmem>>) target_semaphore(%arg17 : memref<!tpu.dma_semaphore, #tpu.memory_space<semaphore_mem>>)
        } else {
        }
        %dma_wait3A_363 = arith.constant 64 : i32
        %dma_wait3A_364 = arith.constant 0 : i32
        %dma_wait3A_365 = tpu.memref_slice %arg11[%dma_wait3A_363, %dma_wait3A_364] : memref<128x128xi32, #tpu.memory_space<vmem>> -> memref<64x128xi32, #tpu.memory_space<vmem>>
        %dma_wait3A_366 = arith.constant 0 : i32
        %dma_wait3A_367 = arith.constant 0 : i32
        %dma_wait3A_368 = tpu.memref_slice %arg3[%dma_wait3A_366, %dma_wait3A_367] : memref<160000x128xi32, #tpu.memory_space<hbm>> -> memref<64x128xi32, #tpu.memory_space<hbm>>
        %dma_wait3A_369 = arith.constant 64 : i32
        %dma_wait3A_370 = arith.constant 0 : i32
        %dma_wait3A_371 = tpu.memref_slice %arg11[%dma_wait3A_369, %dma_wait3A_370] : memref<128x128xi32, #tpu.memory_space<vmem>> -> memref<64x128xi32, #tpu.memory_space<vmem>>
        %dma_wait3A_372 = arith.constant 0 : i32
        %dma_wait3A_373 = arith.constant 0 : i32
        %dma_wait3A_374 = tpu.memref_slice %arg3[%dma_wait3A_372, %dma_wait3A_373] : memref<160000x128xi32, #tpu.memory_space<hbm>> -> memref<64x128xi32, #tpu.memory_space<hbm>>
        tpu.wait_dma2 semaphore(%arg19 : memref<!tpu.dma_semaphore, #tpu.memory_space<semaphore_mem>>) src(%dma_wait3A_374 : memref<64x128xi32, #tpu.memory_space<hbm>>) dst(%dma_wait3A_371 : memref<64x128xi32, #tpu.memory_space<vmem>>)
        %dma_wait3A_375 = arith.constant 1 : i32
        %dma_wait3A_376 = arith.constant 0 : i32
        %dma_wait3A_377 = tpu.memref_slice %arg10[%dma_wait3A_375, %dma_wait3A_376] : memref<2x128xf32, #tpu.memory_space<vmem>> -> memref<1x128xf32, #tpu.memory_space<vmem>>
        %dma_wait3A_378 = arith.constant 0 : i32
        %dma_wait3A_379 = arith.constant 0 : i32
        %dma_wait3A_380 = tpu.memref_slice %arg6[%dma_wait3A_378, %dma_wait3A_379] : memref<2500x128xf32, #tpu.memory_space<hbm>> -> memref<1x128xf32, #tpu.memory_space<hbm>>
        %dma_wait3A_381 = arith.constant 1 : i32
        %dma_wait3A_382 = arith.constant 0 : i32
        %dma_wait3A_383 = tpu.memref_slice %arg10[%dma_wait3A_381, %dma_wait3A_382] : memref<2x128xf32, #tpu.memory_space<vmem>> -> memref<1x128xf32, #tpu.memory_space<vmem>>
        %dma_wait3A_384 = arith.constant 0 : i32
        %dma_wait3A_385 = arith.constant 0 : i32
        %dma_wait3A_386 = tpu.memref_slice %arg6[%dma_wait3A_384, %dma_wait3A_385] : memref<2500x128xf32, #tpu.memory_space<hbm>> -> memref<1x128xf32, #tpu.memory_space<hbm>>
        tpu.wait_dma2 semaphore(%arg19 : memref<!tpu.dma_semaphore, #tpu.memory_space<semaphore_mem>>) src(%dma_wait3A_386 : memref<1x128xf32, #tpu.memory_space<hbm>>) dst(%dma_wait3A_383 : memref<1x128xf32, #tpu.memory_space<vmem>>)
        %dma_wait3A_387 = arith.constant 128 : i32
        %dma_wait3A_388 = arith.constant 0 : i32
        %dma_wait3A_389 = tpu.memref_slice %arg12[%dma_wait3A_387, %dma_wait3A_388] : memref<256x128xf32, #tpu.memory_space<vmem>> -> memref<128x128xf32, #tpu.memory_space<vmem>>
        %dma_wait3A_390 = arith.constant 0 : i32
        %dma_wait3A_391 = arith.constant 0 : i32
        %dma_wait3A_392 = tpu.memref_slice %arg2[%dma_wait3A_390, %dma_wait3A_391] : memref<10000x128xf32, #tpu.memory_space<hbm>> -> memref<128x128xf32, #tpu.memory_space<hbm>>
        %dma_wait3A_393 = arith.constant 128 : i32
        %dma_wait3A_394 = arith.constant 0 : i32
        %dma_wait3A_395 = tpu.memref_slice %arg12[%dma_wait3A_393, %dma_wait3A_394] : memref<256x128xf32, #tpu.memory_space<vmem>> -> memref<128x128xf32, #tpu.memory_space<vmem>>
        %dma_wait3A_396 = arith.constant 0 : i32
        %dma_wait3A_397 = arith.constant 0 : i32
        %dma_wait3A_398 = tpu.memref_slice %arg2[%dma_wait3A_396, %dma_wait3A_397] : memref<10000x128xf32, #tpu.memory_space<hbm>> -> memref<128x128xf32, #tpu.memory_space<hbm>>
        tpu.wait_dma2 semaphore(%arg21 : memref<!tpu.dma_semaphore, #tpu.memory_space<semaphore_mem>>) src(%dma_wait3A_398 : memref<128x128xf32, #tpu.memory_space<hbm>>) dst(%dma_wait3A_395 : memref<128x128xf32, #tpu.memory_space<vmem>>)
        %mul3A_399 = arith.constant 32 : i32
        %mul3A_400 = arith.muli %add3A_324, %mul3A_399 : i32
        %add3A_401 = arith.addi %mul3A_400, %add3A : i32
        %lt3A_402 = arith.constant 2500 : i32
        %lt3A_403 = arith.cmpi slt, %add3A_401, %lt3A_402 : i32
        %jit3A = arith.constant 1.000000e+00 : f32
        %jit3A_404 = arith.constant 0.000000e+00 : f32
        %select_n3A = arith.select %lt3A_403, %jit3A, %jit3A_404 : f32
        %broadcast_in_dim3A = vector.broadcast %select_n3A : f32 to vector<16xf32>
        %get3A = arith.constant 1 : i32
        %get3A_405 = arith.index_cast %get3A : i32 to index
        %get3A_406 = arith.constant 0 : index
        %get3A_407 = tpu.vector_load %arg10[%get3A_405, %get3A_406] {strides = array<i32>} : memref<2x128xf32, #tpu.memory_space<vmem>>, vector<1x16xf32>,
        %get3A_408 = vector.shape_cast %get3A_407 : vector<1x16xf32> to vector<16xf32>
        %mul3A_409 = arith.mulf %get3A_408, %broadcast_in_dim3A : vector<16xf32>
        %swap3A = arith.constant 1 : i32
        %swap3A_410 = arith.index_cast %swap3A : i32 to index
        %swap3A_411 = arith.constant 0 : index
        %swap3A_412 = tpu.vector_load %arg10[%swap3A_410, %swap3A_411] {strides = array<i32>} : memref<2x128xf32, #tpu.memory_space<vmem>>, vector<1x16xf32>,
        %swap3A_413 = vector.shape_cast %swap3A_412 : vector<1x16xf32> to vector<16xf32>
        %swap3A_414 = vector.shape_cast %mul3A_409 : vector<16xf32> to vector<1x16xf32>
        tpu.vector_store %arg10[%swap3A_410, %swap3A_411], %swap3A_414 {strides = array<i32>} : memref<2x128xf32, #tpu.memory_space<vmem>>, vector<1x16xf32>,
        %get3A_415 = arith.constant 1 : i32
        %get3A_416 = arith.index_cast %get3A_415 : i32 to index
        %get3A_417 = arith.constant 16 : index
        %get3A_418 = tpu.vector_load %arg10[%get3A_416, %get3A_417] {strides = array<i32>} : memref<2x128xf32, #tpu.memory_space<vmem>>, vector<1x16xf32>,
        %get3A_419 = vector.shape_cast %get3A_418 : vector<1x16xf32> to vector<16xf32>
        %mul3A_420 = arith.mulf %get3A_419, %broadcast_in_dim3A : vector<16xf32>
        %swap3A_421 = arith.constant 1 : i32
        %swap3A_422 = arith.index_cast %swap3A_421 : i32 to index
        %swap3A_423 = arith.constant 16 : index
        %swap3A_424 = tpu.vector_load %arg10[%swap3A_422, %swap3A_423] {strides = array<i32>} : memref<2x128xf32, #tpu.memory_space<vmem>>, vector<1x16xf32>,
        %swap3A_425 = vector.shape_cast %swap3A_424 : vector<1x16xf32> to vector<16xf32>
        %swap3A_426 = vector.shape_cast %mul3A_420 : vector<16xf32> to vector<1x16xf32>
        tpu.vector_store %arg10[%swap3A_422, %swap3A_423], %swap3A_426 {strides = array<i32>} : memref<2x128xf32, #tpu.memory_space<vmem>>, vector<1x16xf32>,
        %get3A_427 = arith.constant 1 : i32
        %get3A_428 = arith.index_cast %get3A_427 : i32 to index
        %get3A_429 = arith.constant 32 : index
        %get3A_430 = tpu.vector_load %arg10[%get3A_428, %get3A_429] {strides = array<i32>} : memref<2x128xf32, #tpu.memory_space<vmem>>, vector<1x16xf32>,
        %get3A_431 = vector.shape_cast %get3A_430 : vector<1x16xf32> to vector<16xf32>
        %mul3A_432 = arith.mulf %get3A_431, %broadcast_in_dim3A : vector<16xf32>
        %swap3A_433 = arith.constant 1 : i32
        %swap3A_434 = arith.index_cast %swap3A_433 : i32 to index
        %swap3A_435 = arith.constant 32 : index
        %swap3A_436 = tpu.vector_load %arg10[%swap3A_434, %swap3A_435] {strides = array<i32>} : memref<2x128xf32, #tpu.memory_space<vmem>>, vector<1x16xf32>,
        %swap3A_437 = vector.shape_cast %swap3A_436 : vector<1x16xf32> to vector<16xf32>
        %swap3A_438 = vector.shape_cast %mul3A_432 : vector<16xf32> to vector<1x16xf32>
        tpu.vector_store %arg10[%swap3A_434, %swap3A_435], %swap3A_438 {strides = array<i32>} : memref<2x128xf32, #tpu.memory_space<vmem>>, vector<1x16xf32>,
        %get3A_439 = arith.constant 1 : i32
        %get3A_440 = arith.index_cast %get3A_439 : i32 to index
        %get3A_441 = arith.constant 48 : index
        %get3A_442 = tpu.vector_load %arg10[%get3A_440, %get3A_441] {strides = array<i32>} : memref<2x128xf32, #tpu.memory_space<vmem>>, vector<1x16xf32>,
        %get3A_443 = vector.shape_cast %get3A_442 : vector<1x16xf32> to vector<16xf32>
        %mul3A_444 = arith.mulf %get3A_443, %broadcast_in_dim3A : vector<16xf32>
        %swap3A_445 = arith.constant 1 : i32
        %swap3A_446 = arith.index_cast %swap3A_445 : i32 to index
        %swap3A_447 = arith.constant 48 : index
        %swap3A_448 = tpu.vector_load %arg10[%swap3A_446, %swap3A_447] {strides = array<i32>} : memref<2x128xf32, #tpu.memory_space<vmem>>, vector<1x16xf32>,
        %swap3A_449 = vector.shape_cast %swap3A_448 : vector<1x16xf32> to vector<16xf32>
        %swap3A_450 = vector.shape_cast %mul3A_444 : vector<16xf32> to vector<1x16xf32>
        tpu.vector_store %arg10[%swap3A_446, %swap3A_447], %swap3A_450 {strides = array<i32>} : memref<2x128xf32, #tpu.memory_space<vmem>>, vector<1x16xf32>,
        %get3A_451 = arith.constant 1 : i32
        %get3A_452 = arith.index_cast %get3A_451 : i32 to index
        %get3A_453 = arith.constant 64 : index
        %get3A_454 = tpu.vector_load %arg10[%get3A_452, %get3A_453] {strides = array<i32>} : memref<2x128xf32, #tpu.memory_space<vmem>>, vector<1x16xf32>,
        %get3A_455 = vector.shape_cast %get3A_454 : vector<1x16xf32> to vector<16xf32>
        %mul3A_456 = arith.mulf %get3A_455, %broadcast_in_dim3A : vector<16xf32>
        %swap3A_457 = arith.constant 1 : i32
        %swap3A_458 = arith.index_cast %swap3A_457 : i32 to index
        %swap3A_459 = arith.constant 64 : index
        %swap3A_460 = tpu.vector_load %arg10[%swap3A_458, %swap3A_459] {strides = array<i32>} : memref<2x128xf32, #tpu.memory_space<vmem>>, vector<1x16xf32>,
        %swap3A_461 = vector.shape_cast %swap3A_460 : vector<1x16xf32> to vector<16xf32>
        %swap3A_462 = vector.shape_cast %mul3A_456 : vector<16xf32> to vector<1x16xf32>
        tpu.vector_store %arg10[%swap3A_458, %swap3A_459], %swap3A_462 {strides = array<i32>} : memref<2x128xf32, #tpu.memory_space<vmem>>, vector<1x16xf32>,
        %get3A_463 = arith.constant 1 : i32
        %get3A_464 = arith.index_cast %get3A_463 : i32 to index
        %get3A_465 = arith.constant 80 : index
        %get3A_466 = tpu.vector_load %arg10[%get3A_464, %get3A_465] {strides = array<i32>} : memref<2x128xf32, #tpu.memory_space<vmem>>, vector<1x16xf32>,
        %get3A_467 = vector.shape_cast %get3A_466 : vector<1x16xf32> to vector<16xf32>
        %mul3A_468 = arith.mulf %get3A_467, %broadcast_in_dim3A : vector<16xf32>
        %swap3A_469 = arith.constant 1 : i32
        %swap3A_470 = arith.index_cast %swap3A_469 : i32 to index
        %swap3A_471 = arith.constant 80 : index
        %swap3A_472 = tpu.vector_load %arg10[%swap3A_470, %swap3A_471] {strides = array<i32>} : memref<2x128xf32, #tpu.memory_space<vmem>>, vector<1x16xf32>,
        %swap3A_473 = vector.shape_cast %swap3A_472 : vector<1x16xf32> to vector<16xf32>
        %swap3A_474 = vector.shape_cast %mul3A_468 : vector<16xf32> to vector<1x16xf32>
        tpu.vector_store %arg10[%swap3A_470, %swap3A_471], %swap3A_474 {strides = array<i32>} : memref<2x128xf32, #tpu.memory_space<vmem>>, vector<1x16xf32>,
        %get3A_475 = arith.constant 1 : i32
        %get3A_476 = arith.index_cast %get3A_475 : i32 to index
        %get3A_477 = arith.constant 96 : index
        %get3A_478 = tpu.vector_load %arg10[%get3A_476, %get3A_477] {strides = array<i32>} : memref<2x128xf32, #tpu.memory_space<vmem>>, vector<1x16xf32>,
        %get3A_479 = vector.shape_cast %get3A_478 : vector<1x16xf32> to vector<16xf32>
        %mul3A_480 = arith.mulf %get3A_479, %broadcast_in_dim3A : vector<16xf32>
        %swap3A_481 = arith.constant 1 : i32
        %swap3A_482 = arith.index_cast %swap3A_481 : i32 to index
        %swap3A_483 = arith.constant 96 : index
        %swap3A_484 = tpu.vector_load %arg10[%swap3A_482, %swap3A_483] {strides = array<i32>} : memref<2x128xf32, #tpu.memory_space<vmem>>, vector<1x16xf32>,
        %swap3A_485 = vector.shape_cast %swap3A_484 : vector<1x16xf32> to vector<16xf32>
        %swap3A_486 = vector.shape_cast %mul3A_480 : vector<16xf32> to vector<1x16xf32>
        tpu.vector_store %arg10[%swap3A_482, %swap3A_483], %swap3A_486 {strides = array<i32>} : memref<2x128xf32, #tpu.memory_space<vmem>>, vector<1x16xf32>,
        %get3A_487 = arith.constant 1 : i32
        %get3A_488 = arith.index_cast %get3A_487 : i32 to index
        %get3A_489 = arith.constant 112 : index
        %get3A_490 = tpu.vector_load %arg10[%get3A_488, %get3A_489] {strides = array<i32>} : memref<2x128xf32, #tpu.memory_space<vmem>>, vector<1x16xf32>,
        %get3A_491 = vector.shape_cast %get3A_490 : vector<1x16xf32> to vector<16xf32>
        %mul3A_492 = arith.mulf %get3A_491, %broadcast_in_dim3A : vector<16xf32>
        %swap3A_493 = arith.constant 1 : i32
        %swap3A_494 = arith.index_cast %swap3A_493 : i32 to index
        %swap3A_495 = arith.constant 112 : index
        %swap3A_496 = tpu.vector_load %arg10[%swap3A_494, %swap3A_495] {strides = array<i32>} : memref<2x128xf32, #tpu.memory_space<vmem>>, vector<1x16xf32>,
        %swap3A_497 = vector.shape_cast %swap3A_496 : vector<1x16xf32> to vector<16xf32>
        %swap3A_498 = vector.shape_cast %mul3A_492 : vector<16xf32> to vector<1x16xf32>
        tpu.vector_store %arg10[%swap3A_494, %swap3A_495], %swap3A_498 {strides = array<i32>} : memref<2x128xf32, #tpu.memory_space<vmem>>, vector<1x16xf32>,
        %parallel_loop3A_499 = arith.constant 0 : i32
        %parallel_loop3A_500 = arith.constant 128 : i32
        %parallel_loop3A_501 = arith.constant 1 : i32
        scf.for %parallel_loop3A_519 = %parallel_loop3A_499 to %parallel_loop3A_500 step %parallel_loop3A_501  : i32 {
          %parallel_loop3A_520 = arith.constant 16 : i32
          %parallel_loop3A_521 = arith.divsi %parallel_loop3A_519, %parallel_loop3A_520 : i32
          %parallel_loop3A_522 = arith.constant 0 : i32
          %parallel_loop3A_523 = arith.cmpi sgt, %parallel_loop3A_519, %parallel_loop3A_522 : i32
          %parallel_loop3A_524 = arith.extui %parallel_loop3A_523 : i1 to i32
          %parallel_loop3A_525 = arith.constant 0 : i32
          %parallel_loop3A_526 = arith.cmpi slt, %parallel_loop3A_519, %parallel_loop3A_525 : i32
          %parallel_loop3A_527 = arith.extui %parallel_loop3A_526 : i1 to i32
          %parallel_loop3A_528 = arith.subi %parallel_loop3A_524, %parallel_loop3A_527 : i32
          %parallel_loop3A_529 = arith.constant 0 : i32
          %parallel_loop3A_530 = arith.cmpi sgt, %parallel_loop3A_520, %parallel_loop3A_529 : i32
          %parallel_loop3A_531 = arith.extui %parallel_loop3A_530 : i1 to i32
          %parallel_loop3A_532 = arith.constant 0 : i32
          %parallel_loop3A_533 = arith.cmpi slt, %parallel_loop3A_520, %parallel_loop3A_532 : i32
          %parallel_loop3A_534 = arith.extui %parallel_loop3A_533 : i1 to i32
          %parallel_loop3A_535 = arith.subi %parallel_loop3A_531, %parallel_loop3A_534 : i32
          %parallel_loop3A_536 = arith.cmpi ne, %parallel_loop3A_528, %parallel_loop3A_535 : i32
          %parallel_loop3A_537 = arith.remsi %parallel_loop3A_519, %parallel_loop3A_520 : i32
          %parallel_loop3A_538 = arith.constant 0 : i32
          %parallel_loop3A_539 = arith.cmpi ne, %parallel_loop3A_537, %parallel_loop3A_538 : i32
          %parallel_loop3A_540 = arith.andi %parallel_loop3A_536, %parallel_loop3A_539 : i1
          %parallel_loop3A_541 = arith.constant 1 : i32
          %parallel_loop3A_542 = arith.subi %parallel_loop3A_521, %parallel_loop3A_541 : i32
          %parallel_loop3A_543 = arith.select %parallel_loop3A_540, %parallel_loop3A_542, %parallel_loop3A_521 : i32
          %parallel_loop3A_544 = arith.constant 16 : i32
          %parallel_loop3A_545 = arith.muli %parallel_loop3A_543, %parallel_loop3A_544 : i32
          %parallel_loop3A_546 = arith.constant 1 : i32
          %parallel_loop3A_547 = arith.index_cast %parallel_loop3A_546 : i32 to index
          %parallel_loop3A_548 = arith.index_cast %parallel_loop3A_545 : i32 to index
          %parallel_loop3A_549 = tpu.vector_load %arg10[%parallel_loop3A_547, %parallel_loop3A_548] {strides = array<i32>} : memref<2x128xf32, #tpu.memory_space<vmem>>, vector<1x16xf32>,
          %parallel_loop3A_550 = vector.shape_cast %parallel_loop3A_549 : vector<1x16xf32> to vector<16xf32>
          %parallel_loop3A_551 = arith.constant 0 : i32
          %parallel_loop3A_552 = vector.broadcast %parallel_loop3A_551 : i32 to vector<16xi32>
          %parallel_loop3A_553 = arith.constant 16 : i32
          %parallel_loop3A_554 = arith.constant 0 : i32
          %parallel_loop3A_555 = arith.cmpi eq, %parallel_loop3A_553, %parallel_loop3A_554 : i32
          %parallel_loop3A_556 = arith.constant 1 : i32
          %parallel_loop3A_557 = arith.select %parallel_loop3A_555, %parallel_loop3A_556, %parallel_loop3A_553 : i32
          %parallel_loop3A_558 = arith.remsi %parallel_loop3A_519, %parallel_loop3A_557 : i32
          %parallel_loop3A_559 = arith.constant 0 : i32
          %parallel_loop3A_560 = arith.cmpi ne, %parallel_loop3A_558, %parallel_loop3A_559 : i32
          %parallel_loop3A_561 = arith.constant 0 : i32
          %parallel_loop3A_562 = arith.cmpi slt, %parallel_loop3A_558, %parallel_loop3A_561 : i32
          %parallel_loop3A_563 = arith.constant 0 : i32
          %parallel_loop3A_564 = arith.cmpi slt, %parallel_loop3A_557, %parallel_loop3A_563 : i32
          %parallel_loop3A_565 = arith.xori %parallel_loop3A_562, %parallel_loop3A_564 : i1
          %parallel_loop3A_566 = arith.andi %parallel_loop3A_565, %parallel_loop3A_560 : i1
          %parallel_loop3A_567 = arith.addi %parallel_loop3A_558, %parallel_loop3A_557 : i32
          %parallel_loop3A_568 = arith.select %parallel_loop3A_566, %parallel_loop3A_567, %parallel_loop3A_558 : i32
          %parallel_loop3A_569 = vector.broadcast %parallel_loop3A_568 : i32 to vector<16xi32>
          %parallel_loop3A_570 = arith.addi %parallel_loop3A_552, %parallel_loop3A_569 : vector<16xi32>
          %parallel_loop3A_571 = vector.shape_cast %parallel_loop3A_570 : vector<16xi32> to vector<16x1xi32>
          %parallel_loop3A_572 = vector.shape_cast %parallel_loop3A_571 : vector<16x1xi32> to vector<16xi32>
          %parallel_loop3A_573 = tpu.dynamic_gather %parallel_loop3A_550[%parallel_loop3A_572] in [0] : vector<16xf32>, vector<16xi32> -> vector<16xf32>
          %parallel_loop3A_574 = arith.constant 128 : i32
          %parallel_loop3A_575 = arith.addi %parallel_loop3A_574, %parallel_loop3A_519 : i32
          %parallel_loop3A_576 = arith.constant 2 : i32
          %parallel_loop3A_577 = arith.divsi %parallel_loop3A_519, %parallel_loop3A_576 : i32
          %parallel_loop3A_578 = arith.constant 0 : i32
          %parallel_loop3A_579 = arith.cmpi sgt, %parallel_loop3A_519, %parallel_loop3A_578 : i32
          %parallel_loop3A_580 = arith.extui %parallel_loop3A_579 : i1 to i32
          %parallel_loop3A_581 = arith.constant 0 : i32
          %parallel_loop3A_582 = arith.cmpi slt, %parallel_loop3A_519, %parallel_loop3A_581 : i32
          %parallel_loop3A_583 = arith.extui %parallel_loop3A_582 : i1 to i32
          %parallel_loop3A_584 = arith.subi %parallel_loop3A_580, %parallel_loop3A_583 : i32
          %parallel_loop3A_585 = arith.constant 0 : i32
          %parallel_loop3A_586 = arith.cmpi sgt, %parallel_loop3A_576, %parallel_loop3A_585 : i32
          %parallel_loop3A_587 = arith.extui %parallel_loop3A_586 : i1 to i32
          %parallel_loop3A_588 = arith.constant 0 : i32
          %parallel_loop3A_589 = arith.cmpi slt, %parallel_loop3A_576, %parallel_loop3A_588 : i32
          %parallel_loop3A_590 = arith.extui %parallel_loop3A_589 : i1 to i32
          %parallel_loop3A_591 = arith.subi %parallel_loop3A_587, %parallel_loop3A_590 : i32
          %parallel_loop3A_592 = arith.cmpi ne, %parallel_loop3A_584, %parallel_loop3A_591 : i32
          %parallel_loop3A_593 = arith.remsi %parallel_loop3A_519, %parallel_loop3A_576 : i32
          %parallel_loop3A_594 = arith.constant 0 : i32
          %parallel_loop3A_595 = arith.cmpi ne, %parallel_loop3A_593, %parallel_loop3A_594 : i32
          %parallel_loop3A_596 = arith.andi %parallel_loop3A_592, %parallel_loop3A_595 : i1
          %parallel_loop3A_597 = arith.constant 1 : i32
          %parallel_loop3A_598 = arith.subi %parallel_loop3A_577, %parallel_loop3A_597 : i32
          %parallel_loop3A_599 = arith.select %parallel_loop3A_596, %parallel_loop3A_598, %parallel_loop3A_577 : i32
          %parallel_loop3A_600 = arith.constant 64 : i32
          %parallel_loop3A_601 = arith.addi %parallel_loop3A_600, %parallel_loop3A_599 : i32
          %parallel_loop3A_602 = arith.constant 2 : i32
          %parallel_loop3A_603 = arith.constant 0 : i32
          %parallel_loop3A_604 = arith.cmpi eq, %parallel_loop3A_602, %parallel_loop3A_603 : i32
          %parallel_loop3A_605 = arith.constant 1 : i32
          %parallel_loop3A_606 = arith.select %parallel_loop3A_604, %parallel_loop3A_605, %parallel_loop3A_602 : i32
          %parallel_loop3A_607 = arith.remsi %parallel_loop3A_519, %parallel_loop3A_606 : i32
          %parallel_loop3A_608 = arith.constant 0 : i32
          %parallel_loop3A_609 = arith.cmpi ne, %parallel_loop3A_607, %parallel_loop3A_608 : i32
          %parallel_loop3A_610 = arith.constant 0 : i32
          %parallel_loop3A_611 = arith.cmpi slt, %parallel_loop3A_607, %parallel_loop3A_610 : i32
          %parallel_loop3A_612 = arith.constant 0 : i32
          %parallel_loop3A_613 = arith.cmpi slt, %parallel_loop3A_606, %parallel_loop3A_612 : i32
          %parallel_loop3A_614 = arith.xori %parallel_loop3A_611, %parallel_loop3A_613 : i1
          %parallel_loop3A_615 = arith.andi %parallel_loop3A_614, %parallel_loop3A_609 : i1
          %parallel_loop3A_616 = arith.addi %parallel_loop3A_607, %parallel_loop3A_606 : i32
          %parallel_loop3A_617 = arith.select %parallel_loop3A_615, %parallel_loop3A_616, %parallel_loop3A_607 : i32
          %parallel_loop3A_618 = arith.constant 64 : i32
          %parallel_loop3A_619 = arith.muli %parallel_loop3A_618, %parallel_loop3A_617 : i32
          %parallel_loop3A_620 = arith.constant 0 : i32
          %parallel_loop3A_621 = arith.addi %parallel_loop3A_619, %parallel_loop3A_620 : i32
          %parallel_loop3A_622 = arith.index_cast %parallel_loop3A_601 : i32 to index
          %parallel_loop3A_623 = arith.index_cast %parallel_loop3A_621 : i32 to index
          %parallel_loop3A_624 = tpu.vector_load %arg11[%parallel_loop3A_622, %parallel_loop3A_623] {strides = array<i32>} : memref<128x128xi32, #tpu.memory_space<vmem>>, vector<1x16xi32>,
          %parallel_loop3A_625 = vector.shape_cast %parallel_loop3A_624 : vector<1x16xi32> to vector<16xi32>
          %parallel_loop3A_626 = arith.constant 16 : i32
          %parallel_loop3A_627 = vector.broadcast %parallel_loop3A_626 : i32 to vector<16xi32>
          %parallel_loop3A_628 = arith.shli %parallel_loop3A_625, %parallel_loop3A_627 : vector<16xi32>
          %parallel_loop3A_629 = tpu.bitcast %parallel_loop3A_628 : vector<16xi32> -> vector<16xf32>
          %parallel_loop3A_630 = tpu.bitcast %parallel_loop3A_625 : vector<16xi32> -> vector<16xf32>
          %parallel_loop3A_631 = arith.index_cast %parallel_loop3A_575 : i32 to index
          %parallel_loop3A_632 = arith.constant 0 : index
          %parallel_loop3A_633 = tpu.vector_load %arg12[%parallel_loop3A_631, %parallel_loop3A_632] {strides = array<i32>} : memref<256x128xf32, #tpu.memory_space<vmem>>, vector<1x16xf32>,
          %parallel_loop3A_634 = vector.shape_cast %parallel_loop3A_633 : vector<1x16xf32> to vector<16xf32>
          %parallel_loop3A_635 = arith.addf %parallel_loop3A_634, %parallel_loop3A_629 : vector<16xf32>
          %parallel_loop3A_636 = arith.constant -1.702000e+00 : f32
          %parallel_loop3A_637 = vector.broadcast %parallel_loop3A_636 : f32 to vector<16xf32>
          %parallel_loop3A_638 = arith.mulf %parallel_loop3A_635, %parallel_loop3A_637 : vector<16xf32>
          %parallel_loop3A_639 = arith.mulf %parallel_loop3A_635, %parallel_loop3A_573 : vector<16xf32>
          %parallel_loop3A_640 = math.exp %parallel_loop3A_638 : vector<16xf32>
          %parallel_loop3A_641 = arith.constant 1.000000e+00 : f32
          %parallel_loop3A_642 = vector.broadcast %parallel_loop3A_641 : f32 to vector<16xf32>
          %parallel_loop3A_643 = arith.addf %parallel_loop3A_642, %parallel_loop3A_640 : vector<16xf32>
          %parallel_loop3A_644 = arith.divf %parallel_loop3A_639, %parallel_loop3A_643 : vector<16xf32>
          %parallel_loop3A_645 = arith.index_cast %parallel_loop3A_575 : i32 to index
          %parallel_loop3A_646 = arith.constant 0 : index
          %parallel_loop3A_647 = tpu.vector_load %arg12[%parallel_loop3A_645, %parallel_loop3A_646] {strides = array<i32>} : memref<256x128xf32, #tpu.memory_space<vmem>>, vector<1x16xf32>,
          %parallel_loop3A_648 = vector.shape_cast %parallel_loop3A_647 : vector<1x16xf32> to vector<16xf32>
          %parallel_loop3A_649 = vector.shape_cast %parallel_loop3A_644 : vector<16xf32> to vector<1x16xf32>
          tpu.vector_store %arg12[%parallel_loop3A_645, %parallel_loop3A_646], %parallel_loop3A_649 {strides = array<i32>} : memref<256x128xf32, #tpu.memory_space<vmem>>, vector<1x16xf32>,
          %parallel_loop3A_650 = arith.index_cast %parallel_loop3A_575 : i32 to index
          %parallel_loop3A_651 = arith.constant 16 : index
          %parallel_loop3A_652 = tpu.vector_load %arg12[%parallel_loop3A_650, %parallel_loop3A_651] {strides = array<i32>} : memref<256x128xf32, #tpu.memory_space<vmem>>, vector<1x16xf32>,
          %parallel_loop3A_653 = vector.shape_cast %parallel_loop3A_652 : vector<1x16xf32> to vector<16xf32>
          %parallel_loop3A_654 = arith.addf %parallel_loop3A_653, %parallel_loop3A_630 : vector<16xf32>
          %parallel_loop3A_655 = arith.constant -1.702000e+00 : f32
          %parallel_loop3A_656 = vector.broadcast %parallel_loop3A_655 : f32 to vector<16xf32>
          %parallel_loop3A_657 = arith.mulf %parallel_loop3A_654, %parallel_loop3A_656 : vector<16xf32>
          %parallel_loop3A_658 = arith.mulf %parallel_loop3A_654, %parallel_loop3A_573 : vector<16xf32>
          %parallel_loop3A_659 = math.exp %parallel_loop3A_657 : vector<16xf32>
          %parallel_loop3A_660 = arith.constant 1.000000e+00 : f32
          %parallel_loop3A_661 = vector.broadcast %parallel_loop3A_660 : f32 to vector<16xf32>
          %parallel_loop3A_662 = arith.addf %parallel_loop3A_661, %parallel_loop3A_659 : vector<16xf32>
          %parallel_loop3A_663 = arith.divf %parallel_loop3A_658, %parallel_loop3A_662 : vector<16xf32>
          %parallel_loop3A_664 = arith.index_cast %parallel_loop3A_575 : i32 to index
          %parallel_loop3A_665 = arith.constant 16 : index
          %parallel_loop3A_666 = tpu.vector_load %arg12[%parallel_loop3A_664, %parallel_loop3A_665] {strides = array<i32>} : memref<256x128xf32, #tpu.memory_space<vmem>>, vector<1x16xf32>,
          %parallel_loop3A_667 = vector.shape_cast %parallel_loop3A_666 : vector<1x16xf32> to vector<16xf32>
          %parallel_loop3A_668 = vector.shape_cast %parallel_loop3A_663 : vector<16xf32> to vector<1x16xf32>
          tpu.vector_store %arg12[%parallel_loop3A_664, %parallel_loop3A_665], %parallel_loop3A_668 {strides = array<i32>} : memref<256x128xf32, #tpu.memory_space<vmem>>, vector<1x16xf32>,
          %parallel_loop3A_669 = arith.constant 16 : i32
          %parallel_loop3A_670 = arith.addi %parallel_loop3A_619, %parallel_loop3A_669 : i32
          %parallel_loop3A_671 = arith.index_cast %parallel_loop3A_601 : i32 to index
          %parallel_loop3A_672 = arith.index_cast %parallel_loop3A_670 : i32 to index
          %parallel_loop3A_673 = tpu.vector_load %arg11[%parallel_loop3A_671, %parallel_loop3A_672] {strides = array<i32>} : memref<128x128xi32, #tpu.memory_space<vmem>>, vector<1x16xi32>,
          %parallel_loop3A_674 = vector.shape_cast %parallel_loop3A_673 : vector<1x16xi32> to vector<16xi32>
          %parallel_loop3A_675 = arith.constant 16 : i32
          %parallel_loop3A_676 = vector.broadcast %parallel_loop3A_675 : i32 to vector<16xi32>
          %parallel_loop3A_677 = arith.shli %parallel_loop3A_674, %parallel_loop3A_676 : vector<16xi32>
          %parallel_loop3A_678 = tpu.bitcast %parallel_loop3A_677 : vector<16xi32> -> vector<16xf32>
          %parallel_loop3A_679 = tpu.bitcast %parallel_loop3A_674 : vector<16xi32> -> vector<16xf32>
          %parallel_loop3A_680 = arith.index_cast %parallel_loop3A_575 : i32 to index
          %parallel_loop3A_681 = arith.constant 32 : index
          %parallel_loop3A_682 = tpu.vector_load %arg12[%parallel_loop3A_680, %parallel_loop3A_681] {strides = array<i32>} : memref<256x128xf32, #tpu.memory_space<vmem>>, vector<1x16xf32>,
          %parallel_loop3A_683 = vector.shape_cast %parallel_loop3A_682 : vector<1x16xf32> to vector<16xf32>
          %parallel_loop3A_684 = arith.addf %parallel_loop3A_683, %parallel_loop3A_678 : vector<16xf32>
          %parallel_loop3A_685 = arith.constant -1.702000e+00 : f32
          %parallel_loop3A_686 = vector.broadcast %parallel_loop3A_685 : f32 to vector<16xf32>
          %parallel_loop3A_687 = arith.mulf %parallel_loop3A_684, %parallel_loop3A_686 : vector<16xf32>
          %parallel_loop3A_688 = arith.mulf %parallel_loop3A_684, %parallel_loop3A_573 : vector<16xf32>
          %parallel_loop3A_689 = math.exp %parallel_loop3A_687 : vector<16xf32>
          %parallel_loop3A_690 = arith.constant 1.000000e+00 : f32
          %parallel_loop3A_691 = vector.broadcast %parallel_loop3A_690 : f32 to vector<16xf32>
          %parallel_loop3A_692 = arith.addf %parallel_loop3A_691, %parallel_loop3A_689 : vector<16xf32>
          %parallel_loop3A_693 = arith.divf %parallel_loop3A_688, %parallel_loop3A_692 : vector<16xf32>
          %parallel_loop3A_694 = arith.index_cast %parallel_loop3A_575 : i32 to index
          %parallel_loop3A_695 = arith.constant 32 : index
          %parallel_loop3A_696 = tpu.vector_load %arg12[%parallel_loop3A_694, %parallel_loop3A_695] {strides = array<i32>} : memref<256x128xf32, #tpu.memory_space<vmem>>, vector<1x16xf32>,
          %parallel_loop3A_697 = vector.shape_cast %parallel_loop3A_696 : vector<1x16xf32> to vector<16xf32>
          %parallel_loop3A_698 = vector.shape_cast %parallel_loop3A_693 : vector<16xf32> to vector<1x16xf32>
          tpu.vector_store %arg12[%parallel_loop3A_694, %parallel_loop3A_695], %parallel_loop3A_698 {strides = array<i32>} : memref<256x128xf32, #tpu.memory_space<vmem>>, vector<1x16xf32>,
          %parallel_loop3A_699 = arith.index_cast %parallel_loop3A_575 : i32 to index
          %parallel_loop3A_700 = arith.constant 48 : index
          %parallel_loop3A_701 = tpu.vector_load %arg12[%parallel_loop3A_699, %parallel_loop3A_700] {strides = array<i32>} : memref<256x128xf32, #tpu.memory_space<vmem>>, vector<1x16xf32>,
          %parallel_loop3A_702 = vector.shape_cast %parallel_loop3A_701 : vector<1x16xf32> to vector<16xf32>
          %parallel_loop3A_703 = arith.addf %parallel_loop3A_702, %parallel_loop3A_679 : vector<16xf32>
          %parallel_loop3A_704 = arith.constant -1.702000e+00 : f32
          %parallel_loop3A_705 = vector.broadcast %parallel_loop3A_704 : f32 to vector<16xf32>
          %parallel_loop3A_706 = arith.mulf %parallel_loop3A_703, %parallel_loop3A_705 : vector<16xf32>
          %parallel_loop3A_707 = arith.mulf %parallel_loop3A_703, %parallel_loop3A_573 : vector<16xf32>
          %parallel_loop3A_708 = math.exp %parallel_loop3A_706 : vector<16xf32>
          %parallel_loop3A_709 = arith.constant 1.000000e+00 : f32
          %parallel_loop3A_710 = vector.broadcast %parallel_loop3A_709 : f32 to vector<16xf32>
          %parallel_loop3A_711 = arith.addf %parallel_loop3A_710, %parallel_loop3A_708 : vector<16xf32>
          %parallel_loop3A_712 = arith.divf %parallel_loop3A_707, %parallel_loop3A_711 : vector<16xf32>
          %parallel_loop3A_713 = arith.index_cast %parallel_loop3A_575 : i32 to index
          %parallel_loop3A_714 = arith.constant 48 : index
          %parallel_loop3A_715 = tpu.vector_load %arg12[%parallel_loop3A_713, %parallel_loop3A_714] {strides = array<i32>} : memref<256x128xf32, #tpu.memory_space<vmem>>, vector<1x16xf32>,
          %parallel_loop3A_716 = vector.shape_cast %parallel_loop3A_715 : vector<1x16xf32> to vector<16xf32>
          %parallel_loop3A_717 = vector.shape_cast %parallel_loop3A_712 : vector<16xf32> to vector<1x16xf32>
          tpu.vector_store %arg12[%parallel_loop3A_713, %parallel_loop3A_714], %parallel_loop3A_717 {strides = array<i32>} : memref<256x128xf32, #tpu.memory_space<vmem>>, vector<1x16xf32>,
          %parallel_loop3A_718 = arith.constant 32 : i32
          %parallel_loop3A_719 = arith.addi %parallel_loop3A_619, %parallel_loop3A_718 : i32
          %parallel_loop3A_720 = arith.index_cast %parallel_loop3A_601 : i32 to index
          %parallel_loop3A_721 = arith.index_cast %parallel_loop3A_719 : i32 to index
          %parallel_loop3A_722 = tpu.vector_load %arg11[%parallel_loop3A_720, %parallel_loop3A_721] {strides = array<i32>} : memref<128x128xi32, #tpu.memory_space<vmem>>, vector<1x16xi32>,
          %parallel_loop3A_723 = vector.shape_cast %parallel_loop3A_722 : vector<1x16xi32> to vector<16xi32>
          %parallel_loop3A_724 = arith.constant 16 : i32
          %parallel_loop3A_725 = vector.broadcast %parallel_loop3A_724 : i32 to vector<16xi32>
          %parallel_loop3A_726 = arith.shli %parallel_loop3A_723, %parallel_loop3A_725 : vector<16xi32>
          %parallel_loop3A_727 = tpu.bitcast %parallel_loop3A_726 : vector<16xi32> -> vector<16xf32>
          %parallel_loop3A_728 = tpu.bitcast %parallel_loop3A_723 : vector<16xi32> -> vector<16xf32>
          %parallel_loop3A_729 = arith.index_cast %parallel_loop3A_575 : i32 to index
          %parallel_loop3A_730 = arith.constant 64 : index
          %parallel_loop3A_731 = tpu.vector_load %arg12[%parallel_loop3A_729, %parallel_loop3A_730] {strides = array<i32>} : memref<256x128xf32, #tpu.memory_space<vmem>>, vector<1x16xf32>,
          %parallel_loop3A_732 = vector.shape_cast %parallel_loop3A_731 : vector<1x16xf32> to vector<16xf32>
          %parallel_loop3A_733 = arith.addf %parallel_loop3A_732, %parallel_loop3A_727 : vector<16xf32>
          %parallel_loop3A_734 = arith.constant -1.702000e+00 : f32
          %parallel_loop3A_735 = vector.broadcast %parallel_loop3A_734 : f32 to vector<16xf32>
          %parallel_loop3A_736 = arith.mulf %parallel_loop3A_733, %parallel_loop3A_735 : vector<16xf32>
          %parallel_loop3A_737 = arith.mulf %parallel_loop3A_733, %parallel_loop3A_573 : vector<16xf32>
          %parallel_loop3A_738 = math.exp %parallel_loop3A_736 : vector<16xf32>
          %parallel_loop3A_739 = arith.constant 1.000000e+00 : f32
          %parallel_loop3A_740 = vector.broadcast %parallel_loop3A_739 : f32 to vector<16xf32>
          %parallel_loop3A_741 = arith.addf %parallel_loop3A_740, %parallel_loop3A_738 : vector<16xf32>
          %parallel_loop3A_742 = arith.divf %parallel_loop3A_737, %parallel_loop3A_741 : vector<16xf32>
          %parallel_loop3A_743 = arith.index_cast %parallel_loop3A_575 : i32 to index
          %parallel_loop3A_744 = arith.constant 64 : index
          %parallel_loop3A_745 = tpu.vector_load %arg12[%parallel_loop3A_743, %parallel_loop3A_744] {strides = array<i32>} : memref<256x128xf32, #tpu.memory_space<vmem>>, vector<1x16xf32>,
          %parallel_loop3A_746 = vector.shape_cast %parallel_loop3A_745 : vector<1x16xf32> to vector<16xf32>
          %parallel_loop3A_747 = vector.shape_cast %parallel_loop3A_742 : vector<16xf32> to vector<1x16xf32>
          tpu.vector_store %arg12[%parallel_loop3A_743, %parallel_loop3A_744], %parallel_loop3A_747 {strides = array<i32>} : memref<256x128xf32, #tpu.memory_space<vmem>>, vector<1x16xf32>,
          %parallel_loop3A_748 = arith.index_cast %parallel_loop3A_575 : i32 to index
          %parallel_loop3A_749 = arith.constant 80 : index
          %parallel_loop3A_750 = tpu.vector_load %arg12[%parallel_loop3A_748, %parallel_loop3A_749] {strides = array<i32>} : memref<256x128xf32, #tpu.memory_space<vmem>>, vector<1x16xf32>,
          %parallel_loop3A_751 = vector.shape_cast %parallel_loop3A_750 : vector<1x16xf32> to vector<16xf32>
          %parallel_loop3A_752 = arith.addf %parallel_loop3A_751, %parallel_loop3A_728 : vector<16xf32>
          %parallel_loop3A_753 = arith.constant -1.702000e+00 : f32
          %parallel_loop3A_754 = vector.broadcast %parallel_loop3A_753 : f32 to vector<16xf32>
          %parallel_loop3A_755 = arith.mulf %parallel_loop3A_752, %parallel_loop3A_754 : vector<16xf32>
          %parallel_loop3A_756 = arith.mulf %parallel_loop3A_752, %parallel_loop3A_573 : vector<16xf32>
          %parallel_loop3A_757 = math.exp %parallel_loop3A_755 : vector<16xf32>
          %parallel_loop3A_758 = arith.constant 1.000000e+00 : f32
          %parallel_loop3A_759 = vector.broadcast %parallel_loop3A_758 : f32 to vector<16xf32>
          %parallel_loop3A_760 = arith.addf %parallel_loop3A_759, %parallel_loop3A_757 : vector<16xf32>
          %parallel_loop3A_761 = arith.divf %parallel_loop3A_756, %parallel_loop3A_760 : vector<16xf32>
          %parallel_loop3A_762 = arith.index_cast %parallel_loop3A_575 : i32 to index
          %parallel_loop3A_763 = arith.constant 80 : index
          %parallel_loop3A_764 = tpu.vector_load %arg12[%parallel_loop3A_762, %parallel_loop3A_763] {strides = array<i32>} : memref<256x128xf32, #tpu.memory_space<vmem>>, vector<1x16xf32>,
          %parallel_loop3A_765 = vector.shape_cast %parallel_loop3A_764 : vector<1x16xf32> to vector<16xf32>
          %parallel_loop3A_766 = vector.shape_cast %parallel_loop3A_761 : vector<16xf32> to vector<1x16xf32>
          tpu.vector_store %arg12[%parallel_loop3A_762, %parallel_loop3A_763], %parallel_loop3A_766 {strides = array<i32>} : memref<256x128xf32, #tpu.memory_space<vmem>>, vector<1x16xf32>,
          %parallel_loop3A_767 = arith.constant 48 : i32
          %parallel_loop3A_768 = arith.addi %parallel_loop3A_619, %parallel_loop3A_767 : i32
          %parallel_loop3A_769 = arith.index_cast %parallel_loop3A_601 : i32 to index
          %parallel_loop3A_770 = arith.index_cast %parallel_loop3A_768 : i32 to index
          %parallel_loop3A_771 = tpu.vector_load %arg11[%parallel_loop3A_769, %parallel_loop3A_770] {strides = array<i32>} : memref<128x128xi32, #tpu.memory_space<vmem>>, vector<1x16xi32>,
          %parallel_loop3A_772 = vector.shape_cast %parallel_loop3A_771 : vector<1x16xi32> to vector<16xi32>
          %parallel_loop3A_773 = arith.constant 16 : i32
          %parallel_loop3A_774 = vector.broadcast %parallel_loop3A_773 : i32 to vector<16xi32>
          %parallel_loop3A_775 = arith.shli %parallel_loop3A_772, %parallel_loop3A_774 : vector<16xi32>
          %parallel_loop3A_776 = tpu.bitcast %parallel_loop3A_775 : vector<16xi32> -> vector<16xf32>
          %parallel_loop3A_777 = tpu.bitcast %parallel_loop3A_772 : vector<16xi32> -> vector<16xf32>
          %parallel_loop3A_778 = arith.index_cast %parallel_loop3A_575 : i32 to index
          %parallel_loop3A_779 = arith.constant 96 : index
          %parallel_loop3A_780 = tpu.vector_load %arg12[%parallel_loop3A_778, %parallel_loop3A_779] {strides = array<i32>} : memref<256x128xf32, #tpu.memory_space<vmem>>, vector<1x16xf32>,
          %parallel_loop3A_781 = vector.shape_cast %parallel_loop3A_780 : vector<1x16xf32> to vector<16xf32>
          %parallel_loop3A_782 = arith.addf %parallel_loop3A_781, %parallel_loop3A_776 : vector<16xf32>
          %parallel_loop3A_783 = arith.constant -1.702000e+00 : f32
          %parallel_loop3A_784 = vector.broadcast %parallel_loop3A_783 : f32 to vector<16xf32>
          %parallel_loop3A_785 = arith.mulf %parallel_loop3A_782, %parallel_loop3A_784 : vector<16xf32>
          %parallel_loop3A_786 = arith.mulf %parallel_loop3A_782, %parallel_loop3A_573 : vector<16xf32>
          %parallel_loop3A_787 = math.exp %parallel_loop3A_785 : vector<16xf32>
          %parallel_loop3A_788 = arith.constant 1.000000e+00 : f32
          %parallel_loop3A_789 = vector.broadcast %parallel_loop3A_788 : f32 to vector<16xf32>
          %parallel_loop3A_790 = arith.addf %parallel_loop3A_789, %parallel_loop3A_787 : vector<16xf32>
          %parallel_loop3A_791 = arith.divf %parallel_loop3A_786, %parallel_loop3A_790 : vector<16xf32>
          %parallel_loop3A_792 = arith.index_cast %parallel_loop3A_575 : i32 to index
          %parallel_loop3A_793 = arith.constant 96 : index
          %parallel_loop3A_794 = tpu.vector_load %arg12[%parallel_loop3A_792, %parallel_loop3A_793] {strides = array<i32>} : memref<256x128xf32, #tpu.memory_space<vmem>>, vector<1x16xf32>,
          %parallel_loop3A_795 = vector.shape_cast %parallel_loop3A_794 : vector<1x16xf32> to vector<16xf32>
          %parallel_loop3A_796 = vector.shape_cast %parallel_loop3A_791 : vector<16xf32> to vector<1x16xf32>
          tpu.vector_store %arg12[%parallel_loop3A_792, %parallel_loop3A_793], %parallel_loop3A_796 {strides = array<i32>} : memref<256x128xf32, #tpu.memory_space<vmem>>, vector<1x16xf32>,
          %parallel_loop3A_797 = arith.index_cast %parallel_loop3A_575 : i32 to index
          %parallel_loop3A_798 = arith.constant 112 : index
          %parallel_loop3A_799 = tpu.vector_load %arg12[%parallel_loop3A_797, %parallel_loop3A_798] {strides = array<i32>} : memref<256x128xf32, #tpu.memory_space<vmem>>, vector<1x16xf32>,
          %parallel_loop3A_800 = vector.shape_cast %parallel_loop3A_799 : vector<1x16xf32> to vector<16xf32>
          %parallel_loop3A_801 = arith.addf %parallel_loop3A_800, %parallel_loop3A_777 : vector<16xf32>
          %parallel_loop3A_802 = arith.constant -1.702000e+00 : f32
          %parallel_loop3A_803 = vector.broadcast %parallel_loop3A_802 : f32 to vector<16xf32>
          %parallel_loop3A_804 = arith.mulf %parallel_loop3A_801, %parallel_loop3A_803 : vector<16xf32>
          %parallel_loop3A_805 = arith.mulf %parallel_loop3A_801, %parallel_loop3A_573 : vector<16xf32>
          %parallel_loop3A_806 = math.exp %parallel_loop3A_804 : vector<16xf32>
          %parallel_loop3A_807 = arith.constant 1.000000e+00 : f32
          %parallel_loop3A_808 = vector.broadcast %parallel_loop3A_807 : f32 to vector<16xf32>
          %parallel_loop3A_809 = arith.addf %parallel_loop3A_808, %parallel_loop3A_806 : vector<16xf32>
          %parallel_loop3A_810 = arith.divf %parallel_loop3A_805, %parallel_loop3A_809 : vector<16xf32>
          %parallel_loop3A_811 = arith.index_cast %parallel_loop3A_575 : i32 to index
          %parallel_loop3A_812 = arith.constant 112 : index
          %parallel_loop3A_813 = tpu.vector_load %arg12[%parallel_loop3A_811, %parallel_loop3A_812] {strides = array<i32>} : memref<256x128xf32, #tpu.memory_space<vmem>>, vector<1x16xf32>,
          %parallel_loop3A_814 = vector.shape_cast %parallel_loop3A_813 : vector<1x16xf32> to vector<16xf32>
          %parallel_loop3A_815 = vector.shape_cast %parallel_loop3A_810 : vector<16xf32> to vector<1x16xf32>
          tpu.vector_store %arg12[%parallel_loop3A_811, %parallel_loop3A_812], %parallel_loop3A_815 {strides = array<i32>} : memref<256x128xf32, #tpu.memory_space<vmem>>, vector<1x16xf32>,
        } {sc.loop_unroll_factor = 1 : i64, sc.parallel_access}
        %dma_start3A_502 = arith.constant 1 : i32
        %dma_start3A_503 = arith.constant 128 : i32
        %dma_start3A_504 = arith.constant 0 : i32
        %dma_start3A_505 = tpu.memref_slice %arg12[%dma_start3A_503, %dma_start3A_504] : memref<256x128xf32, #tpu.memory_space<vmem>> -> memref<128x128xf32, #tpu.memory_space<vmem>>
        %dma_start3A_506 = arith.constant 0 : i32
        %dma_start3A_507 = tpu.memref_slice %arg9[%dma_start3A_502, %dma_start3A_506] : memref<4x128xi32, #tpu.memory_space<vmem>> -> memref<1x128xi32, #tpu.memory_space<vmem>>
        %dma_start3A_508 = tpu.memref_squeeze %dma_start3A_507 : memref<1x128xi32, #tpu.memory_space<vmem>> -> memref<128xi32, #tpu.memory_space<vmem>>
        %dma_start3A_509 = arith.constant 0 : i32
        %dma_start3A_510 = arith.constant 0 : i32
        %dma_start3A_511 = tpu.memref_slice %arg13[%dma_start3A_509, %dma_start3A_510] : memref<10000x128xf32, #tpu.memory_space<vmem_shared>> -> memref<10000x128xf32, #tpu.memory_space<vmem_shared>>
        tpu.enqueue_indirect_dma source(%dma_start3A_505 : memref<128x128xf32, #tpu.memory_space<vmem>>) target(%dma_start3A_511 : memref<10000x128xf32, #tpu.memory_space<vmem_shared>>) offsets(%dma_start3A_508 : memref<128xi32, #tpu.memory_space<vmem>>) semaphore(%arg23 : memref<!tpu.dma_semaphore, #tpu.memory_space<semaphore_mem>>) {add = true}
        %add3A_512 = arith.constant 2 : i32
        %add3A_513 = arith.addi %add3A_324, %add3A_512 : i32
        %lt3A_514 = arith.constant 79 : i32
        %lt3A_515 = arith.cmpi slt, %add3A_513, %lt3A_514 : i32
        %convert_element_type3A_516 = arith.extui %lt3A_515 : i1 to i32
        %cond3A_517 = arith.constant 0 : i32
        %cond3A_518 = arith.cmpi ne, %convert_element_type3A_516, %cond3A_517 : i32
        scf.if %cond3A_518 {
          %add3A_519 = arith.constant 2 : i32
          %add3A_520 = arith.addi %add3A_324, %add3A_519 : i32
          %mul3A_521 = arith.constant 32 : i32
          %mul3A_522 = arith.muli %add3A_520, %mul3A_521 : i32
          %add3A_523 = arith.addi %mul3A_522, %add3A : i32
          %min3A_524 = arith.constant 2499 : i32
          %min3A_525 = arith.minsi %add3A_523, %min3A_524 : i32
          %mul3A_526 = arith.constant 64 : i32
          %mul3A_527 = arith.muli %min3A_525, %mul3A_526 : i32
          %dma_start3A_528 = arith.constant 64 : i32
          %dma_start3A_529 = arith.constant 0 : i32
          %dma_start3A_530 = tpu.memref_slice %arg11[%dma_start3A_528, %dma_start3A_529] : memref<128x128xi32, #tpu.memory_space<vmem>> -> memref<64x128xi32, #tpu.memory_space<vmem>>
          %dma_start3A_531 = arith.constant 0 : i32
          %dma_start3A_532 = tpu.memref_slice %arg3[%mul3A_527, %dma_start3A_531] : memref<160000x128xi32, #tpu.memory_space<hbm>> -> memref<64x128xi32, #tpu.memory_space<hbm>>
          %dma_start3A_533 = arith.constant 64 : i32
          %dma_start3A_534 = arith.constant 0 : i32
          %dma_start3A_535 = tpu.memref_slice %arg11[%dma_start3A_533, %dma_start3A_534] : memref<128x128xi32, #tpu.memory_space<vmem>> -> memref<64x128xi32, #tpu.memory_space<vmem>>
          %dma_start3A_536 = arith.constant 0 : i32
          %dma_start3A_537 = tpu.memref_slice %arg3[%mul3A_527, %dma_start3A_536] : memref<160000x128xi32, #tpu.memory_space<hbm>> -> memref<64x128xi32, #tpu.memory_space<hbm>>
          tpu.enqueue_dma source(%dma_start3A_537 : memref<64x128xi32, #tpu.memory_space<hbm>>) target(%dma_start3A_535 : memref<64x128xi32, #tpu.memory_space<vmem>>) target_semaphore(%arg19 : memref<!tpu.dma_semaphore, #tpu.memory_space<semaphore_mem>>)
          %dma_start3A_538 = arith.constant 1 : i32
          %dma_start3A_539 = arith.constant 0 : i32
          %dma_start3A_540 = tpu.memref_slice %arg10[%dma_start3A_538, %dma_start3A_539] : memref<2x128xf32, #tpu.memory_space<vmem>> -> memref<1x128xf32, #tpu.memory_space<vmem>>
          %dma_start3A_541 = arith.constant 0 : i32
          %dma_start3A_542 = tpu.memref_slice %arg6[%min3A_525, %dma_start3A_541] : memref<2500x128xf32, #tpu.memory_space<hbm>> -> memref<1x128xf32, #tpu.memory_space<hbm>>
          %dma_start3A_543 = arith.constant 1 : i32
          %dma_start3A_544 = arith.constant 0 : i32
          %dma_start3A_545 = tpu.memref_slice %arg10[%dma_start3A_543, %dma_start3A_544] : memref<2x128xf32, #tpu.memory_space<vmem>> -> memref<1x128xf32, #tpu.memory_space<vmem>>
          %dma_start3A_546 = arith.constant 0 : i32
          %dma_start3A_547 = tpu.memref_slice %arg6[%min3A_525, %dma_start3A_546] : memref<2500x128xf32, #tpu.memory_space<hbm>> -> memref<1x128xf32, #tpu.memory_space<hbm>>
          tpu.enqueue_dma source(%dma_start3A_547 : memref<1x128xf32, #tpu.memory_space<hbm>>) target(%dma_start3A_545 : memref<1x128xf32, #tpu.memory_space<vmem>>) target_semaphore(%arg19 : memref<!tpu.dma_semaphore, #tpu.memory_space<semaphore_mem>>)
        } else {
        }
      } else {
      }
      %mul3A_330 = arith.constant 4 : i32
      %mul3A_331 = arith.muli %scan3A_311, %mul3A_330 : i32
      %add3A_332 = arith.constant 2 : i32
      %add3A_333 = arith.addi %mul3A_331, %add3A_332 : i32
      %lt3A_334 = arith.constant 79 : i32
      %lt3A_335 = arith.cmpi slt, %add3A_333, %lt3A_334 : i32
      %convert_element_type3A_336 = arith.extui %lt3A_335 : i1 to i32
      %cond3A_337 = arith.constant 0 : i32
      %cond3A_338 = arith.cmpi ne, %convert_element_type3A_336, %cond3A_337 : i32
      scf.if %cond3A_338 {
        %add3A_349 = arith.constant 1 : i32
        %add3A_350 = arith.addi %add3A_333, %add3A_349 : i32
        %lt3A_351 = arith.constant 79 : i32
        %lt3A_352 = arith.cmpi slt, %add3A_350, %lt3A_351 : i32
        %convert_element_type3A_353 = arith.extui %lt3A_352 : i1 to i32
        %cond3A_354 = arith.constant 0 : i32
        %cond3A_355 = arith.cmpi ne, %convert_element_type3A_353, %cond3A_354 : i32
        scf.if %cond3A_355 {
          %dma_wait3A_519 = arith.constant 3 : i32
          %dma_wait3A_520 = arith.constant 0 : i32
          %dma_wait3A_521 = tpu.memref_slice %arg8[%dma_wait3A_519, %dma_wait3A_520] : memref<4x128xi32, #tpu.memory_space<vmem>> -> memref<1x128xi32, #tpu.memory_space<vmem>>
          %dma_wait3A_522 = arith.constant 0 : i32
          %dma_wait3A_523 = arith.constant 0 : i32
          %dma_wait3A_524 = tpu.memref_slice %arg4[%dma_wait3A_522, %dma_wait3A_523] : memref<2500x128xi32, #tpu.memory_space<hbm>> -> memref<1x128xi32, #tpu.memory_space<hbm>>
          %dma_wait3A_525 = arith.constant 3 : i32
          %dma_wait3A_526 = arith.constant 0 : i32
          %dma_wait3A_527 = tpu.memref_slice %arg8[%dma_wait3A_525, %dma_wait3A_526] : memref<4x128xi32, #tpu.memory_space<vmem>> -> memref<1x128xi32, #tpu.memory_space<vmem>>
          %dma_wait3A_528 = arith.constant 0 : i32
          %dma_wait3A_529 = arith.constant 0 : i32
          %dma_wait3A_530 = tpu.memref_slice %arg4[%dma_wait3A_528, %dma_wait3A_529] : memref<2500x128xi32, #tpu.memory_space<hbm>> -> memref<1x128xi32, #tpu.memory_space<hbm>>
          tpu.wait_dma2 semaphore(%arg17 : memref<!tpu.dma_semaphore, #tpu.memory_space<semaphore_mem>>) src(%dma_wait3A_530 : memref<1x128xi32, #tpu.memory_space<hbm>>) dst(%dma_wait3A_527 : memref<1x128xi32, #tpu.memory_space<vmem>>)
          %dma_wait3A_531 = arith.constant 3 : i32
          %dma_wait3A_532 = arith.constant 0 : i32
          %dma_wait3A_533 = tpu.memref_slice %arg9[%dma_wait3A_531, %dma_wait3A_532] : memref<4x128xi32, #tpu.memory_space<vmem>> -> memref<1x128xi32, #tpu.memory_space<vmem>>
          %dma_wait3A_534 = arith.constant 0 : i32
          %dma_wait3A_535 = arith.constant 0 : i32
          %dma_wait3A_536 = tpu.memref_slice %arg5[%dma_wait3A_534, %dma_wait3A_535] : memref<2500x128xi32, #tpu.memory_space<hbm>> -> memref<1x128xi32, #tpu.memory_space<hbm>>
          %dma_wait3A_537 = arith.constant 3 : i32
          %dma_wait3A_538 = arith.constant 0 : i32
          %dma_wait3A_539 = tpu.memref_slice %arg9[%dma_wait3A_537, %dma_wait3A_538] : memref<4x128xi32, #tpu.memory_space<vmem>> -> memref<1x128xi32, #tpu.memory_space<vmem>>
          %dma_wait3A_540 = arith.constant 0 : i32
          %dma_wait3A_541 = arith.constant 0 : i32
          %dma_wait3A_542 = tpu.memref_slice %arg5[%dma_wait3A_540, %dma_wait3A_541] : memref<2500x128xi32, #tpu.memory_space<hbm>> -> memref<1x128xi32, #tpu.memory_space<hbm>>
          tpu.wait_dma2 semaphore(%arg17 : memref<!tpu.dma_semaphore, #tpu.memory_space<semaphore_mem>>) src(%dma_wait3A_542 : memref<1x128xi32, #tpu.memory_space<hbm>>) dst(%dma_wait3A_539 : memref<1x128xi32, #tpu.memory_space<vmem>>)
          %ge3A = arith.constant 1 : i32
          %ge3A_543 = arith.cmpi sge, %add3A_333, %ge3A : i32
          %convert_element_type3A_544 = arith.extui %ge3A_543 : i1 to i32
          %cond3A_545 = arith.constant 0 : i32
          %cond3A_546 = arith.cmpi ne, %convert_element_type3A_544, %cond3A_545 : i32
          scf.if %cond3A_546 {
            %dma_wait3A_557 = arith.constant 128 : i32
            %dma_wait3A_558 = arith.constant 0 : i32
            %dma_wait3A_559 = tpu.memref_slice %arg12[%dma_wait3A_557, %dma_wait3A_558] : memref<256x128xf32, #tpu.memory_space<vmem>> -> memref<128x128xf32, #tpu.memory_space<vmem>>
            %dma_wait3A_560 = arith.constant 0 : i32
            %dma_wait3A_561 = arith.constant 0 : i32
            %dma_wait3A_562 = tpu.memref_slice %arg13[%dma_wait3A_560, %dma_wait3A_561] : memref<10000x128xf32, #tpu.memory_space<vmem_shared>> -> memref<128x128xf32, #tpu.memory_space<vmem_shared>>
            %dma_wait3A_563 = arith.constant 0 : i32
            %dma_wait3A_564 = arith.constant 0 : i32
            %dma_wait3A_565 = tpu.memref_slice %arg13[%dma_wait3A_563, %dma_wait3A_564] : memref<10000x128xf32, #tpu.memory_space<vmem_shared>> -> memref<128x128xf32, #tpu.memory_space<vmem_shared>>
            %dma_wait3A_566 = arith.constant 128 : i32
            %dma_wait3A_567 = arith.constant 0 : i32
            %dma_wait3A_568 = tpu.memref_slice %arg12[%dma_wait3A_566, %dma_wait3A_567] : memref<256x128xf32, #tpu.memory_space<vmem>> -> memref<128x128xf32, #tpu.memory_space<vmem>>
            tpu.wait_dma2 semaphore(%arg23 : memref<!tpu.dma_semaphore, #tpu.memory_space<semaphore_mem>>) src(%dma_wait3A_568 : memref<128x128xf32, #tpu.memory_space<vmem>>) dst(%dma_wait3A_565 : memref<128x128xf32, #tpu.memory_space<vmem_shared>>)
          } else {
          }
          %dma_start3A_547 = arith.constant 3 : i32
          %dma_start3A_548 = arith.constant 128 : i32
          %dma_start3A_549 = arith.constant 0 : i32
          %dma_start3A_550 = tpu.memref_slice %arg12[%dma_start3A_548, %dma_start3A_549] : memref<256x128xf32, #tpu.memory_space<vmem>> -> memref<128x128xf32, #tpu.memory_space<vmem>>
          %dma_start3A_551 = arith.constant 0 : i32
          %dma_start3A_552 = tpu.memref_slice %arg8[%dma_start3A_547, %dma_start3A_551] : memref<4x128xi32, #tpu.memory_space<vmem>> -> memref<1x128xi32, #tpu.memory_space<vmem>>
          %dma_start3A_553 = tpu.memref_squeeze %dma_start3A_552 : memref<1x128xi32, #tpu.memory_space<vmem>> -> memref<128xi32, #tpu.memory_space<vmem>>
          %dma_start3A_554 = arith.constant 0 : i32
          %dma_start3A_555 = arith.constant 0 : i32
          %dma_start3A_556 = tpu.memref_slice %arg2[%dma_start3A_554, %dma_start3A_555] : memref<10000x128xf32, #tpu.memory_space<hbm>> -> memref<10000x128xf32, #tpu.memory_space<hbm>>
          tpu.enqueue_indirect_dma source(%dma_start3A_556 : memref<10000x128xf32, #tpu.memory_space<hbm>>) target(%dma_start3A_550 : memref<128x128xf32, #tpu.memory_space<vmem>>) offsets(%dma_start3A_553 : memref<128xi32, #tpu.memory_space<vmem>>) semaphore(%arg21 : memref<!tpu.dma_semaphore, #tpu.memory_space<semaphore_mem>>)
        } else {
        }
        %add3A_356 = arith.constant 2 : i32
        %add3A_357 = arith.addi %add3A_333, %add3A_356 : i32
        %lt3A_358 = arith.constant 79 : i32
        %lt3A_359 = arith.cmpi slt, %add3A_357, %lt3A_358 : i32
        %convert_element_type3A_360 = arith.extui %lt3A_359 : i1 to i32
        %cond3A_361 = arith.constant 0 : i32
        %cond3A_362 = arith.cmpi ne, %convert_element_type3A_360, %cond3A_361 : i32
        scf.if %cond3A_362 {
          %add3A_519 = arith.constant 2 : i32
          %add3A_520 = arith.addi %add3A_333, %add3A_519 : i32
          %mul3A_521 = arith.constant 32 : i32
          %mul3A_522 = arith.muli %add3A_520, %mul3A_521 : i32
          %add3A_523 = arith.addi %mul3A_522, %add3A : i32
          %min3A_524 = arith.constant 2499 : i32
          %min3A_525 = arith.minsi %add3A_523, %min3A_524 : i32
          %dma_start3A_526 = arith.constant 0 : i32
          %dma_start3A_527 = arith.constant 0 : i32
          %dma_start3A_528 = tpu.memref_slice %arg8[%dma_start3A_526, %dma_start3A_527] : memref<4x128xi32, #tpu.memory_space<vmem>> -> memref<1x128xi32, #tpu.memory_space<vmem>>
          %dma_start3A_529 = arith.constant 0 : i32
          %dma_start3A_530 = tpu.memref_slice %arg4[%min3A_525, %dma_start3A_529] : memref<2500x128xi32, #tpu.memory_space<hbm>> -> memref<1x128xi32, #tpu.memory_space<hbm>>
          %dma_start3A_531 = arith.constant 0 : i32
          %dma_start3A_532 = arith.constant 0 : i32
          %dma_start3A_533 = tpu.memref_slice %arg8[%dma_start3A_531, %dma_start3A_532] : memref<4x128xi32, #tpu.memory_space<vmem>> -> memref<1x128xi32, #tpu.memory_space<vmem>>
          %dma_start3A_534 = arith.constant 0 : i32
          %dma_start3A_535 = tpu.memref_slice %arg4[%min3A_525, %dma_start3A_534] : memref<2500x128xi32, #tpu.memory_space<hbm>> -> memref<1x128xi32, #tpu.memory_space<hbm>>
          tpu.enqueue_dma source(%dma_start3A_535 : memref<1x128xi32, #tpu.memory_space<hbm>>) target(%dma_start3A_533 : memref<1x128xi32, #tpu.memory_space<vmem>>) target_semaphore(%arg14 : memref<!tpu.dma_semaphore, #tpu.memory_space<semaphore_mem>>)
          %dma_start3A_536 = arith.constant 0 : i32
          %dma_start3A_537 = arith.constant 0 : i32
          %dma_start3A_538 = tpu.memref_slice %arg9[%dma_start3A_536, %dma_start3A_537] : memref<4x128xi32, #tpu.memory_space<vmem>> -> memref<1x128xi32, #tpu.memory_space<vmem>>
          %dma_start3A_539 = arith.constant 0 : i32
          %dma_start3A_540 = tpu.memref_slice %arg5[%min3A_525, %dma_start3A_539] : memref<2500x128xi32, #tpu.memory_space<hbm>> -> memref<1x128xi32, #tpu.memory_space<hbm>>
          %dma_start3A_541 = arith.constant 0 : i32
          %dma_start3A_542 = arith.constant 0 : i32
          %dma_start3A_543 = tpu.memref_slice %arg9[%dma_start3A_541, %dma_start3A_542] : memref<4x128xi32, #tpu.memory_space<vmem>> -> memref<1x128xi32, #tpu.memory_space<vmem>>
          %dma_start3A_544 = arith.constant 0 : i32
          %dma_start3A_545 = tpu.memref_slice %arg5[%min3A_525, %dma_start3A_544] : memref<2500x128xi32, #tpu.memory_space<hbm>> -> memref<1x128xi32, #tpu.memory_space<hbm>>
          tpu.enqueue_dma source(%dma_start3A_545 : memref<1x128xi32, #tpu.memory_space<hbm>>) target(%dma_start3A_543 : memref<1x128xi32, #tpu.memory_space<vmem>>) target_semaphore(%arg14 : memref<!tpu.dma_semaphore, #tpu.memory_space<semaphore_mem>>)
        } else {
        }
        %dma_wait3A_363 = arith.constant 0 : i32
        %dma_wait3A_364 = arith.constant 0 : i32
        %dma_wait3A_365 = tpu.memref_slice %arg11[%dma_wait3A_363, %dma_wait3A_364] : memref<128x128xi32, #tpu.memory_space<vmem>> -> memref<64x128xi32, #tpu.memory_space<vmem>>
        %dma_wait3A_366 = arith.constant 0 : i32
        %dma_wait3A_367 = arith.constant 0 : i32
        %dma_wait3A_368 = tpu.memref_slice %arg3[%dma_wait3A_366, %dma_wait3A_367] : memref<160000x128xi32, #tpu.memory_space<hbm>> -> memref<64x128xi32, #tpu.memory_space<hbm>>
        %dma_wait3A_369 = arith.constant 0 : i32
        %dma_wait3A_370 = arith.constant 0 : i32
        %dma_wait3A_371 = tpu.memref_slice %arg11[%dma_wait3A_369, %dma_wait3A_370] : memref<128x128xi32, #tpu.memory_space<vmem>> -> memref<64x128xi32, #tpu.memory_space<vmem>>
        %dma_wait3A_372 = arith.constant 0 : i32
        %dma_wait3A_373 = arith.constant 0 : i32
        %dma_wait3A_374 = tpu.memref_slice %arg3[%dma_wait3A_372, %dma_wait3A_373] : memref<160000x128xi32, #tpu.memory_space<hbm>> -> memref<64x128xi32, #tpu.memory_space<hbm>>
        tpu.wait_dma2 semaphore(%arg18 : memref<!tpu.dma_semaphore, #tpu.memory_space<semaphore_mem>>) src(%dma_wait3A_374 : memref<64x128xi32, #tpu.memory_space<hbm>>) dst(%dma_wait3A_371 : memref<64x128xi32, #tpu.memory_space<vmem>>)
        %dma_wait3A_375 = arith.constant 0 : i32
        %dma_wait3A_376 = arith.constant 0 : i32
        %dma_wait3A_377 = tpu.memref_slice %arg10[%dma_wait3A_375, %dma_wait3A_376] : memref<2x128xf32, #tpu.memory_space<vmem>> -> memref<1x128xf32, #tpu.memory_space<vmem>>
        %dma_wait3A_378 = arith.constant 0 : i32
        %dma_wait3A_379 = arith.constant 0 : i32
        %dma_wait3A_380 = tpu.memref_slice %arg6[%dma_wait3A_378, %dma_wait3A_379] : memref<2500x128xf32, #tpu.memory_space<hbm>> -> memref<1x128xf32, #tpu.memory_space<hbm>>
        %dma_wait3A_381 = arith.constant 0 : i32
        %dma_wait3A_382 = arith.constant 0 : i32
        %dma_wait3A_383 = tpu.memref_slice %arg10[%dma_wait3A_381, %dma_wait3A_382] : memref<2x128xf32, #tpu.memory_space<vmem>> -> memref<1x128xf32, #tpu.memory_space<vmem>>
        %dma_wait3A_384 = arith.constant 0 : i32
        %dma_wait3A_385 = arith.constant 0 : i32
        %dma_wait3A_386 = tpu.memref_slice %arg6[%dma_wait3A_384, %dma_wait3A_385] : memref<2500x128xf32, #tpu.memory_space<hbm>> -> memref<1x128xf32, #tpu.memory_space<hbm>>
        tpu.wait_dma2 semaphore(%arg18 : memref<!tpu.dma_semaphore, #tpu.memory_space<semaphore_mem>>) src(%dma_wait3A_386 : memref<1x128xf32, #tpu.memory_space<hbm>>) dst(%dma_wait3A_383 : memref<1x128xf32, #tpu.memory_space<vmem>>)
        %dma_wait3A_387 = arith.constant 0 : i32
        %dma_wait3A_388 = arith.constant 0 : i32
        %dma_wait3A_389 = tpu.memref_slice %arg12[%dma_wait3A_387, %dma_wait3A_388] : memref<256x128xf32, #tpu.memory_space<vmem>> -> memref<128x128xf32, #tpu.memory_space<vmem>>
        %dma_wait3A_390 = arith.constant 0 : i32
        %dma_wait3A_391 = arith.constant 0 : i32
        %dma_wait3A_392 = tpu.memref_slice %arg2[%dma_wait3A_390, %dma_wait3A_391] : memref<10000x128xf32, #tpu.memory_space<hbm>> -> memref<128x128xf32, #tpu.memory_space<hbm>>
        %dma_wait3A_393 = arith.constant 0 : i32
        %dma_wait3A_394 = arith.constant 0 : i32
        %dma_wait3A_395 = tpu.memref_slice %arg12[%dma_wait3A_393, %dma_wait3A_394] : memref<256x128xf32, #tpu.memory_space<vmem>> -> memref<128x128xf32, #tpu.memory_space<vmem>>
        %dma_wait3A_396 = arith.constant 0 : i32
        %dma_wait3A_397 = arith.constant 0 : i32
        %dma_wait3A_398 = tpu.memref_slice %arg2[%dma_wait3A_396, %dma_wait3A_397] : memref<10000x128xf32, #tpu.memory_space<hbm>> -> memref<128x128xf32, #tpu.memory_space<hbm>>
        tpu.wait_dma2 semaphore(%arg20 : memref<!tpu.dma_semaphore, #tpu.memory_space<semaphore_mem>>) src(%dma_wait3A_398 : memref<128x128xf32, #tpu.memory_space<hbm>>) dst(%dma_wait3A_395 : memref<128x128xf32, #tpu.memory_space<vmem>>)
        %mul3A_399 = arith.constant 32 : i32
        %mul3A_400 = arith.muli %add3A_333, %mul3A_399 : i32
        %add3A_401 = arith.addi %mul3A_400, %add3A : i32
        %lt3A_402 = arith.constant 2500 : i32
        %lt3A_403 = arith.cmpi slt, %add3A_401, %lt3A_402 : i32
        %jit3A = arith.constant 1.000000e+00 : f32
        %jit3A_404 = arith.constant 0.000000e+00 : f32
        %select_n3A = arith.select %lt3A_403, %jit3A, %jit3A_404 : f32
        %broadcast_in_dim3A = vector.broadcast %select_n3A : f32 to vector<16xf32>
        %get3A = arith.constant 0 : i32
        %get3A_405 = arith.index_cast %get3A : i32 to index
        %get3A_406 = arith.constant 0 : index
        %get3A_407 = tpu.vector_load %arg10[%get3A_405, %get3A_406] {strides = array<i32>} : memref<2x128xf32, #tpu.memory_space<vmem>>, vector<1x16xf32>,
        %get3A_408 = vector.shape_cast %get3A_407 : vector<1x16xf32> to vector<16xf32>
        %mul3A_409 = arith.mulf %get3A_408, %broadcast_in_dim3A : vector<16xf32>
        %swap3A = arith.constant 0 : i32
        %swap3A_410 = arith.index_cast %swap3A : i32 to index
        %swap3A_411 = arith.constant 0 : index
        %swap3A_412 = tpu.vector_load %arg10[%swap3A_410, %swap3A_411] {strides = array<i32>} : memref<2x128xf32, #tpu.memory_space<vmem>>, vector<1x16xf32>,
        %swap3A_413 = vector.shape_cast %swap3A_412 : vector<1x16xf32> to vector<16xf32>
        %swap3A_414 = vector.shape_cast %mul3A_409 : vector<16xf32> to vector<1x16xf32>
        tpu.vector_store %arg10[%swap3A_410, %swap3A_411], %swap3A_414 {strides = array<i32>} : memref<2x128xf32, #tpu.memory_space<vmem>>, vector<1x16xf32>,
        %get3A_415 = arith.constant 0 : i32
        %get3A_416 = arith.index_cast %get3A_415 : i32 to index
        %get3A_417 = arith.constant 16 : index
        %get3A_418 = tpu.vector_load %arg10[%get3A_416, %get3A_417] {strides = array<i32>} : memref<2x128xf32, #tpu.memory_space<vmem>>, vector<1x16xf32>,
        %get3A_419 = vector.shape_cast %get3A_418 : vector<1x16xf32> to vector<16xf32>
        %mul3A_420 = arith.mulf %get3A_419, %broadcast_in_dim3A : vector<16xf32>
        %swap3A_421 = arith.constant 0 : i32
        %swap3A_422 = arith.index_cast %swap3A_421 : i32 to index
        %swap3A_423 = arith.constant 16 : index
        %swap3A_424 = tpu.vector_load %arg10[%swap3A_422, %swap3A_423] {strides = array<i32>} : memref<2x128xf32, #tpu.memory_space<vmem>>, vector<1x16xf32>,
        %swap3A_425 = vector.shape_cast %swap3A_424 : vector<1x16xf32> to vector<16xf32>
        %swap3A_426 = vector.shape_cast %mul3A_420 : vector<16xf32> to vector<1x16xf32>
        tpu.vector_store %arg10[%swap3A_422, %swap3A_423], %swap3A_426 {strides = array<i32>} : memref<2x128xf32, #tpu.memory_space<vmem>>, vector<1x16xf32>,
        %get3A_427 = arith.constant 0 : i32
        %get3A_428 = arith.index_cast %get3A_427 : i32 to index
        %get3A_429 = arith.constant 32 : index
        %get3A_430 = tpu.vector_load %arg10[%get3A_428, %get3A_429] {strides = array<i32>} : memref<2x128xf32, #tpu.memory_space<vmem>>, vector<1x16xf32>,
        %get3A_431 = vector.shape_cast %get3A_430 : vector<1x16xf32> to vector<16xf32>
        %mul3A_432 = arith.mulf %get3A_431, %broadcast_in_dim3A : vector<16xf32>
        %swap3A_433 = arith.constant 0 : i32
        %swap3A_434 = arith.index_cast %swap3A_433 : i32 to index
        %swap3A_435 = arith.constant 32 : index
        %swap3A_436 = tpu.vector_load %arg10[%swap3A_434, %swap3A_435] {strides = array<i32>} : memref<2x128xf32, #tpu.memory_space<vmem>>, vector<1x16xf32>,
        %swap3A_437 = vector.shape_cast %swap3A_436 : vector<1x16xf32> to vector<16xf32>
        %swap3A_438 = vector.shape_cast %mul3A_432 : vector<16xf32> to vector<1x16xf32>
        tpu.vector_store %arg10[%swap3A_434, %swap3A_435], %swap3A_438 {strides = array<i32>} : memref<2x128xf32, #tpu.memory_space<vmem>>, vector<1x16xf32>,
        %get3A_439 = arith.constant 0 : i32
        %get3A_440 = arith.index_cast %get3A_439 : i32 to index
        %get3A_441 = arith.constant 48 : index
        %get3A_442 = tpu.vector_load %arg10[%get3A_440, %get3A_441] {strides = array<i32>} : memref<2x128xf32, #tpu.memory_space<vmem>>, vector<1x16xf32>,
        %get3A_443 = vector.shape_cast %get3A_442 : vector<1x16xf32> to vector<16xf32>
        %mul3A_444 = arith.mulf %get3A_443, %broadcast_in_dim3A : vector<16xf32>
        %swap3A_445 = arith.constant 0 : i32
        %swap3A_446 = arith.index_cast %swap3A_445 : i32 to index
        %swap3A_447 = arith.constant 48 : index
        %swap3A_448 = tpu.vector_load %arg10[%swap3A_446, %swap3A_447] {strides = array<i32>} : memref<2x128xf32, #tpu.memory_space<vmem>>, vector<1x16xf32>,
        %swap3A_449 = vector.shape_cast %swap3A_448 : vector<1x16xf32> to vector<16xf32>
        %swap3A_450 = vector.shape_cast %mul3A_444 : vector<16xf32> to vector<1x16xf32>
        tpu.vector_store %arg10[%swap3A_446, %swap3A_447], %swap3A_450 {strides = array<i32>} : memref<2x128xf32, #tpu.memory_space<vmem>>, vector<1x16xf32>,
        %get3A_451 = arith.constant 0 : i32
        %get3A_452 = arith.index_cast %get3A_451 : i32 to index
        %get3A_453 = arith.constant 64 : index
        %get3A_454 = tpu.vector_load %arg10[%get3A_452, %get3A_453] {strides = array<i32>} : memref<2x128xf32, #tpu.memory_space<vmem>>, vector<1x16xf32>,
        %get3A_455 = vector.shape_cast %get3A_454 : vector<1x16xf32> to vector<16xf32>
        %mul3A_456 = arith.mulf %get3A_455, %broadcast_in_dim3A : vector<16xf32>
        %swap3A_457 = arith.constant 0 : i32
        %swap3A_458 = arith.index_cast %swap3A_457 : i32 to index
        %swap3A_459 = arith.constant 64 : index
        %swap3A_460 = tpu.vector_load %arg10[%swap3A_458, %swap3A_459] {strides = array<i32>} : memref<2x128xf32, #tpu.memory_space<vmem>>, vector<1x16xf32>,
        %swap3A_461 = vector.shape_cast %swap3A_460 : vector<1x16xf32> to vector<16xf32>
        %swap3A_462 = vector.shape_cast %mul3A_456 : vector<16xf32> to vector<1x16xf32>
        tpu.vector_store %arg10[%swap3A_458, %swap3A_459], %swap3A_462 {strides = array<i32>} : memref<2x128xf32, #tpu.memory_space<vmem>>, vector<1x16xf32>,
        %get3A_463 = arith.constant 0 : i32
        %get3A_464 = arith.index_cast %get3A_463 : i32 to index
        %get3A_465 = arith.constant 80 : index
        %get3A_466 = tpu.vector_load %arg10[%get3A_464, %get3A_465] {strides = array<i32>} : memref<2x128xf32, #tpu.memory_space<vmem>>, vector<1x16xf32>,
        %get3A_467 = vector.shape_cast %get3A_466 : vector<1x16xf32> to vector<16xf32>
        %mul3A_468 = arith.mulf %get3A_467, %broadcast_in_dim3A : vector<16xf32>
        %swap3A_469 = arith.constant 0 : i32
        %swap3A_470 = arith.index_cast %swap3A_469 : i32 to index
        %swap3A_471 = arith.constant 80 : index
        %swap3A_472 = tpu.vector_load %arg10[%swap3A_470, %swap3A_471] {strides = array<i32>} : memref<2x128xf32, #tpu.memory_space<vmem>>, vector<1x16xf32>,
        %swap3A_473 = vector.shape_cast %swap3A_472 : vector<1x16xf32> to vector<16xf32>
        %swap3A_474 = vector.shape_cast %mul3A_468 : vector<16xf32> to vector<1x16xf32>
        tpu.vector_store %arg10[%swap3A_470, %swap3A_471], %swap3A_474 {strides = array<i32>} : memref<2x128xf32, #tpu.memory_space<vmem>>, vector<1x16xf32>,
        %get3A_475 = arith.constant 0 : i32
        %get3A_476 = arith.index_cast %get3A_475 : i32 to index
        %get3A_477 = arith.constant 96 : index
        %get3A_478 = tpu.vector_load %arg10[%get3A_476, %get3A_477] {strides = array<i32>} : memref<2x128xf32, #tpu.memory_space<vmem>>, vector<1x16xf32>,
        %get3A_479 = vector.shape_cast %get3A_478 : vector<1x16xf32> to vector<16xf32>
        %mul3A_480 = arith.mulf %get3A_479, %broadcast_in_dim3A : vector<16xf32>
        %swap3A_481 = arith.constant 0 : i32
        %swap3A_482 = arith.index_cast %swap3A_481 : i32 to index
        %swap3A_483 = arith.constant 96 : index
        %swap3A_484 = tpu.vector_load %arg10[%swap3A_482, %swap3A_483] {strides = array<i32>} : memref<2x128xf32, #tpu.memory_space<vmem>>, vector<1x16xf32>,
        %swap3A_485 = vector.shape_cast %swap3A_484 : vector<1x16xf32> to vector<16xf32>
        %swap3A_486 = vector.shape_cast %mul3A_480 : vector<16xf32> to vector<1x16xf32>
        tpu.vector_store %arg10[%swap3A_482, %swap3A_483], %swap3A_486 {strides = array<i32>} : memref<2x128xf32, #tpu.memory_space<vmem>>, vector<1x16xf32>,
        %get3A_487 = arith.constant 0 : i32
        %get3A_488 = arith.index_cast %get3A_487 : i32 to index
        %get3A_489 = arith.constant 112 : index
        %get3A_490 = tpu.vector_load %arg10[%get3A_488, %get3A_489] {strides = array<i32>} : memref<2x128xf32, #tpu.memory_space<vmem>>, vector<1x16xf32>,
        %get3A_491 = vector.shape_cast %get3A_490 : vector<1x16xf32> to vector<16xf32>
        %mul3A_492 = arith.mulf %get3A_491, %broadcast_in_dim3A : vector<16xf32>
        %swap3A_493 = arith.constant 0 : i32
        %swap3A_494 = arith.index_cast %swap3A_493 : i32 to index
        %swap3A_495 = arith.constant 112 : index
        %swap3A_496 = tpu.vector_load %arg10[%swap3A_494, %swap3A_495] {strides = array<i32>} : memref<2x128xf32, #tpu.memory_space<vmem>>, vector<1x16xf32>,
        %swap3A_497 = vector.shape_cast %swap3A_496 : vector<1x16xf32> to vector<16xf32>
        %swap3A_498 = vector.shape_cast %mul3A_492 : vector<16xf32> to vector<1x16xf32>
        tpu.vector_store %arg10[%swap3A_494, %swap3A_495], %swap3A_498 {strides = array<i32>} : memref<2x128xf32, #tpu.memory_space<vmem>>, vector<1x16xf32>,
        %parallel_loop3A_499 = arith.constant 0 : i32
        %parallel_loop3A_500 = arith.constant 128 : i32
        %parallel_loop3A_501 = arith.constant 1 : i32
        scf.for %parallel_loop3A_519 = %parallel_loop3A_499 to %parallel_loop3A_500 step %parallel_loop3A_501  : i32 {
          %parallel_loop3A_520 = arith.constant 16 : i32
          %parallel_loop3A_521 = arith.divsi %parallel_loop3A_519, %parallel_loop3A_520 : i32
          %parallel_loop3A_522 = arith.constant 0 : i32
          %parallel_loop3A_523 = arith.cmpi sgt, %parallel_loop3A_519, %parallel_loop3A_522 : i32
          %parallel_loop3A_524 = arith.extui %parallel_loop3A_523 : i1 to i32
          %parallel_loop3A_525 = arith.constant 0 : i32
          %parallel_loop3A_526 = arith.cmpi slt, %parallel_loop3A_519, %parallel_loop3A_525 : i32
          %parallel_loop3A_527 = arith.extui %parallel_loop3A_526 : i1 to i32
          %parallel_loop3A_528 = arith.subi %parallel_loop3A_524, %parallel_loop3A_527 : i32
          %parallel_loop3A_529 = arith.constant 0 : i32
          %parallel_loop3A_530 = arith.cmpi sgt, %parallel_loop3A_520, %parallel_loop3A_529 : i32
          %parallel_loop3A_531 = arith.extui %parallel_loop3A_530 : i1 to i32
          %parallel_loop3A_532 = arith.constant 0 : i32
          %parallel_loop3A_533 = arith.cmpi slt, %parallel_loop3A_520, %parallel_loop3A_532 : i32
          %parallel_loop3A_534 = arith.extui %parallel_loop3A_533 : i1 to i32
          %parallel_loop3A_535 = arith.subi %parallel_loop3A_531, %parallel_loop3A_534 : i32
          %parallel_loop3A_536 = arith.cmpi ne, %parallel_loop3A_528, %parallel_loop3A_535 : i32
          %parallel_loop3A_537 = arith.remsi %parallel_loop3A_519, %parallel_loop3A_520 : i32
          %parallel_loop3A_538 = arith.constant 0 : i32
          %parallel_loop3A_539 = arith.cmpi ne, %parallel_loop3A_537, %parallel_loop3A_538 : i32
          %parallel_loop3A_540 = arith.andi %parallel_loop3A_536, %parallel_loop3A_539 : i1
          %parallel_loop3A_541 = arith.constant 1 : i32
          %parallel_loop3A_542 = arith.subi %parallel_loop3A_521, %parallel_loop3A_541 : i32
          %parallel_loop3A_543 = arith.select %parallel_loop3A_540, %parallel_loop3A_542, %parallel_loop3A_521 : i32
          %parallel_loop3A_544 = arith.constant 16 : i32
          %parallel_loop3A_545 = arith.muli %parallel_loop3A_543, %parallel_loop3A_544 : i32
          %parallel_loop3A_546 = arith.constant 0 : i32
          %parallel_loop3A_547 = arith.index_cast %parallel_loop3A_546 : i32 to index
          %parallel_loop3A_548 = arith.index_cast %parallel_loop3A_545 : i32 to index
          %parallel_loop3A_549 = tpu.vector_load %arg10[%parallel_loop3A_547, %parallel_loop3A_548] {strides = array<i32>} : memref<2x128xf32, #tpu.memory_space<vmem>>, vector<1x16xf32>,
          %parallel_loop3A_550 = vector.shape_cast %parallel_loop3A_549 : vector<1x16xf32> to vector<16xf32>
          %parallel_loop3A_551 = arith.constant 0 : i32
          %parallel_loop3A_552 = vector.broadcast %parallel_loop3A_551 : i32 to vector<16xi32>
          %parallel_loop3A_553 = arith.constant 16 : i32
          %parallel_loop3A_554 = arith.constant 0 : i32
          %parallel_loop3A_555 = arith.cmpi eq, %parallel_loop3A_553, %parallel_loop3A_554 : i32
          %parallel_loop3A_556 = arith.constant 1 : i32
          %parallel_loop3A_557 = arith.select %parallel_loop3A_555, %parallel_loop3A_556, %parallel_loop3A_553 : i32
          %parallel_loop3A_558 = arith.remsi %parallel_loop3A_519, %parallel_loop3A_557 : i32
          %parallel_loop3A_559 = arith.constant 0 : i32
          %parallel_loop3A_560 = arith.cmpi ne, %parallel_loop3A_558, %parallel_loop3A_559 : i32
          %parallel_loop3A_561 = arith.constant 0 : i32
          %parallel_loop3A_562 = arith.cmpi slt, %parallel_loop3A_558, %parallel_loop3A_561 : i32
          %parallel_loop3A_563 = arith.constant 0 : i32
          %parallel_loop3A_564 = arith.cmpi slt, %parallel_loop3A_557, %parallel_loop3A_563 : i32
          %parallel_loop3A_565 = arith.xori %parallel_loop3A_562, %parallel_loop3A_564 : i1
          %parallel_loop3A_566 = arith.andi %parallel_loop3A_565, %parallel_loop3A_560 : i1
          %parallel_loop3A_567 = arith.addi %parallel_loop3A_558, %parallel_loop3A_557 : i32
          %parallel_loop3A_568 = arith.select %parallel_loop3A_566, %parallel_loop3A_567, %parallel_loop3A_558 : i32
          %parallel_loop3A_569 = vector.broadcast %parallel_loop3A_568 : i32 to vector<16xi32>
          %parallel_loop3A_570 = arith.addi %parallel_loop3A_552, %parallel_loop3A_569 : vector<16xi32>
          %parallel_loop3A_571 = vector.shape_cast %parallel_loop3A_570 : vector<16xi32> to vector<16x1xi32>
          %parallel_loop3A_572 = vector.shape_cast %parallel_loop3A_571 : vector<16x1xi32> to vector<16xi32>
          %parallel_loop3A_573 = tpu.dynamic_gather %parallel_loop3A_550[%parallel_loop3A_572] in [0] : vector<16xf32>, vector<16xi32> -> vector<16xf32>
          %parallel_loop3A_574 = arith.constant 0 : i32
          %parallel_loop3A_575 = arith.addi %parallel_loop3A_574, %parallel_loop3A_519 : i32
          %parallel_loop3A_576 = arith.constant 2 : i32
          %parallel_loop3A_577 = arith.divsi %parallel_loop3A_519, %parallel_loop3A_576 : i32
          %parallel_loop3A_578 = arith.constant 0 : i32
          %parallel_loop3A_579 = arith.cmpi sgt, %parallel_loop3A_519, %parallel_loop3A_578 : i32
          %parallel_loop3A_580 = arith.extui %parallel_loop3A_579 : i1 to i32
          %parallel_loop3A_581 = arith.constant 0 : i32
          %parallel_loop3A_582 = arith.cmpi slt, %parallel_loop3A_519, %parallel_loop3A_581 : i32
          %parallel_loop3A_583 = arith.extui %parallel_loop3A_582 : i1 to i32
          %parallel_loop3A_584 = arith.subi %parallel_loop3A_580, %parallel_loop3A_583 : i32
          %parallel_loop3A_585 = arith.constant 0 : i32
          %parallel_loop3A_586 = arith.cmpi sgt, %parallel_loop3A_576, %parallel_loop3A_585 : i32
          %parallel_loop3A_587 = arith.extui %parallel_loop3A_586 : i1 to i32
          %parallel_loop3A_588 = arith.constant 0 : i32
          %parallel_loop3A_589 = arith.cmpi slt, %parallel_loop3A_576, %parallel_loop3A_588 : i32
          %parallel_loop3A_590 = arith.extui %parallel_loop3A_589 : i1 to i32
          %parallel_loop3A_591 = arith.subi %parallel_loop3A_587, %parallel_loop3A_590 : i32
          %parallel_loop3A_592 = arith.cmpi ne, %parallel_loop3A_584, %parallel_loop3A_591 : i32
          %parallel_loop3A_593 = arith.remsi %parallel_loop3A_519, %parallel_loop3A_576 : i32
          %parallel_loop3A_594 = arith.constant 0 : i32
          %parallel_loop3A_595 = arith.cmpi ne, %parallel_loop3A_593, %parallel_loop3A_594 : i32
          %parallel_loop3A_596 = arith.andi %parallel_loop3A_592, %parallel_loop3A_595 : i1
          %parallel_loop3A_597 = arith.constant 1 : i32
          %parallel_loop3A_598 = arith.subi %parallel_loop3A_577, %parallel_loop3A_597 : i32
          %parallel_loop3A_599 = arith.select %parallel_loop3A_596, %parallel_loop3A_598, %parallel_loop3A_577 : i32
          %parallel_loop3A_600 = arith.constant 0 : i32
          %parallel_loop3A_601 = arith.addi %parallel_loop3A_600, %parallel_loop3A_599 : i32
          %parallel_loop3A_602 = arith.constant 2 : i32
          %parallel_loop3A_603 = arith.constant 0 : i32
          %parallel_loop3A_604 = arith.cmpi eq, %parallel_loop3A_602, %parallel_loop3A_603 : i32
          %parallel_loop3A_605 = arith.constant 1 : i32
          %parallel_loop3A_606 = arith.select %parallel_loop3A_604, %parallel_loop3A_605, %parallel_loop3A_602 : i32
          %parallel_loop3A_607 = arith.remsi %parallel_loop3A_519, %parallel_loop3A_606 : i32
          %parallel_loop3A_608 = arith.constant 0 : i32
          %parallel_loop3A_609 = arith.cmpi ne, %parallel_loop3A_607, %parallel_loop3A_608 : i32
          %parallel_loop3A_610 = arith.constant 0 : i32
          %parallel_loop3A_611 = arith.cmpi slt, %parallel_loop3A_607, %parallel_loop3A_610 : i32
          %parallel_loop3A_612 = arith.constant 0 : i32
          %parallel_loop3A_613 = arith.cmpi slt, %parallel_loop3A_606, %parallel_loop3A_612 : i32
          %parallel_loop3A_614 = arith.xori %parallel_loop3A_611, %parallel_loop3A_613 : i1
          %parallel_loop3A_615 = arith.andi %parallel_loop3A_614, %parallel_loop3A_609 : i1
          %parallel_loop3A_616 = arith.addi %parallel_loop3A_607, %parallel_loop3A_606 : i32
          %parallel_loop3A_617 = arith.select %parallel_loop3A_615, %parallel_loop3A_616, %parallel_loop3A_607 : i32
          %parallel_loop3A_618 = arith.constant 64 : i32
          %parallel_loop3A_619 = arith.muli %parallel_loop3A_618, %parallel_loop3A_617 : i32
          %parallel_loop3A_620 = arith.constant 0 : i32
          %parallel_loop3A_621 = arith.addi %parallel_loop3A_619, %parallel_loop3A_620 : i32
          %parallel_loop3A_622 = arith.index_cast %parallel_loop3A_601 : i32 to index
          %parallel_loop3A_623 = arith.index_cast %parallel_loop3A_621 : i32 to index
          %parallel_loop3A_624 = tpu.vector_load %arg11[%parallel_loop3A_622, %parallel_loop3A_623] {strides = array<i32>} : memref<128x128xi32, #tpu.memory_space<vmem>>, vector<1x16xi32>,
          %parallel_loop3A_625 = vector.shape_cast %parallel_loop3A_624 : vector<1x16xi32> to vector<16xi32>
          %parallel_loop3A_626 = arith.constant 16 : i32
          %parallel_loop3A_627 = vector.broadcast %parallel_loop3A_626 : i32 to vector<16xi32>
          %parallel_loop3A_628 = arith.shli %parallel_loop3A_625, %parallel_loop3A_627 : vector<16xi32>
          %parallel_loop3A_629 = tpu.bitcast %parallel_loop3A_628 : vector<16xi32> -> vector<16xf32>
          %parallel_loop3A_630 = tpu.bitcast %parallel_loop3A_625 : vector<16xi32> -> vector<16xf32>
          %parallel_loop3A_631 = arith.index_cast %parallel_loop3A_575 : i32 to index
          %parallel_loop3A_632 = arith.constant 0 : index
          %parallel_loop3A_633 = tpu.vector_load %arg12[%parallel_loop3A_631, %parallel_loop3A_632] {strides = array<i32>} : memref<256x128xf32, #tpu.memory_space<vmem>>, vector<1x16xf32>,
          %parallel_loop3A_634 = vector.shape_cast %parallel_loop3A_633 : vector<1x16xf32> to vector<16xf32>
          %parallel_loop3A_635 = arith.addf %parallel_loop3A_634, %parallel_loop3A_629 : vector<16xf32>
          %parallel_loop3A_636 = arith.constant -1.702000e+00 : f32
          %parallel_loop3A_637 = vector.broadcast %parallel_loop3A_636 : f32 to vector<16xf32>
          %parallel_loop3A_638 = arith.mulf %parallel_loop3A_635, %parallel_loop3A_637 : vector<16xf32>
          %parallel_loop3A_639 = arith.mulf %parallel_loop3A_635, %parallel_loop3A_573 : vector<16xf32>
          %parallel_loop3A_640 = math.exp %parallel_loop3A_638 : vector<16xf32>
          %parallel_loop3A_641 = arith.constant 1.000000e+00 : f32
          %parallel_loop3A_642 = vector.broadcast %parallel_loop3A_641 : f32 to vector<16xf32>
          %parallel_loop3A_643 = arith.addf %parallel_loop3A_642, %parallel_loop3A_640 : vector<16xf32>
          %parallel_loop3A_644 = arith.divf %parallel_loop3A_639, %parallel_loop3A_643 : vector<16xf32>
          %parallel_loop3A_645 = arith.index_cast %parallel_loop3A_575 : i32 to index
          %parallel_loop3A_646 = arith.constant 0 : index
          %parallel_loop3A_647 = tpu.vector_load %arg12[%parallel_loop3A_645, %parallel_loop3A_646] {strides = array<i32>} : memref<256x128xf32, #tpu.memory_space<vmem>>, vector<1x16xf32>,
          %parallel_loop3A_648 = vector.shape_cast %parallel_loop3A_647 : vector<1x16xf32> to vector<16xf32>
          %parallel_loop3A_649 = vector.shape_cast %parallel_loop3A_644 : vector<16xf32> to vector<1x16xf32>
          tpu.vector_store %arg12[%parallel_loop3A_645, %parallel_loop3A_646], %parallel_loop3A_649 {strides = array<i32>} : memref<256x128xf32, #tpu.memory_space<vmem>>, vector<1x16xf32>,
          %parallel_loop3A_650 = arith.index_cast %parallel_loop3A_575 : i32 to index
          %parallel_loop3A_651 = arith.constant 16 : index
          %parallel_loop3A_652 = tpu.vector_load %arg12[%parallel_loop3A_650, %parallel_loop3A_651] {strides = array<i32>} : memref<256x128xf32, #tpu.memory_space<vmem>>, vector<1x16xf32>,
          %parallel_loop3A_653 = vector.shape_cast %parallel_loop3A_652 : vector<1x16xf32> to vector<16xf32>
          %parallel_loop3A_654 = arith.addf %parallel_loop3A_653, %parallel_loop3A_630 : vector<16xf32>
          %parallel_loop3A_655 = arith.constant -1.702000e+00 : f32
          %parallel_loop3A_656 = vector.broadcast %parallel_loop3A_655 : f32 to vector<16xf32>
          %parallel_loop3A_657 = arith.mulf %parallel_loop3A_654, %parallel_loop3A_656 : vector<16xf32>
          %parallel_loop3A_658 = arith.mulf %parallel_loop3A_654, %parallel_loop3A_573 : vector<16xf32>
          %parallel_loop3A_659 = math.exp %parallel_loop3A_657 : vector<16xf32>
          %parallel_loop3A_660 = arith.constant 1.000000e+00 : f32
          %parallel_loop3A_661 = vector.broadcast %parallel_loop3A_660 : f32 to vector<16xf32>
          %parallel_loop3A_662 = arith.addf %parallel_loop3A_661, %parallel_loop3A_659 : vector<16xf32>
          %parallel_loop3A_663 = arith.divf %parallel_loop3A_658, %parallel_loop3A_662 : vector<16xf32>
          %parallel_loop3A_664 = arith.index_cast %parallel_loop3A_575 : i32 to index
          %parallel_loop3A_665 = arith.constant 16 : index
          %parallel_loop3A_666 = tpu.vector_load %arg12[%parallel_loop3A_664, %parallel_loop3A_665] {strides = array<i32>} : memref<256x128xf32, #tpu.memory_space<vmem>>, vector<1x16xf32>,
          %parallel_loop3A_667 = vector.shape_cast %parallel_loop3A_666 : vector<1x16xf32> to vector<16xf32>
          %parallel_loop3A_668 = vector.shape_cast %parallel_loop3A_663 : vector<16xf32> to vector<1x16xf32>
          tpu.vector_store %arg12[%parallel_loop3A_664, %parallel_loop3A_665], %parallel_loop3A_668 {strides = array<i32>} : memref<256x128xf32, #tpu.memory_space<vmem>>, vector<1x16xf32>,
          %parallel_loop3A_669 = arith.constant 16 : i32
          %parallel_loop3A_670 = arith.addi %parallel_loop3A_619, %parallel_loop3A_669 : i32
          %parallel_loop3A_671 = arith.index_cast %parallel_loop3A_601 : i32 to index
          %parallel_loop3A_672 = arith.index_cast %parallel_loop3A_670 : i32 to index
          %parallel_loop3A_673 = tpu.vector_load %arg11[%parallel_loop3A_671, %parallel_loop3A_672] {strides = array<i32>} : memref<128x128xi32, #tpu.memory_space<vmem>>, vector<1x16xi32>,
          %parallel_loop3A_674 = vector.shape_cast %parallel_loop3A_673 : vector<1x16xi32> to vector<16xi32>
          %parallel_loop3A_675 = arith.constant 16 : i32
          %parallel_loop3A_676 = vector.broadcast %parallel_loop3A_675 : i32 to vector<16xi32>
          %parallel_loop3A_677 = arith.shli %parallel_loop3A_674, %parallel_loop3A_676 : vector<16xi32>
          %parallel_loop3A_678 = tpu.bitcast %parallel_loop3A_677 : vector<16xi32> -> vector<16xf32>
          %parallel_loop3A_679 = tpu.bitcast %parallel_loop3A_674 : vector<16xi32> -> vector<16xf32>
          %parallel_loop3A_680 = arith.index_cast %parallel_loop3A_575 : i32 to index
          %parallel_loop3A_681 = arith.constant 32 : index
          %parallel_loop3A_682 = tpu.vector_load %arg12[%parallel_loop3A_680, %parallel_loop3A_681] {strides = array<i32>} : memref<256x128xf32, #tpu.memory_space<vmem>>, vector<1x16xf32>,
          %parallel_loop3A_683 = vector.shape_cast %parallel_loop3A_682 : vector<1x16xf32> to vector<16xf32>
          %parallel_loop3A_684 = arith.addf %parallel_loop3A_683, %parallel_loop3A_678 : vector<16xf32>
          %parallel_loop3A_685 = arith.constant -1.702000e+00 : f32
          %parallel_loop3A_686 = vector.broadcast %parallel_loop3A_685 : f32 to vector<16xf32>
          %parallel_loop3A_687 = arith.mulf %parallel_loop3A_684, %parallel_loop3A_686 : vector<16xf32>
          %parallel_loop3A_688 = arith.mulf %parallel_loop3A_684, %parallel_loop3A_573 : vector<16xf32>
          %parallel_loop3A_689 = math.exp %parallel_loop3A_687 : vector<16xf32>
          %parallel_loop3A_690 = arith.constant 1.000000e+00 : f32
          %parallel_loop3A_691 = vector.broadcast %parallel_loop3A_690 : f32 to vector<16xf32>
          %parallel_loop3A_692 = arith.addf %parallel_loop3A_691, %parallel_loop3A_689 : vector<16xf32>
          %parallel_loop3A_693 = arith.divf %parallel_loop3A_688, %parallel_loop3A_692 : vector<16xf32>
          %parallel_loop3A_694 = arith.index_cast %parallel_loop3A_575 : i32 to index
          %parallel_loop3A_695 = arith.constant 32 : index
          %parallel_loop3A_696 = tpu.vector_load %arg12[%parallel_loop3A_694, %parallel_loop3A_695] {strides = array<i32>} : memref<256x128xf32, #tpu.memory_space<vmem>>, vector<1x16xf32>,
          %parallel_loop3A_697 = vector.shape_cast %parallel_loop3A_696 : vector<1x16xf32> to vector<16xf32>
          %parallel_loop3A_698 = vector.shape_cast %parallel_loop3A_693 : vector<16xf32> to vector<1x16xf32>
          tpu.vector_store %arg12[%parallel_loop3A_694, %parallel_loop3A_695], %parallel_loop3A_698 {strides = array<i32>} : memref<256x128xf32, #tpu.memory_space<vmem>>, vector<1x16xf32>,
          %parallel_loop3A_699 = arith.index_cast %parallel_loop3A_575 : i32 to index
          %parallel_loop3A_700 = arith.constant 48 : index
          %parallel_loop3A_701 = tpu.vector_load %arg12[%parallel_loop3A_699, %parallel_loop3A_700] {strides = array<i32>} : memref<256x128xf32, #tpu.memory_space<vmem>>, vector<1x16xf32>,
          %parallel_loop3A_702 = vector.shape_cast %parallel_loop3A_701 : vector<1x16xf32> to vector<16xf32>
          %parallel_loop3A_703 = arith.addf %parallel_loop3A_702, %parallel_loop3A_679 : vector<16xf32>
          %parallel_loop3A_704 = arith.constant -1.702000e+00 : f32
          %parallel_loop3A_705 = vector.broadcast %parallel_loop3A_704 : f32 to vector<16xf32>
          %parallel_loop3A_706 = arith.mulf %parallel_loop3A_703, %parallel_loop3A_705 : vector<16xf32>
          %parallel_loop3A_707 = arith.mulf %parallel_loop3A_703, %parallel_loop3A_573 : vector<16xf32>
          %parallel_loop3A_708 = math.exp %parallel_loop3A_706 : vector<16xf32>
          %parallel_loop3A_709 = arith.constant 1.000000e+00 : f32
          %parallel_loop3A_710 = vector.broadcast %parallel_loop3A_709 : f32 to vector<16xf32>
          %parallel_loop3A_711 = arith.addf %parallel_loop3A_710, %parallel_loop3A_708 : vector<16xf32>
          %parallel_loop3A_712 = arith.divf %parallel_loop3A_707, %parallel_loop3A_711 : vector<16xf32>
          %parallel_loop3A_713 = arith.index_cast %parallel_loop3A_575 : i32 to index
          %parallel_loop3A_714 = arith.constant 48 : index
          %parallel_loop3A_715 = tpu.vector_load %arg12[%parallel_loop3A_713, %parallel_loop3A_714] {strides = array<i32>} : memref<256x128xf32, #tpu.memory_space<vmem>>, vector<1x16xf32>,
          %parallel_loop3A_716 = vector.shape_cast %parallel_loop3A_715 : vector<1x16xf32> to vector<16xf32>
          %parallel_loop3A_717 = vector.shape_cast %parallel_loop3A_712 : vector<16xf32> to vector<1x16xf32>
          tpu.vector_store %arg12[%parallel_loop3A_713, %parallel_loop3A_714], %parallel_loop3A_717 {strides = array<i32>} : memref<256x128xf32, #tpu.memory_space<vmem>>, vector<1x16xf32>,
          %parallel_loop3A_718 = arith.constant 32 : i32
          %parallel_loop3A_719 = arith.addi %parallel_loop3A_619, %parallel_loop3A_718 : i32
          %parallel_loop3A_720 = arith.index_cast %parallel_loop3A_601 : i32 to index
          %parallel_loop3A_721 = arith.index_cast %parallel_loop3A_719 : i32 to index
          %parallel_loop3A_722 = tpu.vector_load %arg11[%parallel_loop3A_720, %parallel_loop3A_721] {strides = array<i32>} : memref<128x128xi32, #tpu.memory_space<vmem>>, vector<1x16xi32>,
          %parallel_loop3A_723 = vector.shape_cast %parallel_loop3A_722 : vector<1x16xi32> to vector<16xi32>
          %parallel_loop3A_724 = arith.constant 16 : i32
          %parallel_loop3A_725 = vector.broadcast %parallel_loop3A_724 : i32 to vector<16xi32>
          %parallel_loop3A_726 = arith.shli %parallel_loop3A_723, %parallel_loop3A_725 : vector<16xi32>
          %parallel_loop3A_727 = tpu.bitcast %parallel_loop3A_726 : vector<16xi32> -> vector<16xf32>
          %parallel_loop3A_728 = tpu.bitcast %parallel_loop3A_723 : vector<16xi32> -> vector<16xf32>
          %parallel_loop3A_729 = arith.index_cast %parallel_loop3A_575 : i32 to index
          %parallel_loop3A_730 = arith.constant 64 : index
          %parallel_loop3A_731 = tpu.vector_load %arg12[%parallel_loop3A_729, %parallel_loop3A_730] {strides = array<i32>} : memref<256x128xf32, #tpu.memory_space<vmem>>, vector<1x16xf32>,
          %parallel_loop3A_732 = vector.shape_cast %parallel_loop3A_731 : vector<1x16xf32> to vector<16xf32>
          %parallel_loop3A_733 = arith.addf %parallel_loop3A_732, %parallel_loop3A_727 : vector<16xf32>
          %parallel_loop3A_734 = arith.constant -1.702000e+00 : f32
          %parallel_loop3A_735 = vector.broadcast %parallel_loop3A_734 : f32 to vector<16xf32>
          %parallel_loop3A_736 = arith.mulf %parallel_loop3A_733, %parallel_loop3A_735 : vector<16xf32>
          %parallel_loop3A_737 = arith.mulf %parallel_loop3A_733, %parallel_loop3A_573 : vector<16xf32>
          %parallel_loop3A_738 = math.exp %parallel_loop3A_736 : vector<16xf32>
          %parallel_loop3A_739 = arith.constant 1.000000e+00 : f32
          %parallel_loop3A_740 = vector.broadcast %parallel_loop3A_739 : f32 to vector<16xf32>
          %parallel_loop3A_741 = arith.addf %parallel_loop3A_740, %parallel_loop3A_738 : vector<16xf32>
          %parallel_loop3A_742 = arith.divf %parallel_loop3A_737, %parallel_loop3A_741 : vector<16xf32>
          %parallel_loop3A_743 = arith.index_cast %parallel_loop3A_575 : i32 to index
          %parallel_loop3A_744 = arith.constant 64 : index
          %parallel_loop3A_745 = tpu.vector_load %arg12[%parallel_loop3A_743, %parallel_loop3A_744] {strides = array<i32>} : memref<256x128xf32, #tpu.memory_space<vmem>>, vector<1x16xf32>,
          %parallel_loop3A_746 = vector.shape_cast %parallel_loop3A_745 : vector<1x16xf32> to vector<16xf32>
          %parallel_loop3A_747 = vector.shape_cast %parallel_loop3A_742 : vector<16xf32> to vector<1x16xf32>
          tpu.vector_store %arg12[%parallel_loop3A_743, %parallel_loop3A_744], %parallel_loop3A_747 {strides = array<i32>} : memref<256x128xf32, #tpu.memory_space<vmem>>, vector<1x16xf32>,
          %parallel_loop3A_748 = arith.index_cast %parallel_loop3A_575 : i32 to index
          %parallel_loop3A_749 = arith.constant 80 : index
          %parallel_loop3A_750 = tpu.vector_load %arg12[%parallel_loop3A_748, %parallel_loop3A_749] {strides = array<i32>} : memref<256x128xf32, #tpu.memory_space<vmem>>, vector<1x16xf32>,
          %parallel_loop3A_751 = vector.shape_cast %parallel_loop3A_750 : vector<1x16xf32> to vector<16xf32>
          %parallel_loop3A_752 = arith.addf %parallel_loop3A_751, %parallel_loop3A_728 : vector<16xf32>
          %parallel_loop3A_753 = arith.constant -1.702000e+00 : f32
          %parallel_loop3A_754 = vector.broadcast %parallel_loop3A_753 : f32 to vector<16xf32>
          %parallel_loop3A_755 = arith.mulf %parallel_loop3A_752, %parallel_loop3A_754 : vector<16xf32>
          %parallel_loop3A_756 = arith.mulf %parallel_loop3A_752, %parallel_loop3A_573 : vector<16xf32>
          %parallel_loop3A_757 = math.exp %parallel_loop3A_755 : vector<16xf32>
          %parallel_loop3A_758 = arith.constant 1.000000e+00 : f32
          %parallel_loop3A_759 = vector.broadcast %parallel_loop3A_758 : f32 to vector<16xf32>
          %parallel_loop3A_760 = arith.addf %parallel_loop3A_759, %parallel_loop3A_757 : vector<16xf32>
          %parallel_loop3A_761 = arith.divf %parallel_loop3A_756, %parallel_loop3A_760 : vector<16xf32>
          %parallel_loop3A_762 = arith.index_cast %parallel_loop3A_575 : i32 to index
          %parallel_loop3A_763 = arith.constant 80 : index
          %parallel_loop3A_764 = tpu.vector_load %arg12[%parallel_loop3A_762, %parallel_loop3A_763] {strides = array<i32>} : memref<256x128xf32, #tpu.memory_space<vmem>>, vector<1x16xf32>,
          %parallel_loop3A_765 = vector.shape_cast %parallel_loop3A_764 : vector<1x16xf32> to vector<16xf32>
          %parallel_loop3A_766 = vector.shape_cast %parallel_loop3A_761 : vector<16xf32> to vector<1x16xf32>
          tpu.vector_store %arg12[%parallel_loop3A_762, %parallel_loop3A_763], %parallel_loop3A_766 {strides = array<i32>} : memref<256x128xf32, #tpu.memory_space<vmem>>, vector<1x16xf32>,
          %parallel_loop3A_767 = arith.constant 48 : i32
          %parallel_loop3A_768 = arith.addi %parallel_loop3A_619, %parallel_loop3A_767 : i32
          %parallel_loop3A_769 = arith.index_cast %parallel_loop3A_601 : i32 to index
          %parallel_loop3A_770 = arith.index_cast %parallel_loop3A_768 : i32 to index
          %parallel_loop3A_771 = tpu.vector_load %arg11[%parallel_loop3A_769, %parallel_loop3A_770] {strides = array<i32>} : memref<128x128xi32, #tpu.memory_space<vmem>>, vector<1x16xi32>,
          %parallel_loop3A_772 = vector.shape_cast %parallel_loop3A_771 : vector<1x16xi32> to vector<16xi32>
          %parallel_loop3A_773 = arith.constant 16 : i32
          %parallel_loop3A_774 = vector.broadcast %parallel_loop3A_773 : i32 to vector<16xi32>
          %parallel_loop3A_775 = arith.shli %parallel_loop3A_772, %parallel_loop3A_774 : vector<16xi32>
          %parallel_loop3A_776 = tpu.bitcast %parallel_loop3A_775 : vector<16xi32> -> vector<16xf32>
          %parallel_loop3A_777 = tpu.bitcast %parallel_loop3A_772 : vector<16xi32> -> vector<16xf32>
          %parallel_loop3A_778 = arith.index_cast %parallel_loop3A_575 : i32 to index
          %parallel_loop3A_779 = arith.constant 96 : index
          %parallel_loop3A_780 = tpu.vector_load %arg12[%parallel_loop3A_778, %parallel_loop3A_779] {strides = array<i32>} : memref<256x128xf32, #tpu.memory_space<vmem>>, vector<1x16xf32>,
          %parallel_loop3A_781 = vector.shape_cast %parallel_loop3A_780 : vector<1x16xf32> to vector<16xf32>
          %parallel_loop3A_782 = arith.addf %parallel_loop3A_781, %parallel_loop3A_776 : vector<16xf32>
          %parallel_loop3A_783 = arith.constant -1.702000e+00 : f32
          %parallel_loop3A_784 = vector.broadcast %parallel_loop3A_783 : f32 to vector<16xf32>
          %parallel_loop3A_785 = arith.mulf %parallel_loop3A_782, %parallel_loop3A_784 : vector<16xf32>
          %parallel_loop3A_786 = arith.mulf %parallel_loop3A_782, %parallel_loop3A_573 : vector<16xf32>
          %parallel_loop3A_787 = math.exp %parallel_loop3A_785 : vector<16xf32>
          %parallel_loop3A_788 = arith.constant 1.000000e+00 : f32
          %parallel_loop3A_789 = vector.broadcast %parallel_loop3A_788 : f32 to vector<16xf32>
          %parallel_loop3A_790 = arith.addf %parallel_loop3A_789, %parallel_loop3A_787 : vector<16xf32>
          %parallel_loop3A_791 = arith.divf %parallel_loop3A_786, %parallel_loop3A_790 : vector<16xf32>
          %parallel_loop3A_792 = arith.index_cast %parallel_loop3A_575 : i32 to index
          %parallel_loop3A_793 = arith.constant 96 : index
          %parallel_loop3A_794 = tpu.vector_load %arg12[%parallel_loop3A_792, %parallel_loop3A_793] {strides = array<i32>} : memref<256x128xf32, #tpu.memory_space<vmem>>, vector<1x16xf32>,
          %parallel_loop3A_795 = vector.shape_cast %parallel_loop3A_794 : vector<1x16xf32> to vector<16xf32>
          %parallel_loop3A_796 = vector.shape_cast %parallel_loop3A_791 : vector<16xf32> to vector<1x16xf32>
          tpu.vector_store %arg12[%parallel_loop3A_792, %parallel_loop3A_793], %parallel_loop3A_796 {strides = array<i32>} : memref<256x128xf32, #tpu.memory_space<vmem>>, vector<1x16xf32>,
          %parallel_loop3A_797 = arith.index_cast %parallel_loop3A_575 : i32 to index
          %parallel_loop3A_798 = arith.constant 112 : index
          %parallel_loop3A_799 = tpu.vector_load %arg12[%parallel_loop3A_797, %parallel_loop3A_798] {strides = array<i32>} : memref<256x128xf32, #tpu.memory_space<vmem>>, vector<1x16xf32>,
          %parallel_loop3A_800 = vector.shape_cast %parallel_loop3A_799 : vector<1x16xf32> to vector<16xf32>
          %parallel_loop3A_801 = arith.addf %parallel_loop3A_800, %parallel_loop3A_777 : vector<16xf32>
          %parallel_loop3A_802 = arith.constant -1.702000e+00 : f32
          %parallel_loop3A_803 = vector.broadcast %parallel_loop3A_802 : f32 to vector<16xf32>
          %parallel_loop3A_804 = arith.mulf %parallel_loop3A_801, %parallel_loop3A_803 : vector<16xf32>
          %parallel_loop3A_805 = arith.mulf %parallel_loop3A_801, %parallel_loop3A_573 : vector<16xf32>
          %parallel_loop3A_806 = math.exp %parallel_loop3A_804 : vector<16xf32>
          %parallel_loop3A_807 = arith.constant 1.000000e+00 : f32
          %parallel_loop3A_808 = vector.broadcast %parallel_loop3A_807 : f32 to vector<16xf32>
          %parallel_loop3A_809 = arith.addf %parallel_loop3A_808, %parallel_loop3A_806 : vector<16xf32>
          %parallel_loop3A_810 = arith.divf %parallel_loop3A_805, %parallel_loop3A_809 : vector<16xf32>
          %parallel_loop3A_811 = arith.index_cast %parallel_loop3A_575 : i32 to index
          %parallel_loop3A_812 = arith.constant 112 : index
          %parallel_loop3A_813 = tpu.vector_load %arg12[%parallel_loop3A_811, %parallel_loop3A_812] {strides = array<i32>} : memref<256x128xf32, #tpu.memory_space<vmem>>, vector<1x16xf32>,
          %parallel_loop3A_814 = vector.shape_cast %parallel_loop3A_813 : vector<1x16xf32> to vector<16xf32>
          %parallel_loop3A_815 = vector.shape_cast %parallel_loop3A_810 : vector<16xf32> to vector<1x16xf32>
          tpu.vector_store %arg12[%parallel_loop3A_811, %parallel_loop3A_812], %parallel_loop3A_815 {strides = array<i32>} : memref<256x128xf32, #tpu.memory_space<vmem>>, vector<1x16xf32>,
        } {sc.loop_unroll_factor = 1 : i64, sc.parallel_access}
        %dma_start3A_502 = arith.constant 2 : i32
        %dma_start3A_503 = arith.constant 0 : i32
        %dma_start3A_504 = arith.constant 0 : i32
        %dma_start3A_505 = tpu.memref_slice %arg12[%dma_start3A_503, %dma_start3A_504] : memref<256x128xf32, #tpu.memory_space<vmem>> -> memref<128x128xf32, #tpu.memory_space<vmem>>
        %dma_start3A_506 = arith.constant 0 : i32
        %dma_start3A_507 = tpu.memref_slice %arg9[%dma_start3A_502, %dma_start3A_506] : memref<4x128xi32, #tpu.memory_space<vmem>> -> memref<1x128xi32, #tpu.memory_space<vmem>>
        %dma_start3A_508 = tpu.memref_squeeze %dma_start3A_507 : memref<1x128xi32, #tpu.memory_space<vmem>> -> memref<128xi32, #tpu.memory_space<vmem>>
        %dma_start3A_509 = arith.constant 0 : i32
        %dma_start3A_510 = arith.constant 0 : i32
        %dma_start3A_511 = tpu.memref_slice %arg13[%dma_start3A_509, %dma_start3A_510] : memref<10000x128xf32, #tpu.memory_space<vmem_shared>> -> memref<10000x128xf32, #tpu.memory_space<vmem_shared>>
        tpu.enqueue_indirect_dma source(%dma_start3A_505 : memref<128x128xf32, #tpu.memory_space<vmem>>) target(%dma_start3A_511 : memref<10000x128xf32, #tpu.memory_space<vmem_shared>>) offsets(%dma_start3A_508 : memref<128xi32, #tpu.memory_space<vmem>>) semaphore(%arg22 : memref<!tpu.dma_semaphore, #tpu.memory_space<semaphore_mem>>) {add = true}
        %add3A_512 = arith.constant 2 : i32
        %add3A_513 = arith.addi %add3A_333, %add3A_512 : i32
        %lt3A_514 = arith.constant 79 : i32
        %lt3A_515 = arith.cmpi slt, %add3A_513, %lt3A_514 : i32
        %convert_element_type3A_516 = arith.extui %lt3A_515 : i1 to i32
        %cond3A_517 = arith.constant 0 : i32
        %cond3A_518 = arith.cmpi ne, %convert_element_type3A_516, %cond3A_517 : i32
        scf.if %cond3A_518 {
          %add3A_519 = arith.constant 2 : i32
          %add3A_520 = arith.addi %add3A_333, %add3A_519 : i32
          %mul3A_521 = arith.constant 32 : i32
          %mul3A_522 = arith.muli %add3A_520, %mul3A_521 : i32
          %add3A_523 = arith.addi %mul3A_522, %add3A : i32
          %min3A_524 = arith.constant 2499 : i32
          %min3A_525 = arith.minsi %add3A_523, %min3A_524 : i32
          %mul3A_526 = arith.constant 64 : i32
          %mul3A_527 = arith.muli %min3A_525, %mul3A_526 : i32
          %dma_start3A_528 = arith.constant 0 : i32
          %dma_start3A_529 = arith.constant 0 : i32
          %dma_start3A_530 = tpu.memref_slice %arg11[%dma_start3A_528, %dma_start3A_529] : memref<128x128xi32, #tpu.memory_space<vmem>> -> memref<64x128xi32, #tpu.memory_space<vmem>>
          %dma_start3A_531 = arith.constant 0 : i32
          %dma_start3A_532 = tpu.memref_slice %arg3[%mul3A_527, %dma_start3A_531] : memref<160000x128xi32, #tpu.memory_space<hbm>> -> memref<64x128xi32, #tpu.memory_space<hbm>>
          %dma_start3A_533 = arith.constant 0 : i32
          %dma_start3A_534 = arith.constant 0 : i32
          %dma_start3A_535 = tpu.memref_slice %arg11[%dma_start3A_533, %dma_start3A_534] : memref<128x128xi32, #tpu.memory_space<vmem>> -> memref<64x128xi32, #tpu.memory_space<vmem>>
          %dma_start3A_536 = arith.constant 0 : i32
          %dma_start3A_537 = tpu.memref_slice %arg3[%mul3A_527, %dma_start3A_536] : memref<160000x128xi32, #tpu.memory_space<hbm>> -> memref<64x128xi32, #tpu.memory_space<hbm>>
          tpu.enqueue_dma source(%dma_start3A_537 : memref<64x128xi32, #tpu.memory_space<hbm>>) target(%dma_start3A_535 : memref<64x128xi32, #tpu.memory_space<vmem>>) target_semaphore(%arg18 : memref<!tpu.dma_semaphore, #tpu.memory_space<semaphore_mem>>)
          %dma_start3A_538 = arith.constant 0 : i32
          %dma_start3A_539 = arith.constant 0 : i32
          %dma_start3A_540 = tpu.memref_slice %arg10[%dma_start3A_538, %dma_start3A_539] : memref<2x128xf32, #tpu.memory_space<vmem>> -> memref<1x128xf32, #tpu.memory_space<vmem>>
          %dma_start3A_541 = arith.constant 0 : i32
          %dma_start3A_542 = tpu.memref_slice %arg6[%min3A_525, %dma_start3A_541] : memref<2500x128xf32, #tpu.memory_space<hbm>> -> memref<1x128xf32, #tpu.memory_space<hbm>>
          %dma_start3A_543 = arith.constant 0 : i32
          %dma_start3A_544 = arith.constant 0 : i32
          %dma_start3A_545 = tpu.memref_slice %arg10[%dma_start3A_543, %dma_start3A_544] : memref<2x128xf32, #tpu.memory_space<vmem>> -> memref<1x128xf32, #tpu.memory_space<vmem>>
          %dma_start3A_546 = arith.constant 0 : i32
          %dma_start3A_547 = tpu.memref_slice %arg6[%min3A_525, %dma_start3A_546] : memref<2500x128xf32, #tpu.memory_space<hbm>> -> memref<1x128xf32, #tpu.memory_space<hbm>>
          tpu.enqueue_dma source(%dma_start3A_547 : memref<1x128xf32, #tpu.memory_space<hbm>>) target(%dma_start3A_545 : memref<1x128xf32, #tpu.memory_space<vmem>>) target_semaphore(%arg18 : memref<!tpu.dma_semaphore, #tpu.memory_space<semaphore_mem>>)
        } else {
        }
      } else {
      }
      %mul3A_339 = arith.constant 4 : i32
      %mul3A_340 = arith.muli %scan3A_311, %mul3A_339 : i32
      %add3A_341 = arith.constant 3 : i32
      %add3A_342 = arith.addi %mul3A_340, %add3A_341 : i32
      %lt3A_343 = arith.constant 79 : i32
      %lt3A_344 = arith.cmpi slt, %add3A_342, %lt3A_343 : i32
      %convert_element_type3A_345 = arith.extui %lt3A_344 : i1 to i32
      %cond3A_346 = arith.constant 0 : i32
      %cond3A_347 = arith.cmpi ne, %convert_element_type3A_345, %cond3A_346 : i32
      scf.if %cond3A_347 {
        %add3A_349 = arith.constant 1 : i32
        %add3A_350 = arith.addi %add3A_342, %add3A_349 : i32
        %lt3A_351 = arith.constant 79 : i32
        %lt3A_352 = arith.cmpi slt, %add3A_350, %lt3A_351 : i32
        %convert_element_type3A_353 = arith.extui %lt3A_352 : i1 to i32
        %cond3A_354 = arith.constant 0 : i32
        %cond3A_355 = arith.cmpi ne, %convert_element_type3A_353, %cond3A_354 : i32
        scf.if %cond3A_355 {
          %dma_wait3A_519 = arith.constant 0 : i32
          %dma_wait3A_520 = arith.constant 0 : i32
          %dma_wait3A_521 = tpu.memref_slice %arg8[%dma_wait3A_519, %dma_wait3A_520] : memref<4x128xi32, #tpu.memory_space<vmem>> -> memref<1x128xi32, #tpu.memory_space<vmem>>
          %dma_wait3A_522 = arith.constant 0 : i32
          %dma_wait3A_523 = arith.constant 0 : i32
          %dma_wait3A_524 = tpu.memref_slice %arg4[%dma_wait3A_522, %dma_wait3A_523] : memref<2500x128xi32, #tpu.memory_space<hbm>> -> memref<1x128xi32, #tpu.memory_space<hbm>>
          %dma_wait3A_525 = arith.constant 0 : i32
          %dma_wait3A_526 = arith.constant 0 : i32
          %dma_wait3A_527 = tpu.memref_slice %arg8[%dma_wait3A_525, %dma_wait3A_526] : memref<4x128xi32, #tpu.memory_space<vmem>> -> memref<1x128xi32, #tpu.memory_space<vmem>>
          %dma_wait3A_528 = arith.constant 0 : i32
          %dma_wait3A_529 = arith.constant 0 : i32
          %dma_wait3A_530 = tpu.memref_slice %arg4[%dma_wait3A_528, %dma_wait3A_529] : memref<2500x128xi32, #tpu.memory_space<hbm>> -> memref<1x128xi32, #tpu.memory_space<hbm>>
          tpu.wait_dma2 semaphore(%arg14 : memref<!tpu.dma_semaphore, #tpu.memory_space<semaphore_mem>>) src(%dma_wait3A_530 : memref<1x128xi32, #tpu.memory_space<hbm>>) dst(%dma_wait3A_527 : memref<1x128xi32, #tpu.memory_space<vmem>>)
          %dma_wait3A_531 = arith.constant 0 : i32
          %dma_wait3A_532 = arith.constant 0 : i32
          %dma_wait3A_533 = tpu.memref_slice %arg9[%dma_wait3A_531, %dma_wait3A_532] : memref<4x128xi32, #tpu.memory_space<vmem>> -> memref<1x128xi32, #tpu.memory_space<vmem>>
          %dma_wait3A_534 = arith.constant 0 : i32
          %dma_wait3A_535 = arith.constant 0 : i32
          %dma_wait3A_536 = tpu.memref_slice %arg5[%dma_wait3A_534, %dma_wait3A_535] : memref<2500x128xi32, #tpu.memory_space<hbm>> -> memref<1x128xi32, #tpu.memory_space<hbm>>
          %dma_wait3A_537 = arith.constant 0 : i32
          %dma_wait3A_538 = arith.constant 0 : i32
          %dma_wait3A_539 = tpu.memref_slice %arg9[%dma_wait3A_537, %dma_wait3A_538] : memref<4x128xi32, #tpu.memory_space<vmem>> -> memref<1x128xi32, #tpu.memory_space<vmem>>
          %dma_wait3A_540 = arith.constant 0 : i32
          %dma_wait3A_541 = arith.constant 0 : i32
          %dma_wait3A_542 = tpu.memref_slice %arg5[%dma_wait3A_540, %dma_wait3A_541] : memref<2500x128xi32, #tpu.memory_space<hbm>> -> memref<1x128xi32, #tpu.memory_space<hbm>>
          tpu.wait_dma2 semaphore(%arg14 : memref<!tpu.dma_semaphore, #tpu.memory_space<semaphore_mem>>) src(%dma_wait3A_542 : memref<1x128xi32, #tpu.memory_space<hbm>>) dst(%dma_wait3A_539 : memref<1x128xi32, #tpu.memory_space<vmem>>)
          %ge3A = arith.constant 1 : i32
          %ge3A_543 = arith.cmpi sge, %add3A_342, %ge3A : i32
          %convert_element_type3A_544 = arith.extui %ge3A_543 : i1 to i32
          %cond3A_545 = arith.constant 0 : i32
          %cond3A_546 = arith.cmpi ne, %convert_element_type3A_544, %cond3A_545 : i32
          scf.if %cond3A_546 {
            %dma_wait3A_557 = arith.constant 0 : i32
            %dma_wait3A_558 = arith.constant 0 : i32
            %dma_wait3A_559 = tpu.memref_slice %arg12[%dma_wait3A_557, %dma_wait3A_558] : memref<256x128xf32, #tpu.memory_space<vmem>> -> memref<128x128xf32, #tpu.memory_space<vmem>>
            %dma_wait3A_560 = arith.constant 0 : i32
            %dma_wait3A_561 = arith.constant 0 : i32
            %dma_wait3A_562 = tpu.memref_slice %arg13[%dma_wait3A_560, %dma_wait3A_561] : memref<10000x128xf32, #tpu.memory_space<vmem_shared>> -> memref<128x128xf32, #tpu.memory_space<vmem_shared>>
            %dma_wait3A_563 = arith.constant 0 : i32
            %dma_wait3A_564 = arith.constant 0 : i32
            %dma_wait3A_565 = tpu.memref_slice %arg13[%dma_wait3A_563, %dma_wait3A_564] : memref<10000x128xf32, #tpu.memory_space<vmem_shared>> -> memref<128x128xf32, #tpu.memory_space<vmem_shared>>
            %dma_wait3A_566 = arith.constant 0 : i32
            %dma_wait3A_567 = arith.constant 0 : i32
            %dma_wait3A_568 = tpu.memref_slice %arg12[%dma_wait3A_566, %dma_wait3A_567] : memref<256x128xf32, #tpu.memory_space<vmem>> -> memref<128x128xf32, #tpu.memory_space<vmem>>
            tpu.wait_dma2 semaphore(%arg22 : memref<!tpu.dma_semaphore, #tpu.memory_space<semaphore_mem>>) src(%dma_wait3A_568 : memref<128x128xf32, #tpu.memory_space<vmem>>) dst(%dma_wait3A_565 : memref<128x128xf32, #tpu.memory_space<vmem_shared>>)
          } else {
          }
          %dma_start3A_547 = arith.constant 0 : i32
          %dma_start3A_548 = arith.constant 0 : i32
          %dma_start3A_549 = arith.constant 0 : i32
          %dma_start3A_550 = tpu.memref_slice %arg12[%dma_start3A_548, %dma_start3A_549] : memref<256x128xf32, #tpu.memory_space<vmem>> -> memref<128x128xf32, #tpu.memory_space<vmem>>
          %dma_start3A_551 = arith.constant 0 : i32
          %dma_start3A_552 = tpu.memref_slice %arg8[%dma_start3A_547, %dma_start3A_551] : memref<4x128xi32, #tpu.memory_space<vmem>> -> memref<1x128xi32, #tpu.memory_space<vmem>>
          %dma_start3A_553 = tpu.memref_squeeze %dma_start3A_552 : memref<1x128xi32, #tpu.memory_space<vmem>> -> memref<128xi32, #tpu.memory_space<vmem>>
          %dma_start3A_554 = arith.constant 0 : i32
          %dma_start3A_555 = arith.constant 0 : i32
          %dma_start3A_556 = tpu.memref_slice %arg2[%dma_start3A_554, %dma_start3A_555] : memref<10000x128xf32, #tpu.memory_space<hbm>> -> memref<10000x128xf32, #tpu.memory_space<hbm>>
          tpu.enqueue_indirect_dma source(%dma_start3A_556 : memref<10000x128xf32, #tpu.memory_space<hbm>>) target(%dma_start3A_550 : memref<128x128xf32, #tpu.memory_space<vmem>>) offsets(%dma_start3A_553 : memref<128xi32, #tpu.memory_space<vmem>>) semaphore(%arg20 : memref<!tpu.dma_semaphore, #tpu.memory_space<semaphore_mem>>)
        } else {
        }
        %add3A_356 = arith.constant 2 : i32
        %add3A_357 = arith.addi %add3A_342, %add3A_356 : i32
        %lt3A_358 = arith.constant 79 : i32
        %lt3A_359 = arith.cmpi slt, %add3A_357, %lt3A_358 : i32
        %convert_element_type3A_360 = arith.extui %lt3A_359 : i1 to i32
        %cond3A_361 = arith.constant 0 : i32
        %cond3A_362 = arith.cmpi ne, %convert_element_type3A_360, %cond3A_361 : i32
        scf.if %cond3A_362 {
          %add3A_519 = arith.constant 2 : i32
          %add3A_520 = arith.addi %add3A_342, %add3A_519 : i32
          %mul3A_521 = arith.constant 32 : i32
          %mul3A_522 = arith.muli %add3A_520, %mul3A_521 : i32
          %add3A_523 = arith.addi %mul3A_522, %add3A : i32
          %min3A_524 = arith.constant 2499 : i32
          %min3A_525 = arith.minsi %add3A_523, %min3A_524 : i32
          %dma_start3A_526 = arith.constant 1 : i32
          %dma_start3A_527 = arith.constant 0 : i32
          %dma_start3A_528 = tpu.memref_slice %arg8[%dma_start3A_526, %dma_start3A_527] : memref<4x128xi32, #tpu.memory_space<vmem>> -> memref<1x128xi32, #tpu.memory_space<vmem>>
          %dma_start3A_529 = arith.constant 0 : i32
          %dma_start3A_530 = tpu.memref_slice %arg4[%min3A_525, %dma_start3A_529] : memref<2500x128xi32, #tpu.memory_space<hbm>> -> memref<1x128xi32, #tpu.memory_space<hbm>>
          %dma_start3A_531 = arith.constant 1 : i32
          %dma_start3A_532 = arith.constant 0 : i32
          %dma_start3A_533 = tpu.memref_slice %arg8[%dma_start3A_531, %dma_start3A_532] : memref<4x128xi32, #tpu.memory_space<vmem>> -> memref<1x128xi32, #tpu.memory_space<vmem>>
          %dma_start3A_534 = arith.constant 0 : i32
          %dma_start3A_535 = tpu.memref_slice %arg4[%min3A_525, %dma_start3A_534] : memref<2500x128xi32, #tpu.memory_space<hbm>> -> memref<1x128xi32, #tpu.memory_space<hbm>>
          tpu.enqueue_dma source(%dma_start3A_535 : memref<1x128xi32, #tpu.memory_space<hbm>>) target(%dma_start3A_533 : memref<1x128xi32, #tpu.memory_space<vmem>>) target_semaphore(%arg15 : memref<!tpu.dma_semaphore, #tpu.memory_space<semaphore_mem>>)
          %dma_start3A_536 = arith.constant 1 : i32
          %dma_start3A_537 = arith.constant 0 : i32
          %dma_start3A_538 = tpu.memref_slice %arg9[%dma_start3A_536, %dma_start3A_537] : memref<4x128xi32, #tpu.memory_space<vmem>> -> memref<1x128xi32, #tpu.memory_space<vmem>>
          %dma_start3A_539 = arith.constant 0 : i32
          %dma_start3A_540 = tpu.memref_slice %arg5[%min3A_525, %dma_start3A_539] : memref<2500x128xi32, #tpu.memory_space<hbm>> -> memref<1x128xi32, #tpu.memory_space<hbm>>
          %dma_start3A_541 = arith.constant 1 : i32
          %dma_start3A_542 = arith.constant 0 : i32
          %dma_start3A_543 = tpu.memref_slice %arg9[%dma_start3A_541, %dma_start3A_542] : memref<4x128xi32, #tpu.memory_space<vmem>> -> memref<1x128xi32, #tpu.memory_space<vmem>>
          %dma_start3A_544 = arith.constant 0 : i32
          %dma_start3A_545 = tpu.memref_slice %arg5[%min3A_525, %dma_start3A_544] : memref<2500x128xi32, #tpu.memory_space<hbm>> -> memref<1x128xi32, #tpu.memory_space<hbm>>
          tpu.enqueue_dma source(%dma_start3A_545 : memref<1x128xi32, #tpu.memory_space<hbm>>) target(%dma_start3A_543 : memref<1x128xi32, #tpu.memory_space<vmem>>) target_semaphore(%arg15 : memref<!tpu.dma_semaphore, #tpu.memory_space<semaphore_mem>>)
        } else {
        }
        %dma_wait3A_363 = arith.constant 64 : i32
        %dma_wait3A_364 = arith.constant 0 : i32
        %dma_wait3A_365 = tpu.memref_slice %arg11[%dma_wait3A_363, %dma_wait3A_364] : memref<128x128xi32, #tpu.memory_space<vmem>> -> memref<64x128xi32, #tpu.memory_space<vmem>>
        %dma_wait3A_366 = arith.constant 0 : i32
        %dma_wait3A_367 = arith.constant 0 : i32
        %dma_wait3A_368 = tpu.memref_slice %arg3[%dma_wait3A_366, %dma_wait3A_367] : memref<160000x128xi32, #tpu.memory_space<hbm>> -> memref<64x128xi32, #tpu.memory_space<hbm>>
        %dma_wait3A_369 = arith.constant 64 : i32
        %dma_wait3A_370 = arith.constant 0 : i32
        %dma_wait3A_371 = tpu.memref_slice %arg11[%dma_wait3A_369, %dma_wait3A_370] : memref<128x128xi32, #tpu.memory_space<vmem>> -> memref<64x128xi32, #tpu.memory_space<vmem>>
        %dma_wait3A_372 = arith.constant 0 : i32
        %dma_wait3A_373 = arith.constant 0 : i32
        %dma_wait3A_374 = tpu.memref_slice %arg3[%dma_wait3A_372, %dma_wait3A_373] : memref<160000x128xi32, #tpu.memory_space<hbm>> -> memref<64x128xi32, #tpu.memory_space<hbm>>
        tpu.wait_dma2 semaphore(%arg19 : memref<!tpu.dma_semaphore, #tpu.memory_space<semaphore_mem>>) src(%dma_wait3A_374 : memref<64x128xi32, #tpu.memory_space<hbm>>) dst(%dma_wait3A_371 : memref<64x128xi32, #tpu.memory_space<vmem>>)
        %dma_wait3A_375 = arith.constant 1 : i32
        %dma_wait3A_376 = arith.constant 0 : i32
        %dma_wait3A_377 = tpu.memref_slice %arg10[%dma_wait3A_375, %dma_wait3A_376] : memref<2x128xf32, #tpu.memory_space<vmem>> -> memref<1x128xf32, #tpu.memory_space<vmem>>
        %dma_wait3A_378 = arith.constant 0 : i32
        %dma_wait3A_379 = arith.constant 0 : i32
        %dma_wait3A_380 = tpu.memref_slice %arg6[%dma_wait3A_378, %dma_wait3A_379] : memref<2500x128xf32, #tpu.memory_space<hbm>> -> memref<1x128xf32, #tpu.memory_space<hbm>>
        %dma_wait3A_381 = arith.constant 1 : i32
        %dma_wait3A_382 = arith.constant 0 : i32
        %dma_wait3A_383 = tpu.memref_slice %arg10[%dma_wait3A_381, %dma_wait3A_382] : memref<2x128xf32, #tpu.memory_space<vmem>> -> memref<1x128xf32, #tpu.memory_space<vmem>>
        %dma_wait3A_384 = arith.constant 0 : i32
        %dma_wait3A_385 = arith.constant 0 : i32
        %dma_wait3A_386 = tpu.memref_slice %arg6[%dma_wait3A_384, %dma_wait3A_385] : memref<2500x128xf32, #tpu.memory_space<hbm>> -> memref<1x128xf32, #tpu.memory_space<hbm>>
        tpu.wait_dma2 semaphore(%arg19 : memref<!tpu.dma_semaphore, #tpu.memory_space<semaphore_mem>>) src(%dma_wait3A_386 : memref<1x128xf32, #tpu.memory_space<hbm>>) dst(%dma_wait3A_383 : memref<1x128xf32, #tpu.memory_space<vmem>>)
        %dma_wait3A_387 = arith.constant 128 : i32
        %dma_wait3A_388 = arith.constant 0 : i32
        %dma_wait3A_389 = tpu.memref_slice %arg12[%dma_wait3A_387, %dma_wait3A_388] : memref<256x128xf32, #tpu.memory_space<vmem>> -> memref<128x128xf32, #tpu.memory_space<vmem>>
        %dma_wait3A_390 = arith.constant 0 : i32
        %dma_wait3A_391 = arith.constant 0 : i32
        %dma_wait3A_392 = tpu.memref_slice %arg2[%dma_wait3A_390, %dma_wait3A_391] : memref<10000x128xf32, #tpu.memory_space<hbm>> -> memref<128x128xf32, #tpu.memory_space<hbm>>
        %dma_wait3A_393 = arith.constant 128 : i32
        %dma_wait3A_394 = arith.constant 0 : i32
        %dma_wait3A_395 = tpu.memref_slice %arg12[%dma_wait3A_393, %dma_wait3A_394] : memref<256x128xf32, #tpu.memory_space<vmem>> -> memref<128x128xf32, #tpu.memory_space<vmem>>
        %dma_wait3A_396 = arith.constant 0 : i32
        %dma_wait3A_397 = arith.constant 0 : i32
        %dma_wait3A_398 = tpu.memref_slice %arg2[%dma_wait3A_396, %dma_wait3A_397] : memref<10000x128xf32, #tpu.memory_space<hbm>> -> memref<128x128xf32, #tpu.memory_space<hbm>>
        tpu.wait_dma2 semaphore(%arg21 : memref<!tpu.dma_semaphore, #tpu.memory_space<semaphore_mem>>) src(%dma_wait3A_398 : memref<128x128xf32, #tpu.memory_space<hbm>>) dst(%dma_wait3A_395 : memref<128x128xf32, #tpu.memory_space<vmem>>)
        %mul3A_399 = arith.constant 32 : i32
        %mul3A_400 = arith.muli %add3A_342, %mul3A_399 : i32
        %add3A_401 = arith.addi %mul3A_400, %add3A : i32
        %lt3A_402 = arith.constant 2500 : i32
        %lt3A_403 = arith.cmpi slt, %add3A_401, %lt3A_402 : i32
        %jit3A = arith.constant 1.000000e+00 : f32
        %jit3A_404 = arith.constant 0.000000e+00 : f32
        %select_n3A = arith.select %lt3A_403, %jit3A, %jit3A_404 : f32
        %broadcast_in_dim3A = vector.broadcast %select_n3A : f32 to vector<16xf32>
        %get3A = arith.constant 1 : i32
        %get3A_405 = arith.index_cast %get3A : i32 to index
        %get3A_406 = arith.constant 0 : index
        %get3A_407 = tpu.vector_load %arg10[%get3A_405, %get3A_406] {strides = array<i32>} : memref<2x128xf32, #tpu.memory_space<vmem>>, vector<1x16xf32>,
        %get3A_408 = vector.shape_cast %get3A_407 : vector<1x16xf32> to vector<16xf32>
        %mul3A_409 = arith.mulf %get3A_408, %broadcast_in_dim3A : vector<16xf32>
        %swap3A = arith.constant 1 : i32
        %swap3A_410 = arith.index_cast %swap3A : i32 to index
        %swap3A_411 = arith.constant 0 : index
        %swap3A_412 = tpu.vector_load %arg10[%swap3A_410, %swap3A_411] {strides = array<i32>} : memref<2x128xf32, #tpu.memory_space<vmem>>, vector<1x16xf32>,
        %swap3A_413 = vector.shape_cast %swap3A_412 : vector<1x16xf32> to vector<16xf32>
        %swap3A_414 = vector.shape_cast %mul3A_409 : vector<16xf32> to vector<1x16xf32>
        tpu.vector_store %arg10[%swap3A_410, %swap3A_411], %swap3A_414 {strides = array<i32>} : memref<2x128xf32, #tpu.memory_space<vmem>>, vector<1x16xf32>,
        %get3A_415 = arith.constant 1 : i32
        %get3A_416 = arith.index_cast %get3A_415 : i32 to index
        %get3A_417 = arith.constant 16 : index
        %get3A_418 = tpu.vector_load %arg10[%get3A_416, %get3A_417] {strides = array<i32>} : memref<2x128xf32, #tpu.memory_space<vmem>>, vector<1x16xf32>,
        %get3A_419 = vector.shape_cast %get3A_418 : vector<1x16xf32> to vector<16xf32>
        %mul3A_420 = arith.mulf %get3A_419, %broadcast_in_dim3A : vector<16xf32>
        %swap3A_421 = arith.constant 1 : i32
        %swap3A_422 = arith.index_cast %swap3A_421 : i32 to index
        %swap3A_423 = arith.constant 16 : index
        %swap3A_424 = tpu.vector_load %arg10[%swap3A_422, %swap3A_423] {strides = array<i32>} : memref<2x128xf32, #tpu.memory_space<vmem>>, vector<1x16xf32>,
        %swap3A_425 = vector.shape_cast %swap3A_424 : vector<1x16xf32> to vector<16xf32>
        %swap3A_426 = vector.shape_cast %mul3A_420 : vector<16xf32> to vector<1x16xf32>
        tpu.vector_store %arg10[%swap3A_422, %swap3A_423], %swap3A_426 {strides = array<i32>} : memref<2x128xf32, #tpu.memory_space<vmem>>, vector<1x16xf32>,
        %get3A_427 = arith.constant 1 : i32
        %get3A_428 = arith.index_cast %get3A_427 : i32 to index
        %get3A_429 = arith.constant 32 : index
        %get3A_430 = tpu.vector_load %arg10[%get3A_428, %get3A_429] {strides = array<i32>} : memref<2x128xf32, #tpu.memory_space<vmem>>, vector<1x16xf32>,
        %get3A_431 = vector.shape_cast %get3A_430 : vector<1x16xf32> to vector<16xf32>
        %mul3A_432 = arith.mulf %get3A_431, %broadcast_in_dim3A : vector<16xf32>
        %swap3A_433 = arith.constant 1 : i32
        %swap3A_434 = arith.index_cast %swap3A_433 : i32 to index
        %swap3A_435 = arith.constant 32 : index
        %swap3A_436 = tpu.vector_load %arg10[%swap3A_434, %swap3A_435] {strides = array<i32>} : memref<2x128xf32, #tpu.memory_space<vmem>>, vector<1x16xf32>,
        %swap3A_437 = vector.shape_cast %swap3A_436 : vector<1x16xf32> to vector<16xf32>
        %swap3A_438 = vector.shape_cast %mul3A_432 : vector<16xf32> to vector<1x16xf32>
        tpu.vector_store %arg10[%swap3A_434, %swap3A_435], %swap3A_438 {strides = array<i32>} : memref<2x128xf32, #tpu.memory_space<vmem>>, vector<1x16xf32>,
        %get3A_439 = arith.constant 1 : i32
        %get3A_440 = arith.index_cast %get3A_439 : i32 to index
        %get3A_441 = arith.constant 48 : index
        %get3A_442 = tpu.vector_load %arg10[%get3A_440, %get3A_441] {strides = array<i32>} : memref<2x128xf32, #tpu.memory_space<vmem>>, vector<1x16xf32>,
        %get3A_443 = vector.shape_cast %get3A_442 : vector<1x16xf32> to vector<16xf32>
        %mul3A_444 = arith.mulf %get3A_443, %broadcast_in_dim3A : vector<16xf32>
        %swap3A_445 = arith.constant 1 : i32
        %swap3A_446 = arith.index_cast %swap3A_445 : i32 to index
        %swap3A_447 = arith.constant 48 : index
        %swap3A_448 = tpu.vector_load %arg10[%swap3A_446, %swap3A_447] {strides = array<i32>} : memref<2x128xf32, #tpu.memory_space<vmem>>, vector<1x16xf32>,
        %swap3A_449 = vector.shape_cast %swap3A_448 : vector<1x16xf32> to vector<16xf32>
        %swap3A_450 = vector.shape_cast %mul3A_444 : vector<16xf32> to vector<1x16xf32>
        tpu.vector_store %arg10[%swap3A_446, %swap3A_447], %swap3A_450 {strides = array<i32>} : memref<2x128xf32, #tpu.memory_space<vmem>>, vector<1x16xf32>,
        %get3A_451 = arith.constant 1 : i32
        %get3A_452 = arith.index_cast %get3A_451 : i32 to index
        %get3A_453 = arith.constant 64 : index
        %get3A_454 = tpu.vector_load %arg10[%get3A_452, %get3A_453] {strides = array<i32>} : memref<2x128xf32, #tpu.memory_space<vmem>>, vector<1x16xf32>,
        %get3A_455 = vector.shape_cast %get3A_454 : vector<1x16xf32> to vector<16xf32>
        %mul3A_456 = arith.mulf %get3A_455, %broadcast_in_dim3A : vector<16xf32>
        %swap3A_457 = arith.constant 1 : i32
        %swap3A_458 = arith.index_cast %swap3A_457 : i32 to index
        %swap3A_459 = arith.constant 64 : index
        %swap3A_460 = tpu.vector_load %arg10[%swap3A_458, %swap3A_459] {strides = array<i32>} : memref<2x128xf32, #tpu.memory_space<vmem>>, vector<1x16xf32>,
        %swap3A_461 = vector.shape_cast %swap3A_460 : vector<1x16xf32> to vector<16xf32>
        %swap3A_462 = vector.shape_cast %mul3A_456 : vector<16xf32> to vector<1x16xf32>
        tpu.vector_store %arg10[%swap3A_458, %swap3A_459], %swap3A_462 {strides = array<i32>} : memref<2x128xf32, #tpu.memory_space<vmem>>, vector<1x16xf32>,
        %get3A_463 = arith.constant 1 : i32
        %get3A_464 = arith.index_cast %get3A_463 : i32 to index
        %get3A_465 = arith.constant 80 : index
        %get3A_466 = tpu.vector_load %arg10[%get3A_464, %get3A_465] {strides = array<i32>} : memref<2x128xf32, #tpu.memory_space<vmem>>, vector<1x16xf32>,
        %get3A_467 = vector.shape_cast %get3A_466 : vector<1x16xf32> to vector<16xf32>
        %mul3A_468 = arith.mulf %get3A_467, %broadcast_in_dim3A : vector<16xf32>
        %swap3A_469 = arith.constant 1 : i32
        %swap3A_470 = arith.index_cast %swap3A_469 : i32 to index
        %swap3A_471 = arith.constant 80 : index
        %swap3A_472 = tpu.vector_load %arg10[%swap3A_470, %swap3A_471] {strides = array<i32>} : memref<2x128xf32, #tpu.memory_space<vmem>>, vector<1x16xf32>,
        %swap3A_473 = vector.shape_cast %swap3A_472 : vector<1x16xf32> to vector<16xf32>
        %swap3A_474 = vector.shape_cast %mul3A_468 : vector<16xf32> to vector<1x16xf32>
        tpu.vector_store %arg10[%swap3A_470, %swap3A_471], %swap3A_474 {strides = array<i32>} : memref<2x128xf32, #tpu.memory_space<vmem>>, vector<1x16xf32>,
        %get3A_475 = arith.constant 1 : i32
        %get3A_476 = arith.index_cast %get3A_475 : i32 to index
        %get3A_477 = arith.constant 96 : index
        %get3A_478 = tpu.vector_load %arg10[%get3A_476, %get3A_477] {strides = array<i32>} : memref<2x128xf32, #tpu.memory_space<vmem>>, vector<1x16xf32>,
        %get3A_479 = vector.shape_cast %get3A_478 : vector<1x16xf32> to vector<16xf32>
        %mul3A_480 = arith.mulf %get3A_479, %broadcast_in_dim3A : vector<16xf32>
        %swap3A_481 = arith.constant 1 : i32
        %swap3A_482 = arith.index_cast %swap3A_481 : i32 to index
        %swap3A_483 = arith.constant 96 : index
        %swap3A_484 = tpu.vector_load %arg10[%swap3A_482, %swap3A_483] {strides = array<i32>} : memref<2x128xf32, #tpu.memory_space<vmem>>, vector<1x16xf32>,
        %swap3A_485 = vector.shape_cast %swap3A_484 : vector<1x16xf32> to vector<16xf32>
        %swap3A_486 = vector.shape_cast %mul3A_480 : vector<16xf32> to vector<1x16xf32>
        tpu.vector_store %arg10[%swap3A_482, %swap3A_483], %swap3A_486 {strides = array<i32>} : memref<2x128xf32, #tpu.memory_space<vmem>>, vector<1x16xf32>,
        %get3A_487 = arith.constant 1 : i32
        %get3A_488 = arith.index_cast %get3A_487 : i32 to index
        %get3A_489 = arith.constant 112 : index
        %get3A_490 = tpu.vector_load %arg10[%get3A_488, %get3A_489] {strides = array<i32>} : memref<2x128xf32, #tpu.memory_space<vmem>>, vector<1x16xf32>,
        %get3A_491 = vector.shape_cast %get3A_490 : vector<1x16xf32> to vector<16xf32>
        %mul3A_492 = arith.mulf %get3A_491, %broadcast_in_dim3A : vector<16xf32>
        %swap3A_493 = arith.constant 1 : i32
        %swap3A_494 = arith.index_cast %swap3A_493 : i32 to index
        %swap3A_495 = arith.constant 112 : index
        %swap3A_496 = tpu.vector_load %arg10[%swap3A_494, %swap3A_495] {strides = array<i32>} : memref<2x128xf32, #tpu.memory_space<vmem>>, vector<1x16xf32>,
        %swap3A_497 = vector.shape_cast %swap3A_496 : vector<1x16xf32> to vector<16xf32>
        %swap3A_498 = vector.shape_cast %mul3A_492 : vector<16xf32> to vector<1x16xf32>
        tpu.vector_store %arg10[%swap3A_494, %swap3A_495], %swap3A_498 {strides = array<i32>} : memref<2x128xf32, #tpu.memory_space<vmem>>, vector<1x16xf32>,
        %parallel_loop3A_499 = arith.constant 0 : i32
        %parallel_loop3A_500 = arith.constant 128 : i32
        %parallel_loop3A_501 = arith.constant 1 : i32
        scf.for %parallel_loop3A_519 = %parallel_loop3A_499 to %parallel_loop3A_500 step %parallel_loop3A_501  : i32 {
          %parallel_loop3A_520 = arith.constant 16 : i32
          %parallel_loop3A_521 = arith.divsi %parallel_loop3A_519, %parallel_loop3A_520 : i32
          %parallel_loop3A_522 = arith.constant 0 : i32
          %parallel_loop3A_523 = arith.cmpi sgt, %parallel_loop3A_519, %parallel_loop3A_522 : i32
          %parallel_loop3A_524 = arith.extui %parallel_loop3A_523 : i1 to i32
          %parallel_loop3A_525 = arith.constant 0 : i32
          %parallel_loop3A_526 = arith.cmpi slt, %parallel_loop3A_519, %parallel_loop3A_525 : i32
          %parallel_loop3A_527 = arith.extui %parallel_loop3A_526 : i1 to i32
          %parallel_loop3A_528 = arith.subi %parallel_loop3A_524, %parallel_loop3A_527 : i32
          %parallel_loop3A_529 = arith.constant 0 : i32
          %parallel_loop3A_530 = arith.cmpi sgt, %parallel_loop3A_520, %parallel_loop3A_529 : i32
          %parallel_loop3A_531 = arith.extui %parallel_loop3A_530 : i1 to i32
          %parallel_loop3A_532 = arith.constant 0 : i32
          %parallel_loop3A_533 = arith.cmpi slt, %parallel_loop3A_520, %parallel_loop3A_532 : i32
          %parallel_loop3A_534 = arith.extui %parallel_loop3A_533 : i1 to i32
          %parallel_loop3A_535 = arith.subi %parallel_loop3A_531, %parallel_loop3A_534 : i32
          %parallel_loop3A_536 = arith.cmpi ne, %parallel_loop3A_528, %parallel_loop3A_535 : i32
          %parallel_loop3A_537 = arith.remsi %parallel_loop3A_519, %parallel_loop3A_520 : i32
          %parallel_loop3A_538 = arith.constant 0 : i32
          %parallel_loop3A_539 = arith.cmpi ne, %parallel_loop3A_537, %parallel_loop3A_538 : i32
          %parallel_loop3A_540 = arith.andi %parallel_loop3A_536, %parallel_loop3A_539 : i1
          %parallel_loop3A_541 = arith.constant 1 : i32
          %parallel_loop3A_542 = arith.subi %parallel_loop3A_521, %parallel_loop3A_541 : i32
          %parallel_loop3A_543 = arith.select %parallel_loop3A_540, %parallel_loop3A_542, %parallel_loop3A_521 : i32
          %parallel_loop3A_544 = arith.constant 16 : i32
          %parallel_loop3A_545 = arith.muli %parallel_loop3A_543, %parallel_loop3A_544 : i32
          %parallel_loop3A_546 = arith.constant 1 : i32
          %parallel_loop3A_547 = arith.index_cast %parallel_loop3A_546 : i32 to index
          %parallel_loop3A_548 = arith.index_cast %parallel_loop3A_545 : i32 to index
          %parallel_loop3A_549 = tpu.vector_load %arg10[%parallel_loop3A_547, %parallel_loop3A_548] {strides = array<i32>} : memref<2x128xf32, #tpu.memory_space<vmem>>, vector<1x16xf32>,
          %parallel_loop3A_550 = vector.shape_cast %parallel_loop3A_549 : vector<1x16xf32> to vector<16xf32>
          %parallel_loop3A_551 = arith.constant 0 : i32
          %parallel_loop3A_552 = vector.broadcast %parallel_loop3A_551 : i32 to vector<16xi32>
          %parallel_loop3A_553 = arith.constant 16 : i32
          %parallel_loop3A_554 = arith.constant 0 : i32
          %parallel_loop3A_555 = arith.cmpi eq, %parallel_loop3A_553, %parallel_loop3A_554 : i32
          %parallel_loop3A_556 = arith.constant 1 : i32
          %parallel_loop3A_557 = arith.select %parallel_loop3A_555, %parallel_loop3A_556, %parallel_loop3A_553 : i32
          %parallel_loop3A_558 = arith.remsi %parallel_loop3A_519, %parallel_loop3A_557 : i32
          %parallel_loop3A_559 = arith.constant 0 : i32
          %parallel_loop3A_560 = arith.cmpi ne, %parallel_loop3A_558, %parallel_loop3A_559 : i32
          %parallel_loop3A_561 = arith.constant 0 : i32
          %parallel_loop3A_562 = arith.cmpi slt, %parallel_loop3A_558, %parallel_loop3A_561 : i32
          %parallel_loop3A_563 = arith.constant 0 : i32
          %parallel_loop3A_564 = arith.cmpi slt, %parallel_loop3A_557, %parallel_loop3A_563 : i32
          %parallel_loop3A_565 = arith.xori %parallel_loop3A_562, %parallel_loop3A_564 : i1
          %parallel_loop3A_566 = arith.andi %parallel_loop3A_565, %parallel_loop3A_560 : i1
          %parallel_loop3A_567 = arith.addi %parallel_loop3A_558, %parallel_loop3A_557 : i32
          %parallel_loop3A_568 = arith.select %parallel_loop3A_566, %parallel_loop3A_567, %parallel_loop3A_558 : i32
          %parallel_loop3A_569 = vector.broadcast %parallel_loop3A_568 : i32 to vector<16xi32>
          %parallel_loop3A_570 = arith.addi %parallel_loop3A_552, %parallel_loop3A_569 : vector<16xi32>
          %parallel_loop3A_571 = vector.shape_cast %parallel_loop3A_570 : vector<16xi32> to vector<16x1xi32>
          %parallel_loop3A_572 = vector.shape_cast %parallel_loop3A_571 : vector<16x1xi32> to vector<16xi32>
          %parallel_loop3A_573 = tpu.dynamic_gather %parallel_loop3A_550[%parallel_loop3A_572] in [0] : vector<16xf32>, vector<16xi32> -> vector<16xf32>
          %parallel_loop3A_574 = arith.constant 128 : i32
          %parallel_loop3A_575 = arith.addi %parallel_loop3A_574, %parallel_loop3A_519 : i32
          %parallel_loop3A_576 = arith.constant 2 : i32
          %parallel_loop3A_577 = arith.divsi %parallel_loop3A_519, %parallel_loop3A_576 : i32
          %parallel_loop3A_578 = arith.constant 0 : i32
          %parallel_loop3A_579 = arith.cmpi sgt, %parallel_loop3A_519, %parallel_loop3A_578 : i32
          %parallel_loop3A_580 = arith.extui %parallel_loop3A_579 : i1 to i32
          %parallel_loop3A_581 = arith.constant 0 : i32
          %parallel_loop3A_582 = arith.cmpi slt, %parallel_loop3A_519, %parallel_loop3A_581 : i32
          %parallel_loop3A_583 = arith.extui %parallel_loop3A_582 : i1 to i32
          %parallel_loop3A_584 = arith.subi %parallel_loop3A_580, %parallel_loop3A_583 : i32
          %parallel_loop3A_585 = arith.constant 0 : i32
          %parallel_loop3A_586 = arith.cmpi sgt, %parallel_loop3A_576, %parallel_loop3A_585 : i32
          %parallel_loop3A_587 = arith.extui %parallel_loop3A_586 : i1 to i32
          %parallel_loop3A_588 = arith.constant 0 : i32
          %parallel_loop3A_589 = arith.cmpi slt, %parallel_loop3A_576, %parallel_loop3A_588 : i32
          %parallel_loop3A_590 = arith.extui %parallel_loop3A_589 : i1 to i32
          %parallel_loop3A_591 = arith.subi %parallel_loop3A_587, %parallel_loop3A_590 : i32
          %parallel_loop3A_592 = arith.cmpi ne, %parallel_loop3A_584, %parallel_loop3A_591 : i32
          %parallel_loop3A_593 = arith.remsi %parallel_loop3A_519, %parallel_loop3A_576 : i32
          %parallel_loop3A_594 = arith.constant 0 : i32
          %parallel_loop3A_595 = arith.cmpi ne, %parallel_loop3A_593, %parallel_loop3A_594 : i32
          %parallel_loop3A_596 = arith.andi %parallel_loop3A_592, %parallel_loop3A_595 : i1
          %parallel_loop3A_597 = arith.constant 1 : i32
          %parallel_loop3A_598 = arith.subi %parallel_loop3A_577, %parallel_loop3A_597 : i32
          %parallel_loop3A_599 = arith.select %parallel_loop3A_596, %parallel_loop3A_598, %parallel_loop3A_577 : i32
          %parallel_loop3A_600 = arith.constant 64 : i32
          %parallel_loop3A_601 = arith.addi %parallel_loop3A_600, %parallel_loop3A_599 : i32
          %parallel_loop3A_602 = arith.constant 2 : i32
          %parallel_loop3A_603 = arith.constant 0 : i32
          %parallel_loop3A_604 = arith.cmpi eq, %parallel_loop3A_602, %parallel_loop3A_603 : i32
          %parallel_loop3A_605 = arith.constant 1 : i32
          %parallel_loop3A_606 = arith.select %parallel_loop3A_604, %parallel_loop3A_605, %parallel_loop3A_602 : i32
          %parallel_loop3A_607 = arith.remsi %parallel_loop3A_519, %parallel_loop3A_606 : i32
          %parallel_loop3A_608 = arith.constant 0 : i32
          %parallel_loop3A_609 = arith.cmpi ne, %parallel_loop3A_607, %parallel_loop3A_608 : i32
          %parallel_loop3A_610 = arith.constant 0 : i32
          %parallel_loop3A_611 = arith.cmpi slt, %parallel_loop3A_607, %parallel_loop3A_610 : i32
          %parallel_loop3A_612 = arith.constant 0 : i32
          %parallel_loop3A_613 = arith.cmpi slt, %parallel_loop3A_606, %parallel_loop3A_612 : i32
          %parallel_loop3A_614 = arith.xori %parallel_loop3A_611, %parallel_loop3A_613 : i1
          %parallel_loop3A_615 = arith.andi %parallel_loop3A_614, %parallel_loop3A_609 : i1
          %parallel_loop3A_616 = arith.addi %parallel_loop3A_607, %parallel_loop3A_606 : i32
          %parallel_loop3A_617 = arith.select %parallel_loop3A_615, %parallel_loop3A_616, %parallel_loop3A_607 : i32
          %parallel_loop3A_618 = arith.constant 64 : i32
          %parallel_loop3A_619 = arith.muli %parallel_loop3A_618, %parallel_loop3A_617 : i32
          %parallel_loop3A_620 = arith.constant 0 : i32
          %parallel_loop3A_621 = arith.addi %parallel_loop3A_619, %parallel_loop3A_620 : i32
          %parallel_loop3A_622 = arith.index_cast %parallel_loop3A_601 : i32 to index
          %parallel_loop3A_623 = arith.index_cast %parallel_loop3A_621 : i32 to index
          %parallel_loop3A_624 = tpu.vector_load %arg11[%parallel_loop3A_622, %parallel_loop3A_623] {strides = array<i32>} : memref<128x128xi32, #tpu.memory_space<vmem>>, vector<1x16xi32>,
          %parallel_loop3A_625 = vector.shape_cast %parallel_loop3A_624 : vector<1x16xi32> to vector<16xi32>
          %parallel_loop3A_626 = arith.constant 16 : i32
          %parallel_loop3A_627 = vector.broadcast %parallel_loop3A_626 : i32 to vector<16xi32>
          %parallel_loop3A_628 = arith.shli %parallel_loop3A_625, %parallel_loop3A_627 : vector<16xi32>
          %parallel_loop3A_629 = tpu.bitcast %parallel_loop3A_628 : vector<16xi32> -> vector<16xf32>
          %parallel_loop3A_630 = tpu.bitcast %parallel_loop3A_625 : vector<16xi32> -> vector<16xf32>
          %parallel_loop3A_631 = arith.index_cast %parallel_loop3A_575 : i32 to index
          %parallel_loop3A_632 = arith.constant 0 : index
          %parallel_loop3A_633 = tpu.vector_load %arg12[%parallel_loop3A_631, %parallel_loop3A_632] {strides = array<i32>} : memref<256x128xf32, #tpu.memory_space<vmem>>, vector<1x16xf32>,
          %parallel_loop3A_634 = vector.shape_cast %parallel_loop3A_633 : vector<1x16xf32> to vector<16xf32>
          %parallel_loop3A_635 = arith.addf %parallel_loop3A_634, %parallel_loop3A_629 : vector<16xf32>
          %parallel_loop3A_636 = arith.constant -1.702000e+00 : f32
          %parallel_loop3A_637 = vector.broadcast %parallel_loop3A_636 : f32 to vector<16xf32>
          %parallel_loop3A_638 = arith.mulf %parallel_loop3A_635, %parallel_loop3A_637 : vector<16xf32>
          %parallel_loop3A_639 = arith.mulf %parallel_loop3A_635, %parallel_loop3A_573 : vector<16xf32>
          %parallel_loop3A_640 = math.exp %parallel_loop3A_638 : vector<16xf32>
          %parallel_loop3A_641 = arith.constant 1.000000e+00 : f32
          %parallel_loop3A_642 = vector.broadcast %parallel_loop3A_641 : f32 to vector<16xf32>
          %parallel_loop3A_643 = arith.addf %parallel_loop3A_642, %parallel_loop3A_640 : vector<16xf32>
          %parallel_loop3A_644 = arith.divf %parallel_loop3A_639, %parallel_loop3A_643 : vector<16xf32>
          %parallel_loop3A_645 = arith.index_cast %parallel_loop3A_575 : i32 to index
          %parallel_loop3A_646 = arith.constant 0 : index
          %parallel_loop3A_647 = tpu.vector_load %arg12[%parallel_loop3A_645, %parallel_loop3A_646] {strides = array<i32>} : memref<256x128xf32, #tpu.memory_space<vmem>>, vector<1x16xf32>,
          %parallel_loop3A_648 = vector.shape_cast %parallel_loop3A_647 : vector<1x16xf32> to vector<16xf32>
          %parallel_loop3A_649 = vector.shape_cast %parallel_loop3A_644 : vector<16xf32> to vector<1x16xf32>
          tpu.vector_store %arg12[%parallel_loop3A_645, %parallel_loop3A_646], %parallel_loop3A_649 {strides = array<i32>} : memref<256x128xf32, #tpu.memory_space<vmem>>, vector<1x16xf32>,
          %parallel_loop3A_650 = arith.index_cast %parallel_loop3A_575 : i32 to index
          %parallel_loop3A_651 = arith.constant 16 : index
          %parallel_loop3A_652 = tpu.vector_load %arg12[%parallel_loop3A_650, %parallel_loop3A_651] {strides = array<i32>} : memref<256x128xf32, #tpu.memory_space<vmem>>, vector<1x16xf32>,
          %parallel_loop3A_653 = vector.shape_cast %parallel_loop3A_652 : vector<1x16xf32> to vector<16xf32>
          %parallel_loop3A_654 = arith.addf %parallel_loop3A_653, %parallel_loop3A_630 : vector<16xf32>
          %parallel_loop3A_655 = arith.constant -1.702000e+00 : f32
          %parallel_loop3A_656 = vector.broadcast %parallel_loop3A_655 : f32 to vector<16xf32>
          %parallel_loop3A_657 = arith.mulf %parallel_loop3A_654, %parallel_loop3A_656 : vector<16xf32>
          %parallel_loop3A_658 = arith.mulf %parallel_loop3A_654, %parallel_loop3A_573 : vector<16xf32>
          %parallel_loop3A_659 = math.exp %parallel_loop3A_657 : vector<16xf32>
          %parallel_loop3A_660 = arith.constant 1.000000e+00 : f32
          %parallel_loop3A_661 = vector.broadcast %parallel_loop3A_660 : f32 to vector<16xf32>
          %parallel_loop3A_662 = arith.addf %parallel_loop3A_661, %parallel_loop3A_659 : vector<16xf32>
          %parallel_loop3A_663 = arith.divf %parallel_loop3A_658, %parallel_loop3A_662 : vector<16xf32>
          %parallel_loop3A_664 = arith.index_cast %parallel_loop3A_575 : i32 to index
          %parallel_loop3A_665 = arith.constant 16 : index
          %parallel_loop3A_666 = tpu.vector_load %arg12[%parallel_loop3A_664, %parallel_loop3A_665] {strides = array<i32>} : memref<256x128xf32, #tpu.memory_space<vmem>>, vector<1x16xf32>,
          %parallel_loop3A_667 = vector.shape_cast %parallel_loop3A_666 : vector<1x16xf32> to vector<16xf32>
          %parallel_loop3A_668 = vector.shape_cast %parallel_loop3A_663 : vector<16xf32> to vector<1x16xf32>
          tpu.vector_store %arg12[%parallel_loop3A_664, %parallel_loop3A_665], %parallel_loop3A_668 {strides = array<i32>} : memref<256x128xf32, #tpu.memory_space<vmem>>, vector<1x16xf32>,
          %parallel_loop3A_669 = arith.constant 16 : i32
          %parallel_loop3A_670 = arith.addi %parallel_loop3A_619, %parallel_loop3A_669 : i32
          %parallel_loop3A_671 = arith.index_cast %parallel_loop3A_601 : i32 to index
          %parallel_loop3A_672 = arith.index_cast %parallel_loop3A_670 : i32 to index
          %parallel_loop3A_673 = tpu.vector_load %arg11[%parallel_loop3A_671, %parallel_loop3A_672] {strides = array<i32>} : memref<128x128xi32, #tpu.memory_space<vmem>>, vector<1x16xi32>,
          %parallel_loop3A_674 = vector.shape_cast %parallel_loop3A_673 : vector<1x16xi32> to vector<16xi32>
          %parallel_loop3A_675 = arith.constant 16 : i32
          %parallel_loop3A_676 = vector.broadcast %parallel_loop3A_675 : i32 to vector<16xi32>
          %parallel_loop3A_677 = arith.shli %parallel_loop3A_674, %parallel_loop3A_676 : vector<16xi32>
          %parallel_loop3A_678 = tpu.bitcast %parallel_loop3A_677 : vector<16xi32> -> vector<16xf32>
          %parallel_loop3A_679 = tpu.bitcast %parallel_loop3A_674 : vector<16xi32> -> vector<16xf32>
          %parallel_loop3A_680 = arith.index_cast %parallel_loop3A_575 : i32 to index
          %parallel_loop3A_681 = arith.constant 32 : index
          %parallel_loop3A_682 = tpu.vector_load %arg12[%parallel_loop3A_680, %parallel_loop3A_681] {strides = array<i32>} : memref<256x128xf32, #tpu.memory_space<vmem>>, vector<1x16xf32>,
          %parallel_loop3A_683 = vector.shape_cast %parallel_loop3A_682 : vector<1x16xf32> to vector<16xf32>
          %parallel_loop3A_684 = arith.addf %parallel_loop3A_683, %parallel_loop3A_678 : vector<16xf32>
          %parallel_loop3A_685 = arith.constant -1.702000e+00 : f32
          %parallel_loop3A_686 = vector.broadcast %parallel_loop3A_685 : f32 to vector<16xf32>
          %parallel_loop3A_687 = arith.mulf %parallel_loop3A_684, %parallel_loop3A_686 : vector<16xf32>
          %parallel_loop3A_688 = arith.mulf %parallel_loop3A_684, %parallel_loop3A_573 : vector<16xf32>
          %parallel_loop3A_689 = math.exp %parallel_loop3A_687 : vector<16xf32>
          %parallel_loop3A_690 = arith.constant 1.000000e+00 : f32
          %parallel_loop3A_691 = vector.broadcast %parallel_loop3A_690 : f32 to vector<16xf32>
          %parallel_loop3A_692 = arith.addf %parallel_loop3A_691, %parallel_loop3A_689 : vector<16xf32>
          %parallel_loop3A_693 = arith.divf %parallel_loop3A_688, %parallel_loop3A_692 : vector<16xf32>
          %parallel_loop3A_694 = arith.index_cast %parallel_loop3A_575 : i32 to index
          %parallel_loop3A_695 = arith.constant 32 : index
          %parallel_loop3A_696 = tpu.vector_load %arg12[%parallel_loop3A_694, %parallel_loop3A_695] {strides = array<i32>} : memref<256x128xf32, #tpu.memory_space<vmem>>, vector<1x16xf32>,
          %parallel_loop3A_697 = vector.shape_cast %parallel_loop3A_696 : vector<1x16xf32> to vector<16xf32>
          %parallel_loop3A_698 = vector.shape_cast %parallel_loop3A_693 : vector<16xf32> to vector<1x16xf32>
          tpu.vector_store %arg12[%parallel_loop3A_694, %parallel_loop3A_695], %parallel_loop3A_698 {strides = array<i32>} : memref<256x128xf32, #tpu.memory_space<vmem>>, vector<1x16xf32>,
          %parallel_loop3A_699 = arith.index_cast %parallel_loop3A_575 : i32 to index
          %parallel_loop3A_700 = arith.constant 48 : index
          %parallel_loop3A_701 = tpu.vector_load %arg12[%parallel_loop3A_699, %parallel_loop3A_700] {strides = array<i32>} : memref<256x128xf32, #tpu.memory_space<vmem>>, vector<1x16xf32>,
          %parallel_loop3A_702 = vector.shape_cast %parallel_loop3A_701 : vector<1x16xf32> to vector<16xf32>
          %parallel_loop3A_703 = arith.addf %parallel_loop3A_702, %parallel_loop3A_679 : vector<16xf32>
          %parallel_loop3A_704 = arith.constant -1.702000e+00 : f32
          %parallel_loop3A_705 = vector.broadcast %parallel_loop3A_704 : f32 to vector<16xf32>
          %parallel_loop3A_706 = arith.mulf %parallel_loop3A_703, %parallel_loop3A_705 : vector<16xf32>
          %parallel_loop3A_707 = arith.mulf %parallel_loop3A_703, %parallel_loop3A_573 : vector<16xf32>
          %parallel_loop3A_708 = math.exp %parallel_loop3A_706 : vector<16xf32>
          %parallel_loop3A_709 = arith.constant 1.000000e+00 : f32
          %parallel_loop3A_710 = vector.broadcast %parallel_loop3A_709 : f32 to vector<16xf32>
          %parallel_loop3A_711 = arith.addf %parallel_loop3A_710, %parallel_loop3A_708 : vector<16xf32>
          %parallel_loop3A_712 = arith.divf %parallel_loop3A_707, %parallel_loop3A_711 : vector<16xf32>
          %parallel_loop3A_713 = arith.index_cast %parallel_loop3A_575 : i32 to index
          %parallel_loop3A_714 = arith.constant 48 : index
          %parallel_loop3A_715 = tpu.vector_load %arg12[%parallel_loop3A_713, %parallel_loop3A_714] {strides = array<i32>} : memref<256x128xf32, #tpu.memory_space<vmem>>, vector<1x16xf32>,
          %parallel_loop3A_716 = vector.shape_cast %parallel_loop3A_715 : vector<1x16xf32> to vector<16xf32>
          %parallel_loop3A_717 = vector.shape_cast %parallel_loop3A_712 : vector<16xf32> to vector<1x16xf32>
          tpu.vector_store %arg12[%parallel_loop3A_713, %parallel_loop3A_714], %parallel_loop3A_717 {strides = array<i32>} : memref<256x128xf32, #tpu.memory_space<vmem>>, vector<1x16xf32>,
          %parallel_loop3A_718 = arith.constant 32 : i32
          %parallel_loop3A_719 = arith.addi %parallel_loop3A_619, %parallel_loop3A_718 : i32
          %parallel_loop3A_720 = arith.index_cast %parallel_loop3A_601 : i32 to index
          %parallel_loop3A_721 = arith.index_cast %parallel_loop3A_719 : i32 to index
          %parallel_loop3A_722 = tpu.vector_load %arg11[%parallel_loop3A_720, %parallel_loop3A_721] {strides = array<i32>} : memref<128x128xi32, #tpu.memory_space<vmem>>, vector<1x16xi32>,
          %parallel_loop3A_723 = vector.shape_cast %parallel_loop3A_722 : vector<1x16xi32> to vector<16xi32>
          %parallel_loop3A_724 = arith.constant 16 : i32
          %parallel_loop3A_725 = vector.broadcast %parallel_loop3A_724 : i32 to vector<16xi32>
          %parallel_loop3A_726 = arith.shli %parallel_loop3A_723, %parallel_loop3A_725 : vector<16xi32>
          %parallel_loop3A_727 = tpu.bitcast %parallel_loop3A_726 : vector<16xi32> -> vector<16xf32>
          %parallel_loop3A_728 = tpu.bitcast %parallel_loop3A_723 : vector<16xi32> -> vector<16xf32>
          %parallel_loop3A_729 = arith.index_cast %parallel_loop3A_575 : i32 to index
          %parallel_loop3A_730 = arith.constant 64 : index
          %parallel_loop3A_731 = tpu.vector_load %arg12[%parallel_loop3A_729, %parallel_loop3A_730] {strides = array<i32>} : memref<256x128xf32, #tpu.memory_space<vmem>>, vector<1x16xf32>,
          %parallel_loop3A_732 = vector.shape_cast %parallel_loop3A_731 : vector<1x16xf32> to vector<16xf32>
          %parallel_loop3A_733 = arith.addf %parallel_loop3A_732, %parallel_loop3A_727 : vector<16xf32>
          %parallel_loop3A_734 = arith.constant -1.702000e+00 : f32
          %parallel_loop3A_735 = vector.broadcast %parallel_loop3A_734 : f32 to vector<16xf32>
          %parallel_loop3A_736 = arith.mulf %parallel_loop3A_733, %parallel_loop3A_735 : vector<16xf32>
          %parallel_loop3A_737 = arith.mulf %parallel_loop3A_733, %parallel_loop3A_573 : vector<16xf32>
          %parallel_loop3A_738 = math.exp %parallel_loop3A_736 : vector<16xf32>
          %parallel_loop3A_739 = arith.constant 1.000000e+00 : f32
          %parallel_loop3A_740 = vector.broadcast %parallel_loop3A_739 : f32 to vector<16xf32>
          %parallel_loop3A_741 = arith.addf %parallel_loop3A_740, %parallel_loop3A_738 : vector<16xf32>
          %parallel_loop3A_742 = arith.divf %parallel_loop3A_737, %parallel_loop3A_741 : vector<16xf32>
          %parallel_loop3A_743 = arith.index_cast %parallel_loop3A_575 : i32 to index
          %parallel_loop3A_744 = arith.constant 64 : index
          %parallel_loop3A_745 = tpu.vector_load %arg12[%parallel_loop3A_743, %parallel_loop3A_744] {strides = array<i32>} : memref<256x128xf32, #tpu.memory_space<vmem>>, vector<1x16xf32>,
          %parallel_loop3A_746 = vector.shape_cast %parallel_loop3A_745 : vector<1x16xf32> to vector<16xf32>
          %parallel_loop3A_747 = vector.shape_cast %parallel_loop3A_742 : vector<16xf32> to vector<1x16xf32>
          tpu.vector_store %arg12[%parallel_loop3A_743, %parallel_loop3A_744], %parallel_loop3A_747 {strides = array<i32>} : memref<256x128xf32, #tpu.memory_space<vmem>>, vector<1x16xf32>,
          %parallel_loop3A_748 = arith.index_cast %parallel_loop3A_575 : i32 to index
          %parallel_loop3A_749 = arith.constant 80 : index
          %parallel_loop3A_750 = tpu.vector_load %arg12[%parallel_loop3A_748, %parallel_loop3A_749] {strides = array<i32>} : memref<256x128xf32, #tpu.memory_space<vmem>>, vector<1x16xf32>,
          %parallel_loop3A_751 = vector.shape_cast %parallel_loop3A_750 : vector<1x16xf32> to vector<16xf32>
          %parallel_loop3A_752 = arith.addf %parallel_loop3A_751, %parallel_loop3A_728 : vector<16xf32>
          %parallel_loop3A_753 = arith.constant -1.702000e+00 : f32
          %parallel_loop3A_754 = vector.broadcast %parallel_loop3A_753 : f32 to vector<16xf32>
          %parallel_loop3A_755 = arith.mulf %parallel_loop3A_752, %parallel_loop3A_754 : vector<16xf32>
          %parallel_loop3A_756 = arith.mulf %parallel_loop3A_752, %parallel_loop3A_573 : vector<16xf32>
          %parallel_loop3A_757 = math.exp %parallel_loop3A_755 : vector<16xf32>
          %parallel_loop3A_758 = arith.constant 1.000000e+00 : f32
          %parallel_loop3A_759 = vector.broadcast %parallel_loop3A_758 : f32 to vector<16xf32>
          %parallel_loop3A_760 = arith.addf %parallel_loop3A_759, %parallel_loop3A_757 : vector<16xf32>
          %parallel_loop3A_761 = arith.divf %parallel_loop3A_756, %parallel_loop3A_760 : vector<16xf32>
          %parallel_loop3A_762 = arith.index_cast %parallel_loop3A_575 : i32 to index
          %parallel_loop3A_763 = arith.constant 80 : index
          %parallel_loop3A_764 = tpu.vector_load %arg12[%parallel_loop3A_762, %parallel_loop3A_763] {strides = array<i32>} : memref<256x128xf32, #tpu.memory_space<vmem>>, vector<1x16xf32>,
          %parallel_loop3A_765 = vector.shape_cast %parallel_loop3A_764 : vector<1x16xf32> to vector<16xf32>
          %parallel_loop3A_766 = vector.shape_cast %parallel_loop3A_761 : vector<16xf32> to vector<1x16xf32>
          tpu.vector_store %arg12[%parallel_loop3A_762, %parallel_loop3A_763], %parallel_loop3A_766 {strides = array<i32>} : memref<256x128xf32, #tpu.memory_space<vmem>>, vector<1x16xf32>,
          %parallel_loop3A_767 = arith.constant 48 : i32
          %parallel_loop3A_768 = arith.addi %parallel_loop3A_619, %parallel_loop3A_767 : i32
          %parallel_loop3A_769 = arith.index_cast %parallel_loop3A_601 : i32 to index
          %parallel_loop3A_770 = arith.index_cast %parallel_loop3A_768 : i32 to index
          %parallel_loop3A_771 = tpu.vector_load %arg11[%parallel_loop3A_769, %parallel_loop3A_770] {strides = array<i32>} : memref<128x128xi32, #tpu.memory_space<vmem>>, vector<1x16xi32>,
          %parallel_loop3A_772 = vector.shape_cast %parallel_loop3A_771 : vector<1x16xi32> to vector<16xi32>
          %parallel_loop3A_773 = arith.constant 16 : i32
          %parallel_loop3A_774 = vector.broadcast %parallel_loop3A_773 : i32 to vector<16xi32>
          %parallel_loop3A_775 = arith.shli %parallel_loop3A_772, %parallel_loop3A_774 : vector<16xi32>
          %parallel_loop3A_776 = tpu.bitcast %parallel_loop3A_775 : vector<16xi32> -> vector<16xf32>
          %parallel_loop3A_777 = tpu.bitcast %parallel_loop3A_772 : vector<16xi32> -> vector<16xf32>
          %parallel_loop3A_778 = arith.index_cast %parallel_loop3A_575 : i32 to index
          %parallel_loop3A_779 = arith.constant 96 : index
          %parallel_loop3A_780 = tpu.vector_load %arg12[%parallel_loop3A_778, %parallel_loop3A_779] {strides = array<i32>} : memref<256x128xf32, #tpu.memory_space<vmem>>, vector<1x16xf32>,
          %parallel_loop3A_781 = vector.shape_cast %parallel_loop3A_780 : vector<1x16xf32> to vector<16xf32>
          %parallel_loop3A_782 = arith.addf %parallel_loop3A_781, %parallel_loop3A_776 : vector<16xf32>
          %parallel_loop3A_783 = arith.constant -1.702000e+00 : f32
          %parallel_loop3A_784 = vector.broadcast %parallel_loop3A_783 : f32 to vector<16xf32>
          %parallel_loop3A_785 = arith.mulf %parallel_loop3A_782, %parallel_loop3A_784 : vector<16xf32>
          %parallel_loop3A_786 = arith.mulf %parallel_loop3A_782, %parallel_loop3A_573 : vector<16xf32>
          %parallel_loop3A_787 = math.exp %parallel_loop3A_785 : vector<16xf32>
          %parallel_loop3A_788 = arith.constant 1.000000e+00 : f32
          %parallel_loop3A_789 = vector.broadcast %parallel_loop3A_788 : f32 to vector<16xf32>
          %parallel_loop3A_790 = arith.addf %parallel_loop3A_789, %parallel_loop3A_787 : vector<16xf32>
          %parallel_loop3A_791 = arith.divf %parallel_loop3A_786, %parallel_loop3A_790 : vector<16xf32>
          %parallel_loop3A_792 = arith.index_cast %parallel_loop3A_575 : i32 to index
          %parallel_loop3A_793 = arith.constant 96 : index
          %parallel_loop3A_794 = tpu.vector_load %arg12[%parallel_loop3A_792, %parallel_loop3A_793] {strides = array<i32>} : memref<256x128xf32, #tpu.memory_space<vmem>>, vector<1x16xf32>,
          %parallel_loop3A_795 = vector.shape_cast %parallel_loop3A_794 : vector<1x16xf32> to vector<16xf32>
          %parallel_loop3A_796 = vector.shape_cast %parallel_loop3A_791 : vector<16xf32> to vector<1x16xf32>
          tpu.vector_store %arg12[%parallel_loop3A_792, %parallel_loop3A_793], %parallel_loop3A_796 {strides = array<i32>} : memref<256x128xf32, #tpu.memory_space<vmem>>, vector<1x16xf32>,
          %parallel_loop3A_797 = arith.index_cast %parallel_loop3A_575 : i32 to index
          %parallel_loop3A_798 = arith.constant 112 : index
          %parallel_loop3A_799 = tpu.vector_load %arg12[%parallel_loop3A_797, %parallel_loop3A_798] {strides = array<i32>} : memref<256x128xf32, #tpu.memory_space<vmem>>, vector<1x16xf32>,
          %parallel_loop3A_800 = vector.shape_cast %parallel_loop3A_799 : vector<1x16xf32> to vector<16xf32>
          %parallel_loop3A_801 = arith.addf %parallel_loop3A_800, %parallel_loop3A_777 : vector<16xf32>
          %parallel_loop3A_802 = arith.constant -1.702000e+00 : f32
          %parallel_loop3A_803 = vector.broadcast %parallel_loop3A_802 : f32 to vector<16xf32>
          %parallel_loop3A_804 = arith.mulf %parallel_loop3A_801, %parallel_loop3A_803 : vector<16xf32>
          %parallel_loop3A_805 = arith.mulf %parallel_loop3A_801, %parallel_loop3A_573 : vector<16xf32>
          %parallel_loop3A_806 = math.exp %parallel_loop3A_804 : vector<16xf32>
          %parallel_loop3A_807 = arith.constant 1.000000e+00 : f32
          %parallel_loop3A_808 = vector.broadcast %parallel_loop3A_807 : f32 to vector<16xf32>
          %parallel_loop3A_809 = arith.addf %parallel_loop3A_808, %parallel_loop3A_806 : vector<16xf32>
          %parallel_loop3A_810 = arith.divf %parallel_loop3A_805, %parallel_loop3A_809 : vector<16xf32>
          %parallel_loop3A_811 = arith.index_cast %parallel_loop3A_575 : i32 to index
          %parallel_loop3A_812 = arith.constant 112 : index
          %parallel_loop3A_813 = tpu.vector_load %arg12[%parallel_loop3A_811, %parallel_loop3A_812] {strides = array<i32>} : memref<256x128xf32, #tpu.memory_space<vmem>>, vector<1x16xf32>,
          %parallel_loop3A_814 = vector.shape_cast %parallel_loop3A_813 : vector<1x16xf32> to vector<16xf32>
          %parallel_loop3A_815 = vector.shape_cast %parallel_loop3A_810 : vector<16xf32> to vector<1x16xf32>
          tpu.vector_store %arg12[%parallel_loop3A_811, %parallel_loop3A_812], %parallel_loop3A_815 {strides = array<i32>} : memref<256x128xf32, #tpu.memory_space<vmem>>, vector<1x16xf32>,
        } {sc.loop_unroll_factor = 1 : i64, sc.parallel_access}
        %dma_start3A_502 = arith.constant 3 : i32
        %dma_start3A_503 = arith.constant 128 : i32
        %dma_start3A_504 = arith.constant 0 : i32
        %dma_start3A_505 = tpu.memref_slice %arg12[%dma_start3A_503, %dma_start3A_504] : memref<256x128xf32, #tpu.memory_space<vmem>> -> memref<128x128xf32, #tpu.memory_space<vmem>>
        %dma_start3A_506 = arith.constant 0 : i32
        %dma_start3A_507 = tpu.memref_slice %arg9[%dma_start3A_502, %dma_start3A_506] : memref<4x128xi32, #tpu.memory_space<vmem>> -> memref<1x128xi32, #tpu.memory_space<vmem>>
        %dma_start3A_508 = tpu.memref_squeeze %dma_start3A_507 : memref<1x128xi32, #tpu.memory_space<vmem>> -> memref<128xi32, #tpu.memory_space<vmem>>
        %dma_start3A_509 = arith.constant 0 : i32
        %dma_start3A_510 = arith.constant 0 : i32
        %dma_start3A_511 = tpu.memref_slice %arg13[%dma_start3A_509, %dma_start3A_510] : memref<10000x128xf32, #tpu.memory_space<vmem_shared>> -> memref<10000x128xf32, #tpu.memory_space<vmem_shared>>
        tpu.enqueue_indirect_dma source(%dma_start3A_505 : memref<128x128xf32, #tpu.memory_space<vmem>>) target(%dma_start3A_511 : memref<10000x128xf32, #tpu.memory_space<vmem_shared>>) offsets(%dma_start3A_508 : memref<128xi32, #tpu.memory_space<vmem>>) semaphore(%arg23 : memref<!tpu.dma_semaphore, #tpu.memory_space<semaphore_mem>>) {add = true}
        %add3A_512 = arith.constant 2 : i32
        %add3A_513 = arith.addi %add3A_342, %add3A_512 : i32
        %lt3A_514 = arith.constant 79 : i32
        %lt3A_515 = arith.cmpi slt, %add3A_513, %lt3A_514 : i32
        %convert_element_type3A_516 = arith.extui %lt3A_515 : i1 to i32
        %cond3A_517 = arith.constant 0 : i32
        %cond3A_518 = arith.cmpi ne, %convert_element_type3A_516, %cond3A_517 : i32
        scf.if %cond3A_518 {
          %add3A_519 = arith.constant 2 : i32
          %add3A_520 = arith.addi %add3A_342, %add3A_519 : i32
          %mul3A_521 = arith.constant 32 : i32
          %mul3A_522 = arith.muli %add3A_520, %mul3A_521 : i32
          %add3A_523 = arith.addi %mul3A_522, %add3A : i32
          %min3A_524 = arith.constant 2499 : i32
          %min3A_525 = arith.minsi %add3A_523, %min3A_524 : i32
          %mul3A_526 = arith.constant 64 : i32
          %mul3A_527 = arith.muli %min3A_525, %mul3A_526 : i32
          %dma_start3A_528 = arith.constant 64 : i32
          %dma_start3A_529 = arith.constant 0 : i32
          %dma_start3A_530 = tpu.memref_slice %arg11[%dma_start3A_528, %dma_start3A_529] : memref<128x128xi32, #tpu.memory_space<vmem>> -> memref<64x128xi32, #tpu.memory_space<vmem>>
          %dma_start3A_531 = arith.constant 0 : i32
          %dma_start3A_532 = tpu.memref_slice %arg3[%mul3A_527, %dma_start3A_531] : memref<160000x128xi32, #tpu.memory_space<hbm>> -> memref<64x128xi32, #tpu.memory_space<hbm>>
          %dma_start3A_533 = arith.constant 64 : i32
          %dma_start3A_534 = arith.constant 0 : i32
          %dma_start3A_535 = tpu.memref_slice %arg11[%dma_start3A_533, %dma_start3A_534] : memref<128x128xi32, #tpu.memory_space<vmem>> -> memref<64x128xi32, #tpu.memory_space<vmem>>
          %dma_start3A_536 = arith.constant 0 : i32
          %dma_start3A_537 = tpu.memref_slice %arg3[%mul3A_527, %dma_start3A_536] : memref<160000x128xi32, #tpu.memory_space<hbm>> -> memref<64x128xi32, #tpu.memory_space<hbm>>
          tpu.enqueue_dma source(%dma_start3A_537 : memref<64x128xi32, #tpu.memory_space<hbm>>) target(%dma_start3A_535 : memref<64x128xi32, #tpu.memory_space<vmem>>) target_semaphore(%arg19 : memref<!tpu.dma_semaphore, #tpu.memory_space<semaphore_mem>>)
          %dma_start3A_538 = arith.constant 1 : i32
          %dma_start3A_539 = arith.constant 0 : i32
          %dma_start3A_540 = tpu.memref_slice %arg10[%dma_start3A_538, %dma_start3A_539] : memref<2x128xf32, #tpu.memory_space<vmem>> -> memref<1x128xf32, #tpu.memory_space<vmem>>
          %dma_start3A_541 = arith.constant 0 : i32
          %dma_start3A_542 = tpu.memref_slice %arg6[%min3A_525, %dma_start3A_541] : memref<2500x128xf32, #tpu.memory_space<hbm>> -> memref<1x128xf32, #tpu.memory_space<hbm>>
          %dma_start3A_543 = arith.constant 1 : i32
          %dma_start3A_544 = arith.constant 0 : i32
          %dma_start3A_545 = tpu.memref_slice %arg10[%dma_start3A_543, %dma_start3A_544] : memref<2x128xf32, #tpu.memory_space<vmem>> -> memref<1x128xf32, #tpu.memory_space<vmem>>
          %dma_start3A_546 = arith.constant 0 : i32
          %dma_start3A_547 = tpu.memref_slice %arg6[%min3A_525, %dma_start3A_546] : memref<2500x128xf32, #tpu.memory_space<hbm>> -> memref<1x128xf32, #tpu.memory_space<hbm>>
          tpu.enqueue_dma source(%dma_start3A_547 : memref<1x128xf32, #tpu.memory_space<hbm>>) target(%dma_start3A_545 : memref<1x128xf32, #tpu.memory_space<vmem>>) target_semaphore(%arg19 : memref<!tpu.dma_semaphore, #tpu.memory_space<semaphore_mem>>)
        } else {
        }
      } else {
      }
      %scan3A_348 = arith.constant 0 : i32
      scf.yield %scan3A_348 : i32
    }
    %scan3A_280 = arith.constant 20 : i32
    %dma_wait3A_281 = arith.constant 128 : i32
    %dma_wait3A_282 = arith.constant 0 : i32
    %dma_wait3A_283 = tpu.memref_slice %arg12[%dma_wait3A_281, %dma_wait3A_282] : memref<256x128xf32, #tpu.memory_space<vmem>> -> memref<128x128xf32, #tpu.memory_space<vmem>>
    %dma_wait3A_284 = arith.constant 0 : i32
    %dma_wait3A_285 = arith.constant 0 : i32
    %dma_wait3A_286 = tpu.memref_slice %arg13[%dma_wait3A_284, %dma_wait3A_285] : memref<10000x128xf32, #tpu.memory_space<vmem_shared>> -> memref<128x128xf32, #tpu.memory_space<vmem_shared>>
    %dma_wait3A_287 = arith.constant 0 : i32
    %dma_wait3A_288 = arith.constant 0 : i32
    %dma_wait3A_289 = tpu.memref_slice %arg13[%dma_wait3A_287, %dma_wait3A_288] : memref<10000x128xf32, #tpu.memory_space<vmem_shared>> -> memref<128x128xf32, #tpu.memory_space<vmem_shared>>
    %dma_wait3A_290 = arith.constant 128 : i32
    %dma_wait3A_291 = arith.constant 0 : i32
    %dma_wait3A_292 = tpu.memref_slice %arg12[%dma_wait3A_290, %dma_wait3A_291] : memref<256x128xf32, #tpu.memory_space<vmem>> -> memref<128x128xf32, #tpu.memory_space<vmem>>
    tpu.wait_dma2 semaphore(%arg23 : memref<!tpu.dma_semaphore, #tpu.memory_space<semaphore_mem>>) src(%dma_wait3A_292 : memref<128x128xf32, #tpu.memory_space<vmem>>) dst(%dma_wait3A_289 : memref<128x128xf32, #tpu.memory_space<vmem_shared>>)
    %dma_wait3A_293 = arith.constant 0 : i32
    %dma_wait3A_294 = arith.constant 0 : i32
    %dma_wait3A_295 = tpu.memref_slice %arg12[%dma_wait3A_293, %dma_wait3A_294] : memref<256x128xf32, #tpu.memory_space<vmem>> -> memref<128x128xf32, #tpu.memory_space<vmem>>
    %dma_wait3A_296 = arith.constant 0 : i32
    %dma_wait3A_297 = arith.constant 0 : i32
    %dma_wait3A_298 = tpu.memref_slice %arg13[%dma_wait3A_296, %dma_wait3A_297] : memref<10000x128xf32, #tpu.memory_space<vmem_shared>> -> memref<128x128xf32, #tpu.memory_space<vmem_shared>>
    %dma_wait3A_299 = arith.constant 0 : i32
    %dma_wait3A_300 = arith.constant 0 : i32
    %dma_wait3A_301 = tpu.memref_slice %arg13[%dma_wait3A_299, %dma_wait3A_300] : memref<10000x128xf32, #tpu.memory_space<vmem_shared>> -> memref<128x128xf32, #tpu.memory_space<vmem_shared>>
    %dma_wait3A_302 = arith.constant 0 : i32
    %dma_wait3A_303 = arith.constant 0 : i32
    %dma_wait3A_304 = tpu.memref_slice %arg12[%dma_wait3A_302, %dma_wait3A_303] : memref<256x128xf32, #tpu.memory_space<vmem>> -> memref<128x128xf32, #tpu.memory_space<vmem>>
    tpu.wait_dma2 semaphore(%arg22 : memref<!tpu.dma_semaphore, #tpu.memory_space<semaphore_mem>>) src(%dma_wait3A_304 : memref<128x128xf32, #tpu.memory_space<vmem>>) dst(%dma_wait3A_301 : memref<128x128xf32, #tpu.memory_space<vmem_shared>>)
    %barrier3A_305 = arith.constant 0 : index
    tpu.barrier barrier_id(%barrier3A_305)
    "tpu.region"() ({
      %run_scoped3A = tpu.sem_alloc : memref<!tpu.dma_semaphore, #tpu.memory_space<semaphore_mem>>
      %dma_start3A_311 = arith.constant 0 : i32
      %dma_start3A_312 = tpu.memref_slice %arg7[%arg0, %mul3A_4, %dma_start3A_311] : memref<2x10000x128xf32, #tpu.memory_space<hbm>> -> memref<1x624x128xf32, #tpu.memory_space<hbm>>
      %dma_start3A_313 = tpu.memref_squeeze %dma_start3A_312 : memref<1x624x128xf32, #tpu.memory_space<hbm>> -> memref<624x128xf32, #tpu.memory_space<hbm>>
      %dma_start3A_314 = arith.constant 0 : i32
      %dma_start3A_315 = tpu.memref_slice %arg13[%mul3A_4, %dma_start3A_314] : memref<10000x128xf32, #tpu.memory_space<vmem_shared>> -> memref<624x128xf32, #tpu.memory_space<vmem_shared>>
      tpu.enqueue_dma source(%dma_start3A_315 : memref<624x128xf32, #tpu.memory_space<vmem_shared>>) target(%dma_start3A_313 : memref<624x128xf32, #tpu.memory_space<hbm>>) target_semaphore(%run_scoped3A : memref<!tpu.dma_semaphore, #tpu.memory_space<semaphore_mem>>)
      %dma_wait3A_316 = arith.constant 0 : i32
      %dma_wait3A_317 = tpu.memref_slice %arg7[%arg0, %mul3A_4, %dma_wait3A_316] : memref<2x10000x128xf32, #tpu.memory_space<hbm>> -> memref<1x624x128xf32, #tpu.memory_space<hbm>>
      %dma_wait3A_318 = tpu.memref_squeeze %dma_wait3A_317 : memref<1x624x128xf32, #tpu.memory_space<hbm>> -> memref<624x128xf32, #tpu.memory_space<hbm>>
      %dma_wait3A_319 = arith.constant 0 : i32
      %dma_wait3A_320 = tpu.memref_slice %arg13[%mul3A_4, %dma_wait3A_319] : memref<10000x128xf32, #tpu.memory_space<vmem_shared>> -> memref<624x128xf32, #tpu.memory_space<vmem_shared>>
      tpu.wait_dma2 semaphore(%run_scoped3A : memref<!tpu.dma_semaphore, #tpu.memory_space<semaphore_mem>>) src(%dma_wait3A_320 : memref<624x128xf32, #tpu.memory_space<vmem_shared>>) dst(%dma_wait3A_318 : memref<624x128xf32, #tpu.memory_space<hbm>>)
      tpu.yield
    }) : () -> ()
    %eq3A_306 = arith.constant 15 : i32
    %eq3A_307 = arith.cmpi eq, %arg1, %eq3A_306 : i32
    %convert_element_type3A_308 = arith.extui %eq3A_307 : i1 to i32
    %cond3A_309 = arith.constant 0 : i32
    %cond3A_310 = arith.cmpi ne, %convert_element_type3A_308, %cond3A_309 : i32
    scf.if %cond3A_310 {
      "tpu.region"() ({
        %run_scoped3A = tpu.sem_alloc : memref<!tpu.dma_semaphore, #tpu.memory_space<semaphore_mem>>
        %dma_start3A_311 = arith.constant 9984 : i32
        %dma_start3A_312 = arith.constant 0 : i32
        %dma_start3A_313 = tpu.memref_slice %arg7[%arg0, %dma_start3A_311, %dma_start3A_312] : memref<2x10000x128xf32, #tpu.memory_space<hbm>> -> memref<1x16x128xf32, #tpu.memory_space<hbm>>
        %dma_start3A_314 = tpu.memref_squeeze %dma_start3A_313 : memref<1x16x128xf32, #tpu.memory_space<hbm>> -> memref<16x128xf32, #tpu.memory_space<hbm>>
        %dma_start3A_315 = arith.constant 9984 : i32
        %dma_start3A_316 = arith.constant 0 : i32
        %dma_start3A_317 = tpu.memref_slice %arg13[%dma_start3A_315, %dma_start3A_316] : memref<10000x128xf32, #tpu.memory_space<vmem_shared>> -> memref<16x128xf32, #tpu.memory_space<vmem_shared>>
        tpu.enqueue_dma source(%dma_start3A_317 : memref<16x128xf32, #tpu.memory_space<vmem_shared>>) target(%dma_start3A_314 : memref<16x128xf32, #tpu.memory_space<hbm>>) target_semaphore(%run_scoped3A : memref<!tpu.dma_semaphore, #tpu.memory_space<semaphore_mem>>)
        %dma_wait3A_318 = arith.constant 9984 : i32
        %dma_wait3A_319 = arith.constant 0 : i32
        %dma_wait3A_320 = tpu.memref_slice %arg7[%arg0, %dma_wait3A_318, %dma_wait3A_319] : memref<2x10000x128xf32, #tpu.memory_space<hbm>> -> memref<1x16x128xf32, #tpu.memory_space<hbm>>
        %dma_wait3A_321 = tpu.memref_squeeze %dma_wait3A_320 : memref<1x16x128xf32, #tpu.memory_space<hbm>> -> memref<16x128xf32, #tpu.memory_space<hbm>>
        %dma_wait3A_322 = arith.constant 9984 : i32
        %dma_wait3A_323 = arith.constant 0 : i32
        %dma_wait3A_324 = tpu.memref_slice %arg13[%dma_wait3A_322, %dma_wait3A_323] : memref<10000x128xf32, #tpu.memory_space<vmem_shared>> -> memref<16x128xf32, #tpu.memory_space<vmem_shared>>
        tpu.wait_dma2 semaphore(%run_scoped3A : memref<!tpu.dma_semaphore, #tpu.memory_space<semaphore_mem>>) src(%dma_wait3A_324 : memref<16x128xf32, #tpu.memory_space<vmem_shared>>) dst(%dma_wait3A_321 : memref<16x128xf32, #tpu.memory_space<hbm>>)
        tpu.yield
      }) : () -> ()
    } else {
    }
    return
  }
}

</mosaic_0001>

<sc_bundles>
// kernel: _edge_call.3.cloned.1.call-start
scs
__scs_entry_jumppad:
0x0: {  	(pc) =	sbr.rel $0x88, $3  }
0x1: {  	(tag) =	ssettag $0x0;
	lr =	simm.s32 $0x1  }
0x2: {  	[smem:$0x3F9C] =	sst lr;
	_ =	strace $0xD0000000  }
0x3: {  	_ = 	snop  }
0x4: {  	_ = 	snop  }
0x5: {  	_ = 	snop  }
0x6: {  	_ = 	snop  }
0x7: {  	_ = 	snop  }
__scs_overlays_trampoline_lowered:
0x8: {  	[smem:$0x3FAB] =	sst s0  }
0x9: {  	[smem:$0x3FAC] =	sst s1  }
0xa: {  	[smem:$0x3FAD] =	sst s2  }
0xb: {  	[smem:$0x3FAE] =	sst s3  }
0xc: {  	[smem:$0x3FAF] =	sst s4  }
0xd: {  	[smem:$0x3FB0] =	sst s5  }
0xe: {  	[smem:$0x3FB1] =	sst s6  }
0xf: {  	[smem:$0x3FB2] =	sst s7  }
0x10: {  	[smem:$0x3FB3] =	sst s8  }
0x11: {  	[smem:$0x3FB4] =	sst s9;
	s0 =	simm.s32 @!p0 $0x0  }
0x12: {  	s1 =	sld [smem:$0x3F9A];
	s0 =	simm.s32 @p0 $0x1  }
0x13: {  	[smem:$0x3FB5] =	sst s0;
	s0 =	simm.s32 @!p1 $0x0  }
0x14: {  	s2 =	sld [smem:$0x3F99];
	s0 =	simm.s32 @p1 $0x1  }
0x15: {  	[smem:$0x3FB6] =	sst s0;
	s0 =	simm.s32 @!p2 $0x0  }
0x16: {  	s3 =	sld [smem:$0x3FDB];
	s0 =	simm.s32 @p2 $0x1  }
0x17: {  	s4 =	simm.s32 $0x1BF5;
	[smem:$0x3FB8] =	sst s0  }
0x18: {  	s0 =	sld [smem:$0x3F9B];
	_ =	swait.ge [sflag:s4], $0x0  }
0x19: {  	s7 =	sld [smem:$0x3F9C]  }
0x1a: {  	s8 =	sadd.s32 $0xFFFFE003, lr  }
0x1b: {  	s9 =	sadd.s32 $0xFFFFFEF7, lr;
	s5 =	simm.s32 $0xFFFFFFFF;
	p2 =	slt.u32 s8, $0xFFFFF086  }
0x1c: {  	p1 =	slt.u32 s9, $0xF7A;
	s5 =	simm.s32 @!p2 $0x0  }
0x1d: {  	s5 =	simm.s32 @p1 $0x1;
	p0 =	seq.s32 s7, s2  }
0x1e: {  	s7 =	smul.u32 @!p0 $0xF7A, s2;
	p2 =	seq.s32 @!p0 s5, $0x0  }
0x1f: {  	s9 =	smul.u32 $0xF7A, s1;
	s8 =	simm.s32 @!p0 $0x1BF5;
	p2 =	por !p2, p0  }
0x20: {  	[sflag:s8] =	ssyncset.s32 @!p0 $0xFFFFF086;
	s6 =	sadd.s32 @!p0 s3, s7;
	s7 =	simm.s32 @!p0 $0x108  }
0x21: {  	s3 =	sadd.s32 s3, s9;
	s6 =	sadd.s32 @!p0 $0x88, s6;
	s7 =	simm.s32 @p2 $0x1082  }
0x22: {  	[simem:s7], [sflag:s8] =	dma.local @!p0 [hbm:s6], $0xF7A  }
0x23: {  	s9 =	sor.u32 $0xD0000000, s2;
	s6 =	simm.s32 $0x108;
	_ =	swait.ge @!p0 [sflag:s8], $0x0  }
0x24: {  	s3 =	sadd.s32 $0x88, s3;
	s6 =	simm.s32 @!p1 $0x1082;
	[sflag:s4] =	ssyncset.s32 $0xFFFFF086  }
0x25: {  	[simem:s6], [sflag:s4] =	dma.local [hbm:s3], $0xF7A  }
0x26: {  	[smem:$0x3F9C] =	sst s1;
	(tag) =	ssettag s2;
	_ =	strace s9  }
0x27: {  	s1 =	sld [smem:$0x3FAC]  }
0x28: {  	s2 =	sld [smem:$0x3FAD]  }
0x29: {  	s4 =	sld [smem:$0x3FAF]  }
0x2a: {  	p0 =	seq.s32 s5, $0x0;
	s5 =	sld [smem:$0x3FB0]  }
0x2b: {  	s6 =	sld [smem:$0x3FB1]  }
0x2c: {  	s7 =	sld [smem:$0x3FB2]  }
0x2d: {  	s3 =	simm.s32 $0x108;
	s8 =	sld [smem:$0x3FB3]  }
0x2e: {  	s3 =	simm.s32 @!p0 $0x1082;
	s9 =	sld [smem:$0x3FB4]  }
0x2f: {  	lr =	sadd.s32 s0, s3;
	s0 =	sld [smem:$0x3FAB]  }
0x30: {  	s3 =	sld [smem:$0x3FAE]  }
0x31: {  	[smem:$0x3FB7] =	sst s10  }
0x32: {  	s10 =	sld [smem:$0x3FB5];
	_ =	sdelay $0x3  }
0x33: {  	p0 =	seq.s32 s10, $0x1;
	s10 =	sld [smem:$0x3FB7];
	_ =	sdelay $0x3  }
0x34: {  	[smem:$0x3FB7] =	sst s10  }
0x35: {  	s10 =	sld [smem:$0x3FB6];
	_ =	sdelay $0x3  }
0x36: {  	p1 =	seq.s32 s10, $0x1;
	s10 =	sld [smem:$0x3FB7];
	_ =	sdelay $0x3  }
0x37: {  	[smem:$0x3FB7] =	sst s10  }
0x38: {  	s10 =	sld [smem:$0x3FB8]  }
0x39: {  	_ = 	snop;
	(pc) =	sbr.ind lr, $3  }
0x3a: {  	_ = 	snop  }
0x3b: {  	_ = 	snop  }
0x3c: {  	p2 =	seq.s32 s10, $0x1;
	s10 =	sld [smem:$0x3FB7]  }
0x3d: {  	_ =	shalt  }
0x3e: {  	_ =	shalt  }
0x3f: {  	_ =	shalt  }
0x40: {  	_ =	shalt  }
0x41: {  	_ =	shalt  }
0x42: {  	_ =	shalt  }
0x43: {  	_ =	shalt  }
0x44: {  	_ =	shalt  }
0x45: {  	_ =	shalt  }
0x46: {  	_ =	shalt  }
0x47: {  	_ =	shalt  }
0x48: {  	_ =	shalt  }
0x49: {  	_ =	shalt  }
0x4a: {  	_ =	shalt  }
0x4b: {  	_ =	shalt  }
0x4c: {  	_ =	shalt  }
0x4d: {  	_ =	shalt  }
0x4e: {  	_ =	shalt  }
0x4f: {  	_ =	shalt  }
0x50: {  	_ =	shalt  }
0x51: {  	_ =	shalt  }
0x52: {  	_ =	shalt  }
0x53: {  	_ =	shalt  }
0x54: {  	_ =	shalt  }
0x55: {  	_ =	shalt  }
0x56: {  	_ =	shalt  }
0x57: {  	_ =	shalt  }
0x58: {  	_ =	shalt  }
0x59: {  	_ =	shalt  }
0x5a: {  	_ =	shalt  }
0x5b: {  	_ =	shalt  }
0x5c: {  	_ =	shalt  }
0x5d: {  	_ =	shalt  }
0x5e: {  	_ =	shalt  }
0x5f: {  	_ =	shalt  }
0x60: {  	_ =	shalt  }
0x61: {  	_ =	shalt  }
0x62: {  	_ =	shalt  }
0x63: {  	_ =	shalt  }
0x64: {  	_ =	shalt  }
0x65: {  	_ =	shalt  }
0x66: {  	_ =	shalt  }
0x67: {  	_ =	shalt  }
0x68: {  	_ =	shalt  }
0x69: {  	_ =	shalt  }
0x6a: {  	_ =	shalt  }
0x6b: {  	_ =	shalt  }
0x6c: {  	_ =	shalt  }
0x6d: {  	_ =	shalt  }
0x6e: {  	_ =	shalt  }
0x6f: {  	_ =	shalt  }
0x70: {  	_ =	shalt  }
0x71: {  	_ =	shalt  }
0x72: {  	_ =	shalt  }
0x73: {  	_ =	shalt  }
0x74: {  	_ =	shalt  }
0x75: {  	_ =	shalt  }
0x76: {  	_ =	shalt  }
0x77: {  	_ =	shalt  }
0x78: {  	_ =	shalt  }
0x79: {  	_ =	shalt  }
0x7a: {  	_ =	shalt  }
0x7b: {  	_ =	shalt  }
0x7c: {  	_ =	shalt  }
0x7d: {  	_ =	shalt  }
0x7e: {  	_ =	shalt  }
0x7f: {  	_ =	shalt  }
0x80: {  	_ =	shalt  }
0x81: {  	_ =	shalt  }
0x82: {  	_ =	shalt  }
0x83: {  	_ =	shalt  }
0x84: {  	_ =	shalt  }
0x85: {  	_ =	shalt  }
0x86: {  	_ =	shalt  }
0x87: {  	_ =	shalt  }
.Lfunc_end0:
.L_simem_size_0:
called_computation_lowered:
.L_overlay_start_0:
0x88: {  	s2 =	sld [smem:$0x3FD9]  }
0x89: {  	s3 =	sld [smem:$0x3FFE];
	_ =	sdelay $0x1  }
0x8a: {  	s1 =	srdreg.scid  }
0x8b: {  	s0 =	sand.u32 $0x1, s1  }
0x8c: {  	s18 =	sshll.u32 s0, $0xA;
	s2 =	sadd.s32 s3, s2  }
0x8d: {  	s2 =	sadd.s32 s2, s18  }
0x8e: {  	[smem:$0x3FC3] =	sst s2  }
0x8f: {  	_ = 	snop  }
0x90: {  	s2 =	sld [smem:$0x3FC9]  }
0x91: {  	s19 =	sld [smem:$0x3FC8]  }
0x92: {  	s4 =	sld [smem:$0x3FC7]  }
0x93: {  	s5 =	sld [smem:$0x3FC6]  }
0x94: {  	s6 =	sld [smem:$0x3FC5]  }
0x95: {  	s7 =	sld [smem:$0x3FD0];
	(tm) =	ssettm $0x1  }
0x96: {  	s8 =	sld [smem:$0x3FFB];
	_ =	sdelay $0x3  }
0x97: {  	_ =	strace s8  }
0x98: {  	s8 =	sld [smem:$0x3FFC];
	_ =	sdelay $0x3  }
0x99: {  	_ =	strace s8  }
0x9a: {  	s8 =	sld [smem:$0x3FFD];
	_ =	sdelay $0x3  }
0x9b: {  	_ =	strace s8  }
0x9c: {  	_ =	strace $0x8FFFFFFF  }
0x9d: {  	s20 =	sld [smem:$0x3FDB];
	_ =	sdelay $0x1  }
0x9e: {  	s9 =	simm.s32 $_scs_section_size  }
0x9f: {  	s10 =	simm.s32 $_size__tile_overlayer_lowered;
	s11 =	simm.s32 $_tile_overlayer_lowered  }
0xa0: {  	s23 =	simm.s32 $0x1BFF;
	s22 =	sshll.u32 s11, $0x1;
	s8 =	sadd.s32 s9, s20  }
0xa1: {  	s12 =	simm.s32 $0x0;
	s21 =	sshll.u32 s10, $0x1;
	s10 =	sadd.s32 s22, s8  }
0xa2: {  	[timem:s12], [sflag:s23] =	dma.local [hbm:s10], s21  }
0xa3: {  	_ =	swait.ge [sflag:s23], s21  }
0xa4: {  	s9 =	ssub.s32 $0x0, s21;
	[sflag:s23] =	ssyncset.done $0x0  }
0xa5: {  	[sflag:s23] =	ssyncadd.s32 s9;
	_ =	sdelay $0x1  }
0xa6: {  	s24 =	simm.s32 $0x1B8B  }
0xa7: {  	_ =	swait.ge [sflag:s24], $0x1  }
0xa8: {  	[sflag:s24] =	ssyncset.done $0x0  }
0xa9: {  	s25 =	simm.s32 $0x1B8E;
	[sflag:s24] =	ssyncadd.s32 $0xFFFFFFFF  }
0xaa: {  	s26 =	simm.s32 $execute0_lowered;
	[smem:$0x3FD2] =	sst s25  }
0xab: {  	s9 =	sshll.u32 s26, $0x1;
	_ =	strace $0x80000046;
	[dreg:$0x1] =	wrdreg $0xFFFFFFFF  }
0xac: {  	s28 =	simm.s32 $_size_execute0_lowered;
	s8 =	sadd.s32 s8, s9;
	[dreg:$0x0] =	wrdreg $0x0  }
0xad: {  	s9 =	sshll.u32 s28, $0x1;
	[dreg:$0x2] =	wrdreg s8  }
0xae: {  	[dreg:$0x3] =	wrdreg s9  }
0xaf: {  	[dreg:$0x4] =	wrdreg $0xC0  }
0xb0: {  	_ =	task [dreg:s12], $0x5FFFF  }
0xb1: {  	[dreg:$0x1] =	wrdreg $0xFFFFFFFF  }
0xb2: {  	[dreg:$0x0] =	wrdreg $0x60  }
0xb3: {  	[dreg:$0x2] =	wrdreg s2  }
0xb4: {  	[dreg:$0x3] =	wrdreg s19  }
0xb5: {  	[dreg:$0x4] =	wrdreg s4  }
0xb6: {  	[dreg:$0x5] =	wrdreg s5  }
0xb7: {  	[dreg:$0x6] =	wrdreg s6  }
0xb8: {  	[dreg:$0x7] =	wrdreg s7  }
0xb9: {  	[dreg:$0x8] =	wrdreg $0xC5000  }
0xba: {  	[dreg:$0x9] =	wrdreg $0x9  }
0xbb: {  	_ =	task.clear_ibuf [dreg:s12], $0xAFFFF;
	_ =	strace $0x90000046  }
0xbc: {  	s29 =	simm.s32 $0x9;
	_ =	strace $0x80000048  }
0xbd: {  	_ =	swait.ge [sflag:s29], $0x1  }
0xbe: {  	[sflag:s29] =	ssyncadd.s32 $0xFFFFFFFF  }
0xbf: {  	_ =	strace $0x90000048  }
0xc0: {  	_ =	sfence  }
0xc1: {  	s30 =	sld [smem:$0x0];
	_ =	sdelay $0x2  }
0xc2: {  	s31 =	sshll.u32 s1, $0xD;
	s1 =	sshrl.u32 s1, $0x2  }
0xc3: {  	s3 =	sand.u32 $0x4000, s31;
	s1 =	sadd.s32 s1, s30  }
0xc4: {  	s0 =	sor.u32 s3, s0;
	s1 =	sshll.u32 s1, $0x11  }
0xc5: {  	s0 =	sor.u32 s1, s0  }
0xc6: {  	s0 =	sadd.s32 $0x8F2B, s0  }
0xc7: {  	[sflag:s0] =	ssyncadd.remote.s32 $0x1  }
0xc8: {  	_ =	sfence.sel $0xFFFF  }
0xc9: {  	[dreg:$0x0] =	wrdreg $0xFFFFFFFF;
	(pc) =	sbr.abs _section_cstart, $3  }
0xca: {  	[dreg:$0x1] =	wrdreg $0xFFFFFFFF  }
0xcb: {  	_ =	task.clear_ibuf [dreg:s12], $0x2FFFF;
	_ =	strace $0x9FFFFFFF  }
0xcc: {  	(tm) =	ssettm $0x7FFFFFFF  }
0xcd: {  	_ =	shalt  }
tec
execute0_lowered:
.L_overlay_start_1:
0x0: {  	(tag) =	ssettag $0x1  }
0x1: {  	s7 =	rddreg [dreg:$0x1]  }
0x2: {  	s8 =	rddreg [dreg:$0x2]  }
0x3: {  	s9 =	rddreg [dreg:$0x3]  }
0x4: {  	s12 =	rddreg [dreg:$0x4]  }
0x5: {  	s0 =	rddreg [dreg:$0x5]  }
0x6: {  	s13 =	rddreg [dreg:$0x6]  }
0x7: {  	s11 =	stileid.u32;
	s3 =	simm.s32 $0x0;
	s1 =	srdreg.scid  }
0x8: {  	s2 =	smul.u32 $0x4E000, s11;
	[smem:$0x7FF] =	sst s3  }
0x9: {  	s1 =	sand.u32 $0x1, s1;
	s20 =	smul.u32 $0x13800, s11;
	p0 =	sne.s32 s11, $0xF  }
0xa: {  	s3 =	sadd.s32 $0x138000, s13;
	_ =	strace $0x80000047;
	s2 =	sshrl.u32 s2, $0x2  }
0xb: {  	s30 =	ssub.s32 $0x2, s1;
	[dreg:$0x19] =	wrdreg s3;
	s14 =	sadd.s32 s2, s13  }
0xc: {  	s5 =	sshll.u32 s1, $0x4;
	s15 =	sadd.s32 $0x3400, s14;
	[dreg:$0x8] =	wrdreg s14  }
0xd: {  	s1 =	smul.u32 $0x138800, s1;
	s16 =	sadd.s32 $0x6800, s14;
	[dreg:$0x9] =	wrdreg s15  }
0xe: {  	s10 =	sor.u32 s11, s5;
	s17 =	sadd.s32 $0x9C00, s14;
	[dreg:$0xa] =	wrdreg s16  }
0xf: {  	s18 =	sshll.u32 s10, $0x4;
	s6 =	sadd.s32 $0xD000, s14;
	[dreg:$0xb] =	wrdreg s17  }
0x10: {  	s4 =	sshrl.u32 s30, $0x1;
	s21 =	sadd.s32 s8, s18;
	[dreg:$0xc] =	wrdreg s6  }
0x11: {  	s31 =	ssub.s32 s30, s4;
	s25 =	sadd.s32 s12, s18;
	[dreg:$0xd] =	wrdreg s21  }
0x12: {  	s19 =	sor.u32 $0x20, s10;
	s29 =	smax.u32 s31, $0x1;
	[dreg:$0x13] =	wrdreg s25  }
0x13: {  	s5 =	sadd.s32 s20, s1;
	s30 =	sadd.s32 $0x10400, s14;
	[dreg:$0x17] =	wrdreg s29  }
0x14: {  	s1 =	sshrl.u32 s1, $0x3;
	s31 =	ssub.s32 $0x9C4, s10;
	[dreg:$0x18] =	wrdreg s30  }
0x15: {  	s22 =	sshll.u32 s19, $0x4;
	s15 =	sadd.s32 s9, s18;
	[dreg:$0x1a] =	wrdreg s31  }
0x16: {  	s24 =	sshll.u32 s10, $0xA;
	s8 =	sadd.s32 s8, s22;
	[dreg:$0xe] =	wrdreg s15  }
0x17: {  	s5 =	sshrl.u32 s5, $0x3;
	s23 =	sadd.s32 s9, s22;
	[dreg:$0xf] =	wrdreg s8  }
0x18: {  	s5 =	sadd.s32 s0, s5;
	s0 =	sadd.s32 s0, s1;
	[dreg:$0x10] =	wrdreg s23  }
.Ltmp0:
0x19: {  	s1 =	sadd.s32 s7, s24;
	[dreg:$0x11] =	wrdreg s5;
	(pc) =	sbr.rel .LBB2_1-.Ltmp0, $4  }
0x1a: {  	s26 =	sshll.u32 s19, $0xA;
	s28 =	sadd.s32 s12, s22;
	[dreg:$0x12] =	wrdreg s1  }
0x1b: {  	s20 =	simm.s32 $0x5;
	s1 =	sadd.s32 s7, s26;
	[dreg:$0x15] =	wrdreg s28  }
0x1c: {  	s2 =	simm.s32 $0x0;
	s0 =	sadd.s32 $0x27000, s0;
	[dreg:$0x14] =	wrdreg s1  }
0x1d: {  	v0 =	vimm.f32 $0.0e+00;
	s22 =	simm.s32 $0x80;
	s23 =	simm.s32 $0x300;
	[dreg:$0x16] =	wrdreg s0  }
.LBB2_19:
0x1e: {  	s0 =	simm.s32 $0xA  }
0x1f: {  	_ =	swait.ge [sflag:s0], $0x4000  }
0x20: {  	[sflag:s0] =	ssyncset.done $0x0  }
0x21: {  	s26 =	simm.s32 $0x9;
	[sflag:s0] =	ssyncadd.s32 $0xFFFFC000  }
0x22: {  	_ =	swait.ge [sflag:s26], $0x4000  }
0x23: {  	[sflag:s26] =	ssyncset.done $0x0  }
0x24: {  	[sflag:s26] =	ssyncadd.s32 $0xFFFFC000  }
0x25: {  	s28 =	stileid.u32;
	[bflag:$0x0] =	sbarrier.arrive $0xFFFF  }
0x26: {  	s29 =	simm.s32 $0xB;
	s0 =	sshll.u32 s28, $0x6;
	s14 =	rddreg [dreg:$0x8]  }
0x27: {  	s0 =	sor.u32 $0x1C0B, s0;
	s2 =	rddreg [dreg:$0x11];
	s1 =	sshrl.u32 s14, $0x3  }
0x28: {  	[hbm:s2], [sflag:s0] =	dma.local [spmem:s1], $0x2700  }
0x29: {  	_ =	swait.ge [sflag:s29], $0x2700  }
0x2a: {  	[sflag:s29] =	ssyncset.done $0x0;
	s3 =	rddreg [dreg:$0x19]  }
0x2b: {  	s2 =	rddreg [dreg:$0x16];
	[sflag:s29] =	ssyncadd.s32 $0xFFFFD900;
	s1 =	sshrl.u32 @!p0 s3, $0x3  }
0x2c: {  	[hbm:s2], [sflag:s0] =	dma.local @!p0 [spmem:s1], $0x100  }
0x2d: {  	s0 =	simm.s32 @!p0 $0xB  }
0x2e: {  	_ =	swait.ge @!p0 [sflag:s0], $0x100  }
0x2f: {  	s30 =	rddreg [dreg:$0x1b]  }
0x30: {  	s31 =	rddreg [dreg:$0x17];
	s2 =	sadd.s32 $0x1, s30  }
0x31: {  	p1 =	sne.s32 s2, s31  }
.Ltmp1:
0x32: {  	_ = 	snop;
	(pc) =	sbr.rel @!p1 .LBB2_20-.Ltmp1, $3  }
0x33: {  	_ =	sdelay $0x1  }
0x34: {  	[sflag:s0] =	ssyncset.done @!p0 $0x0  }
0x35: {  	[sflag:s0] =	ssyncadd.s32 @!p0 $0xFFFFFF00  }
.LBB2_1:
0x36: {  	[dreg:$0x1b] =	wrdreg s2;
	s0 =	simm.s32 $0x0;
	s1 =	simm.s32 $0x200  }
.LBB2_2:
0x37: {  	p1 =	sne.s32 s1, $0xCE00;
	[tilespmem:s0+$0x4570] =	vst v0  }
0x38: {  	[tilespmem:s0+$0x4500] =	vst v0  }
0x39: {  	[tilespmem:s0+$0x4510] =	vst v0  }
.Ltmp2:
0x3a: {  	[tilespmem:s0+$0x4520] =	vst v0;
	(pc) =	sbr.rel @p1 .LBB2_2-.Ltmp2, $4  }
0x3b: {  	[tilespmem:s0+$0x4530] =	vst v0  }
0x3c: {  	[tilespmem:s0+$0x4540] =	vst v0  }
0x3d: {  	[tilespmem:s0+$0x4550] =	vst v0  }
0x3e: {  	[tilespmem:s0+$0x4560] =	vst v0;
	s0 =	sshra.s32 s1, $0x2;
	s1 =	sadd.s32 $0x200, s1  }
0x3f: {  	[tilespmem:s0+$0x4570] =	vst v0  }
0x40: {  	[tilespmem:s0+$0x4500] =	vst v0  }
0x41: {  	[tilespmem:s0+$0x4510] =	vst v0  }
0x42: {  	[tilespmem:s0+$0x4520] =	vst v0  }
0x43: {  	[tilespmem:s0+$0x4530] =	vst v0  }
0x44: {  	[tilespmem:s0+$0x4540] =	vst v0  }
0x45: {  	[tilespmem:s0+$0x4550] =	vst v0  }
0x46: {  	[tilespmem:s0+$0x4560] =	vst v0;
	s1 =	simm.s32 $0x4500  }
0x47: {  	[spmem:s14] =	stream.linear.scatter [tilespmem:s1], [sflag:$0x9], $0x3400, $0x38;
	[tilespmem:$0x1FD80] =	vst v63  }
0x48: {  	s0 =	rddreg [dreg:$0x9]  }
0x49: {  	[spmem:s0] =	stream.linear.scatter [tilespmem:s1], [sflag:$0x9], $0x3400, $0x38;
	[tilespmem:$0x1FD80] =	vst v63  }
0x4a: {  	s7 =	rddreg [dreg:$0xa]  }
0x4b: {  	[spmem:s7] =	stream.linear.scatter [tilespmem:s1], [sflag:$0x9], $0x3400, $0x38;
	[tilespmem:$0x1FD80] =	vst v63  }
0x4c: {  	s8 =	rddreg [dreg:$0xb]  }
0x4d: {  	[spmem:s8] =	stream.linear.scatter [tilespmem:s1], [sflag:$0x9], $0x3400, $0x38;
	[tilespmem:$0x1FD80] =	vst v63  }
0x4e: {  	s9 =	rddreg [dreg:$0xc]  }
0x4f: {  	[spmem:s9] =	stream.linear.scatter [tilespmem:s1], [sflag:$0x9], $0x3400, $0x38;
	[tilespmem:$0x1FD80] =	vst v63  }
0x50: {  	s11 =	rddreg [dreg:$0x18]  }
0x51: {  	[spmem:s11] =	stream.linear.scatter [tilespmem:s1], [sflag:$0x9], $0x3400, $0x38;
	[tilespmem:$0x1FD80] =	vst v63  }
0x52: {  	s12 =	simm.s32 $0x9;
	s0 =	simm.s32 @!p0 $0x4500  }
0x53: {  	[spmem:s3] =	stream.linear.scatter @!p0 [tilespmem:s0], [sflag:$0x9], $0x800, $0x38;
	[tilespmem:$0x1FD80] =	vst v63  }
0x54: {  	_ =	swait.ge [sflag:s12], $0x3400  }
0x55: {  	[sflag:s12] =	ssyncset.done $0x0  }
0x56: {  	[sflag:s12] =	ssyncadd.s32 $0xFFFFCC00  }
0x57: {  	_ =	swait.ge [sflag:s12], $0x3400  }
0x58: {  	[sflag:s12] =	ssyncset.done $0x0  }
0x59: {  	[sflag:s12] =	ssyncadd.s32 $0xFFFFCC00  }
0x5a: {  	_ =	swait.ge [sflag:s12], $0x3400  }
0x5b: {  	[sflag:s12] =	ssyncset.done $0x0  }
0x5c: {  	[sflag:s12] =	ssyncadd.s32 $0xFFFFCC00  }
0x5d: {  	_ =	swait.ge [sflag:s12], $0x3400  }
0x5e: {  	[sflag:s12] =	ssyncset.done $0x0  }
0x5f: {  	[sflag:s12] =	ssyncadd.s32 $0xFFFFCC00  }
0x60: {  	_ =	swait.ge [sflag:s12], $0x3400  }
0x61: {  	[sflag:s12] =	ssyncset.done $0x0  }
0x62: {  	[sflag:s12] =	ssyncadd.s32 $0xFFFFCC00  }
0x63: {  	_ =	swait.ge [sflag:s12], $0x3400  }
0x64: {  	[sflag:s12] =	ssyncset.done $0x0  }
0x65: {  	s0 =	simm.s32 @!p0 $0x9;
	[sflag:s12] =	ssyncadd.s32 $0xFFFFCC00  }
0x66: {  	_ =	swait.ge @!p0 [sflag:s0], $0x800  }
0x67: {  	[sflag:s0] =	ssyncset.done @!p0 $0x0  }
0x68: {  	[sflag:s0] =	ssyncadd.s32 @!p0 $0xFFFFF800  }
0x69: {  	[bflag:$0x0] =	sbarrier.arrive $0xFFFF  }
0x6a: {  	s13 =	simm.s32 $0x0;
	s14 =	rddreg [dreg:$0xd]  }
0x6b: {  	[tilespmem:s13], [sflag:$0x1] =	stream.linear.gather [hbm4b:s14+s13], $0x80, $0x38;
	[tilespmem:$0x1FD80] =	vst v63  }
0x6c: {  	s2 =	simm.s32 $0x200;
	s15 =	rddreg [dreg:$0xe]  }
0x6d: {  	[tilespmem:s2], [sflag:$0x1] =	stream.linear.gather [hbm4b:s15+s13], $0x80, $0x38;
	[tilespmem:$0x1FD80] =	vst v63  }
0x6e: {  	s16 =	rddreg [dreg:$0xf]  }
0x6f: {  	[tilespmem:s22], [sflag:$0x2] =	stream.linear.gather [hbm4b:s16+s13], $0x80, $0x38;
	[tilespmem:$0x1FD80] =	vst v63  }
0x70: {  	s18 =	simm.s32 $0x280;
	s17 =	rddreg [dreg:$0x10]  }
0x71: {  	[tilespmem:s18], [sflag:$0x2] =	stream.linear.gather [hbm4b:s17+s13], $0x80, $0x38;
	[tilespmem:$0x1FD80] =	vst v63  }
0x72: {  	s21 =	simm.s32 $0x500;
	s19 =	rddreg [dreg:$0x12]  }
0x73: {  	[tilespmem:s21], [sflag:$0x5] =	stream.linear.gather [hbm4b:s19+s13], $0x2000, $0x38;
	[tilespmem:$0x1FD80] =	vst v63  }
0x74: {  	s25 =	simm.s32 $0x400;
	s24 =	rddreg [dreg:$0x13]  }
0x75: {  	[tilespmem:s25], [sflag:$0x5] =	stream.linear.gather [hbm4b:s24+s13], $0x80, $0x38;
	[tilespmem:$0x1FD80] =	vst v63  }
0x76: {  	s28 =	simm.s32 $0x2500;
	s26 =	rddreg [dreg:$0x14]  }
0x77: {  	[tilespmem:s28], [sflag:$0x6] =	stream.linear.gather [hbm4b:s26+s13], $0x2000, $0x38;
	[tilespmem:$0x1FD80] =	vst v63  }
0x78: {  	s30 =	simm.s32 $0x480;
	s31 =	simm.s32 $0x1;
	s29 =	rddreg [dreg:$0x15]  }
0x79: {  	[tilespmem:s30], [sflag:$0x6] =	stream.linear.gather [hbm4b:s29+s13], $0x80, $0x38;
	[tilespmem:$0x1FD80] =	vst v63  }
0x7a: {  	_ =	swait.ge [sflag:s31], $0x80  }
0x7b: {  	[sflag:s31] =	ssyncset.done $0x0  }
0x7c: {  	[sflag:s31] =	ssyncadd.s32 $0xFFFFFF80  }
.Ltmp3:
0x7d: {  	_ =	swait.ge [sflag:s31], $0x80;
	(pc) =	sbr.rel .LBB2_4-.Ltmp3, $4  }
0x7e: {  	[sflag:s31] =	ssyncset.done $0x0  }
0x7f: {  	[sflag:s31] =	ssyncadd.s32 $0xFFFFFF80  }
0x80: {  	s14 =	simm.s32 $0x0;
	s0 =	rddreg [dreg:$0x0]  }
0x81: {  	[tilespmem:s1], [sflag:$0x7] =	stream.indirect.gather [hbm4b:s0+s22], $0x80, s13, s22, $0xb8;
	[tilespmem:$0x1FD80] =	vst v63  }
.LBB2_18:
0x82: {  	s14 =	sadd.s32 $0x1, s14  }
0x83: {  	p1 =	sne.s32 s14, $0x14  }
.Ltmp4:
0x84: {  	_ = 	snop;
	(pc) =	sbr.rel @!p1 .LBB2_19-.Ltmp4, $1  }
0x85: {  	_ =	sdelay $0x3  }
.LBB2_4:
0x86: {  	s0 =	simm.s32 $0x2  }
0x87: {  	_ =	swait.ge [sflag:s0], $0x80  }
0x88: {  	[sflag:s0] =	ssyncset.done $0x0  }
0x89: {  	[sflag:s0] =	ssyncadd.s32 $0xFFFFFF80  }
0x8a: {  	_ =	swait.ge [sflag:s0], $0x80  }
0x8b: {  	p1 =	sne.s32 s14, $0x0;
	[sflag:s0] =	ssyncset.done $0x0  }
0x8c: {  	[sflag:s0] =	ssyncadd.s32 $0xFFFFFF80;
	s0 =	simm.s32 @p1 $0xA  }
0x8d: {  	_ =	swait.ge @p1 [sflag:s0], $0x4000  }
0x8e: {  	[sflag:s0] =	ssyncset.done @p1 $0x0  }
0x8f: {  	[sflag:s0] =	ssyncadd.s32 @p1 $0xFFFFC000  }
0x90: {  	s1 =	simm.s32 @p1 $0x8500;
	s0 =	simm.s32 @p1 $0x80;
	s2 =	rddreg [dreg:$0x0]  }
0x91: {  	[tilespmem:s1], [sflag:$0x8] =	stream.indirect.gather @p1 [hbm4b:s2+s0], $0x80, s0, s0, $0xb8;
	[tilespmem:$0x1FD80] =	vst v63  }
0x92: {  	s0 =	sshll.u32 @p1 s14, $0x7  }
0x93: {  	s1 =	simm.s32 @!p1 $0x8500;
	s12 =	sor.u32 @p1 $0x40, s0;
	s0 =	simm.s32 @!p1 $0x80  }
0x94: {  	[tilespmem:s1], [sflag:$0x8] =	stream.indirect.gather @!p1 [hbm4b:s2+s0], $0x80, s0, s0, $0xb8;
	[tilespmem:$0x1FD80] =	vst v63  }
0x95: {  	s12 =	simm.s32 @!p1 $0x40  }
0x96: {  	s0 =	sadd.s32 s10, s12  }
0x97: {  	p1 =	slt.s32 s0, $0x9C3  }
0x98: {  	s0 =	simm.s32 @!p1 $0x9C3  }
0x99: {  	s21 =	simm.s32 $0x100;
	s19 =	rddreg [dreg:$0x2];
	s0 =	sshll.u32 s0, $0x4  }
0x9a: {  	s3 =	simm.s32 $0x0;
	s22 =	rddreg [dreg:$0x3];
	s1 =	sadd.s32 s19, s0  }
0x9b: {  	[tilespmem:s21], [sflag:$0x3] =	stream.linear.gather [hbm4b:s1+s3], $0x80, $0x38;
	[tilespmem:$0x1FD80] =	vst v63  }
0x9c: {  	s0 =	sadd.s32 s22, s0  }
0x9d: {  	[tilespmem:s23], [sflag:$0x3] =	stream.linear.gather [hbm4b:s0+s3], $0x80, $0x38;
	[tilespmem:$0x1FD80] =	vst v63  }
0x9e: {  	_ =	swait.ge [sflag:s20], $0x2000  }
0x9f: {  	[sflag:s20] =	ssyncset.done $0x0  }
0xa0: {  	[sflag:s20] =	ssyncadd.s32 $0xFFFFE000  }
0xa1: {  	_ =	swait.ge [sflag:s20], $0x80  }
0xa2: {  	[sflag:s20] =	ssyncset.done $0x0  }
0xa3: {  	s23 =	simm.s32 $0x7;
	[sflag:s20] =	ssyncadd.s32 $0xFFFFFF80  }
0xa4: {  	_ =	swait.ge [sflag:s23], $0x4000  }
0xa5: {  	[sflag:s23] =	ssyncset.done $0x0  }
0xa6: {  	s2 =	sand.u32 $0x1FC0, s3;
	[sflag:s23] =	ssyncadd.s32 $0xFFFFC000  }
0xa7: {  	s11 =	simm.s32 $0x4540;
	s24 =	simm.s32 $0x40;
	v1 =	vld [tilespmem:s2+$0x500]  }
0xa8: {  	s0 =	sand.u32 $0x1FC0, s24;
	v2 =	vld [tilespmem:s11+$0xFFFFFFC0]  }
0xa9: {  	s15 =	simm.s32 $0x45C0;
	v4 =	vld [tilespmem:s0+$0x500]  }
0xaa: {  	v3 =	vld [tilespmem:s15+$0xFFFFFFC0]  }
0xab: {  	v5 =	vld [tilespmem:s11+$0xFFFFFFD0];
	_ =	sdelay $0x1  }
0xac: {  	v6 =	vshll.u32 v1, $0x10  }
0xad: {  	v2 =	vadd.f32 v6, v2;
	v6 =	vshll.u32 v4, $0x10  }
0xae: {  	v6 =	vadd.f32 v6, v3  }
0xaf: {  	v1 =	vadd.f32 v1, v5;
	v3 =	vmul.f32 $-1.702000020e+00, v2  }
0xb0: {  	v5 =	vmul.f32 $-1.702000020e+00, v6  }
0xb1: {  	s25 =	simm.s32 $0x80;
	v7 =	vmul.f32 $-1.702000020e+00, v1;
	v3 =	vmul.f32 $1.442695020e+00, v3  }
0xb2: {  	s7 =	sand.u32 $0x1FC0, s25;
	v5 =	vmul.f32 $1.442695020e+00, v5  }
0xb3: {  	s28 =	simm.s32 $0x4640;
	v8 =	vld [tilespmem:s7+$0x500];
	v7 =	vmul.f32 $1.442695020e+00, v7;
	(erf) = vpow2.f32 v3  }
0xb4: {  	v3 =	vld [tilespmem:s28+$0xFFFFFFC0];
	(erf) = vpow2.f32 v5  }
0xb5: {  	v5 =	vld [tilespmem:s15+$0xFFFFFFD0];
	(erf) = vpow2.f32 v7;
	_ =	sdelay $0x2  }
0xb6: {  	v7 =	vshll.u32 v8, $0x10  }
0xb7: {  	v3 =	vadd.f32 v7, v3  }
0xb8: {  	v5 =	vadd.f32 v4, v5  }
0xb9: {  	v4 =	vmul.f32 $-1.702000020e+00, v3  }
0xba: {  	v9 =	vmul.f32 $-1.702000020e+00, v5;
	v7 =	vpop (erf)  }
0xbb: {  	v4 =	vmul.f32 $1.442695020e+00, v4;
	v10 =	vpop (erf)  }
0xbc: {  	v9 =	vmul.f32 $1.442695020e+00, v9;
	v11 =	vpop (erf)  }
0xbd: {  	(erf) = vpow2.f32 v4;
	v4 =	vadd.f32 $1.000000000e+00, v11  }
0xbe: {  	s26 =	sand.u32 $0x1C0, s3;
	v7 =	vadd.f32 $1.000000000e+00, v7;
	(erf) = vpow2.f32 v9  }
0xbf: {  	s1 =	sshrl.u32 s26, $0x2;
	(erf) = vrcp.f32 v4  }
0xc0: {  	v4 =	vld [tilespmem:s1+$0x400];
	(erf) = vrcp.f32 v7;
	_ =	sdelay $0x3  }
0xc1: {  	v7 =	vmov s3  }
0xc2: {  	v7 =	vperm.xlane v4, v7  }
0xc3: {  	v9 =	vpop (erf)  }
0xc4: {  	s4 =	simm.s32 $0xC0;
	v11 =	vpop (erf);
	v1 =	vmul.f32 v1, v7  }
0xc5: {  	s4 =	sand.u32 $0x1FC0, s4;
	v2 =	vmul.f32 v2, v7;
	v4 =	vpop (erf)  }
0xc6: {  	v12 =	vld [tilespmem:s4+$0x500];
	s1 =	simm.s32 $0x46C0;
	v1 =	vmul.f32 v4, v1;
	v4 =	vpop (erf)  }
0xc7: {  	v2 =	vmul.f32 v4, v2;
	v4 =	vld [tilespmem:s1+$0xFFFFFFC0]  }
0xc8: {  	[tilespmem:s11+$0xFFFFFFD0] =	vst v1;
	v1 =	vld [tilespmem:s28+$0xFFFFFFD0]  }
0xc9: {  	[tilespmem:s11+$0xFFFFFFC0] =	vst v2;
	v2 =	vld [tilespmem:s11+$0xFFFFFFF0]  }
0xca: {  	v13 =	vld [tilespmem:s2+$0x510]  }
0xcb: {  	v15 =	vld [tilespmem:s11+$0xFFFFFFE0];
	v14 =	vshll.u32 v12, $0x10  }
0xcc: {  	v4 =	vadd.f32 v14, v4  }
0xcd: {  	v14 =	vadd.f32 v8, v1  }
0xce: {  	v1 =	vmul.f32 $-1.702000020e+00, v4  }
0xcf: {  	v8 =	vmul.f32 $-1.702000020e+00, v14;
	v16 =	vshll.u32 v13, $0x10;
	v2 =	vadd.f32 v13, v2  }
0xd0: {  	v1 =	vmul.f32 $1.442695020e+00, v1;
	v13 =	vadd.f32 v16, v15  }
0xd1: {  	v8 =	vmul.f32 $1.442695020e+00, v8;
	v15 =	vmul.f32 $-1.702000020e+00, v2  }
0xd2: {  	(erf) = vpow2.f32 v1;
	v1 =	vadd.f32 $1.000000000e+00, v11;
	v11 =	vmul.f32 $-1.702000020e+00, v13  }
0xd3: {  	(erf) = vpow2.f32 v8;
	v8 =	vmul.f32 $1.442695020e+00, v15  }
0xd4: {  	s5 =	simm.s32 $0x4;
	(erf) = vrcp.f32 v1;
	v1 =	vmul.f32 $1.442695020e+00, v11  }
0xd5: {  	v10 =	vadd.f32 $1.000000000e+00, v10;
	s3 =	sand.u32 $0x1C0, s5;
	(erf) = vpow2.f32 v8  }
0xd6: {  	s3 =	sshrl.u32 s3, $0x2;
	(erf) = vpow2.f32 v1  }
0xd7: {  	v1 =	vld [tilespmem:s3+$0x400];
	(erf) = vrcp.f32 v10  }
0xd8: {  	s6 =	simm.s32 $0x1  }
0xd9: {  	v8 =	vmov s6;
	_ =	sdelay $0x1  }
0xda: {  	v10 =	vpop (erf)  }
0xdb: {  	v1 =	vperm.xlane v1, v8;
	v8 =	vpop (erf)  }
0xdc: {  	v11 =	vpop (erf)  }
0xdd: {  	s8 =	simm.s32 $0x100;
	v5 =	vmul.f32 v5, v1;
	v15 =	vpop (erf)  }
0xde: {  	s26 =	sand.u32 $0x1FC0, s8;
	v17 =	vld [tilespmem:s1+$0xFFFFFFD0];
	v6 =	vmul.f32 v6, v1;
	v16 =	vpop (erf)  }
0xdf: {  	s18 =	simm.s32 $0x4740;
	v18 =	vld [tilespmem:s26+$0x500];
	v5 =	vmul.f32 v11, v5;
	v11 =	vpop (erf)  }
0xe0: {  	v6 =	vmul.f32 v11, v6;
	v11 =	vld [tilespmem:s18+$0xFFFFFFC0]  }
0xe1: {  	[tilespmem:s15+$0xFFFFFFD0] =	vst v5  }
0xe2: {  	[tilespmem:s15+$0xFFFFFFC0] =	vst v6;
	v6 =	vld [tilespmem:s15+$0xFFFFFFF0]  }
0xe3: {  	v12 =	vadd.f32 v12, v17;
	v17 =	vld [tilespmem:s0+$0x510]  }
0xe4: {  	v19 =	vld [tilespmem:s15+$0xFFFFFFE0];
	v5 =	vshll.u32 v18, $0x10  }
0xe5: {  	v20 =	vmul.f32 $-1.702000020e+00, v12;
	v5 =	vadd.f32 v5, v11;
	_ =	sdelay $0x1  }
0xe6: {  	v15 =	vadd.f32 $1.000000000e+00, v15;
	v11 =	vmul.f32 $1.442695020e+00, v20;
	v20 =	vmul.f32 $-1.702000020e+00, v5  }
0xe7: {  	v16 =	vadd.f32 $1.000000000e+00, v16;
	v21 =	vshll.u32 v17, $0x10;
	v17 =	vadd.f32 v17, v6  }
0xe8: {  	(erf) = vrcp.f32 v15;
	v6 =	vmul.f32 $1.442695020e+00, v20;
	v15 =	vadd.f32 v21, v19  }
0xe9: {  	(erf) = vrcp.f32 v16;
	v16 =	vmul.f32 $-1.702000020e+00, v17  }
0xea: {  	(erf) = vpow2.f32 v6;
	v6 =	vadd.f32 $1.000000000e+00, v8;
	v8 =	vmul.f32 $-1.702000020e+00, v15  }
0xeb: {  	s9 =	simm.s32 $0x8;
	(erf) = vpow2.f32 v11;
	v11 =	vmul.f32 $1.442695020e+00, v16  }
0xec: {  	s3 =	sand.u32 $0x1C0, s9;
	(erf) = vrcp.f32 v6;
	v6 =	vmul.f32 $1.442695020e+00, v8  }
0xed: {  	s3 =	sshrl.u32 s3, $0x2;
	(erf) = vpow2.f32 v11  }
0xee: {  	v8 =	vadd.f32 $1.000000000e+00, v9;
	(erf) = vpow2.f32 v6;
	v6 =	vld [tilespmem:s3+$0x400];
	_ =	sdelay $0x1  }
0xef: {  	(erf) = vrcp.f32 v8  }
0xf0: {  	s13 =	simm.s32 $0x2;
	v2 =	vmul.f32 v2, v7  }
0xf1: {  	v13 =	vmul.f32 v13, v7;
	v11 =	vmov s13;
	v8 =	vpop (erf)  }
0xf2: {  	v9 =	vpop (erf);
	v16 =	vmul.f32 v8, v2;
	v2 =	vperm.xlane v6, v11  }
0xf3: {  	s16 =	simm.s32 $0x140;
	v8 =	vpop (erf)  }
0xf4: {  	s16 =	sand.u32 $0x1FC0, s16;
	v9 =	vmul.f32 v9, v13;
	v19 =	vpop (erf);
	v13 =	vmul.f32 v14, v2  }
0xf5: {  	v20 =	vld [tilespmem:s16+$0x500];
	v11 =	vpop (erf)  }
0xf6: {  	s19 =	simm.s32 $0x47C0;
	v6 =	vld [tilespmem:s18+$0xFFFFFFD0];
	[tilespmem:s11+$0xFFFFFFF0] =	vst v16;
	v14 =	vpop (erf)  }
0xf7: {  	[tilespmem:s11+$0xFFFFFFE0] =	vst v9;
	v9 =	vld [tilespmem:s19+$0xFFFFFFC0];
	v3 =	vmul.f32 v3, v2;
	v21 =	vpop (erf)  }
0xf8: {  	v22 =	vld [tilespmem:s2+$0x520];
	v11 =	vmul.f32 v11, v13;
	v13 =	vpop (erf)  }
0xf9: {  	v3 =	vmul.f32 v13, v3;
	v13 =	vld [tilespmem:s11+$0x10]  }
0xfa: {  	[tilespmem:s28+$0xFFFFFFD0] =	vst v11  }
0xfb: {  	v11 =	vadd.f32 v18, v6;
	v18 =	vld [tilespmem:s28+$0xFFFFFFF0];
	[tilespmem:s28+$0xFFFFFFC0] =	vst v3;
	v3 =	vshll.u32 v20, $0x10  }
0xfc: {  	v14 =	vadd.f32 $1.000000000e+00, v14;
	v6 =	vadd.f32 v3, v9;
	v3 =	vld [tilespmem:s7+$0x510]  }
0xfd: {  	v23 =	vld [tilespmem:s28+$0xFFFFFFE0];
	v21 =	vadd.f32 $1.000000000e+00, v21  }
0xfe: {  	(erf) = vrcp.f32 v14;
	v24 =	vadd.f32 v22, v13  }
0xff: {  	(erf) = vrcp.f32 v21;
	v13 =	vmul.f32 $-1.702000020e+00, v6  }
0x100: {  	v9 =	vmul.f32 $-1.702000020e+00, v11;
	v25 =	vmul.f32 $-1.702000020e+00, v24  }
0x101: {  	v13 =	vmul.f32 $1.442695020e+00, v13;
	v14 =	vshll.u32 v3, $0x10;
	v18 =	vadd.f32 v3, v18  }
0x102: {  	v9 =	vmul.f32 $1.442695020e+00, v9;
	v3 =	vmul.f32 $1.442695020e+00, v25;
	v14 =	vadd.f32 v14, v23  }
0x103: {  	(erf) = vpow2.f32 v13;
	v13 =	vmul.f32 $-1.702000020e+00, v18  }
0x104: {  	v19 =	vadd.f32 $1.000000000e+00, v19;
	(erf) = vpow2.f32 v3;
	v3 =	vmul.f32 $-1.702000020e+00, v14  }
0x105: {  	s17 =	simm.s32 $0xC;
	(erf) = vpow2.f32 v9;
	v9 =	vmul.f32 $1.442695020e+00, v13  }
0x106: {  	s3 =	sand.u32 $0x1C0, s17;
	(erf) = vrcp.f32 v19;
	v3 =	vmul.f32 $1.442695020e+00, v3  }
0x107: {  	v10 =	vadd.f32 $1.000000000e+00, v10;
	s3 =	sshrl.u32 s3, $0x2;
	(erf) = vpow2.f32 v9  }
0x108: {  	(erf) = vpow2.f32 v3;
	v3 =	vld [tilespmem:s3+$0x400];
	_ =	sdelay $0x1  }
0x109: {  	v9 =	vmul.f32 v17, v1;
	(erf) = vrcp.f32 v10  }
0x10a: {  	s21 =	simm.s32 $0x3;
	v10 =	vpop (erf)  }
0x10b: {  	v17 =	vpop (erf);
	v9 =	vmul.f32 v10, v9;
	v10 =	vmov s21  }
0x10c: {  	s22 =	simm.s32 $0x180;
	v15 =	vmul.f32 v15, v1;
	v13 =	vpop (erf);
	v3 =	vperm.xlane v3, v10  }
0x10d: {  	v21 =	vld [tilespmem:s19+$0xFFFFFFD0];
	s3 =	sand.u32 $0x1FC0, s22;
	v19 =	vpop (erf)  }
0x10e: {  	s25 =	simm.s32 $0x4840;
	v10 =	vmul.f32 v17, v15;
	v15 =	vld [tilespmem:s3+$0x500];
	v23 =	vpop (erf);
	v12 =	vmul.f32 v12, v3  }
0x10f: {  	v26 =	vld [tilespmem:s25+$0xFFFFFFC0];
	[tilespmem:s15+$0xFFFFFFF0] =	vst v9;
	v9 =	vpop (erf)  }
0x110: {  	v16 =	vld [tilespmem:s11+$0x0];
	v17 =	vpop (erf)  }
0x111: {  	v4 =	vmul.f32 v4, v3;
	[tilespmem:s15+$0xFFFFFFE0] =	vst v10;
	v27 =	vpop (erf);
	v10 =	vmul.f32 v9, v12  }
0x112: {  	v9 =	vadd.f32 v20, v21;
	v20 =	vld [tilespmem:s0+$0x520];
	v12 =	vpop (erf)  }
0x113: {  	v21 =	vld [tilespmem:s15+$0x10];
	[tilespmem:s1+$0xFFFFFFD0] =	vst v10;
	v10 =	vshll.u32 v15, $0x10;
	v4 =	vmul.f32 v12, v4  }
0x114: {  	v17 =	vadd.f32 $1.000000000e+00, v17;
	v12 =	vshll.u32 v22, $0x10;
	v10 =	vadd.f32 v10, v26  }
0x115: {  	v18 =	vmul.f32 v18, v2;
	v27 =	vadd.f32 $1.000000000e+00, v27;
	v12 =	vadd.f32 v12, v16;
	[tilespmem:s1+$0xFFFFFFC0] =	vst v4;
	v4 =	vld [tilespmem:s1+$0xFFFFFFF0]  }
0x116: {  	(erf) = vrcp.f32 v17;
	v28 =	vmul.f32 $-1.702000020e+00, v10;
	v26 =	vld [tilespmem:s4+$0x510]  }
0x117: {  	v29 =	vld [tilespmem:s1+$0xFFFFFFE0];
	v19 =	vadd.f32 $1.000000000e+00, v19;
	(erf) = vrcp.f32 v27;
	v22 =	vmul.f32 $-1.702000020e+00, v12  }
0x118: {  	v16 =	vmul.f32 $-1.702000020e+00, v9;
	v21 =	vadd.f32 v20, v21;
	v17 =	vmul.f32 $1.442695020e+00, v28  }
0x119: {  	(erf) = vrcp.f32 v19;
	v19 =	vmul.f32 $1.442695020e+00, v22  }
0x11a: {  	v27 =	vmul.f32 $-1.702000020e+00, v21;
	(erf) = vpow2.f32 v17  }
0x11b: {  	(erf) = vpow2.f32 v19;
	v22 =	vshll.u32 v26, $0x10;
	v26 =	vadd.f32 v26, v4  }
0x11c: {  	v19 =	vadd.f32 $1.000000000e+00, v23;
	v4 =	vmul.f32 $1.442695020e+00, v27;
	v22 =	vadd.f32 v22, v29  }
0x11d: {  	v16 =	vmul.f32 $1.442695020e+00, v16;
	v17 =	vmul.f32 $-1.702000020e+00, v26  }
0x11e: {  	(erf) = vpow2.f32 v4;
	v4 =	vmul.f32 $-1.702000020e+00, v22  }
0x11f: {  	(erf) = vpow2.f32 v16;
	v16 =	vmul.f32 $1.442695020e+00, v17  }
0x120: {  	s5 =	simm.s32 $0x10;
	v17 =	vld [tilespmem:s25+$0xFFFFFFD0];
	(erf) = vrcp.f32 v19;
	v19 =	vpop (erf);
	v4 =	vmul.f32 $1.442695020e+00, v4  }
0x121: {  	s5 =	sand.u32 $0x1C0, s5;
	v8 =	vadd.f32 $1.000000000e+00, v8;
	v25 =	vld [tilespmem:s15+$0x0];
	(erf) = vpow2.f32 v16;
	v16 =	vmul.f32 v19, v18  }
0x122: {  	s5 =	sshrl.u32 s5, $0x2;
	(erf) = vpow2.f32 v4  }
0x123: {  	v18 =	vpop (erf);
	v4 =	vmul.f32 v14, v2;
	v14 =	vld [tilespmem:s5+$0x400];
	(erf) = vrcp.f32 v8;
	[tilespmem:s28+$0xFFFFFFF0] =	vst v16;
	v16 =	vshll.u32 v20, $0x10  }
0x124: {  	v19 =	vpop (erf)  }
0x125: {  	s29 =	simm.s32 $0x48C0;
	s23 =	simm.s32 $0x1C0;
	v8 =	vpop (erf);
	v17 =	vadd.f32 v15, v17;
	v4 =	vmul.f32 v18, v4  }
0x126: {  	s8 =	simm.s32 $0x4;
	s6 =	sand.u32 $0x1FC0, s23;
	v23 =	vld [tilespmem:s29+$0xFFFFFFD0];
	v20 =	vmul.f32 v24, v7;
	v15 =	vadd.f32 v16, v25;
	v16 =	vpop (erf)  }
0x127: {  	v27 =	vld [tilespmem:s6+$0x500];
	v24 =	vmov s8;
	v25 =	vmul.f32 v12, v7;
	v12 =	vmul.f32 $-1.702000020e+00, v17;
	[tilespmem:s28+$0xFFFFFFE0] =	vst v4;
	v28 =	vpop (erf)  }
0x128: {  	v4 =	vperm.xlane v14, v24;
	v14 =	vld [tilespmem:s7+$0x520];
	v24 =	vadd.f32 $1.000000000e+00, v16;
	v30 =	vpop (erf)  }
0x129: {  	v16 =	vmul.f32 v21, v1;
	v31 =	vmul.f32 $1.442695020e+00, v12;
	v12 =	vld [tilespmem:s29+$0xFFFFFFC0];
	v21 =	vpop (erf)  }
0x12a: {  	v32 =	vmul.f32 v11, v4;
	(erf) = vrcp.f32 v24;
	v11 =	vpop (erf)  }
0x12b: {  	v18 =	vld [tilespmem:s28+$0x0];
	v5 =	vmul.f32 v5, v4;
	v24 =	vadd.f32 $1.000000000e+00, v11;
	v33 =	vpop (erf)  }
0x12c: {  	v34 =	vld [tilespmem:s28+$0x10];
	v35 =	vshll.u32 v27, $0x10;
	v11 =	vadd.f32 v27, v23;
	v21 =	vmul.f32 v21, v32;
	v23 =	vpop (erf)  }
0x12d: {  	v27 =	vadd.f32 $1.000000000e+00, v33;
	v5 =	vmul.f32 v23, v5;
	(erf) = vrcp.f32 v24  }
0x12e: {  	v24 =	vshll.u32 v14, $0x10;
	v12 =	vadd.f32 v35, v12;
	[tilespmem:s18+$0xFFFFFFD0] =	vst v21;
	v21 =	vmul.f32 $-1.702000020e+00, v11  }
0x12f: {  	(erf) = vrcp.f32 v27;
	[tilespmem:s18+$0xFFFFFFC0] =	vst v5;
	v5 =	vmul.f32 v22, v3;
	v22 =	vadd.f32 $1.000000000e+00, v28  }
0x130: {  	v23 =	vmul.f32 v26, v3;
	v26 =	vld [tilespmem:s18+$0xFFFFFFF0];
	v18 =	vadd.f32 v24, v18  }
0x131: {  	v24 =	vmul.f32 $-1.702000020e+00, v12;
	v28 =	vadd.f32 v14, v34;
	v14 =	vmul.f32 $1.442695020e+00, v21;
	v21 =	vld [tilespmem:s26+$0x510]  }
0x132: {  	v19 =	vmul.f32 v19, v20;
	v29 =	vmul.f32 $-1.702000020e+00, v15  }
0x133: {  	v20 =	vld [tilespmem:s18+$0xFFFFFFE0];
	v24 =	vmul.f32 $1.442695020e+00, v24;
	(erf) = vrcp.f32 v22;
	v22 =	vpop (erf)  }
0x134: {  	v29 =	vmul.f32 $1.442695020e+00, v29;
	v22 =	vmul.f32 v22, v25  }
0x135: {  	v52 =	vmul.f32 $-1.702000020e+00, v28;
	(erf) = vpow2.f32 v24  }
0x136: {  	(erf) = vpow2.f32 v29;
	[tilespmem:s11+$0x0] =	vst v22;
	v22 =	vshll.u32 v21, $0x10;
	v21 =	vadd.f32 v21, v26  }
0x137: {  	[tilespmem:s11+$0x10] =	vst v19;
	v19 =	vmul.f32 v28, v2;
	v24 =	vmul.f32 $1.442695020e+00, v52;
	v26 =	vpop (erf)  }
0x138: {  	s24 =	simm.s32 $0x14;
	v28 =	vld [tilespmem:s2+$0x530];
	v29 =	vadd.f32 v22, v20;
	v20 =	vmul.f32 v26, v23;
	v23 =	vpop (erf);
	v22 =	vmul.f32 $-1.702000020e+00, v21  }
0x139: {  	s5 =	sand.u32 $0x1C0, s24;
	v25 =	vld [tilespmem:s11+$0x20];
	(erf) = vpow2.f32 v24;
	v5 =	vmul.f32 v23, v5  }
0x13a: {  	v53 =	vld [tilespmem:s11+$0x30];
	s8 =	sshrl.u32 s5, $0x2;
	v24 =	vadd.f32 $1.000000000e+00, v30;
	v23 =	vmul.f32 $-1.702000020e+00, v29;
	[tilespmem:s1+$0xFFFFFFF0] =	vst v20;
	v20 =	vmul.f32 $1.442695020e+00, v22  }
0x13b: {  	v13 =	vadd.f32 $1.000000000e+00, v13;
	(erf) = vpow2.f32 v31;
	v26 =	vld [tilespmem:s8+$0x400]  }
0x13c: {  	v30 =	vld [tilespmem:s1+$0x0];
	(erf) = vrcp.f32 v24;
	[tilespmem:s1+$0xFFFFFFE0] =	vst v5;
	v5 =	vmul.f32 $1.442695020e+00, v23  }
0x13d: {  	s13 =	simm.s32 $0x200;
	v27 =	vmul.f32 $-1.702000020e+00, v18;
	s2 =	simm.s32 $0x4940;
	v54 =	vpop (erf);
	v24 =	vld [tilespmem:s4+$0x520];
	v23 =	vshll.u32 v28, $0x10;
	(erf) = vpow2.f32 v20  }
0x13e: {  	s9 =	simm.s32 $0x5;
	s30 =	sand.u32 $0x1FC0, s13;
	v22 =	vmul.f32 v18, v2;
	v18 =	vld [tilespmem:s2+$0xFFFFFFD0];
	v23 =	vadd.f32 v23, v25;
	(erf) = vpow2.f32 v5;
	v20 =	vpop (erf)  }
0x13f: {  	v31 =	vmov s9;
	v55 =	vmul.f32 v21, v4;
	v25 =	vld [tilespmem:s30+$0x500];
	(erf) = vrcp.f32 v13;
	v13 =	vpop (erf)  }
0x140: {  	v5 =	vperm.xlane v26, v31;
	v26 =	vld [tilespmem:s2+$0xFFFFFFC0];
	v21 =	vmul.f32 $-1.702000020e+00, v23;
	v13 =	vadd.f32 $1.000000000e+00, v13  }
0x141: {  	v15 =	vmul.f32 v15, v1;
	v29 =	vmul.f32 v29, v4;
	v28 =	vadd.f32 v28, v53  }
0x142: {  	v31 =	vshll.u32 v24, $0x10;
	v56 =	vpop (erf);
	v21 =	vmul.f32 $1.442695020e+00, v21;
	(erf) = vrcp.f32 v13  }
0x143: {  	v16 =	vmul.f32 v54, v16;
	v30 =	vadd.f32 v31, v30;
	v31 =	vmul.f32 $-1.702000020e+00, v28  }
0x144: {  	v9 =	vmul.f32 v9, v5;
	v57 =	vpop (erf);
	v36 =	vshll.u32 v25, $0x10;
	(erf) = vpow2.f32 v21  }
0x145: {  	v13 =	vadd.f32 v25, v18;
	v25 =	vpop (erf);
	v21 =	vld [tilespmem:s1+$0x10];
	v18 =	vadd.f32 v36, v26;
	v31 =	vmul.f32 $1.442695020e+00, v31  }
0x146: {  	v6 =	vmul.f32 v6, v5;
	v9 =	vmul.f32 v25, v9;
	v37 =	vpop (erf)  }
0x147: {  	v38 =	vmul.f32 $-1.702000020e+00, v18;
	(erf) = vpow2.f32 v31;
	v37 =	vadd.f32 $1.000000000e+00, v37  }
0x148: {  	v26 =	vmul.f32 $-1.702000020e+00, v30;
	v58 =	vmul.f32 $-1.702000020e+00, v13;
	v39 =	vpop (erf)  }
0x149: {  	[tilespmem:s19+$0xFFFFFFD0] =	vst v9;
	v31 =	vpop (erf);
	v59 =	vadd.f32 $1.000000000e+00, v39;
	v9 =	vmul.f32 $1.442695020e+00, v38;
	(erf) = vrcp.f32 v37  }
0x14a: {  	v31 =	vmul.f32 v31, v6;
	v24 =	vadd.f32 v24, v21;
	v6 =	vmul.f32 v23, v7  }
0x14b: {  	v32 =	vadd.f32 $1.000000000e+00, v56;
	v7 =	vmul.f32 v28, v7;
	(erf) = vrcp.f32 v59;
	v23 =	vpop (erf)  }
0x14c: {  	v60 =	vld [tilespmem:s19+$0xFFFFFFF0];
	s17 =	simm.s32 $0x6;
	[tilespmem:s19+$0xFFFFFFC0] =	vst v31;
	v21 =	vmul.f32 $-1.702000020e+00, v24;
	v15 =	vmul.f32 v23, v15  }
0x14d: {  	v61 =	vmov s17;
	s21 =	simm.s32 $0x18;
	[tilespmem:s15+$0x10] =	vst v16;
	(erf) = vrcp.f32 v32;
	v31 =	vmul.f32 $1.442695020e+00, v27;
	v62 =	vld [tilespmem:s16+$0x510];
	v23 =	vpop (erf)  }
0x14e: {  	v63 =	vld [tilespmem:s19+$0xFFFFFFE0];
	s5 =	sand.u32 $0x1C0, s21;
	(erf) = vpow2.f32 v9;
	v28 =	vmul.f32 $1.442695020e+00, v21;
	v16 =	vadd.f32 $1.000000000e+00, v23;
	[tilespmem:s15+$0x0] =	vst v15  }
0x14f: {  	s22 =	simm.s32 $0x7;
	s5 =	sshrl.u32 s5, $0x2;
	v34 =	vadd.f32 $1.000000000e+00, v8;
	v25 =	vmul.f32 $1.442695020e+00, v58;
	(erf) = vpow2.f32 v31;
	v31 =	vld [tilespmem:s0+$0x530]  }
0x150: {  	v27 =	vmov s22;
	v24 =	vmul.f32 v24, v3;
	(erf) = vrcp.f32 v16;
	v16 =	vld [tilespmem:s5+$0x400];
	v15 =	vpop (erf)  }
0x151: {  	s9 =	simm.s32 $0x8;
	v32 =	vadd.f32 $1.000000000e+00, v57;
	v9 =	vld [tilespmem:s15+$0x20];
	(erf) = vpow2.f32 v28;
	v15 =	vadd.f32 $1.000000000e+00, v15  }
0x152: {  	v21 =	vmov s9;
	(erf) = vpow2.f32 v14;
	v14 =	vadd.f32 v62, v60;
	v28 =	vpop (erf)  }
0x153: {  	s31 =	simm.s32 $0x240;
	s23 =	simm.s32 $0x1C;
	v35 =	vld [tilespmem:s15+$0x30];
	v23 =	vmul.f32 v30, v3;
	v30 =	vshll.u32 v62, $0x10;
	v8 =	vmul.f32 v28, v55  }
0x154: {  	s13 =	sshll.u32 s14, $0x2;
	s17 =	simm.s32 $0x9;
	s24 =	simm.s32 $0x20;
	v33 =	vadd.f32 v30, v63;
	(erf) = vrcp.f32 v15;
	v37 =	vmul.f32 $-1.702000020e+00, v14  }
0x155: {  	s9 =	simm.s32 $0x49C0;
	s0 =	sand.u32 $0x1C0, s23;
	s5 =	sand.u32 $0x1C0, s24;
	v28 =	vmul.f32 v14, v5;
	v14 =	vshll.u32 v31, $0x10;
	[tilespmem:s18+$0xFFFFFFF0] =	vst v8;
	v8 =	vperm.xlane v16, v61;
	v15 =	vpop (erf)  }
0x156: {  	s24 =	simm.s32 $0x24;
	s8 =	sshrl.u32 s0, $0x2;
	s0 =	sshrl.u32 s5, $0x2;
	v30 =	vld [tilespmem:s18+$0x0];
	v16 =	vmul.f32 $-1.702000020e+00, v33;
	v9 =	vadd.f32 v14, v9;
	v36 =	vmul.f32 v15, v29;
	v29 =	vpop (erf)  }
.LBB2_5:
0x157: {  	s22 =	sand.u32 $0x1C0, s24;
	v15 =	vpop (erf)  }
0x158: {  	s21 =	sand.u32 $0x1FC0, s31;
	v38 =	vld [tilespmem:s9+$0xFFFFFFD0];
	(erf) = vrcp.f32 v32;
	v32 =	vmul.f32 $1.442695020e+00, v37;
	[tilespmem:s18+$0xFFFFFFE0] =	vst v36;
	v31 =	vadd.f32 v31, v35;
	v14 =	vmovc v21;
	s23 =	smov.u32 s17;
	s5 =	sadd.s32 $0x1, s17  }
0x159: {  	p1 =	sne.s32 s17, $0x7F;
	s22 =	sshrl.u32 s22, $0x2;
	v35 =	vmul.f32 v10, v8;
	v41 =	vmul.f32 $1.442695020e+00, v16;
	v36 =	vld [tilespmem:s26+$0x520];
	v37 =	vpop (erf);
	v10 =	vmov v12  }
0x15a: {  	v16 =	vmul.f32 v33, v5;
	v39 =	vld [tilespmem:s21+$0x500];
	(erf) = vpow2.f32 v32;
	v32 =	vadd.f32 $1.000000000e+00, v37;
	v33 =	vpop (erf)  }
0x15b: {  	v12 =	vmov v18;
	v37 =	vmul.f32 $-1.702000020e+00, v9;
	(erf) = vpow2.f32 v41;
	v21 =	vpop (erf)  }
0x15c: {  	v6 =	vmul.f32 v33, v6;
	v18 =	vld [tilespmem:s9+$0xFFFFFFC0];
	v40 =	vpop (erf);
	(erf) = vrcp.f32 v34;
	v34 =	vadd.f32 $1.000000000e+00, v21  }
0x15d: {  	v33 =	vmul.f32 v17, v8;
	v17 =	vmov v11;
	v37 =	vmul.f32 $1.442695020e+00, v37;
	v41 =	vld [tilespmem:s18+$0x10];
	v42 =	vpop (erf)  }
0x15e: {  	v11 =	vmovc v13;
	v21 =	vmov s23;
	v43 =	vshll.u32 v36, $0x10;
	[tilespmem:s11+$0x20] =	vst v6;
	v42 =	vmul.f32 v42, v7  }
0x15f: {  	v7 =	vmul.f32 $-1.702000020e+00, v31;
	v30 =	vadd.f32 v43, v30;
	(erf) = vrcp.f32 v32  }
0x160: {  	v32 =	vshll.u32 v39, $0x10;
	v13 =	vadd.f32 v39, v38;
	(erf) = vpow2.f32 v37;
	[tilespmem:s11+$0x30] =	vst v42;
	s11 =	smov.u32 s15;
	s15 =	smov.u32 s28;
	s28 =	smov.u32 s1  }
0x161: {  	v39 =	vmul.f32 $1.442695020e+00, v7;
	s1 =	smov.u32 s18;
	s18 =	smov.u32 s19;
	s19 =	smov.u32 s25;
	v18 =	vadd.f32 v32, v18;
	v6 =	vpop (erf);
	v32 =	vmul.f32 $-1.702000020e+00, v30  }
0x162: {  	s25 =	smov.u32 s29;
	s29 =	smov.u32 s2;
	s2 =	smov.u32 s9;
	v37 =	vmul.f32 $-1.702000020e+00, v13;
	v6 =	vmul.f32 v6, v33;
	v33 =	vadd.f32 v36, v41  }
0x163: {  	v41 =	vmul.f32 $-1.702000020e+00, v18;
	v38 =	vpop (erf);
	(erf) = vpow2.f32 v39  }
0x164: {  	v37 =	vmul.f32 $1.442695020e+00, v37;
	[tilespmem:s19+$0xFFFFFFD0] =	vst v6;
	v38 =	vadd.f32 $1.000000000e+00, v38;
	v7 =	vpop (erf);
	v6 =	vmul.f32 v9, v1  }
0x165: {  	v9 =	vmul.f32 $1.442695020e+00, v41;
	v36 =	vpop (erf);
	v39 =	vadd.f32 $1.000000000e+00, v7;
	v7 =	vmul.f32 v31, v1  }
0x166: {  	v1 =	vmovc v2;
	v2 =	vmovc v3;
	v3 =	vmov v4;
	v36 =	vmul.f32 v36, v35;
	(erf) = vrcp.f32 v38  }
0x167: {  	v4 =	vmovc v5;
	v5 =	vmov v8;
	v35 =	vmul.f32 $-1.702000020e+00, v33;
	(erf) = vrcp.f32 v39  }
0x168: {  	v29 =	vmul.f32 v29, v19;
	v19 =	vmov v24;
	[tilespmem:s19+$0xFFFFFFC0] =	vst v36;
	v8 =	vld [tilespmem:s19+$0xFFFFFFF0];
	(erf) = vrcp.f32 v34;
	v31 =	vpop (erf)  }
0x169: {  	v36 =	vmul.f32 $1.442695020e+00, v26;
	v26 =	vmov v32;
	v34 =	vld [tilespmem:s3+$0x510];
	v31 =	vmul.f32 v31, v22;
	v22 =	vpop (erf)  }
0x16a: {  	(erf) = vpow2.f32 v9;
	v9 =	vmul.f32 $1.442695020e+00, v35;
	[tilespmem:s15+$0x10] =	vst v29;
	v38 =	vld [tilespmem:s15+$0x20];
	v35 =	vadd.f32 $1.000000000e+00, v22;
	v22 =	vmovc v23  }
0x16b: {  	v24 =	vmul.f32 v33, v3;
	v39 =	vld [tilespmem:s19+$0xFFFFFFE0];
	(erf) = vpow2.f32 v36;
	[tilespmem:s15+$0x0] =	vst v31  }
0x16c: {  	v32 =	vadd.f32 $1.000000000e+00, v40;
	v23 =	vmul.f32 v30, v3;
	v31 =	vld [tilespmem:s7+$0x530];
	(erf) = vrcp.f32 v35;
	v29 =	vpop (erf);
	s7 =	smov.u32 s4;
	s4 =	smov.u32 s26;
	s26 =	smov.u32 s16  }
0x16d: {  	s16 =	smov.u32 s3;
	s3 =	smov.u32 s6;
	s6 =	smov.u32 s30;
	v30 =	vld [tilespmem:s8+$0x400];
	(erf) = vpow2.f32 v9;
	v9 =	vadd.f32 $1.000000000e+00, v29  }
.Ltmp5:
0x16e: {  	s30 =	smov.u32 s21;
	s8 =	smov.u32 s0;
	(erf) = vpow2.f32 v25;
	v29 =	vshll.u32 v34, $0x10;
	v8 =	vadd.f32 v34, v8;
	v35 =	vld [tilespmem:s15+$0x30];
	v25 =	vmovc v37;
	(pc) =	sbr.rel @p1 .LBB2_5-.Ltmp5, $4  }
0x16f: {  	s0 =	smov.u32 s22;
	v34 =	vadd.f32 $1.000000000e+00, v20;
	v20 =	vmov v15;
	v36 =	vpop (erf);
	(erf) = vrcp.f32 v9  }
0x170: {  	v33 =	vadd.f32 v29, v39;
	v37 =	vmul.f32 $-1.702000020e+00, v8;
	v9 =	vmul.f32 v36, v28;
	v15 =	vpop (erf)  }
0x171: {  	s24 =	sadd.s32 $0x4, s24;
	v28 =	vmul.f32 v8, v5;
	v36 =	vmul.f32 v15, v16;
	v29 =	vpop (erf);
	v15 =	vshll.u32 v31, $0x10  }
0x172: {  	s31 =	sadd.s32 $0x40, s31;
	s17 =	smov.u32 s5;
	s9 =	sadd.s32 $0x80, s9;
	v8 =	vperm.xlane v30, v27;
	v16 =	vmul.f32 $-1.702000020e+00, v33;
	[tilespmem:s18+$0xFFFFFFF0] =	vst v9;
	v30 =	vld [tilespmem:s18+$0x0];
	v9 =	vadd.f32 v15, v38;
	v27 =	vmovc v14  }
0x173: {  	v14 =	vmul.f32 $1.442695020e+00, v37  }
0x174: {  	(erf) = vrcp.f32 v32;
	v15 =	vmul.f32 $1.442695020e+00, v16  }
0x175: {  	(erf) = vpow2.f32 v14  }
0x176: {  	(erf) = vpow2.f32 v15  }
0x177: {  	v32 =	vpop (erf);
	(erf) = vrcp.f32 v34  }
0x178: {  	v16 =	vpop (erf)  }
0x179: {  	v14 =	vpop (erf)  }
0x17a: {  	v50 =	vpop (erf)  }
0x17b: {  	v51 =	vmul.f32 $-1.702000020e+00, v9;
	v38 =	vpop (erf)  }
0x17c: {  	v52 =	vadd.f32 $1.000000000e+00, v16;
	v15 =	vadd.f32 v31, v35;
	v16 =	vpop (erf)  }
0x17d: {  	v17 =	vmul.f32 v17, v8;
	v53 =	vmul.f32 $1.442695020e+00, v51;
	v54 =	vpop (erf)  }
0x17e: {  	v55 =	vmul.f32 $-1.702000020e+00, v15;
	(erf) = vrcp.f32 v52;
	v56 =	vpop (erf)  }
0x17f: {  	v10 =	vmul.f32 v10, v8;
	(erf) = vpow2.f32 v53;
	v57 =	vpop (erf)  }
0x180: {  	[tilespmem:s18+$0xFFFFFFE0] =	vst v36;
	v40 =	vld [tilespmem:s18+$0x10];
	v31 =	vmul.f32 $1.442695020e+00, v55;
	v17 =	vmul.f32 v54, v17;
	v58 =	vpop (erf)  }
0x181: {  	v39 =	vld [tilespmem:s26+$0x520];
	v10 =	vmul.f32 v58, v10  }
0x182: {  	(erf) = vpow2.f32 v31;
	[tilespmem:s25+$0xFFFFFFD0] =	vst v17  }
0x183: {  	v17 =	vld [tilespmem:s25+$0xFFFFFFF0];
	[tilespmem:s25+$0xFFFFFFC0] =	vst v10  }
0x184: {  	v10 =	vadd.f32 $1.000000000e+00, v56;
	v59 =	vld [tilespmem:s3+$0x510]  }
0x185: {  	v26 =	vmul.f32 $1.442695020e+00, v26;
	v35 =	vadd.f32 $1.000000000e+00, v57  }
0x186: {  	v34 =	vadd.f32 $1.000000000e+00, v50;
	v31 =	vadd.f32 v39, v40;
	(erf) = vrcp.f32 v10;
	v10 =	vld [tilespmem:s25+$0xFFFFFFE0]  }
0x187: {  	v19 =	vmul.f32 v29, v19;
	v61 =	vpop (erf);
	(erf) = vrcp.f32 v35  }
0x188: {  	v60 =	vmul.f32 $-1.702000020e+00, v31;
	(erf) = vrcp.f32 v34;
	v62 =	vpop (erf)  }
0x189: {  	v34 =	vadd.f32 $1.000000000e+00, v62;
	v63 =	vadd.f32 v59, v17;
	v17 =	vmul.f32 v61, v22  }
0x18a: {  	[tilespmem:s28+$0x10] =	vst v19;
	v29 =	vmul.f32 $1.442695020e+00, v60;
	(erf) = vpow2.f32 v26;
	v26 =	vshll.u32 v59, $0x10  }
0x18b: {  	v19 =	vpop (erf);
	(erf) = vrcp.f32 v34;
	v44 =	vadd.f32 v26, v10;
	[tilespmem:s28+$0x0] =	vst v17  }
0x18c: {  	v19 =	vadd.f32 $1.000000000e+00, v19;
	(erf) = vpow2.f32 v29;
	v22 =	vmul.f32 $-1.702000020e+00, v63;
	v26 =	vld [tilespmem:s7+$0x530]  }
0x18d: {  	v10 =	vld [tilespmem:s28+$0x20];
	v17 =	vadd.f32 $1.000000000e+00, v38;
	(erf) = vpow2.f32 v25;
	v25 =	vmul.f32 $-1.702000020e+00, v44  }
0x18e: {  	(erf) = vrcp.f32 v19;
	v19 =	vmul.f32 $1.442695020e+00, v22  }
0x18f: {  	(erf) = vrcp.f32 v17;
	v17 =	vmul.f32 $1.442695020e+00, v25;
	v25 =	vld [tilespmem:s8+$0x400]  }
0x190: {  	v20 =	vadd.f32 $1.000000000e+00, v20;
	v22 =	vpop (erf);
	(erf) = vpow2.f32 v19  }
0x191: {  	v45 =	vld [tilespmem:s28+$0x30];
	v29 =	vpop (erf);
	(erf) = vpow2.f32 v17;
	v17 =	vshll.u32 v26, $0x10  }
0x192: {  	v46 =	vpop (erf);
	(erf) = vrcp.f32 v20;
	v17 =	vadd.f32 v17, v10  }
0x193: {  	v22 =	vmul.f32 v22, v28;
	v20 =	vmul.f32 v33, v5;
	v47 =	vpop (erf)  }
0x194: {  	v19 =	vpop (erf);
	v10 =	vperm.xlane v25, v27;
	v25 =	vmul.f32 $-1.702000020e+00, v17  }
0x195: {  	v29 =	vmul.f32 v29, v20;
	v28 =	vpop (erf)  }
0x196: {  	v20 =	vadd.f32 v26, v45;
	v26 =	vadd.f32 $1.000000000e+00, v47;
	v27 =	vpop (erf);
	v25 =	vmul.f32 $1.442695020e+00, v25  }
0x197: {  	[tilespmem:s19+$0xFFFFFFF0] =	vst v22;
	v22 =	vpop (erf)  }
0x198: {  	(erf) = vrcp.f32 v26;
	v26 =	vmul.f32 $-1.702000020e+00, v20;
	v49 =	vpop (erf)  }
0x199: {  	v51 =	vld [tilespmem:s19+$0x10];
	v11 =	vmul.f32 v11, v10;
	[tilespmem:s19+$0xFFFFFFE0] =	vst v29;
	v12 =	vmul.f32 v12, v10;
	v29 =	vpop (erf)  }
0x19a: {  	v50 =	vld [tilespmem:s16+$0x520];
	(erf) = vpow2.f32 v25;
	v26 =	vmul.f32 $1.442695020e+00, v26;
	v25 =	vpop (erf)  }
0x19b: {  	v11 =	vmul.f32 v49, v11;
	v52 =	vpop (erf)  }
0x19c: {  	(erf) = vpow2.f32 v26;
	v12 =	vmul.f32 v52, v12  }
0x19d: {  	v28 =	vadd.f32 $1.000000000e+00, v28;
	[tilespmem:s29+$0xFFFFFFD0] =	vst v11;
	v11 =	vshll.u32 v39, $0x10  }
0x19e: {  	v30 =	vadd.f32 v11, v30;
	v11 =	vadd.f32 $1.000000000e+00, v29;
	[tilespmem:s29+$0xFFFFFFC0] =	vst v12;
	v12 =	vld [tilespmem:s29+$0xFFFFFFF0]  }
0x19f: {  	v26 =	vadd.f32 v50, v51;
	v25 =	vadd.f32 $1.000000000e+00, v25;
	v29 =	vld [tilespmem:s6+$0x510]  }
0x1a0: {  	v53 =	vmul.f32 $-1.702000020e+00, v30;
	(erf) = vrcp.f32 v11;
	v11 =	vld [tilespmem:s29+$0xFFFFFFE0]  }
0x1a1: {  	(erf) = vrcp.f32 v25;
	v25 =	vmul.f32 $-1.702000020e+00, v26  }
0x1a2: {  	v24 =	vmul.f32 v46, v24;
	(erf) = vrcp.f32 v28;
	v28 =	vpop (erf)  }
0x1a3: {  	v36 =	vmul.f32 $1.442695020e+00, v53;
	v23 =	vmul.f32 v28, v23;
	v28 =	vpop (erf)  }
0x1a4: {  	v28 =	vadd.f32 $1.000000000e+00, v28;
	v54 =	vshll.u32 v29, $0x10;
	v29 =	vadd.f32 v29, v12  }
0x1a5: {  	(erf) = vpow2.f32 v36;
	v12 =	vmul.f32 $1.442695020e+00, v25;
	v25 =	vpop (erf);
	v36 =	vadd.f32 v54, v11  }
0x1a6: {  	[tilespmem:s1+$0x10] =	vst v24;
	(erf) = vrcp.f32 v28;
	v11 =	vadd.f32 $1.000000000e+00, v25;
	v24 =	vmul.f32 $-1.702000020e+00, v29  }
0x1a7: {  	[tilespmem:s1+$0x0] =	vst v23;
	(erf) = vpow2.f32 v12;
	v12 =	vmul.f32 $-1.702000020e+00, v36  }
0x1a8: {  	v27 =	vadd.f32 $1.000000000e+00, v27;
	(erf) = vrcp.f32 v11;
	v11 =	vmul.f32 $1.442695020e+00, v24;
	v24 =	vld [tilespmem:s4+$0x530];
	_ =	sdelay $0x1  }
0x1a9: {  	v56 =	vld [tilespmem:s1+$0x30];
	(erf) = vrcp.f32 v27;
	v12 =	vmul.f32 $1.442695020e+00, v12  }
0x1aa: {  	v23 =	vadd.f32 $1.000000000e+00, v32;
	v25 =	vld [tilespmem:s1+$0x20];
	(erf) = vpow2.f32 v11  }
0x1ab: {  	v27 =	vpop (erf);
	v11 =	vld [tilespmem:s0+$0x400];
	(erf) = vpow2.f32 v12  }
0x1ac: {  	v28 =	vpop (erf);
	(erf) = vrcp.f32 v23;
	v12 =	vshll.u32 v24, $0x10  }
0x1ad: {  	v55 =	vpop (erf)  }
0x1ae: {  	v35 =	vmul.f32 v63, v8;
	v57 =	vpop (erf)  }
0x1af: {  	v34 =	vmul.f32 v44, v8;
	v23 =	vadd.f32 v12, v25;
	v12 =	vpop (erf)  }
0x1b0: {  	v24 =	vadd.f32 v24, v56;
	v25 =	vmul.f32 v27, v35;
	v11 =	vperm.xlane v11, v21;
	v27 =	vpop (erf)  }
0x1b1: {  	v28 =	vmul.f32 v28, v34;
	v58 =	vmul.f32 $-1.702000020e+00, v23;
	v21 =	vpop (erf)  }
0x1b2: {  	v48 =	vld [tilespmem:s19+$0x0];
	v59 =	vadd.f32 $1.000000000e+00, v57;
	[tilespmem:s25+$0xFFFFFFF0] =	vst v25;
	v25 =	vmul.f32 $-1.702000020e+00, v24;
	v18 =	vmul.f32 v18, v11;
	v60 =	vpop (erf)  }
0x1b3: {  	v13 =	vmul.f32 v13, v11;
	v34 =	vmul.f32 $1.442695020e+00, v58;
	v61 =	vpop (erf)  }
0x1b4: {  	(erf) = vrcp.f32 v59;
	v25 =	vmul.f32 $1.442695020e+00, v25;
	v62 =	vpop (erf)  }
0x1b5: {  	[tilespmem:s25+$0xFFFFFFE0] =	vst v28;
	v13 =	vmul.f32 v60, v13;
	(erf) = vpow2.f32 v34;
	v41 =	vpop (erf)  }
0x1b6: {  	v42 =	vshll.u32 v50, $0x10;
	v43 =	vld [tilespmem:s3+$0x520];
	v18 =	vmul.f32 v41, v18  }
0x1b7: {  	v28 =	vadd.f32 v42, v48;
	[tilespmem:s2+$0xFFFFFFD0] =	vst v13;
	v13 =	vld [tilespmem:s25+$0x10];
	(erf) = vpow2.f32 v25;
	v25 =	vadd.f32 $1.000000000e+00, v61  }
0x1b8: {  	v45 =	vld [tilespmem:s2+$0xFFFFFFF0];
	v27 =	vadd.f32 $1.000000000e+00, v27;
	[tilespmem:s2+$0xFFFFFFC0] =	vst v18  }
0x1b9: {  	v44 =	vadd.f32 $1.000000000e+00, v62;
	(erf) = vrcp.f32 v25;
	v18 =	vmul.f32 $-1.702000020e+00, v28;
	v25 =	vld [tilespmem:s30+$0x510]  }
0x1ba: {  	v31 =	vmul.f32 v31, v4;
	v46 =	vld [tilespmem:s2+$0xFFFFFFE0]  }
0x1bb: {  	(erf) = vrcp.f32 v44;
	v18 =	vmul.f32 $1.442695020e+00, v18  }
0x1bc: {  	(erf) = vrcp.f32 v27;
	v37 =	vadd.f32 v43, v13;
	v13 =	vmul.f32 v30, v4  }
0x1bd: {  	v27 =	vpop (erf);
	(erf) = vpow2.f32 v18;
	v18 =	vmul.f32 v55, v31  }
0x1be: {  	v47 =	vmul.f32 $-1.702000020e+00, v37;
	v48 =	vpop (erf);
	v49 =	vshll.u32 v25, $0x10;
	v35 =	vadd.f32 v25, v45  }
0x1bf: {  	v13 =	vmul.f32 v27, v13;
	[tilespmem:s18+$0x10] =	vst v18;
	v18 =	vadd.f32 $1.000000000e+00, v48;
	v31 =	vadd.f32 v49, v46  }
0x1c0: {  	v25 =	vmul.f32 $1.442695020e+00, v47;
	v50 =	vpop (erf);
	v51 =	vmul.f32 $-1.702000020e+00, v35  }
0x1c1: {  	[tilespmem:s18+$0x0] =	vst v13;
	v13 =	vadd.f32 $1.000000000e+00, v50;
	(erf) = vrcp.f32 v18;
	v18 =	vmul.f32 $-1.702000020e+00, v31  }
0x1c2: {  	v52 =	vld [tilespmem:s26+$0x530];
	(erf) = vpow2.f32 v25;
	v25 =	vmul.f32 $1.442695020e+00, v51  }
0x1c3: {  	v27 =	vld [tilespmem:s18+$0x20];
	v53 =	vpop (erf);
	(erf) = vrcp.f32 v13;
	v13 =	vmul.f32 $1.442695020e+00, v18  }
0x1c4: {  	v55 =	vld [tilespmem:s18+$0x30];
	v54 =	vpop (erf);
	(erf) = vpow2.f32 v25  }
0x1c5: {  	v56 =	vpop (erf);
	(erf) = vpow2.f32 v13  }
0x1c6: {  	v18 =	vpop (erf)  }
0x1c7: {  	v13 =	vadd.f32 $1.000000000e+00, v18;
	v18 =	vshll.u32 v52, $0x10  }
0x1c8: {  	v18 =	vadd.f32 v18, v27  }
0x1c9: {  	v63 =	vld [tilespmem:s25+$0x0];
	v27 =	vmul.f32 v29, v10;
	(erf) = vrcp.f32 v13;
	v13 =	vadd.f32 v52, v55  }
0x1ca: {  	v25 =	vpop (erf);
	v57 =	vmul.f32 $-1.702000020e+00, v18  }
0x1cb: {  	v27 =	vmul.f32 v53, v27;
	v58 =	vpop (erf);
	v59 =	vmul.f32 $-1.702000020e+00, v13  }
0x1cc: {  	v60 =	vmul.f32 v26, v5;
	v30 =	vmul.f32 $1.442695020e+00, v57;
	v26 =	vpop (erf)  }
0x1cd: {  	v33 =	vshll.u32 v43, $0x10;
	[tilespmem:s29+$0xFFFFFFF0] =	vst v27;
	v27 =	vmul.f32 $1.442695020e+00, v59;
	v61 =	vpop (erf)  }
0x1ce: {  	v33 =	vadd.f32 v33, v63;
	(erf) = vpow2.f32 v30;
	v44 =	vpop (erf)  }
0x1cf: {  	v29 =	vmul.f32 v36, v10;
	(erf) = vpow2.f32 v27;
	v27 =	vadd.f32 $1.000000000e+00, v44  }
0x1d0: {  	v40 =	vmul.f32 $-1.702000020e+00, v33;
	v63 =	vadd.f32 $1.000000000e+00, v61  }
0x1d1: {  	v28 =	vmul.f32 v28, v5;
	v29 =	vmul.f32 v54, v29  }
0x1d2: {  	v48 =	vmul.f32 $1.442695020e+00, v40;
	v45 =	vadd.f32 $1.000000000e+00, v58;
	(erf) = vrcp.f32 v63  }
0x1d3: {  	v47 =	vld [tilespmem:s29+$0x10];
	v46 =	vmul.f32 v56, v60;
	[tilespmem:s29+$0xFFFFFFE0] =	vst v29;
	(erf) = vrcp.f32 v27;
	v27 =	vpop (erf)  }
0x1d4: {  	v29 =	vld [tilespmem:s6+$0x520];
	(erf) = vrcp.f32 v45;
	v27 =	vmul.f32 v27, v28  }
0x1d5: {  	[tilespmem:s19+$0x10] =	vst v46;
	(erf) = vpow2.f32 v48  }
0x1d6: {  	[tilespmem:s19+$0x0] =	vst v27  }
0x1d7: {  	v30 =	vld [tilespmem:s16+$0x530]  }
0x1d8: {  	v28 =	vld [tilespmem:s19+$0x20]  }
0x1d9: {  	v32 =	vadd.f32 v29, v47;
	v27 =	vpop (erf)  }
0x1da: {  	v49 =	vpop (erf)  }
0x1db: {  	v34 =	vmul.f32 $-1.702000020e+00, v32;
	v27 =	vadd.f32 $1.000000000e+00, v27;
	v50 =	vpop (erf)  }
0x1dc: {  	v51 =	vpop (erf);
	v41 =	vshll.u32 v30, $0x10  }
0x1dd: {  	v34 =	vmul.f32 $1.442695020e+00, v34;
	(erf) = vrcp.f32 v27;
	v42 =	vpop (erf);
	v27 =	vadd.f32 v41, v28  }
0x1de: {  	v35 =	vmul.f32 v35, v11;
	v54 =	vld [tilespmem:s19+$0x30];
	v52 =	vadd.f32 $1.000000000e+00, v49;
	v28 =	vmul.f32 v31, v11;
	v53 =	vpop (erf)  }
0x1df: {  	(erf) = vpow2.f32 v34;
	v34 =	vadd.f32 $1.000000000e+00, v53;
	v55 =	vmul.f32 $-1.702000020e+00, v27  }
0x1e0: {  	v62 =	vld [tilespmem:s29+$0x0];
	(erf) = vrcp.f32 v52;
	v28 =	vmul.f32 v51, v28  }
0x1e1: {  	(erf) = vrcp.f32 v34;
	v56 =	vmul.f32 $1.442695020e+00, v55  }
0x1e2: {  	v35 =	vmul.f32 v50, v35  }
0x1e3: {  	[tilespmem:s2+$0xFFFFFFE0] =	vst v28;
	v28 =	vadd.f32 v30, v54;
	(erf) = vpow2.f32 v56  }
0x1e4: {  	v59 =	vld [tilespmem:s2+$0x10];
	v29 =	vshll.u32 v29, $0x10;
	[tilespmem:s2+$0xFFFFFFF0] =	vst v35  }
0x1e5: {  	v36 =	vadd.f32 v29, v62;
	v58 =	vld [tilespmem:s30+$0x520];
	v30 =	vmul.f32 $-1.702000020e+00, v28;
	_ =	sdelay $0x1  }
0x1e6: {  	v62 =	vmul.f32 $-1.702000020e+00, v36;
	v29 =	vpop (erf)  }
0x1e7: {  	v33 =	vmul.f32 v33, v8;
	v37 =	vmul.f32 v37, v8;
	v60 =	vpop (erf)  }
0x1e8: {  	v40 =	vmul.f32 $1.442695020e+00, v62;
	v61 =	vmul.f32 $1.442695020e+00, v30;
	v30 =	vpop (erf)  }
0x1e9: {  	v37 =	vmul.f32 v42, v37;
	v38 =	vadd.f32 $1.000000000e+00, v60;
	v35 =	vadd.f32 v58, v59;
	v63 =	vpop (erf)  }
0x1ea: {  	(erf) = vpow2.f32 v61;
	v33 =	vmul.f32 v63, v33  }
0x1eb: {  	[tilespmem:s25+$0x10] =	vst v37;
	(erf) = vrcp.f32 v38;
	v42 =	vmul.f32 $-1.702000020e+00, v35;
	v43 =	vpop (erf)  }
0x1ec: {  	v57 =	vld [tilespmem:s2+$0x0];
	(erf) = vpow2.f32 v40;
	[tilespmem:s25+$0x0] =	vst v33;
	v38 =	vadd.f32 $1.000000000e+00, v43  }
0x1ed: {  	v45 =	vmul.f32 $1.442695020e+00, v42;
	v46 =	vld [tilespmem:s3+$0x530]  }
0x1ee: {  	v44 =	vld [tilespmem:s25+$0x20];
	(erf) = vrcp.f32 v38  }
0x1ef: {  	v47 =	vld [tilespmem:s25+$0x30];
	(erf) = vpow2.f32 v45;
	_ =	sdelay $0x2  }
0x1f0: {  	v48 =	vshll.u32 v46, $0x10  }
0x1f1: {  	v31 =	vshll.u32 v58, $0x10;
	v49 =	vpop (erf);
	v38 =	vadd.f32 v48, v44  }
0x1f2: {  	v31 =	vadd.f32 v31, v57;
	v50 =	vpop (erf);
	v33 =	vadd.f32 v46, v47  }
0x1f3: {  	v51 =	vadd.f32 $1.000000000e+00, v49;
	v52 =	vpop (erf);
	v53 =	vmul.f32 $-1.702000020e+00, v38  }
0x1f4: {  	v54 =	vmul.f32 $-1.702000020e+00, v31;
	v39 =	vadd.f32 $1.000000000e+00, v52;
	v55 =	vmul.f32 $-1.702000020e+00, v33  }
0x1f5: {  	(erf) = vrcp.f32 v51;
	v40 =	vmul.f32 $1.442695020e+00, v53;
	v37 =	vpop (erf)  }
0x1f6: {  	(erf) = vrcp.f32 v39;
	v56 =	vmul.f32 $1.442695020e+00, v55;
	v43 =	vpop (erf)  }
0x1f7: {  	(erf) = vpow2.f32 v40;
	v57 =	vadd.f32 $1.000000000e+00, v43  }
0x1f8: {  	v58 =	vmul.f32 $1.442695020e+00, v54;
	(erf) = vpow2.f32 v56  }
0x1f9: {  	(erf) = vrcp.f32 v57  }
0x1fa: {  	(erf) = vpow2.f32 v58;
	_ =	sdelay $0x3  }
0x1fb: {  	v39 =	vpop (erf)  }
0x1fc: {  	v32 =	vmul.f32 v32, v10;
	v59 =	vpop (erf)  }
0x1fd: {  	v36 =	vmul.f32 v36, v10;
	v60 =	vpop (erf)  }
0x1fe: {  	v32 =	vmul.f32 v50, v32;
	v61 =	vpop (erf)  }
0x1ff: {  	v36 =	vmul.f32 v59, v36;
	v62 =	vadd.f32 $1.000000000e+00, v60;
	v63 =	vpop (erf)  }
0x200: {  	[tilespmem:s29+$0x10] =	vst v32;
	v41 =	vadd.f32 $1.000000000e+00, v61;
	v46 =	vpop (erf)  }
0x201: {  	[tilespmem:s29+$0x0] =	vst v36;
	(erf) = vrcp.f32 v62;
	v47 =	vadd.f32 $1.000000000e+00, v46  }
0x202: {  	v36 =	vld [tilespmem:s6+$0x530];
	(erf) = vrcp.f32 v41  }
0x203: {  	v45 =	vld [tilespmem:s29+$0x20];
	(erf) = vrcp.f32 v47  }
0x204: {  	v48 =	vld [tilespmem:s29+$0x30];
	_ =	sdelay $0x2  }
0x205: {  	v49 =	vshll.u32 v36, $0x10  }
0x206: {  	v40 =	vadd.f32 v49, v45  }
0x207: {  	v32 =	vadd.f32 v36, v48  }
0x208: {  	v35 =	vmul.f32 v35, v11;
	v41 =	vmul.f32 $-1.702000020e+00, v40;
	v50 =	vpop (erf)  }
0x209: {  	v31 =	vmul.f32 v31, v11;
	v52 =	vmul.f32 $-1.702000020e+00, v32;
	v51 =	vpop (erf)  }
0x20a: {  	v34 =	vmul.f32 v63, v35;
	v53 =	vmul.f32 $1.442695020e+00, v41;
	v54 =	vpop (erf)  }
0x20b: {  	v43 =	vmul.f32 $1.442695020e+00, v52;
	v31 =	vmul.f32 v54, v31  }
0x20c: {  	[tilespmem:s2+$0x10] =	vst v34;
	(erf) = vpow2.f32 v53  }
0x20d: {  	(erf) = vpow2.f32 v43;
	[tilespmem:s2+$0x0] =	vst v31  }
0x20e: {  	v31 =	vld [tilespmem:s30+$0x530]  }
0x20f: {  	v55 =	vld [tilespmem:s2+$0x20]  }
0x210: {  	v56 =	vld [tilespmem:s2+$0x30];
	_ =	sdelay $0x2  }
0x211: {  	v57 =	vshll.u32 v31, $0x10  }
0x212: {  	v34 =	vadd.f32 v57, v55  }
0x213: {  	v58 =	vpop (erf);
	v31 =	vadd.f32 v31, v56  }
0x214: {  	v59 =	vadd.f32 $1.000000000e+00, v58;
	v60 =	vpop (erf);
	v61 =	vmul.f32 $-1.702000020e+00, v34  }
0x215: {  	v41 =	vadd.f32 $1.000000000e+00, v60;
	v44 =	vmul.f32 $-1.702000020e+00, v31  }
0x216: {  	(erf) = vrcp.f32 v59;
	v62 =	vmul.f32 $1.442695020e+00, v61  }
0x217: {  	(erf) = vrcp.f32 v41;
	v63 =	vmul.f32 $1.442695020e+00, v44  }
0x218: {  	(erf) = vpow2.f32 v62  }
0x219: {  	(erf) = vpow2.f32 v63;
	_ =	sdelay $0x2  }
0x21a: {  	v9 =	vmul.f32 v9, v1;
	v6 =	vmul.f32 v14, v6  }
0x21b: {  	v1 =	vmul.f32 v15, v1;
	v7 =	vmul.f32 v16, v7  }
0x21c: {  	[tilespmem:s11+$0x20] =	vst v6;
	v9 =	vmul.f32 v19, v9;
	v6 =	vmul.f32 v17, v2  }
0x21d: {  	[tilespmem:s11+$0x30] =	vst v7;
	v2 =	vmul.f32 v20, v2;
	v1 =	vmul.f32 v22, v1;
	v14 =	vpop (erf)  }
0x21e: {  	[tilespmem:s15+$0x20] =	vst v9;
	v7 =	vmul.f32 v23, v3;
	v6 =	vmul.f32 v12, v6;
	v15 =	vpop (erf)  }
0x21f: {  	[tilespmem:s15+$0x30] =	vst v1;
	v3 =	vmul.f32 v24, v3;
	v2 =	vmul.f32 v21, v2;
	v16 =	vpop (erf)  }
0x220: {  	[tilespmem:s28+$0x20] =	vst v6;
	v6 =	vmul.f32 v18, v4;
	v1 =	vmul.f32 v25, v7;
	v9 =	vadd.f32 $1.000000000e+00, v16;
	v12 =	vpop (erf)  }
0x221: {  	[tilespmem:s28+$0x30] =	vst v2;
	v2 =	vmul.f32 v13, v4;
	v4 =	vmul.f32 v27, v5;
	v7 =	vadd.f32 $1.000000000e+00, v12  }
0x222: {  	[tilespmem:s1+$0x20] =	vst v1;
	v1 =	vmul.f32 v29, v6;
	(erf) = vrcp.f32 v9  }
0x223: {  	v3 =	vmul.f32 v26, v3;
	(erf) = vrcp.f32 v7  }
0x224: {  	[tilespmem:s18+$0x20] =	vst v1;
	v1 =	vmul.f32 v37, v4;
	v4 =	vmul.f32 v38, v8  }
0x225: {  	[tilespmem:s1+$0x30] =	vst v3;
	v3 =	vmul.f32 v28, v5;
	v2 =	vmul.f32 v30, v2  }
0x226: {  	[tilespmem:s19+$0x20] =	vst v1;
	v1 =	vmul.f32 v50, v4;
	v4 =	vmul.f32 v40, v10  }
0x227: {  	[tilespmem:s18+$0x30] =	vst v2;
	v2 =	vmul.f32 v39, v3;
	v3 =	vmul.f32 v33, v8  }
0x228: {  	[tilespmem:s25+$0x20] =	vst v1;
	v1 =	vmul.f32 v14, v4;
	v4 =	vmul.f32 v34, v11  }
0x229: {  	[tilespmem:s19+$0x30] =	vst v2;
	v2 =	vmul.f32 v51, v3;
	v3 =	vmul.f32 v32, v10;
	_ =	sdelay $0x1  }
0x22a: {  	[tilespmem:s25+$0x30] =	vst v2;
	v2 =	vmul.f32 v15, v3;
	v3 =	vmul.f32 v31, v11;
	v5 =	vpop (erf)  }
0x22b: {  	s22 =	simm.s32 $0x80;
	s0 =	sor.u32 s10, s12;
	[tilespmem:s29+$0x20] =	vst v1;
	v1 =	vmul.f32 v5, v4;
	v4 =	vpop (erf)  }
0x22c: {  	s21 =	simm.s32 $0x500;
	s23 =	rddreg [dreg:$0x4];
	p1 =	slt.s32 s0, $0x9C3;
	[tilespmem:s29+$0x30] =	vst v2;
	v2 =	vmul.f32 v4, v3  }
0x22d: {  	s11 =	rddreg [dreg:$0x6];
	s15 =	simm.s32 $0x4500;
	s0 =	simm.s32 @!p1 $0x9C3;
	[tilespmem:s2+$0x20] =	vst v1  }
0x22e: {  	s17 =	sshll.u32 s0, $0xA;
	s16 =	simm.s32 $0x200;
	s18 =	rddreg [dreg:$0x1];
	[tilespmem:s2+$0x30] =	vst v2  }
0x22f: {  	[spmem:s11] =	stream.indirect.scatter.add.f32 [tilespmem:s15], [sflag:$0x9], $0x80, s16, s22, $0xb8;
	[tilespmem:$0x1FD80] =	vst v63  }
0x230: {  	s0 =	sshll.u32 s0, $0x4;
	s1 =	sadd.s32 s18, s17;
	s19 =	simm.s32 $0x0  }
0x231: {  	[tilespmem:s21], [sflag:$0x5] =	stream.linear.gather [hbm4b:s1+s19], $0x2000, $0x38;
	[tilespmem:$0x1FD80] =	vst v63  }
0x232: {  	s24 =	simm.s32 $0x400;
	s0 =	sadd.s32 s23, s0;
	s25 =	simm.s32 $0x3  }
0x233: {  	[tilespmem:s24], [sflag:$0x5] =	stream.linear.gather [hbm4b:s0+s19], $0x80, $0x38;
	[tilespmem:$0x1FD80] =	vst v63  }
0x234: {  	_ =	swait.ge [sflag:s25], $0x80  }
0x235: {  	[sflag:s25] =	ssyncset.done $0x0  }
0x236: {  	[sflag:s25] =	ssyncadd.s32 $0xFFFFFF80  }
0x237: {  	_ =	swait.ge [sflag:s25], $0x80  }
0x238: {  	[sflag:s25] =	ssyncset.done $0x0  }
0x239: {  	s26 =	simm.s32 $0x9;
	[sflag:s25] =	ssyncadd.s32 $0xFFFFFF80  }
0x23a: {  	_ =	swait.ge [sflag:s26], $0x4000  }
0x23b: {  	[sflag:s26] =	ssyncset.done $0x0  }
0x23c: {  	[sflag:s26] =	ssyncadd.s32 $0xFFFFC000  }
0x23d: {  	s31 =	simm.s32 $0x100;
	s0 =	rddreg [dreg:$0x0]  }
0x23e: {  	[tilespmem:s15], [sflag:$0x7] =	stream.indirect.gather [hbm4b:s0+s22], $0x80, s31, s22, $0xb8;
	[tilespmem:$0x1FD80] =	vst v63  }
0x23f: {  	s15 =	sor.u32 $0x3, s13  }
0x240: {  	p1 =	sgt.u32 s15, $0x4E  }
0x241: {  	s0 =	sshll.u32 @!p1 s15, $0x5  }
0x242: {  	s0 =	sor.u32 @!p1 s10, s0  }
0x243: {  	s11 =	smin.u32 @!p1 s0, $0x9C3  }
0x244: {  	s0 =	rddreg [dreg:$0x2];
	s1 =	sshll.u32 @!p1 s11, $0x4  }
0x245: {  	s2 =	simm.s32 @!p1 $0x0;
	s3 =	simm.s32 @!p1 $0x180;
	s0 =	sadd.s32 @!p1 s0, s1  }
0x246: {  	[tilespmem:s3], [sflag:$0x4] =	stream.linear.gather @!p1 [hbm4b:s0+s2], $0x80, $0x38;
	[tilespmem:$0x1FD80] =	vst v63  }
0x247: {  	s0 =	rddreg [dreg:$0x3]  }
0x248: {  	s3 =	simm.s32 @!p1 $0x380;
	s0 =	sadd.s32 @!p1 s0, s1  }
0x249: {  	[tilespmem:s3], [sflag:$0x4] =	stream.linear.gather @!p1 [hbm4b:s0+s2], $0x80, $0x38;
	[tilespmem:$0x1FD80] =	vst v63  }
0x24a: {  	s2 =	simm.s32 $0x6  }
0x24b: {  	_ =	swait.ge [sflag:s2], $0x2000  }
0x24c: {  	[sflag:s2] =	ssyncset.done $0x0  }
0x24d: {  	[sflag:s2] =	ssyncadd.s32 $0xFFFFE000  }
0x24e: {  	_ =	swait.ge [sflag:s2], $0x80  }
0x24f: {  	[sflag:s2] =	ssyncset.done $0x0  }
0x250: {  	s3 =	simm.s32 $0x8;
	[sflag:s2] =	ssyncadd.s32 $0xFFFFFF80  }
0x251: {  	_ =	swait.ge [sflag:s3], $0x4000  }
0x252: {  	s4 =	simm.s32 $0x0;
	[sflag:s3] =	ssyncset.done $0x0  }
0x253: {  	s0 =	sand.u32 $0x1FC0, s4;
	[sflag:s3] =	ssyncadd.s32 $0xFFFFC000  }
0x254: {  	s18 =	simm.s32 $0x0;
	v1 =	vld [tilespmem:s0+$0x2500]  }
0x255: {  	v2 =	vld [tilespmem:s18+$0x8510]  }
0x256: {  	v3 =	vld [tilespmem:s18+$0x8500];
	_ =	sdelay $0x3  }
0x257: {  	v4 =	vshll.u32 v1, $0x10;
	v1 =	vadd.f32 v1, v2  }
0x258: {  	v2 =	vadd.f32 v4, v3  }
0x259: {  	v3 =	vmul.f32 $-1.702000020e+00, v1  }
0x25a: {  	v4 =	vmul.f32 $-1.702000020e+00, v2  }
0x25b: {  	v3 =	vmul.f32 $1.442695020e+00, v3  }
0x25c: {  	v4 =	vmul.f32 $1.442695020e+00, v4  }
0x25d: {  	(erf) = vpow2.f32 v3  }
0x25e: {  	(erf) = vpow2.f32 v4;
	_ =	sdelay $0x4  }
0x25f: {  	s5 =	simm.s32 $0x40;
	s19 =	simm.s32 $0x80  }
0x260: {  	s8 =	sand.u32 $0x1FC0, s5;
	v5 =	vld [tilespmem:s19+$0x8510]  }
0x261: {  	v3 =	vld [tilespmem:s8+$0x2500]  }
0x262: {  	v7 =	vld [tilespmem:s19+$0x8500];
	v4 =	vpop (erf)  }
0x263: {  	v4 =	vadd.f32 $1.000000000e+00, v4;
	v6 =	vpop (erf)  }
0x264: {  	v6 =	vadd.f32 $1.000000000e+00, v6  }
0x265: {  	s6 =	sand.u32 $0x70, s4;
	(erf) = vrcp.f32 v4  }
0x266: {  	v4 =	vld [tilespmem:s6+$0x480];
	(erf) = vrcp.f32 v6;
	v6 =	vshll.u32 v3, $0x10;
	v3 =	vadd.f32 v3, v5  }
0x267: {  	v5 =	vadd.f32 v6, v7  }
0x268: {  	v6 =	vmul.f32 $-1.702000020e+00, v3  }
0x269: {  	v7 =	vmul.f32 $-1.702000020e+00, v5  }
0x26a: {  	v8 =	vmov s4;
	v6 =	vmul.f32 $1.442695020e+00, v6  }
0x26b: {  	v9 =	vperm.xlane v4, v8;
	v4 =	vmul.f32 $1.442695020e+00, v7  }
0x26c: {  	(erf) = vpow2.f32 v6  }
0x26d: {  	v1 =	vmul.f32 v1, v9  }
0x26e: {  	v2 =	vmul.f32 v2, v9;
	(erf) = vpow2.f32 v4;
	v6 =	vpop (erf)  }
0x26f: {  	v4 =	vpop (erf);
	v1 =	vmul.f32 v6, v1  }
0x270: {  	v2 =	vmul.f32 v4, v2  }
0x271: {  	[tilespmem:s18+$0x8510] =	vst v1  }
0x272: {  	[tilespmem:s18+$0x8500] =	vst v2  }
0x273: {  	v4 =	vld [tilespmem:s0+$0x2510]  }
0x274: {  	v1 =	vld [tilespmem:s18+$0x8520]  }
0x275: {  	v2 =	vpop (erf)  }
0x276: {  	s16 =	simm.s32 $0x80;
	v2 =	vadd.f32 $1.000000000e+00, v2  }
0x277: {  	s30 =	sand.u32 $0x1FC0, s16;
	v6 =	vpop (erf)  }
0x278: {  	s28 =	simm.s32 $0x100;
	v6 =	vadd.f32 $1.000000000e+00, v6;
	v8 =	vshll.u32 v4, $0x10;
	(erf) = vrcp.f32 v2;
	v2 =	vld [tilespmem:s30+$0x2500]  }
0x279: {  	s7 =	simm.s32 $0x1;
	v8 =	vadd.f32 v8, v1;
	v1 =	vld [tilespmem:s28+$0x8510]  }
0x27a: {  	s9 =	sand.u32 $0x70, s7;
	(erf) = vrcp.f32 v6;
	v6 =	vld [tilespmem:s28+$0x8500]  }
0x27b: {  	v7 =	vld [tilespmem:s9+$0x480];
	_ =	sdelay $0x1  }
0x27c: {  	v10 =	vmul.f32 $-1.702000020e+00, v8  }
0x27d: {  	v12 =	vshll.u32 v2, $0x10;
	v13 =	vadd.f32 v2, v1  }
0x27e: {  	v11 =	vmov s7;
	v10 =	vmul.f32 $1.442695020e+00, v10;
	v6 =	vadd.f32 v12, v6  }
0x27f: {  	v1 =	vperm.xlane v7, v11;
	v2 =	vmul.f32 $-1.702000020e+00, v13  }
0x280: {  	(erf) = vpow2.f32 v10;
	v10 =	vmul.f32 $-1.702000020e+00, v6  }
0x281: {  	v2 =	vmul.f32 $1.442695020e+00, v2  }
0x282: {  	v5 =	vmul.f32 v5, v1;
	v7 =	vpop (erf);
	v10 =	vmul.f32 $1.442695020e+00, v10  }
0x283: {  	v3 =	vmul.f32 v3, v1;
	v11 =	vpop (erf);
	(erf) = vpow2.f32 v2  }
0x284: {  	v5 =	vmul.f32 v11, v5;
	(erf) = vpow2.f32 v10  }
0x285: {  	v2 =	vmul.f32 v7, v3  }
0x286: {  	s25 =	simm.s32 $0x180;
	[tilespmem:s19+$0x8500] =	vst v5  }
0x287: {  	v7 =	vld [tilespmem:s25+$0x8510];
	[tilespmem:s19+$0x8510] =	vst v2  }
0x288: {  	s17 =	simm.s32 $0xC0;
	v10 =	vld [tilespmem:s8+$0x2510]  }
0x289: {  	s6 =	sand.u32 $0x1FC0, s17;
	v2 =	vld [tilespmem:s19+$0x8520];
	v3 =	vpop (erf)  }
0x28a: {  	v5 =	vld [tilespmem:s6+$0x2500];
	v3 =	vadd.f32 $1.000000000e+00, v3;
	_ =	sdelay $0x1  }
0x28b: {  	(erf) = vrcp.f32 v3;
	v3 =	vld [tilespmem:s25+$0x8500];
	v11 =	vpop (erf)  }
0x28c: {  	v12 =	vshll.u32 v10, $0x10;
	v11 =	vadd.f32 $1.000000000e+00, v11;
	v14 =	vpop (erf)  }
0x28d: {  	v12 =	vadd.f32 v12, v2;
	v2 =	vadd.f32 $1.000000000e+00, v14  }
0x28e: {  	s21 =	simm.s32 $0x2;
	v7 =	vadd.f32 v5, v7;
	(erf) = vrcp.f32 v11  }
0x28f: {  	s23 =	sand.u32 $0x70, s21;
	v14 =	vshll.u32 v5, $0x10;
	v5 =	vmul.f32 $-1.702000020e+00, v12;
	(erf) = vrcp.f32 v2  }
0x290: {  	v11 =	vadd.f32 v14, v3;
	v3 =	vld [tilespmem:s23+$0x480];
	v2 =	vmul.f32 $-1.702000020e+00, v7  }
0x291: {  	v5 =	vmul.f32 $1.442695020e+00, v5  }
0x292: {  	v14 =	vmul.f32 $-1.702000020e+00, v11;
	v2 =	vmul.f32 $1.442695020e+00, v2  }
0x293: {  	v8 =	vmul.f32 v8, v9;
	(erf) = vpow2.f32 v5  }
0x294: {  	v5 =	vmul.f32 $1.442695020e+00, v14;
	(erf) = vpow2.f32 v2;
	v2 =	vmov s21  }
0x295: {  	v15 =	vpop (erf);
	v2 =	vperm.xlane v3, v2  }
0x296: {  	v8 =	vmul.f32 v15, v8;
	(erf) = vpow2.f32 v5  }
0x297: {  	v5 =	vmul.f32 v6, v2;
	v6 =	vpop (erf)  }
0x298: {  	[tilespmem:s18+$0x8520] =	vst v8;
	v8 =	vmul.f32 v13, v2;
	v13 =	vpop (erf)  }
0x299: {  	v3 =	vld [tilespmem:s18+$0x8530];
	v5 =	vmul.f32 v13, v5  }
0x29a: {  	v6 =	vmul.f32 v6, v8;
	_ =	sdelay $0x2  }
0x29b: {  	[tilespmem:s28+$0x8500] =	vst v5;
	v5 =	vpop (erf)  }
0x29c: {  	v4 =	vadd.f32 v4, v3;
	[tilespmem:s28+$0x8510] =	vst v6;
	v3 =	vadd.f32 $1.000000000e+00, v5;
	v6 =	vpop (erf)  }
0x29d: {  	s24 =	simm.s32 $0x100;
	v14 =	vld [tilespmem:s28+$0x8520];
	v6 =	vadd.f32 $1.000000000e+00, v6;
	v8 =	vpop (erf)  }
0x29e: {  	s4 =	sand.u32 $0x1FC0, s24;
	v13 =	vmul.f32 $-1.702000020e+00, v4;
	v5 =	vld [tilespmem:s30+$0x2510];
	(erf) = vrcp.f32 v3;
	v3 =	vadd.f32 $1.000000000e+00, v8  }
0x29f: {  	s29 =	simm.s32 $0x200;
	(erf) = vrcp.f32 v6;
	v6 =	vld [tilespmem:s4+$0x2500]  }
0x2a0: {  	v8 =	vmul.f32 $1.442695020e+00, v13;
	(erf) = vrcp.f32 v3;
	v3 =	vld [tilespmem:s29+$0x8500]  }
0x2a1: {  	v13 =	vld [tilespmem:s29+$0x8510]  }
0x2a2: {  	(erf) = vpow2.f32 v8  }
0x2a3: {  	v8 =	vshll.u32 v5, $0x10  }
0x2a4: {  	v8 =	vadd.f32 v8, v14;
	v14 =	vshll.u32 v6, $0x10  }
0x2a5: {  	s26 =	simm.s32 $0x3;
	v14 =	vadd.f32 v14, v3  }
0x2a6: {  	s31 =	sand.u32 $0x70, s26;
	v6 =	vadd.f32 v6, v13  }
0x2a7: {  	v13 =	vmul.f32 $-1.702000020e+00, v8;
	v3 =	vld [tilespmem:s31+$0x480];
	v18 =	vmul.f32 $-1.702000020e+00, v14  }
0x2a8: {  	v16 =	vmul.f32 $-1.702000020e+00, v6;
	v15 =	vpop (erf)  }
0x2a9: {  	v13 =	vmul.f32 $1.442695020e+00, v13;
	v17 =	vpop (erf)  }
0x2aa: {  	v16 =	vmul.f32 $1.442695020e+00, v16;
	v19 =	vpop (erf)  }
0x2ab: {  	v20 =	vmov s26;
	(erf) = vpow2.f32 v13;
	v13 =	vmul.f32 $1.442695020e+00, v18;
	v18 =	vpop (erf)  }
0x2ac: {  	(erf) = vpow2.f32 v16;
	v3 =	vperm.xlane v3, v20;
	v16 =	vadd.f32 $1.000000000e+00, v18  }
0x2ad: {  	v12 =	vmul.f32 v12, v1;
	(erf) = vpow2.f32 v13  }
0x2ae: {  	v11 =	vmul.f32 v11, v3;
	(erf) = vrcp.f32 v16  }
0x2af: {  	v12 =	vmul.f32 v15, v12  }
0x2b0: {  	v7 =	vmul.f32 v7, v3;
	v11 =	vmul.f32 v19, v11;
	_ =	sdelay $0x1  }
0x2b1: {  	s5 =	simm.s32 $0x140;
	[tilespmem:s19+$0x8520] =	vst v12;
	v12 =	vld [tilespmem:s19+$0x8530];
	v7 =	vmul.f32 v17, v7  }
0x2b2: {  	s3 =	sand.u32 $0x1FC0, s5;
	[tilespmem:s25+$0x8500] =	vst v11  }
0x2b3: {  	v18 =	vld [tilespmem:s3+$0x2500];
	[tilespmem:s25+$0x8510] =	vst v7;
	v11 =	vpop (erf)  }
0x2b4: {  	v7 =	vld [tilespmem:s6+$0x2510];
	v13 =	vpop (erf)  }
0x2b5: {  	s26 =	simm.s32 $0x280;
	v4 =	vmul.f32 v4, v9;
	v16 =	vld [tilespmem:s25+$0x8520];
	v15 =	vpop (erf)  }
0x2b6: {  	v10 =	vadd.f32 v10, v12;
	v12 =	vld [tilespmem:s26+$0x8510];
	v17 =	vpop (erf)  }
0x2b7: {  	v11 =	vadd.f32 $1.000000000e+00, v11;
	v4 =	vmul.f32 v17, v4  }
0x2b8: {  	v19 =	vmul.f32 $-1.702000020e+00, v10;
	v13 =	vadd.f32 $1.000000000e+00, v13;
	v17 =	vld [tilespmem:s26+$0x8500]  }
0x2b9: {  	(erf) = vrcp.f32 v11;
	v11 =	vld [tilespmem:s18+$0x8550];
	[tilespmem:s18+$0x8530] =	vst v4;
	v4 =	vadd.f32 $1.000000000e+00, v15;
	v15 =	vshll.u32 v7, $0x10  }
0x2ba: {  	(erf) = vrcp.f32 v13;
	v13 =	vmul.f32 $1.442695020e+00, v19;
	v19 =	vld [tilespmem:s0+$0x2520];
	v15 =	vadd.f32 v15, v16  }
0x2bb: {  	v16 =	vadd.f32 v18, v12;
	(erf) = vrcp.f32 v4;
	v4 =	vld [tilespmem:s18+$0x8540]  }
0x2bc: {  	v12 =	vshll.u32 v18, $0x10;
	(erf) = vpow2.f32 v13;
	v13 =	vmul.f32 $-1.702000020e+00, v15  }
0x2bd: {  	v17 =	vadd.f32 v12, v17  }
0x2be: {  	v12 =	vmul.f32 $-1.702000020e+00, v16;
	v13 =	vmul.f32 $1.442695020e+00, v13  }
0x2bf: {  	s7 =	simm.s32 $0x4;
	v18 =	vmul.f32 $-1.702000020e+00, v17;
	v11 =	vadd.f32 v19, v11;
	v19 =	vshll.u32 v19, $0x10  }
0x2c0: {  	s5 =	sand.u32 $0x70, s7;
	v12 =	vmul.f32 $1.442695020e+00, v12;
	(erf) = vpow2.f32 v13;
	v13 =	vadd.f32 v19, v4  }
0x2c1: {  	v19 =	vld [tilespmem:s5+$0x480];
	v18 =	vmul.f32 $1.442695020e+00, v18;
	v4 =	vmul.f32 $-1.702000020e+00, v11  }
0x2c2: {  	(erf) = vpow2.f32 v12;
	v21 =	vmul.f32 $-1.702000020e+00, v13  }
0x2c3: {  	v20 =	vpop (erf);
	(erf) = vpow2.f32 v18;
	v4 =	vmul.f32 $1.442695020e+00, v4  }
0x2c4: {  	v12 =	vpop (erf)  }
0x2c5: {  	v8 =	vmul.f32 v8, v2;
	v22 =	vpop (erf);
	(erf) = vpow2.f32 v4;
	v4 =	vmov s7  }
0x2c6: {  	v18 =	vmul.f32 $1.442695020e+00, v21;
	v21 =	vpop (erf);
	v4 =	vperm.xlane v19, v4  }
0x2c7: {  	v8 =	vmul.f32 v20, v8;
	v21 =	vadd.f32 $1.000000000e+00, v21  }
0x2c8: {  	(erf) = vpow2.f32 v18;
	v14 =	vmul.f32 v14, v4  }
0x2c9: {  	v6 =	vmul.f32 v6, v4;
	(erf) = vrcp.f32 v21  }
0x2ca: {  	v18 =	vpop (erf);
	v14 =	vmul.f32 v22, v14  }
0x2cb: {  	[tilespmem:s28+$0x8520] =	vst v8;
	v6 =	vmul.f32 v12, v6;
	v8 =	vadd.f32 $1.000000000e+00, v18;
	v12 =	vpop (erf)  }
0x2cc: {  	s9 =	simm.s32 $0x5;
	[tilespmem:s29+$0x8500] =	vst v14;
	v14 =	vadd.f32 $1.000000000e+00, v12;
	v12 =	vpop (erf)  }
0x2cd: {  	s17 =	simm.s32 $0x180;
	s16 =	sand.u32 $0x70, s9;
	v18 =	vld [tilespmem:s28+$0x8530];
	[tilespmem:s29+$0x8510] =	vst v6;
	v6 =	vadd.f32 $1.000000000e+00, v12  }
0x2ce: {  	v19 =	vld [tilespmem:s16+$0x480];
	s16 =	sand.u32 $0x1FC0, s17  }
0x2cf: {  	v20 =	vld [tilespmem:s16+$0x2500];
	(erf) = vrcp.f32 v8;
	v8 =	vpop (erf)  }
0x2d0: {  	v12 =	vld [tilespmem:s4+$0x2510];
	(erf) = vrcp.f32 v14;
	v8 =	vadd.f32 $1.000000000e+00, v8  }
0x2d1: {  	v10 =	vmul.f32 v10, v1;
	v14 =	vld [tilespmem:s29+$0x8520];
	(erf) = vrcp.f32 v6;
	v6 =	vpop (erf)  }
0x2d2: {  	s2 =	simm.s32 $0x300;
	v18 =	vadd.f32 v5, v18;
	(erf) = vrcp.f32 v8;
	v21 =	vpop (erf)  }
0x2d3: {  	v8 =	vld [tilespmem:s2+$0x8510];
	v5 =	vadd.f32 $1.000000000e+00, v6;
	v6 =	vmul.f32 v21, v10  }
0x2d4: {  	v10 =	vld [tilespmem:s2+$0x8500];
	v21 =	vmul.f32 $-1.702000020e+00, v18  }
0x2d5: {  	v22 =	vld [tilespmem:s19+$0x8550];
	(erf) = vrcp.f32 v5;
	v5 =	vmov s9;
	[tilespmem:s19+$0x8530] =	vst v6;
	v6 =	vshll.u32 v12, $0x10  }
0x2d6: {  	v23 =	vshll.u32 v20, $0x10;
	v5 =	vperm.xlane v19, v5;
	v14 =	vadd.f32 v6, v14;
	v19 =	vld [tilespmem:s8+$0x2520]  }
0x2d7: {  	v24 =	vld [tilespmem:s19+$0x8540];
	v6 =	vmul.f32 $1.442695020e+00, v21  }
0x2d8: {  	v11 =	vmul.f32 v11, v9;
	v8 =	vadd.f32 v20, v8;
	v21 =	vpop (erf);
	v20 =	vmul.f32 $-1.702000020e+00, v14  }
0x2d9: {  	v10 =	vadd.f32 v23, v10;
	v23 =	vpop (erf);
	(erf) = vpow2.f32 v6;
	v6 =	vmul.f32 v13, v9  }
0x2da: {  	v13 =	vmul.f32 $-1.702000020e+00, v8;
	v25 =	vpop (erf);
	v20 =	vmul.f32 $1.442695020e+00, v20  }
0x2db: {  	v26 =	vmul.f32 $-1.702000020e+00, v10;
	v27 =	vpop (erf);
	v22 =	vadd.f32 v19, v22;
	v19 =	vshll.u32 v19, $0x10  }
0x2dc: {  	v15 =	vmul.f32 v15, v3;
	v11 =	vmul.f32 v27, v11;
	v19 =	vadd.f32 v19, v24  }
0x2dd: {  	v13 =	vmul.f32 $1.442695020e+00, v13;
	(erf) = vpow2.f32 v20  }
0x2de: {  	v20 =	vmul.f32 $1.442695020e+00, v26;
	[tilespmem:s18+$0x8550] =	vst v11;
	v11 =	vmul.f32 $-1.702000020e+00, v19  }
0x2df: {  	s21 =	simm.s32 $0x6;
	(erf) = vpow2.f32 v13;
	v24 =	vmul.f32 $-1.702000020e+00, v22;
	v26 =	vpop (erf)  }
0x2e0: {  	s23 =	sand.u32 $0x70, s21;
	(erf) = vpow2.f32 v20;
	v6 =	vmul.f32 v26, v6  }
0x2e1: {  	v18 =	vmul.f32 v18, v2;
	v13 =	vld [tilespmem:s23+$0x480];
	v24 =	vmul.f32 $1.442695020e+00, v24  }
0x2e2: {  	v16 =	vmul.f32 v16, v5;
	v26 =	vld [tilespmem:s18+$0x8570];
	[tilespmem:s18+$0x8540] =	vst v6;
	v6 =	vmul.f32 $1.442695020e+00, v11;
	v11 =	vpop (erf)  }
0x2e3: {  	v17 =	vmul.f32 v17, v5;
	(erf) = vpow2.f32 v24;
	v24 =	vld [tilespmem:s0+$0x2530];
	v11 =	vadd.f32 $1.000000000e+00, v11  }
0x2e4: {  	v16 =	vmul.f32 v23, v16;
	(erf) = vpow2.f32 v6  }
0x2e5: {  	v17 =	vmul.f32 v25, v17;
	v25 =	vmov s21;
	v20 =	vld [tilespmem:s18+$0x8560];
	(erf) = vrcp.f32 v11  }
0x2e6: {  	[tilespmem:s26+$0x8510] =	vst v16;
	v6 =	vperm.xlane v13, v25;
	v11 =	vmul.f32 v21, v15;
	v13 =	vpop (erf)  }
0x2e7: {  	v14 =	vmul.f32 v14, v4;
	[tilespmem:s26+$0x8500] =	vst v17;
	v17 =	vmul.f32 v19, v1;
	v13 =	vadd.f32 $1.000000000e+00, v13  }
0x2e8: {  	v15 =	vmul.f32 v22, v1;
	v8 =	vmul.f32 v8, v6;
	v16 =	vpop (erf);
	v28 =	vadd.f32 v24, v26;
	[tilespmem:s25+$0x8520] =	vst v11;
	v11 =	vld [tilespmem:s3+$0x2510]  }
0x2e9: {  	s24 =	simm.s32 $0x1C0;
	v21 =	vld [tilespmem:s25+$0x8530];
	v16 =	vadd.f32 $1.000000000e+00, v16;
	v19 =	vpop (erf);
	v22 =	vshll.u32 v24, $0x10;
	(erf) = vrcp.f32 v13  }
0x2ea: {  	s0 =	sand.u32 $0x1FC0, s24;
	v24 =	vld [tilespmem:s26+$0x8520];
	v13 =	vadd.f32 $1.000000000e+00, v19;
	v19 =	vadd.f32 v22, v20;
	v23 =	vmul.f32 $-1.702000020e+00, v28  }
0x2eb: {  	s7 =	simm.s32 $0x380;
	v10 =	vmul.f32 v10, v6;
	(erf) = vrcp.f32 v16;
	v16 =	vld [tilespmem:s0+$0x2500]  }
0x2ec: {  	v20 =	vpop (erf);
	v25 =	vmul.f32 $-1.702000020e+00, v19;
	v22 =	vmul.f32 $1.442695020e+00, v23;
	v23 =	vld [tilespmem:s7+$0x8510]  }
0x2ed: {  	v27 =	vld [tilespmem:s7+$0x8500];
	(erf) = vrcp.f32 v13;
	v13 =	vadd.f32 $1.000000000e+00, v20;
	v20 =	vshll.u32 v11, $0x10;
	v26 =	vpop (erf)  }
0x2ee: {  	(erf) = vpow2.f32 v22;
	v22 =	vadd.f32 v7, v21;
	v7 =	vmul.f32 $1.442695020e+00, v25;
	v21 =	vpop (erf)  }
0x2ef: {  	(erf) = vrcp.f32 v13;
	v13 =	vadd.f32 $1.000000000e+00, v26;
	v18 =	vmul.f32 v21, v18  }
0x2f0: {  	v24 =	vadd.f32 v20, v24;
	(erf) = vpow2.f32 v7;
	v20 =	vmul.f32 $-1.702000020e+00, v22  }
0x2f1: {  	(erf) = vrcp.f32 v13;
	v13 =	vshll.u32 v16, $0x10;
	v23 =	vadd.f32 v16, v23  }
0x2f2: {  	v7 =	vmul.f32 v19, v9;
	v19 =	vld [tilespmem:s28+$0x8550];
	[tilespmem:s28+$0x8530] =	vst v18;
	v18 =	vmul.f32 $-1.702000020e+00, v24;
	v16 =	vadd.f32 v13, v27  }
0x2f3: {  	v20 =	vmul.f32 $1.442695020e+00, v20;
	v21 =	vld [tilespmem:s30+$0x2520];
	v25 =	vmul.f32 $-1.702000020e+00, v23  }
0x2f4: {  	v27 =	vld [tilespmem:s28+$0x8540];
	v13 =	vpop (erf);
	v18 =	vmul.f32 $1.442695020e+00, v18;
	v29 =	vmul.f32 $-1.702000020e+00, v16  }
0x2f5: {  	v26 =	vpop (erf);
	(erf) = vpow2.f32 v20;
	v20 =	vmul.f32 $1.442695020e+00, v25  }
0x2f6: {  	(erf) = vpow2.f32 v18;
	v18 =	vmul.f32 $1.442695020e+00, v29  }
0x2f7: {  	v13 =	vmul.f32 v13, v14;
	v8 =	vmul.f32 v26, v8;
	v25 =	vpop (erf)  }
0x2f8: {  	s31 =	simm.s32 $0x7;
	v14 =	vpop (erf);
	(erf) = vpow2.f32 v20;
	v29 =	vshll.u32 v21, $0x10;
	v19 =	vadd.f32 v21, v19  }
0x2f9: {  	s9 =	sand.u32 $0x70, s31;
	v10 =	vmul.f32 v25, v10;
	v20 =	vpop (erf);
	(erf) = vpow2.f32 v18;
	v25 =	vadd.f32 v29, v27  }
0x2fa: {  	v21 =	vld [tilespmem:s9+$0x480];
	v15 =	vmul.f32 v20, v15;
	v18 =	vpop (erf);
	v20 =	vmul.f32 $-1.702000020e+00, v19  }
0x2fb: {  	v14 =	vadd.f32 $1.000000000e+00, v14;
	[tilespmem:s2+$0x8500] =	vst v10;
	v26 =	vpop (erf);
	v18 =	vadd.f32 $1.000000000e+00, v18;
	v10 =	vmul.f32 $-1.702000020e+00, v25  }
0x2fc: {  	[tilespmem:s2+$0x8510] =	vst v8;
	v17 =	vmul.f32 v26, v17;
	v26 =	vmul.f32 $1.442695020e+00, v20  }
0x2fd: {  	v9 =	vmul.f32 v28, v9;
	v27 =	vld [tilespmem:s19+$0x8570];
	[tilespmem:s19+$0x8550] =	vst v15;
	(erf) = vrcp.f32 v18  }
0x2fe: {  	v8 =	vmov s31;
	v20 =	vld [tilespmem:s16+$0x2510];
	v10 =	vmul.f32 $1.442695020e+00, v10;
	[tilespmem:s19+$0x8540] =	vst v17;
	(erf) = vrcp.f32 v14  }
0x2ff: {  	v8 =	vperm.xlane v21, v8;
	v14 =	vpop (erf);
	(erf) = vpow2.f32 v26;
	v29 =	vld [tilespmem:s8+$0x2530]  }
0x300: {  	v21 =	vmul.f32 v19, v2;
	v17 =	vld [tilespmem:s2+$0x8520];
	v14 =	vadd.f32 $1.000000000e+00, v14;
	v26 =	vpop (erf);
	(erf) = vpow2.f32 v10  }
0x301: {  	v15 =	vld [tilespmem:s19+$0x8560];
	v19 =	vmul.f32 v25, v2;
	v18 =	vmul.f32 v23, v8;
	v10 =	vadd.f32 $1.000000000e+00, v26  }
0x302: {  	v23 =	vmul.f32 v22, v3;
	(erf) = vrcp.f32 v14  }
0x303: {  	v22 =	vmul.f32 v24, v5;
	v24 =	vld [tilespmem:s29+$0x8530];
	v25 =	vpop (erf);
	(erf) = vrcp.f32 v10  }
0x304: {  	[tilespmem:s29+$0x8520] =	vst v13;
	v13 =	vshll.u32 v20, $0x10;
	v26 =	vadd.f32 $1.000000000e+00, v25;
	v14 =	vpop (erf);
	v10 =	vadd.f32 v29, v27  }
0x305: {  	s24 =	simm.s32 $0x200;
	s9 =	simm.s32 $0x8;
	s8 =	simm.s32 $0x1000;
	v17 =	vadd.f32 v13, v17;
	v25 =	vadd.f32 $1.000000000e+00, v14;
	v27 =	vshll.u32 v29, $0x10  }
.LBB2_7:
0x306: {  	s21 =	sand.u32 $0x70, s9;
	s17 =	sand.u32 $0x1FC0, s24;
	s5 =	sshra.s32 s8, $0x2;
	(erf) = vrcp.f32 v26;
	v14 =	vadd.f32 v27, v15;
	v15 =	vmul.f32 $-1.702000020e+00, v10;
	v13 =	vpop (erf)  }
0x307: {  	p2 =	sne.s32 s8, $0xFE00;
	s8 =	sadd.s32 $0x200, s8;
	v27 =	vmul.f32 v16, v8;
	v26 =	vld [tilespmem:s17+$0x2500];
	v7 =	vmul.f32 v13, v7;
	v16 =	vpop (erf);
	v13 =	vmov v3  }
0x308: {  	v28 =	vld [tilespmem:s5+$0x8510];
	v24 =	vadd.f32 v12, v24;
	v3 =	vpop (erf);
	v30 =	vmul.f32 $-1.702000020e+00, v14;
	v31 =	vmul.f32 $1.442695020e+00, v15  }
0x309: {  	v32 =	vmul.f32 v16, v9;
	(erf) = vrcp.f32 v25;
	v33 =	vadd.f32 $1.000000000e+00, v3;
	v25 =	vpop (erf);
	[tilespmem:s18+$0x8560] =	vst v7  }
0x30a: {  	v12 =	vmovc v11;
	v11 =	vmovc v20;
	v16 =	vld [tilespmem:s5+$0x8500];
	v25 =	vadd.f32 $1.000000000e+00, v25;
	v29 =	vmul.f32 $1.442695020e+00, v30;
	(erf) = vpow2.f32 v31  }
0x30b: {  	v7 =	vmul.f32 v14, v1;
	v30 =	vmov s9;
	v15 =	vpop (erf);
	(erf) = vrcp.f32 v33;
	[tilespmem:s18+$0x8570] =	vst v32;
	s18 =	smov.u32 s19;
	s19 =	smov.u32 s28;
	s28 =	smov.u32 s25  }
0x30c: {  	v3 =	vmov v4;
	s25 =	smov.u32 s29;
	s29 =	smov.u32 s26;
	s26 =	smov.u32 s2;
	v9 =	vpop (erf);
	v14 =	vmul.f32 v15, v23;
	(erf) = vpow2.f32 v29  }
0x30d: {  	v4 =	vmovc v5;
	v5 =	vmovc v6;
	v6 =	vmov v8;
	s2 =	smov.u32 s7;
	s7 =	smov.u32 s5;
	v15 =	vmul.f32 $-1.702000020e+00, v24;
	(erf) = vrcp.f32 v25  }
0x30e: {  	v20 =	vmul.f32 $-1.702000020e+00, v17;
	v25 =	vshll.u32 v26, $0x10;
	v23 =	vadd.f32 v26, v28;
	v28 =	vmovc v10;
	[tilespmem:s28+$0x8530] =	vst v14;
	v14 =	vld [tilespmem:s28+$0x8550]  }
0x30f: {  	v9 =	vmul.f32 v9, v22;
	v29 =	vmul.f32 $1.442695020e+00, v15;
	v16 =	vadd.f32 v25, v16;
	v8 =	vpop (erf);
	v15 =	vld [tilespmem:s6+$0x2520]  }
0x310: {  	v20 =	vmul.f32 $1.442695020e+00, v20;
	v31 =	vmul.f32 $-1.702000020e+00, v23;
	v25 =	vld [tilespmem:s28+$0x8540]  }
0x311: {  	v26 =	vmul.f32 $-1.702000020e+00, v16;
	[tilespmem:s29+$0x8520] =	vst v9;
	(erf) = vpow2.f32 v29  }
0x312: {  	v9 =	vmul.f32 $1.442695020e+00, v31;
	v10 =	vpop (erf);
	(erf) = vpow2.f32 v20  }
0x313: {  	v29 =	vmul.f32 $1.442695020e+00, v26;
	v10 =	vmul.f32 v10, v27;
	v22 =	vpop (erf)  }
0x314: {  	(erf) = vpow2.f32 v9;
	v9 =	vshll.u32 v15, $0x10;
	v14 =	vadd.f32 v15, v14;
	v15 =	vpop (erf)  }
0x315: {  	v26 =	vld [tilespmem:s21+$0x480];
	(erf) = vpow2.f32 v29;
	[tilespmem:s2+$0x8500] =	vst v10;
	v9 =	vadd.f32 v9, v25;
	v10 =	vmul.f32 v15, v21;
	v15 =	vpop (erf)  }
0x316: {  	v8 =	vmul.f32 v8, v18;
	v18 =	vmul.f32 $-1.702000020e+00, v14;
	v20 =	vpop (erf);
	v21 =	vadd.f32 $1.000000000e+00, v15  }
0x317: {  	v29 =	vadd.f32 $1.000000000e+00, v22;
	v25 =	vmul.f32 $-1.702000020e+00, v9;
	v19 =	vmul.f32 v20, v19;
	[tilespmem:s19+$0x8550] =	vst v10;
	v15 =	vld [tilespmem:s19+$0x8560]  }
0x318: {  	[tilespmem:s2+$0x8510] =	vst v8;
	v18 =	vmul.f32 $1.442695020e+00, v18;
	v27 =	vld [tilespmem:s19+$0x8570];
	(erf) = vrcp.f32 v21  }
0x319: {  	v20 =	vld [tilespmem:s0+$0x2510];
	v22 =	vmul.f32 $1.442695020e+00, v25;
	[tilespmem:s19+$0x8540] =	vst v19;
	(erf) = vrcp.f32 v29  }
0x31a: {  	v8 =	vperm.xlane v26, v30;
	v10 =	vpop (erf);
	(erf) = vpow2.f32 v18;
	v29 =	vld [tilespmem:s30+$0x2530];
	s30 =	smov.u32 s6;
	s6 =	smov.u32 s4;
	s4 =	smov.u32 s3  }
0x31b: {  	v21 =	vmul.f32 v14, v13;
	s3 =	smov.u32 s16;
	s16 =	smov.u32 s0;
	s0 =	smov.u32 s17;
	v30 =	vld [tilespmem:s2+$0x8520];
	v19 =	vpop (erf);
	v10 =	vadd.f32 $1.000000000e+00, v10;
	(erf) = vpow2.f32 v22  }
.Ltmp6:
0x31c: {  	v18 =	vmul.f32 v23, v8;
	v14 =	vadd.f32 $1.000000000e+00, v19;
	v19 =	vmul.f32 v9, v13;
	(pc) =	sbr.rel @p2 .LBB2_7-.Ltmp6, $4  }
0x31d: {  	v23 =	vmul.f32 v24, v3;
	v9 =	vpop (erf);
	(erf) = vrcp.f32 v10  }
0x31e: {  	v22 =	vmul.f32 v17, v5;
	v26 =	vadd.f32 $1.000000000e+00, v9;
	v9 =	vpop (erf);
	(erf) = vrcp.f32 v14;
	v24 =	vld [tilespmem:s29+$0x8530]  }
0x31f: {  	v25 =	vadd.f32 $1.000000000e+00, v9;
	v9 =	vshll.u32 v20, $0x10;
	v10 =	vadd.f32 v29, v27  }
0x320: {  	s24 =	sadd.s32 $0x40, s24;
	s9 =	sadd.s32 $0x1, s9;
	v27 =	vshll.u32 v29, $0x10;
	v17 =	vadd.f32 v9, v30;
	v9 =	vmul.f32 v28, v1;
	v1 =	vmovc v2;
	v2 =	vmovc v13  }
0x321: {  	v28 =	vmul.f32 $-1.702000020e+00, v10;
	v14 =	vpop (erf);
	v13 =	vadd.f32 v27, v15  }
0x322: {  	(erf) = vrcp.f32 v26;
	v15 =	vpop (erf)  }
0x323: {  	v44 =	vpop (erf);
	v45 =	vmul.f32 $1.442695020e+00, v28;
	v46 =	vmul.f32 $-1.702000020e+00, v13  }
0x324: {  	(erf) = vrcp.f32 v25;
	v47 =	vadd.f32 $1.000000000e+00, v44  }
0x325: {  	v48 =	vpop (erf);
	(erf) = vpow2.f32 v45;
	v49 =	vmul.f32 $1.442695020e+00, v46  }
0x326: {  	v24 =	vadd.f32 v12, v24;
	v51 =	vadd.f32 $1.000000000e+00, v48;
	v50 =	vpop (erf);
	(erf) = vrcp.f32 v47  }
0x327: {  	v23 =	vmul.f32 v50, v23;
	(erf) = vpow2.f32 v49  }
0x328: {  	v52 =	vmul.f32 $-1.702000020e+00, v24;
	(erf) = vrcp.f32 v51  }
0x329: {  	v53 =	vld [tilespmem:s25+$0x8550];
	[tilespmem:s25+$0x8530] =	vst v23  }
0x32a: {  	v25 =	vmul.f32 $1.442695020e+00, v52;
	v55 =	vld [tilespmem:s6+$0x2520]  }
0x32b: {  	v57 =	vld [tilespmem:s25+$0x8540];
	v54 =	vpop (erf)  }
0x32c: {  	(erf) = vpow2.f32 v25;
	v56 =	vpop (erf)  }
0x32d: {  	v29 =	vmul.f32 $-1.702000020e+00, v17;
	v58 =	vpop (erf)  }
0x32e: {  	v30 =	vpop (erf)  }
0x32f: {  	v29 =	vmul.f32 $1.442695020e+00, v29;
	v31 =	vpop (erf);
	v32 =	vshll.u32 v55, $0x10;
	v33 =	vadd.f32 v55, v53  }
0x330: {  	v59 =	vmul.f32 v31, v21;
	v21 =	vadd.f32 v32, v57;
	v60 =	vpop (erf)  }
0x331: {  	(erf) = vpow2.f32 v29;
	v61 =	vmul.f32 $-1.702000020e+00, v33;
	v62 =	vpop (erf);
	v26 =	vadd.f32 $1.000000000e+00, v60  }
0x332: {  	v30 =	vadd.f32 $1.000000000e+00, v30;
	v63 =	vmul.f32 $-1.702000020e+00, v21;
	v19 =	vmul.f32 v62, v19  }
0x333: {  	[tilespmem:s28+$0x8550] =	vst v59;
	v28 =	vmul.f32 $1.442695020e+00, v61;
	(erf) = vrcp.f32 v26  }
0x334: {  	v35 =	vld [tilespmem:s28+$0x8570];
	[tilespmem:s28+$0x8540] =	vst v19;
	(erf) = vrcp.f32 v30  }
0x335: {  	v36 =	vpop (erf);
	v12 =	vmul.f32 $1.442695020e+00, v63;
	(erf) = vpow2.f32 v28;
	v37 =	vld [tilespmem:s30+$0x2530]  }
0x336: {  	v19 =	vadd.f32 $1.000000000e+00, v36  }
0x337: {  	v34 =	vld [tilespmem:s28+$0x8560];
	(erf) = vpow2.f32 v12  }
0x338: {  	v16 =	vmul.f32 v16, v8;
	(erf) = vrcp.f32 v19;
	_ =	sdelay $0x1  }
0x339: {  	v12 =	vadd.f32 v37, v35  }
0x33a: {  	v43 =	vmul.f32 v56, v18;
	v39 =	vpop (erf);
	v41 =	vshll.u32 v37, $0x10  }
0x33b: {  	v44 =	vld [tilespmem:s26+$0x8530];
	v40 =	vmul.f32 v58, v16;
	v19 =	vadd.f32 v41, v34;
	v42 =	vmul.f32 $-1.702000020e+00, v12;
	v16 =	vpop (erf)  }
0x33c: {  	v38 =	vmul.f32 v54, v22;
	[tilespmem:s7+$0x8510] =	vst v43;
	v22 =	vadd.f32 $1.000000000e+00, v39;
	v18 =	vpop (erf)  }
0x33d: {  	[tilespmem:s7+$0x8500] =	vst v40;
	v46 =	vmul.f32 $-1.702000020e+00, v19;
	v45 =	vpop (erf);
	v25 =	vmul.f32 $1.442695020e+00, v42  }
0x33e: {  	v24 =	vmul.f32 v24, v4;
	v26 =	vld [tilespmem:s0+$0x2510];
	(erf) = vrcp.f32 v22;
	v23 =	vadd.f32 $1.000000000e+00, v45  }
0x33f: {  	v48 =	vld [tilespmem:s7+$0x8520];
	v47 =	vpop (erf);
	v22 =	vmul.f32 $1.442695020e+00, v46;
	(erf) = vpow2.f32 v25  }
0x340: {  	v50 =	vadd.f32 v11, v44;
	v49 =	vpop (erf);
	v51 =	vadd.f32 $1.000000000e+00, v47;
	(erf) = vrcp.f32 v23  }
0x341: {  	v24 =	vmul.f32 v49, v24;
	(erf) = vpow2.f32 v22  }
0x342: {  	v52 =	vmul.f32 $-1.702000020e+00, v50;
	(erf) = vrcp.f32 v51  }
0x343: {  	v54 =	vld [tilespmem:s29+$0x8550];
	v53 =	vshll.u32 v26, $0x10;
	[tilespmem:s29+$0x8530] =	vst v24  }
0x344: {  	v55 =	vmul.f32 $1.442695020e+00, v52;
	v25 =	vadd.f32 v53, v48;
	v56 =	vld [tilespmem:s4+$0x2520]  }
0x345: {  	v57 =	vld [tilespmem:s29+$0x8540]  }
0x346: {  	v59 =	vmul.f32 $-1.702000020e+00, v25;
	(erf) = vpow2.f32 v55  }
0x347: {  	v58 =	vpop (erf)  }
0x348: {  	v29 =	vmul.f32 $1.442695020e+00, v59;
	v61 =	vpop (erf)  }
0x349: {  	v60 =	vmul.f32 v33, v3;
	v63 =	vshll.u32 v56, $0x10;
	v24 =	vadd.f32 v56, v54;
	v62 =	vpop (erf)  }
0x34a: {  	v21 =	vmul.f32 v21, v3;
	(erf) = vpow2.f32 v29;
	v27 =	vadd.f32 v63, v57;
	v33 =	vpop (erf)  }
0x34b: {  	v11 =	vmul.f32 v62, v60;
	v34 =	vmul.f32 $-1.702000020e+00, v24;
	v35 =	vpop (erf);
	v22 =	vadd.f32 $1.000000000e+00, v33  }
0x34c: {  	[tilespmem:s26+$0x8520] =	vst v38;
	v30 =	vadd.f32 $1.000000000e+00, v61;
	v36 =	vmul.f32 $-1.702000020e+00, v27;
	v21 =	vmul.f32 v35, v21  }
0x34d: {  	[tilespmem:s25+$0x8550] =	vst v11;
	v29 =	vmul.f32 $1.442695020e+00, v34;
	(erf) = vrcp.f32 v22  }
0x34e: {  	v38 =	vld [tilespmem:s25+$0x8570];
	[tilespmem:s25+$0x8540] =	vst v21;
	(erf) = vrcp.f32 v30  }
0x34f: {  	v39 =	vpop (erf);
	v11 =	vmul.f32 $1.442695020e+00, v36;
	(erf) = vpow2.f32 v29;
	v40 =	vld [tilespmem:s6+$0x2530]  }
0x350: {  	v37 =	vld [tilespmem:s25+$0x8560];
	v21 =	vadd.f32 $1.000000000e+00, v39  }
0x351: {  	v41 =	vmul.f32 v17, v6;
	(erf) = vpow2.f32 v11  }
0x352: {  	(erf) = vrcp.f32 v21  }
0x353: {  	v17 =	vmul.f32 v58, v41  }
0x354: {  	v11 =	vadd.f32 v40, v38;
	v43 =	vshll.u32 v40, $0x10  }
0x355: {  	[tilespmem:s2+$0x8520] =	vst v17;
	v42 =	vpop (erf);
	v17 =	vadd.f32 v43, v37  }
0x356: {  	v45 =	vld [tilespmem:s2+$0x8530];
	v28 =	vadd.f32 $1.000000000e+00, v42;
	v44 =	vmul.f32 $-1.702000020e+00, v11;
	v21 =	vpop (erf)  }
0x357: {  	v22 =	vpop (erf);
	v47 =	vmul.f32 $-1.702000020e+00, v17  }
0x358: {  	v46 =	vpop (erf);
	v29 =	vmul.f32 $1.442695020e+00, v44;
	(erf) = vrcp.f32 v28  }
0x359: {  	v23 =	vmul.f32 v50, v5;
	v31 =	vadd.f32 $1.000000000e+00, v46  }
0x35a: {  	v48 =	vpop (erf);
	v28 =	vmul.f32 $1.442695020e+00, v47;
	(erf) = vpow2.f32 v29  }
0x35b: {  	v30 =	vadd.f32 v20, v45;
	v49 =	vpop (erf);
	v50 =	vadd.f32 $1.000000000e+00, v48;
	(erf) = vrcp.f32 v31  }
0x35c: {  	v23 =	vmul.f32 v49, v23;
	(erf) = vpow2.f32 v28  }
0x35d: {  	v51 =	vmul.f32 $-1.702000020e+00, v30;
	(erf) = vrcp.f32 v50  }
0x35e: {  	v52 =	vld [tilespmem:s26+$0x8550];
	[tilespmem:s26+$0x8530] =	vst v23  }
0x35f: {  	v53 =	vmul.f32 $1.442695020e+00, v51;
	v54 =	vld [tilespmem:s3+$0x2520]  }
0x360: {  	v55 =	vld [tilespmem:s26+$0x8540]  }
0x361: {  	v56 =	vpop (erf);
	(erf) = vpow2.f32 v53;
	_ =	sdelay $0x1  }
0x362: {  	v58 =	vpop (erf)  }
0x363: {  	v57 =	vmul.f32 v24, v4;
	v60 =	vshll.u32 v54, $0x10;
	v28 =	vadd.f32 v54, v52;
	v59 =	vpop (erf)  }
0x364: {  	v62 =	vmul.f32 v27, v4;
	v63 =	vadd.f32 v60, v55;
	v36 =	vpop (erf)  }
0x365: {  	v61 =	vmul.f32 v59, v57;
	v37 =	vmul.f32 $-1.702000020e+00, v28;
	v38 =	vpop (erf);
	v29 =	vadd.f32 $1.000000000e+00, v36  }
0x366: {  	v24 =	vadd.f32 $1.000000000e+00, v58;
	v39 =	vmul.f32 $-1.702000020e+00, v63;
	v23 =	vmul.f32 v38, v62  }
0x367: {  	[tilespmem:s29+$0x8550] =	vst v61;
	v32 =	vmul.f32 $1.442695020e+00, v37;
	(erf) = vrcp.f32 v29  }
0x368: {  	v34 =	vld [tilespmem:s29+$0x8570];
	[tilespmem:s29+$0x8540] =	vst v23;
	(erf) = vrcp.f32 v24  }
0x369: {  	v20 =	vmul.f32 $1.442695020e+00, v39;
	v41 =	vpop (erf);
	(erf) = vpow2.f32 v32;
	v42 =	vld [tilespmem:s4+$0x2530]  }
0x36a: {  	v23 =	vadd.f32 $1.000000000e+00, v41  }
0x36b: {  	v40 =	vld [tilespmem:s29+$0x8560];
	(erf) = vpow2.f32 v20  }
0x36c: {  	(erf) = vrcp.f32 v23;
	_ =	sdelay $0x1  }
0x36d: {  	v20 =	vadd.f32 v42, v34;
	v24 =	vshll.u32 v42, $0x10;
	_ =	sdelay $0x1  }
0x36e: {  	v43 =	vmul.f32 v25, v8;
	v46 =	vld [tilespmem:s7+$0x8530];
	v25 =	vadd.f32 v24, v40;
	v45 =	vmul.f32 $-1.702000020e+00, v20;
	v23 =	vpop (erf)  }
0x36f: {  	v24 =	vpop (erf)  }
0x370: {  	v33 =	vmul.f32 $-1.702000020e+00, v25;
	v32 =	vpop (erf);
	v29 =	vmul.f32 $1.442695020e+00, v45  }
0x371: {  	v30 =	vmul.f32 v30, v6;
	v32 =	vadd.f32 $1.000000000e+00, v32  }
0x372: {  	v47 =	vpop (erf);
	v48 =	vmul.f32 $1.442695020e+00, v33;
	(erf) = vpow2.f32 v29  }
0x373: {  	v26 =	vadd.f32 v26, v46;
	v50 =	vadd.f32 $1.000000000e+00, v47;
	v49 =	vpop (erf);
	(erf) = vrcp.f32 v32  }
0x374: {  	v30 =	vmul.f32 v49, v30;
	(erf) = vpow2.f32 v48  }
0x375: {  	v51 =	vmul.f32 $-1.702000020e+00, v26;
	(erf) = vrcp.f32 v50  }
0x376: {  	v52 =	vld [tilespmem:s2+$0x8550];
	[tilespmem:s2+$0x8530] =	vst v30  }
0x377: {  	v29 =	vmul.f32 $1.442695020e+00, v51;
	v53 =	vld [tilespmem:s16+$0x2520]  }
0x378: {  	v54 =	vld [tilespmem:s2+$0x8540]  }
0x379: {  	(erf) = vpow2.f32 v29;
	_ =	sdelay $0x1  }
0x37a: {  	v44 =	vmul.f32 v56, v43;
	v55 =	vpop (erf)  }
0x37b: {  	v28 =	vmul.f32 v28, v5;
	v56 =	vpop (erf);
	v57 =	vshll.u32 v53, $0x10;
	v30 =	vadd.f32 v53, v52  }
0x37c: {  	v27 =	vmul.f32 v63, v5;
	v58 =	vadd.f32 v57, v54;
	v59 =	vpop (erf)  }
0x37d: {  	v28 =	vmul.f32 v56, v28;
	v60 =	vmul.f32 $-1.702000020e+00, v30;
	v61 =	vpop (erf);
	v32 =	vadd.f32 $1.000000000e+00, v59  }
0x37e: {  	v29 =	vadd.f32 $1.000000000e+00, v55;
	v62 =	vmul.f32 $-1.702000020e+00, v58;
	v27 =	vmul.f32 v61, v27  }
0x37f: {  	[tilespmem:s26+$0x8550] =	vst v28;
	v33 =	vmul.f32 $1.442695020e+00, v60;
	(erf) = vrcp.f32 v32  }
0x380: {  	v35 =	vld [tilespmem:s26+$0x8570];
	[tilespmem:s26+$0x8540] =	vst v27;
	(erf) = vrcp.f32 v29  }
0x381: {  	v37 =	vpop (erf);
	v36 =	vmul.f32 $1.442695020e+00, v62;
	(erf) = vpow2.f32 v33;
	v38 =	vld [tilespmem:s3+$0x2530]  }
0x382: {  	v28 =	vadd.f32 $1.000000000e+00, v37  }
0x383: {  	v63 =	vld [tilespmem:s26+$0x8560];
	(erf) = vpow2.f32 v36  }
0x384: {  	(erf) = vrcp.f32 v28;
	_ =	sdelay $0x1  }
0x385: {  	v27 =	vadd.f32 v38, v35  }
0x386: {  	v39 =	vshll.u32 v38, $0x10  }
0x387: {  	v28 =	vadd.f32 v39, v63;
	v40 =	vmul.f32 $-1.702000020e+00, v27;
	v32 =	vpop (erf)  }
0x388: {  	v33 =	vpop (erf)  }
0x389: {  	v42 =	vmul.f32 $-1.702000020e+00, v28;
	v41 =	vpop (erf);
	v29 =	vmul.f32 $1.442695020e+00, v40  }
0x38a: {  	v26 =	vmul.f32 v26, v8;
	v34 =	vadd.f32 $1.000000000e+00, v41  }
0x38b: {  	v36 =	vpop (erf);
	v43 =	vmul.f32 $1.442695020e+00, v42;
	(erf) = vpow2.f32 v29  }
0x38c: {  	[tilespmem:s7+$0x8520] =	vst v44;
	v44 =	vpop (erf);
	v45 =	vadd.f32 $1.000000000e+00, v36;
	(erf) = vrcp.f32 v34  }
0x38d: {  	v26 =	vmul.f32 v44, v26;
	(erf) = vpow2.f32 v43  }
0x38e: {  	(erf) = vrcp.f32 v45  }
0x38f: {  	v46 =	vld [tilespmem:s7+$0x8550];
	[tilespmem:s7+$0x8530] =	vst v26  }
0x390: {  	v47 =	vld [tilespmem:s0+$0x2520]  }
0x391: {  	v48 =	vld [tilespmem:s7+$0x8540];
	_ =	sdelay $0x2  }
0x392: {  	v49 =	vpop (erf)  }
0x393: {  	v30 =	vmul.f32 v30, v6;
	v26 =	vadd.f32 v47, v46;
	v29 =	vshll.u32 v47, $0x10;
	v50 =	vpop (erf)  }
0x394: {  	v31 =	vmul.f32 v58, v6;
	v29 =	vadd.f32 v29, v48;
	v51 =	vpop (erf)  }
0x395: {  	v30 =	vmul.f32 v50, v30;
	v37 =	vmul.f32 $-1.702000020e+00, v26;
	v38 =	vpop (erf);
	v36 =	vadd.f32 $1.000000000e+00, v51  }
0x396: {  	v54 =	vadd.f32 $1.000000000e+00, v49;
	v57 =	vmul.f32 $-1.702000020e+00, v29;
	v52 =	vmul.f32 v38, v31  }
0x397: {  	[tilespmem:s2+$0x8550] =	vst v30;
	v55 =	vmul.f32 $1.442695020e+00, v37;
	(erf) = vrcp.f32 v36  }
0x398: {  	v56 =	vld [tilespmem:s2+$0x8570];
	[tilespmem:s2+$0x8540] =	vst v52;
	(erf) = vrcp.f32 v54  }
0x399: {  	v58 =	vmul.f32 $1.442695020e+00, v57;
	(erf) = vpow2.f32 v55;
	v30 =	vld [tilespmem:s16+$0x2530];
	_ =	sdelay $0x1  }
0x39a: {  	v53 =	vld [tilespmem:s2+$0x8560];
	(erf) = vpow2.f32 v58;
	_ =	sdelay $0x2  }
0x39b: {  	v34 =	vadd.f32 v30, v56  }
0x39c: {  	v30 =	vshll.u32 v30, $0x10  }
0x39d: {  	v30 =	vadd.f32 v30, v53;
	v59 =	vmul.f32 $-1.702000020e+00, v34;
	v60 =	vpop (erf)  }
0x39e: {  	v31 =	vpop (erf)  }
0x39f: {  	v62 =	vmul.f32 $-1.702000020e+00, v30;
	v61 =	vpop (erf);
	v35 =	vmul.f32 $1.442695020e+00, v59  }
0x3a0: {  	v37 =	vadd.f32 $1.000000000e+00, v61  }
0x3a1: {  	v63 =	vpop (erf);
	v38 =	vmul.f32 $1.442695020e+00, v62;
	(erf) = vpow2.f32 v35  }
0x3a2: {  	v35 =	vadd.f32 $1.000000000e+00, v63;
	(erf) = vrcp.f32 v37  }
0x3a3: {  	(erf) = vpow2.f32 v38  }
0x3a4: {  	(erf) = vrcp.f32 v35;
	_ =	sdelay $0x5  }
0x3a5: {  	v40 =	vpop (erf)  }
0x3a6: {  	v26 =	vmul.f32 v26, v8;
	v37 =	vpop (erf)  }
0x3a7: {  	v29 =	vmul.f32 v29, v8;
	v41 =	vpop (erf)  }
0x3a8: {  	v26 =	vmul.f32 v37, v26;
	v42 =	vpop (erf)  }
0x3a9: {  	v43 =	vmul.f32 v42, v29  }
0x3aa: {  	[tilespmem:s7+$0x8550] =	vst v26  }
0x3ab: {  	v45 =	vld [tilespmem:s7+$0x8570];
	[tilespmem:s7+$0x8540] =	vst v43  }
0x3ac: {  	v26 =	vld [tilespmem:s0+$0x2530]  }
0x3ad: {  	v44 =	vld [tilespmem:s7+$0x8560];
	_ =	sdelay $0x3  }
0x3ae: {  	v38 =	vadd.f32 v26, v45;
	v26 =	vshll.u32 v26, $0x10  }
0x3af: {  	v26 =	vadd.f32 v26, v44  }
0x3b0: {  	v46 =	vadd.f32 $1.000000000e+00, v41;
	v47 =	vmul.f32 $-1.702000020e+00, v38  }
0x3b1: {  	v35 =	vadd.f32 $1.000000000e+00, v40;
	v39 =	vmul.f32 $-1.702000020e+00, v26  }
0x3b2: {  	(erf) = vrcp.f32 v46;
	v48 =	vmul.f32 $1.442695020e+00, v47  }
0x3b3: {  	(erf) = vrcp.f32 v35;
	v49 =	vmul.f32 $1.442695020e+00, v39  }
0x3b4: {  	(erf) = vpow2.f32 v48  }
0x3b5: {  	(erf) = vpow2.f32 v49;
	_ =	sdelay $0x4  }
0x3b6: {  	v13 =	vmul.f32 v13, v1;
	v1 =	vmul.f32 v10, v1  }
0x3b7: {  	v50 =	vpop (erf)  }
0x3b8: {  	v1 =	vmul.f32 v18, v1;
	v51 =	vpop (erf)  }
0x3b9: {  	v7 =	vmul.f32 v14, v7;
	v9 =	vmul.f32 v15, v9;
	v52 =	vpop (erf)  }
0x3ba: {  	[tilespmem:s19+$0x8570] =	vst v1;
	v1 =	vmul.f32 v11, v3;
	v57 =	vmul.f32 v17, v3;
	v54 =	vpop (erf)  }
0x3bb: {  	v53 =	vmul.f32 v19, v2;
	v2 =	vmul.f32 v12, v2;
	v12 =	vadd.f32 $1.000000000e+00, v54  }
0x3bc: {  	[tilespmem:s18+$0x8560] =	vst v7;
	v1 =	vmul.f32 v24, v1;
	v3 =	vmul.f32 v23, v57;
	v10 =	vadd.f32 $1.000000000e+00, v52  }
0x3bd: {  	[tilespmem:s18+$0x8570] =	vst v9;
	v58 =	vmul.f32 v25, v4;
	(erf) = vrcp.f32 v12  }
0x3be: {  	[tilespmem:s25+$0x8570] =	vst v1;
	v2 =	vmul.f32 v22, v2;
	(erf) = vrcp.f32 v10  }
0x3bf: {  	v55 =	vmul.f32 v16, v13;
	[tilespmem:s25+$0x8560] =	vst v3  }
0x3c0: {  	v3 =	vmul.f32 v32, v58;
	[tilespmem:s28+$0x8570] =	vst v2;
	v2 =	vmul.f32 v20, v4  }
0x3c1: {  	[tilespmem:s19+$0x8560] =	vst v55;
	v56 =	vmul.f32 v21, v53;
	v59 =	vmul.f32 v28, v5  }
0x3c2: {  	[tilespmem:s29+$0x8560] =	vst v3;
	v1 =	vmul.f32 v33, v2;
	v2 =	vmul.f32 v27, v5  }
0x3c3: {  	[tilespmem:s28+$0x8560] =	vst v56;
	v3 =	vmul.f32 v60, v59;
	v60 =	vmul.f32 v30, v6  }
0x3c4: {  	[tilespmem:s29+$0x8570] =	vst v1;
	v1 =	vmul.f32 v31, v2;
	v2 =	vmul.f32 v34, v6  }
0x3c5: {  	[tilespmem:s26+$0x8560] =	vst v3;
	v3 =	vmul.f32 v50, v60;
	v61 =	vmul.f32 v26, v8  }
0x3c6: {  	[tilespmem:s26+$0x8570] =	vst v1;
	v1 =	vmul.f32 v51, v2;
	v2 =	vmul.f32 v38, v8;
	v62 =	vpop (erf)  }
0x3c7: {  	[tilespmem:s2+$0x8560] =	vst v3;
	v3 =	vmul.f32 v62, v61;
	v63 =	vpop (erf)  }
0x3c8: {  	[tilespmem:s2+$0x8570] =	vst v1;
	v1 =	vmul.f32 v63, v2  }
0x3c9: {  	s31 =	simm.s32 $0x280;
	s30 =	rddreg [dreg:$0x6];
	[tilespmem:s7+$0x8560] =	vst v3  }
0x3ca: {  	s4 =	simm.s32 $0x8500;
	s0 =	sshll.u32 @!p1 s11, $0xA;
	s2 =	rddreg [dreg:$0x1];
	[tilespmem:s7+$0x8570] =	vst v1  }
0x3cb: {  	[spmem:s30] =	stream.indirect.scatter.add.f32 [tilespmem:s4], [sflag:$0xA], $0x80, s31, s22, $0xb8;
	[tilespmem:$0x1FD80] =	vst v63  }
0x3cc: {  	s3 =	simm.s32 @!p1 $0x2500;
	s0 =	sadd.s32 @!p1 s2, s0;
	s2 =	simm.s32 @!p1 $0x0  }
0x3cd: {  	[tilespmem:s3], [sflag:$0x6] =	stream.linear.gather @!p1 [hbm4b:s0+s2], $0x2000, $0x38;
	[tilespmem:$0x1FD80] =	vst v63  }
0x3ce: {  	s0 =	rddreg [dreg:$0x4]  }
0x3cf: {  	s0 =	sadd.s32 @!p1 s0, s1;
	s1 =	simm.s32 @!p1 $0x480  }
0x3d0: {  	[tilespmem:s1], [sflag:$0x6] =	stream.linear.gather @!p1 [hbm4b:s0+s2], $0x80, $0x38;
	[tilespmem:$0x1FD80] =	vst v63  }
0x3d1: {  	p1 =	sgt.u32 s14, $0x12  }
.Ltmp7:
0x3d2: {  	_ = 	snop;
	(pc) =	sbr.rel @p1 .LBB2_10-.Ltmp7, $1  }
0x3d3: {  	_ =	sdelay $0x3  }
0x3d4: {  	s0 =	simm.s32 $0x4  }
0x3d5: {  	_ =	swait.ge [sflag:s0], $0x80  }
0x3d6: {  	[sflag:s0] =	ssyncset.done $0x0  }
0x3d7: {  	[sflag:s0] =	ssyncadd.s32 $0xFFFFFF80  }
0x3d8: {  	_ =	swait.ge [sflag:s0], $0x80  }
0x3d9: {  	[sflag:s0] =	ssyncset.done $0x0  }
0x3da: {  	s31 =	simm.s32 $0xA;
	[sflag:s0] =	ssyncadd.s32 $0xFFFFFF80  }
.Ltmp8:
0x3db: {  	_ =	swait.ge [sflag:s31], $0x4000;
	(pc) =	sbr.rel .LBB2_11-.Ltmp8, $4  }
0x3dc: {  	[sflag:s31] =	ssyncset.done $0x0  }
0x3dd: {  	[sflag:s31] =	ssyncadd.s32 $0xFFFFC000  }
0x3de: {  	s1 =	simm.s32 $0x180;
	s13 =	sadd.s32 $0x4, s13;
	s0 =	rddreg [dreg:$0x0]  }
0x3df: {  	[tilespmem:s4], [sflag:$0x8] =	stream.indirect.gather [hbm4b:s0+s22], $0x80, s1, s22, $0xb8;
	[tilespmem:$0x1FD80] =	vst v63  }
.LBB2_10:
0x3e0: {  	p2 =	seq.s32 s14, $0x13  }
.Ltmp9:
0x3e1: {  	_ = 	snop;
	(pc) =	sbr.rel @p2 .LBB2_12-.Ltmp9, $2  }
0x3e2: {  	_ =	sdelay $0x2  }
0x3e3: {  	s13 =	sadd.s32 $0x4, s13;
	p1 =	por $0x1, $0x1  }
.LBB2_11:
0x3e4: {  	s0 =	sshll.u32 s13, $0x5  }
0x3e5: {  	s0 =	sor.u32 s10, s0  }
0x3e6: {  	s0 =	smin.u32 s0, $0x9C3  }
0x3e7: {  	s1 =	rddreg [dreg:$0x2];
	s0 =	sshll.u32 s0, $0x4  }
0x3e8: {  	s2 =	simm.s32 $0x0;
	s30 =	rddreg [dreg:$0x3];
	s1 =	sadd.s32 s1, s0  }
0x3e9: {  	[tilespmem:s2], [sflag:$0x1] =	stream.linear.gather [hbm4b:s1+s2], $0x80, $0x38;
	[tilespmem:$0x1FD80] =	vst v63  }
0x3ea: {  	s31 =	simm.s32 $0x200;
	p1 =	por $0x0, $0x0;
	s0 =	sadd.s32 s30, s0  }
0x3eb: {  	[tilespmem:s31], [sflag:$0x1] =	stream.linear.gather [hbm4b:s0+s2], $0x80, $0x38;
	[tilespmem:$0x1FD80] =	vst v63  }
.LBB2_12:
0x3ec: {  	_ =	swait.ge [sflag:s20], $0x2000  }
0x3ed: {  	[sflag:s20] =	ssyncset.done $0x0  }
0x3ee: {  	[sflag:s20] =	ssyncadd.s32 $0xFFFFE000  }
0x3ef: {  	_ =	swait.ge [sflag:s20], $0x80  }
0x3f0: {  	[sflag:s20] =	ssyncset.done $0x0  }
0x3f1: {  	s0 =	simm.s32 $0x7;
	[sflag:s20] =	ssyncadd.s32 $0xFFFFFF80  }
0x3f2: {  	_ =	swait.ge [sflag:s0], $0x4000  }
0x3f3: {  	[sflag:s0] =	ssyncset.done $0x0  }
0x3f4: {  	[sflag:s0] =	ssyncadd.s32 $0xFFFFC000  }
0x3f5: {  	v1 =	vld [tilespmem:$0x400]  }
0x3f6: {  	v2 =	vld [tilespmem:$0x410]  }
0x3f7: {  	s19 =	rddreg [dreg:$0x1a];
	v3 =	vld [tilespmem:$0x420]  }
0x3f8: {  	p2 =	slt.u32 s12, s19;
	s0 =	simm.f32 $1.000000000e+00;
	v4 =	vld [tilespmem:$0x430]  }
0x3f9: {  	s0 =	simm.s32 @!p2 $0x0;
	v5 =	vld [tilespmem:$0x440]  }
0x3fa: {  	v6 =	vld [tilespmem:$0x450];
	v1 =	vmul.f32 s0, v1  }
0x3fb: {  	v7 =	vld [tilespmem:$0x460];
	v2 =	vmul.f32 s0, v2  }
0x3fc: {  	[tilespmem:$0x400] =	vst v1;
	v1 =	vmul.f32 s0, v3;
	v3 =	vld [tilespmem:$0x470]  }
0x3fd: {  	[tilespmem:$0x410] =	vst v2;
	v2 =	vmul.f32 s0, v4  }
0x3fe: {  	[tilespmem:$0x420] =	vst v1;
	v1 =	vmul.f32 s0, v5  }
0x3ff: {  	[tilespmem:$0x430] =	vst v2;
	v2 =	vmul.f32 s0, v6  }
0x400: {  	[tilespmem:$0x440] =	vst v1;
	v1 =	vmul.f32 s0, v7  }
0x401: {  	[tilespmem:$0x450] =	vst v2;
	v2 =	vmul.f32 s0, v3  }
0x402: {  	s1 =	simm.s32 $0x0;
	[tilespmem:$0x460] =	vst v1  }
0x403: {  	s2 =	sand.u32 $0x1FC0, s1;
	[tilespmem:$0x470] =	vst v2  }
0x404: {  	s11 =	simm.s32 $0x4540;
	s21 =	simm.s32 $0x40;
	v1 =	vld [tilespmem:s2+$0x500]  }
0x405: {  	s0 =	sand.u32 $0x1FC0, s21;
	v2 =	vld [tilespmem:s11+$0xFFFFFFC0]  }
0x406: {  	s12 =	simm.s32 $0x45C0;
	v4 =	vld [tilespmem:s0+$0x500]  }
0x407: {  	v3 =	vld [tilespmem:s12+$0xFFFFFFC0]  }
0x408: {  	v5 =	vld [tilespmem:s11+$0xFFFFFFD0];
	_ =	sdelay $0x1  }
0x409: {  	v6 =	vshll.u32 v1, $0x10  }
0x40a: {  	v2 =	vadd.f32 v6, v2;
	v6 =	vshll.u32 v4, $0x10  }
0x40b: {  	v6 =	vadd.f32 v6, v3  }
0x40c: {  	v1 =	vadd.f32 v1, v5;
	v3 =	vmul.f32 $-1.702000020e+00, v2  }
0x40d: {  	v5 =	vmul.f32 $-1.702000020e+00, v6  }
0x40e: {  	s3 =	simm.s32 $0x80;
	v7 =	vmul.f32 $-1.702000020e+00, v1;
	v3 =	vmul.f32 $1.442695020e+00, v3  }
0x40f: {  	s7 =	sand.u32 $0x1FC0, s3;
	v5 =	vmul.f32 $1.442695020e+00, v5  }
0x410: {  	s28 =	simm.s32 $0x4640;
	v8 =	vld [tilespmem:s7+$0x500];
	v7 =	vmul.f32 $1.442695020e+00, v7;
	(erf) = vpow2.f32 v3  }
0x411: {  	v3 =	vld [tilespmem:s28+$0xFFFFFFC0];
	(erf) = vpow2.f32 v5  }
0x412: {  	v5 =	vld [tilespmem:s12+$0xFFFFFFD0];
	(erf) = vpow2.f32 v7;
	_ =	sdelay $0x2  }
0x413: {  	v7 =	vshll.u32 v8, $0x10  }
0x414: {  	v3 =	vadd.f32 v7, v3  }
0x415: {  	v5 =	vadd.f32 v4, v5  }
0x416: {  	v4 =	vmul.f32 $-1.702000020e+00, v3  }
0x417: {  	v9 =	vmul.f32 $-1.702000020e+00, v5;
	v7 =	vpop (erf)  }
0x418: {  	v4 =	vmul.f32 $1.442695020e+00, v4;
	v10 =	vpop (erf)  }
0x419: {  	v9 =	vmul.f32 $1.442695020e+00, v9;
	v11 =	vpop (erf)  }
0x41a: {  	(erf) = vpow2.f32 v4;
	v4 =	vadd.f32 $1.000000000e+00, v11  }
0x41b: {  	s22 =	sand.u32 $0x1C0, s1;
	v7 =	vadd.f32 $1.000000000e+00, v7;
	(erf) = vpow2.f32 v9  }
0x41c: {  	s3 =	sshrl.u32 s22, $0x2;
	(erf) = vrcp.f32 v4  }
0x41d: {  	v4 =	vld [tilespmem:s3+$0x400];
	(erf) = vrcp.f32 v7;
	_ =	sdelay $0x3  }
0x41e: {  	v7 =	vmov s1  }
0x41f: {  	v7 =	vperm.xlane v4, v7  }
0x420: {  	v9 =	vpop (erf)  }
0x421: {  	s23 =	simm.s32 $0xC0;
	v11 =	vpop (erf);
	v1 =	vmul.f32 v1, v7  }
0x422: {  	s4 =	sand.u32 $0x1FC0, s23;
	v2 =	vmul.f32 v2, v7;
	v4 =	vpop (erf)  }
0x423: {  	v12 =	vld [tilespmem:s4+$0x500];
	s1 =	simm.s32 $0x46C0;
	v1 =	vmul.f32 v4, v1;
	v4 =	vpop (erf)  }
0x424: {  	v2 =	vmul.f32 v4, v2;
	v4 =	vld [tilespmem:s1+$0xFFFFFFC0]  }
0x425: {  	[tilespmem:s11+$0xFFFFFFD0] =	vst v1;
	v1 =	vld [tilespmem:s28+$0xFFFFFFD0]  }
0x426: {  	[tilespmem:s11+$0xFFFFFFC0] =	vst v2;
	v2 =	vld [tilespmem:s11+$0xFFFFFFF0]  }
0x427: {  	v13 =	vld [tilespmem:s2+$0x510]  }
0x428: {  	v15 =	vld [tilespmem:s11+$0xFFFFFFE0];
	v14 =	vshll.u32 v12, $0x10  }
0x429: {  	v4 =	vadd.f32 v14, v4  }
0x42a: {  	v14 =	vadd.f32 v8, v1  }
0x42b: {  	v1 =	vmul.f32 $-1.702000020e+00, v4  }
0x42c: {  	v8 =	vmul.f32 $-1.702000020e+00, v14;
	v16 =	vshll.u32 v13, $0x10;
	v2 =	vadd.f32 v13, v2  }
0x42d: {  	v1 =	vmul.f32 $1.442695020e+00, v1;
	v13 =	vadd.f32 v16, v15  }
0x42e: {  	v8 =	vmul.f32 $1.442695020e+00, v8;
	v15 =	vmul.f32 $-1.702000020e+00, v2  }
0x42f: {  	(erf) = vpow2.f32 v1;
	v1 =	vadd.f32 $1.000000000e+00, v11;
	v11 =	vmul.f32 $-1.702000020e+00, v13  }
0x430: {  	(erf) = vpow2.f32 v8;
	v8 =	vmul.f32 $1.442695020e+00, v15  }
0x431: {  	s24 =	simm.s32 $0x4;
	(erf) = vrcp.f32 v1;
	v1 =	vmul.f32 $1.442695020e+00, v11  }
0x432: {  	v10 =	vadd.f32 $1.000000000e+00, v10;
	s3 =	sand.u32 $0x1C0, s24;
	(erf) = vpow2.f32 v8  }
0x433: {  	s3 =	sshrl.u32 s3, $0x2;
	(erf) = vpow2.f32 v1  }
0x434: {  	v1 =	vld [tilespmem:s3+$0x400];
	(erf) = vrcp.f32 v10  }
0x435: {  	s25 =	simm.s32 $0x1  }
0x436: {  	v8 =	vmov s25;
	_ =	sdelay $0x1  }
0x437: {  	v10 =	vpop (erf)  }
0x438: {  	v1 =	vperm.xlane v1, v8;
	v8 =	vpop (erf)  }
0x439: {  	v11 =	vpop (erf)  }
0x43a: {  	s26 =	simm.s32 $0x100;
	v5 =	vmul.f32 v5, v1;
	v15 =	vpop (erf)  }
0x43b: {  	s26 =	sand.u32 $0x1FC0, s26;
	v17 =	vld [tilespmem:s1+$0xFFFFFFD0];
	v6 =	vmul.f32 v6, v1;
	v16 =	vpop (erf)  }
0x43c: {  	s18 =	simm.s32 $0x4740;
	v18 =	vld [tilespmem:s26+$0x500];
	v5 =	vmul.f32 v11, v5;
	v11 =	vpop (erf)  }
0x43d: {  	v6 =	vmul.f32 v11, v6;
	v11 =	vld [tilespmem:s18+$0xFFFFFFC0]  }
0x43e: {  	[tilespmem:s12+$0xFFFFFFD0] =	vst v5  }
0x43f: {  	[tilespmem:s12+$0xFFFFFFC0] =	vst v6;
	v6 =	vld [tilespmem:s12+$0xFFFFFFF0]  }
0x440: {  	v12 =	vadd.f32 v12, v17;
	v17 =	vld [tilespmem:s0+$0x510]  }
0x441: {  	v19 =	vld [tilespmem:s12+$0xFFFFFFE0];
	v5 =	vshll.u32 v18, $0x10  }
0x442: {  	v20 =	vmul.f32 $-1.702000020e+00, v12;
	v5 =	vadd.f32 v5, v11;
	_ =	sdelay $0x1  }
0x443: {  	v15 =	vadd.f32 $1.000000000e+00, v15;
	v11 =	vmul.f32 $1.442695020e+00, v20;
	v20 =	vmul.f32 $-1.702000020e+00, v5  }
0x444: {  	v16 =	vadd.f32 $1.000000000e+00, v16;
	v21 =	vshll.u32 v17, $0x10;
	v17 =	vadd.f32 v17, v6  }
0x445: {  	(erf) = vrcp.f32 v15;
	v6 =	vmul.f32 $1.442695020e+00, v20;
	v15 =	vadd.f32 v21, v19  }
0x446: {  	(erf) = vrcp.f32 v16;
	v16 =	vmul.f32 $-1.702000020e+00, v17  }
0x447: {  	(erf) = vpow2.f32 v6;
	v6 =	vadd.f32 $1.000000000e+00, v8;
	v8 =	vmul.f32 $-1.702000020e+00, v15  }
0x448: {  	s5 =	simm.s32 $0x8;
	(erf) = vpow2.f32 v11;
	v11 =	vmul.f32 $1.442695020e+00, v16  }
0x449: {  	s3 =	sand.u32 $0x1C0, s5;
	(erf) = vrcp.f32 v6;
	v6 =	vmul.f32 $1.442695020e+00, v8  }
0x44a: {  	s3 =	sshrl.u32 s3, $0x2;
	(erf) = vpow2.f32 v11  }
0x44b: {  	v8 =	vadd.f32 $1.000000000e+00, v9;
	(erf) = vpow2.f32 v6;
	v6 =	vld [tilespmem:s3+$0x400];
	_ =	sdelay $0x1  }
0x44c: {  	(erf) = vrcp.f32 v8  }
0x44d: {  	s6 =	simm.s32 $0x2;
	v2 =	vmul.f32 v2, v7  }
0x44e: {  	v13 =	vmul.f32 v13, v7;
	v11 =	vmov s6;
	v8 =	vpop (erf)  }
0x44f: {  	v9 =	vpop (erf);
	v16 =	vmul.f32 v8, v2;
	v2 =	vperm.xlane v6, v11  }
0x450: {  	s8 =	simm.s32 $0x140;
	v8 =	vpop (erf)  }
0x451: {  	s16 =	sand.u32 $0x1FC0, s8;
	v9 =	vmul.f32 v9, v13;
	v19 =	vpop (erf);
	v13 =	vmul.f32 v14, v2  }
0x452: {  	v20 =	vld [tilespmem:s16+$0x500];
	v11 =	vpop (erf)  }
0x453: {  	s19 =	simm.s32 $0x47C0;
	v6 =	vld [tilespmem:s18+$0xFFFFFFD0];
	[tilespmem:s11+$0xFFFFFFF0] =	vst v16;
	v14 =	vpop (erf)  }
0x454: {  	[tilespmem:s11+$0xFFFFFFE0] =	vst v9;
	v9 =	vld [tilespmem:s19+$0xFFFFFFC0];
	v3 =	vmul.f32 v3, v2;
	v21 =	vpop (erf)  }
0x455: {  	v22 =	vld [tilespmem:s2+$0x520];
	v11 =	vmul.f32 v11, v13;
	v13 =	vpop (erf)  }
0x456: {  	v3 =	vmul.f32 v13, v3;
	v13 =	vld [tilespmem:s11+$0x10]  }
0x457: {  	[tilespmem:s28+$0xFFFFFFD0] =	vst v11  }
0x458: {  	v11 =	vadd.f32 v18, v6;
	v18 =	vld [tilespmem:s28+$0xFFFFFFF0];
	[tilespmem:s28+$0xFFFFFFC0] =	vst v3;
	v3 =	vshll.u32 v20, $0x10  }
0x459: {  	v14 =	vadd.f32 $1.000000000e+00, v14;
	v6 =	vadd.f32 v3, v9;
	v3 =	vld [tilespmem:s7+$0x510]  }
0x45a: {  	v23 =	vld [tilespmem:s28+$0xFFFFFFE0];
	v21 =	vadd.f32 $1.000000000e+00, v21  }
0x45b: {  	(erf) = vrcp.f32 v14;
	v24 =	vadd.f32 v22, v13  }
0x45c: {  	(erf) = vrcp.f32 v21;
	v13 =	vmul.f32 $-1.702000020e+00, v6  }
0x45d: {  	v9 =	vmul.f32 $-1.702000020e+00, v11;
	v25 =	vmul.f32 $-1.702000020e+00, v24  }
0x45e: {  	v13 =	vmul.f32 $1.442695020e+00, v13;
	v14 =	vshll.u32 v3, $0x10;
	v18 =	vadd.f32 v3, v18  }
0x45f: {  	v9 =	vmul.f32 $1.442695020e+00, v9;
	v3 =	vmul.f32 $1.442695020e+00, v25;
	v14 =	vadd.f32 v14, v23  }
0x460: {  	(erf) = vpow2.f32 v13;
	v13 =	vmul.f32 $-1.702000020e+00, v18  }
0x461: {  	v19 =	vadd.f32 $1.000000000e+00, v19;
	(erf) = vpow2.f32 v3;
	v3 =	vmul.f32 $-1.702000020e+00, v14  }
0x462: {  	s9 =	simm.s32 $0xC;
	(erf) = vpow2.f32 v9;
	v9 =	vmul.f32 $1.442695020e+00, v13  }
0x463: {  	s3 =	sand.u32 $0x1C0, s9;
	(erf) = vrcp.f32 v19;
	v3 =	vmul.f32 $1.442695020e+00, v3  }
0x464: {  	v10 =	vadd.f32 $1.000000000e+00, v10;
	s3 =	sshrl.u32 s3, $0x2;
	(erf) = vpow2.f32 v9  }
0x465: {  	(erf) = vpow2.f32 v3;
	v3 =	vld [tilespmem:s3+$0x400];
	_ =	sdelay $0x1  }
0x466: {  	v9 =	vmul.f32 v17, v1;
	(erf) = vrcp.f32 v10  }
0x467: {  	s17 =	simm.s32 $0x3;
	v10 =	vpop (erf)  }
0x468: {  	v17 =	vpop (erf);
	v9 =	vmul.f32 v10, v9;
	v10 =	vmov s17  }
0x469: {  	s21 =	simm.s32 $0x180;
	v15 =	vmul.f32 v15, v1;
	v13 =	vpop (erf);
	v3 =	vperm.xlane v3, v10  }
0x46a: {  	v21 =	vld [tilespmem:s19+$0xFFFFFFD0];
	s3 =	sand.u32 $0x1FC0, s21;
	v19 =	vpop (erf)  }
0x46b: {  	s25 =	simm.s32 $0x4840;
	v10 =	vmul.f32 v17, v15;
	v15 =	vld [tilespmem:s3+$0x500];
	v23 =	vpop (erf);
	v12 =	vmul.f32 v12, v3  }
0x46c: {  	v26 =	vld [tilespmem:s25+$0xFFFFFFC0];
	[tilespmem:s12+$0xFFFFFFF0] =	vst v9;
	v9 =	vpop (erf)  }
0x46d: {  	v16 =	vld [tilespmem:s11+$0x0];
	v17 =	vpop (erf)  }
0x46e: {  	v4 =	vmul.f32 v4, v3;
	[tilespmem:s12+$0xFFFFFFE0] =	vst v10;
	v27 =	vpop (erf);
	v10 =	vmul.f32 v9, v12  }
0x46f: {  	v9 =	vadd.f32 v20, v21;
	v20 =	vld [tilespmem:s0+$0x520];
	v12 =	vpop (erf)  }
0x470: {  	v21 =	vld [tilespmem:s12+$0x10];
	[tilespmem:s1+$0xFFFFFFD0] =	vst v10;
	v10 =	vshll.u32 v15, $0x10;
	v4 =	vmul.f32 v12, v4  }
0x471: {  	v17 =	vadd.f32 $1.000000000e+00, v17;
	v12 =	vshll.u32 v22, $0x10;
	v10 =	vadd.f32 v10, v26  }
0x472: {  	v18 =	vmul.f32 v18, v2;
	v27 =	vadd.f32 $1.000000000e+00, v27;
	v12 =	vadd.f32 v12, v16;
	[tilespmem:s1+$0xFFFFFFC0] =	vst v4;
	v4 =	vld [tilespmem:s1+$0xFFFFFFF0]  }
0x473: {  	(erf) = vrcp.f32 v17;
	v28 =	vmul.f32 $-1.702000020e+00, v10;
	v26 =	vld [tilespmem:s4+$0x510]  }
0x474: {  	v29 =	vld [tilespmem:s1+$0xFFFFFFE0];
	v19 =	vadd.f32 $1.000000000e+00, v19;
	(erf) = vrcp.f32 v27;
	v22 =	vmul.f32 $-1.702000020e+00, v12  }
0x475: {  	v16 =	vmul.f32 $-1.702000020e+00, v9;
	v21 =	vadd.f32 v20, v21;
	v17 =	vmul.f32 $1.442695020e+00, v28  }
0x476: {  	(erf) = vrcp.f32 v19;
	v19 =	vmul.f32 $1.442695020e+00, v22  }
0x477: {  	v27 =	vmul.f32 $-1.702000020e+00, v21;
	(erf) = vpow2.f32 v17  }
0x478: {  	(erf) = vpow2.f32 v19;
	v22 =	vshll.u32 v26, $0x10;
	v26 =	vadd.f32 v26, v4  }
0x479: {  	v19 =	vadd.f32 $1.000000000e+00, v23;
	v4 =	vmul.f32 $1.442695020e+00, v27;
	v22 =	vadd.f32 v22, v29  }
0x47a: {  	v16 =	vmul.f32 $1.442695020e+00, v16;
	v17 =	vmul.f32 $-1.702000020e+00, v26  }
0x47b: {  	(erf) = vpow2.f32 v4;
	v4 =	vmul.f32 $-1.702000020e+00, v22  }
0x47c: {  	(erf) = vpow2.f32 v16;
	v16 =	vmul.f32 $1.442695020e+00, v17  }
0x47d: {  	s5 =	simm.s32 $0x10;
	v17 =	vld [tilespmem:s25+$0xFFFFFFD0];
	(erf) = vrcp.f32 v19;
	v19 =	vpop (erf);
	v4 =	vmul.f32 $1.442695020e+00, v4  }
0x47e: {  	s5 =	sand.u32 $0x1C0, s5;
	v8 =	vadd.f32 $1.000000000e+00, v8;
	v25 =	vld [tilespmem:s12+$0x0];
	(erf) = vpow2.f32 v16;
	v16 =	vmul.f32 v19, v18  }
0x47f: {  	s5 =	sshrl.u32 s5, $0x2;
	(erf) = vpow2.f32 v4  }
0x480: {  	v18 =	vpop (erf);
	v4 =	vmul.f32 v14, v2;
	v14 =	vld [tilespmem:s5+$0x400];
	(erf) = vrcp.f32 v8;
	[tilespmem:s28+$0xFFFFFFF0] =	vst v16;
	v16 =	vshll.u32 v20, $0x10  }
0x481: {  	v19 =	vpop (erf)  }
0x482: {  	s29 =	simm.s32 $0x48C0;
	s22 =	simm.s32 $0x1C0;
	v8 =	vpop (erf);
	v17 =	vadd.f32 v15, v17;
	v4 =	vmul.f32 v18, v4  }
0x483: {  	s8 =	simm.s32 $0x4;
	s6 =	sand.u32 $0x1FC0, s22;
	v23 =	vld [tilespmem:s29+$0xFFFFFFD0];
	v20 =	vmul.f32 v24, v7;
	v15 =	vadd.f32 v16, v25;
	v16 =	vpop (erf)  }
0x484: {  	v27 =	vld [tilespmem:s6+$0x500];
	v24 =	vmov s8;
	v25 =	vmul.f32 v12, v7;
	v12 =	vmul.f32 $-1.702000020e+00, v17;
	[tilespmem:s28+$0xFFFFFFE0] =	vst v4;
	v28 =	vpop (erf)  }
0x485: {  	v4 =	vperm.xlane v14, v24;
	v14 =	vld [tilespmem:s7+$0x520];
	v24 =	vadd.f32 $1.000000000e+00, v16;
	v30 =	vpop (erf)  }
0x486: {  	v16 =	vmul.f32 v21, v1;
	v31 =	vmul.f32 $1.442695020e+00, v12;
	v12 =	vld [tilespmem:s29+$0xFFFFFFC0];
	v21 =	vpop (erf)  }
0x487: {  	v32 =	vmul.f32 v11, v4;
	(erf) = vrcp.f32 v24;
	v11 =	vpop (erf)  }
0x488: {  	v18 =	vld [tilespmem:s28+$0x0];
	v5 =	vmul.f32 v5, v4;
	v24 =	vadd.f32 $1.000000000e+00, v11;
	v33 =	vpop (erf)  }
0x489: {  	v34 =	vld [tilespmem:s28+$0x10];
	v35 =	vshll.u32 v27, $0x10;
	v11 =	vadd.f32 v27, v23;
	v21 =	vmul.f32 v21, v32;
	v23 =	vpop (erf)  }
0x48a: {  	v27 =	vadd.f32 $1.000000000e+00, v33;
	v5 =	vmul.f32 v23, v5;
	(erf) = vrcp.f32 v24  }
0x48b: {  	v24 =	vshll.u32 v14, $0x10;
	v12 =	vadd.f32 v35, v12;
	[tilespmem:s18+$0xFFFFFFD0] =	vst v21;
	v21 =	vmul.f32 $-1.702000020e+00, v11  }
0x48c: {  	(erf) = vrcp.f32 v27;
	[tilespmem:s18+$0xFFFFFFC0] =	vst v5;
	v5 =	vmul.f32 v22, v3;
	v22 =	vadd.f32 $1.000000000e+00, v28  }
0x48d: {  	v23 =	vmul.f32 v26, v3;
	v26 =	vld [tilespmem:s18+$0xFFFFFFF0];
	v18 =	vadd.f32 v24, v18  }
0x48e: {  	v24 =	vmul.f32 $-1.702000020e+00, v12;
	v28 =	vadd.f32 v14, v34;
	v14 =	vmul.f32 $1.442695020e+00, v21;
	v21 =	vld [tilespmem:s26+$0x510]  }
0x48f: {  	v19 =	vmul.f32 v19, v20;
	v29 =	vmul.f32 $-1.702000020e+00, v15  }
0x490: {  	v20 =	vld [tilespmem:s18+$0xFFFFFFE0];
	v24 =	vmul.f32 $1.442695020e+00, v24;
	(erf) = vrcp.f32 v22;
	v22 =	vpop (erf)  }
0x491: {  	v29 =	vmul.f32 $1.442695020e+00, v29;
	v22 =	vmul.f32 v22, v25  }
0x492: {  	v52 =	vmul.f32 $-1.702000020e+00, v28;
	(erf) = vpow2.f32 v24  }
0x493: {  	(erf) = vpow2.f32 v29;
	[tilespmem:s11+$0x0] =	vst v22;
	v22 =	vshll.u32 v21, $0x10;
	v21 =	vadd.f32 v21, v26  }
0x494: {  	[tilespmem:s11+$0x10] =	vst v19;
	v19 =	vmul.f32 v28, v2;
	v24 =	vmul.f32 $1.442695020e+00, v52;
	v26 =	vpop (erf)  }
0x495: {  	s23 =	simm.s32 $0x14;
	v28 =	vld [tilespmem:s2+$0x530];
	v29 =	vadd.f32 v22, v20;
	v20 =	vmul.f32 v26, v23;
	v23 =	vpop (erf);
	v22 =	vmul.f32 $-1.702000020e+00, v21  }
0x496: {  	s5 =	sand.u32 $0x1C0, s23;
	v25 =	vld [tilespmem:s11+$0x20];
	(erf) = vpow2.f32 v24;
	v5 =	vmul.f32 v23, v5  }
0x497: {  	v53 =	vld [tilespmem:s11+$0x30];
	s24 =	sshrl.u32 s5, $0x2;
	v24 =	vadd.f32 $1.000000000e+00, v30;
	v23 =	vmul.f32 $-1.702000020e+00, v29;
	[tilespmem:s1+$0xFFFFFFF0] =	vst v20;
	v20 =	vmul.f32 $1.442695020e+00, v22  }
0x498: {  	v13 =	vadd.f32 $1.000000000e+00, v13;
	(erf) = vpow2.f32 v31;
	v26 =	vld [tilespmem:s24+$0x400]  }
0x499: {  	v30 =	vld [tilespmem:s1+$0x0];
	(erf) = vrcp.f32 v24;
	[tilespmem:s1+$0xFFFFFFE0] =	vst v5;
	v5 =	vmul.f32 $1.442695020e+00, v23  }
0x49a: {  	s8 =	simm.s32 $0x200;
	v27 =	vmul.f32 $-1.702000020e+00, v18;
	s2 =	simm.s32 $0x4940;
	v54 =	vpop (erf);
	v24 =	vld [tilespmem:s4+$0x520];
	v23 =	vshll.u32 v28, $0x10;
	(erf) = vpow2.f32 v20  }
0x49b: {  	s5 =	simm.s32 $0x5;
	s30 =	sand.u32 $0x1FC0, s8;
	v22 =	vmul.f32 v18, v2;
	v18 =	vld [tilespmem:s2+$0xFFFFFFD0];
	v23 =	vadd.f32 v23, v25;
	(erf) = vpow2.f32 v5;
	v20 =	vpop (erf)  }
0x49c: {  	v31 =	vmov s5;
	v55 =	vmul.f32 v21, v4;
	v25 =	vld [tilespmem:s30+$0x500];
	(erf) = vrcp.f32 v13;
	v13 =	vpop (erf)  }
0x49d: {  	v5 =	vperm.xlane v26, v31;
	v26 =	vld [tilespmem:s2+$0xFFFFFFC0];
	v21 =	vmul.f32 $-1.702000020e+00, v23;
	v13 =	vadd.f32 $1.000000000e+00, v13  }
0x49e: {  	v15 =	vmul.f32 v15, v1;
	v29 =	vmul.f32 v29, v4;
	v28 =	vadd.f32 v28, v53  }
0x49f: {  	v31 =	vshll.u32 v24, $0x10;
	v56 =	vpop (erf);
	v21 =	vmul.f32 $1.442695020e+00, v21;
	(erf) = vrcp.f32 v13  }
0x4a0: {  	v16 =	vmul.f32 v54, v16;
	v30 =	vadd.f32 v31, v30;
	v31 =	vmul.f32 $-1.702000020e+00, v28  }
0x4a1: {  	v9 =	vmul.f32 v9, v5;
	v57 =	vpop (erf);
	v36 =	vshll.u32 v25, $0x10;
	(erf) = vpow2.f32 v21  }
0x4a2: {  	v13 =	vadd.f32 v25, v18;
	v25 =	vpop (erf);
	v21 =	vld [tilespmem:s1+$0x10];
	v18 =	vadd.f32 v36, v26;
	v31 =	vmul.f32 $1.442695020e+00, v31  }
0x4a3: {  	v6 =	vmul.f32 v6, v5;
	v9 =	vmul.f32 v25, v9;
	v37 =	vpop (erf)  }
0x4a4: {  	v38 =	vmul.f32 $-1.702000020e+00, v18;
	(erf) = vpow2.f32 v31;
	v37 =	vadd.f32 $1.000000000e+00, v37  }
0x4a5: {  	v26 =	vmul.f32 $-1.702000020e+00, v30;
	v58 =	vmul.f32 $-1.702000020e+00, v13;
	v39 =	vpop (erf)  }
0x4a6: {  	[tilespmem:s19+$0xFFFFFFD0] =	vst v9;
	v31 =	vpop (erf);
	v59 =	vadd.f32 $1.000000000e+00, v39;
	v9 =	vmul.f32 $1.442695020e+00, v38;
	(erf) = vrcp.f32 v37  }
0x4a7: {  	v31 =	vmul.f32 v31, v6;
	v24 =	vadd.f32 v24, v21;
	v6 =	vmul.f32 v23, v7  }
0x4a8: {  	v32 =	vadd.f32 $1.000000000e+00, v56;
	v7 =	vmul.f32 v28, v7;
	(erf) = vrcp.f32 v59;
	v23 =	vpop (erf)  }
0x4a9: {  	v60 =	vld [tilespmem:s19+$0xFFFFFFF0];
	s9 =	simm.s32 $0x6;
	[tilespmem:s19+$0xFFFFFFC0] =	vst v31;
	v21 =	vmul.f32 $-1.702000020e+00, v24;
	v15 =	vmul.f32 v23, v15  }
0x4aa: {  	v61 =	vmov s9;
	s17 =	simm.s32 $0x18;
	[tilespmem:s12+$0x10] =	vst v16;
	(erf) = vrcp.f32 v32;
	v31 =	vmul.f32 $1.442695020e+00, v27;
	v62 =	vld [tilespmem:s16+$0x510];
	v23 =	vpop (erf)  }
0x4ab: {  	v63 =	vld [tilespmem:s19+$0xFFFFFFE0];
	s5 =	sand.u32 $0x1C0, s17;
	(erf) = vpow2.f32 v9;
	v28 =	vmul.f32 $1.442695020e+00, v21;
	v16 =	vadd.f32 $1.000000000e+00, v23;
	[tilespmem:s12+$0x0] =	vst v15  }
0x4ac: {  	s21 =	simm.s32 $0x7;
	v34 =	vadd.f32 $1.000000000e+00, v8;
	s5 =	sshrl.u32 s5, $0x2;
	v25 =	vmul.f32 $1.442695020e+00, v58;
	(erf) = vpow2.f32 v31;
	v31 =	vld [tilespmem:s0+$0x530]  }
0x4ad: {  	v27 =	vmov s21;
	v24 =	vmul.f32 v24, v3;
	(erf) = vrcp.f32 v16;
	v16 =	vld [tilespmem:s5+$0x400];
	v15 =	vpop (erf)  }
0x4ae: {  	s9 =	simm.s32 $0x8;
	v32 =	vadd.f32 $1.000000000e+00, v57;
	v9 =	vld [tilespmem:s12+$0x20];
	(erf) = vpow2.f32 v28;
	v15 =	vadd.f32 $1.000000000e+00, v15  }
0x4af: {  	v21 =	vmov s9;
	(erf) = vpow2.f32 v14;
	v14 =	vadd.f32 v62, v60;
	v28 =	vpop (erf)  }
0x4b0: {  	s23 =	simm.s32 $0x20;
	v35 =	vld [tilespmem:s12+$0x30];
	v23 =	vmul.f32 v30, v3;
	v30 =	vshll.u32 v62, $0x10;
	v8 =	vmul.f32 v28, v55  }
0x4b1: {  	s31 =	simm.s32 $0x240;
	s22 =	simm.s32 $0x1C;
	s24 =	sand.u32 $0x1C0, s23;
	v33 =	vadd.f32 v30, v63;
	(erf) = vrcp.f32 v15;
	v37 =	vmul.f32 $-1.702000020e+00, v14  }
0x4b2: {  	s9 =	simm.s32 $0x49C0;
	s0 =	sand.u32 $0x1C0, s22;
	s5 =	simm.s32 $0x9;
	v28 =	vmul.f32 v14, v5;
	v14 =	vshll.u32 v31, $0x10;
	[tilespmem:s18+$0xFFFFFFF0] =	vst v8;
	v8 =	vperm.xlane v16, v61;
	v15 =	vpop (erf)  }
0x4b3: {  	s8 =	sshrl.u32 s0, $0x2;
	s0 =	sshrl.u32 s24, $0x2;
	s24 =	simm.s32 $0x24;
	v30 =	vld [tilespmem:s18+$0x0];
	v16 =	vmul.f32 $-1.702000020e+00, v33;
	v9 =	vadd.f32 v14, v9;
	v36 =	vmul.f32 v15, v29;
	v29 =	vpop (erf)  }
.LBB2_13:
0x4b4: {  	s22 =	sand.u32 $0x1C0, s24;
	v15 =	vpop (erf)  }
0x4b5: {  	s21 =	sand.u32 $0x1FC0, s31;
	v38 =	vld [tilespmem:s9+$0xFFFFFFD0];
	(erf) = vrcp.f32 v32;
	v32 =	vmul.f32 $1.442695020e+00, v37;
	[tilespmem:s18+$0xFFFFFFE0] =	vst v36;
	v31 =	vadd.f32 v31, v35;
	v14 =	vmovc v21;
	s23 =	smov.u32 s5;
	s17 =	sadd.s32 $0x1, s5  }
0x4b6: {  	p2 =	sne.s32 s5, $0x7F;
	s22 =	sshrl.u32 s22, $0x2;
	v35 =	vmul.f32 v10, v8;
	v41 =	vmul.f32 $1.442695020e+00, v16;
	v36 =	vld [tilespmem:s26+$0x520];
	v37 =	vpop (erf);
	v10 =	vmov v12  }
0x4b7: {  	v16 =	vmul.f32 v33, v5;
	v39 =	vld [tilespmem:s21+$0x500];
	(erf) = vpow2.f32 v32;
	v32 =	vadd.f32 $1.000000000e+00, v37;
	v33 =	vpop (erf)  }
0x4b8: {  	v12 =	vmov v18;
	v37 =	vmul.f32 $-1.702000020e+00, v9;
	(erf) = vpow2.f32 v41;
	v21 =	vpop (erf)  }
0x4b9: {  	v6 =	vmul.f32 v33, v6;
	v18 =	vld [tilespmem:s9+$0xFFFFFFC0];
	v40 =	vpop (erf);
	(erf) = vrcp.f32 v34;
	v34 =	vadd.f32 $1.000000000e+00, v21  }
0x4ba: {  	v33 =	vmul.f32 v17, v8;
	v17 =	vmov v11;
	v37 =	vmul.f32 $1.442695020e+00, v37;
	v41 =	vld [tilespmem:s18+$0x10];
	v42 =	vpop (erf)  }
0x4bb: {  	v11 =	vmovc v13;
	v21 =	vmov s23;
	v43 =	vshll.u32 v36, $0x10;
	[tilespmem:s11+$0x20] =	vst v6;
	v42 =	vmul.f32 v42, v7  }
0x4bc: {  	v7 =	vmul.f32 $-1.702000020e+00, v31;
	v30 =	vadd.f32 v43, v30;
	(erf) = vrcp.f32 v32  }
0x4bd: {  	v32 =	vshll.u32 v39, $0x10;
	v13 =	vadd.f32 v39, v38;
	(erf) = vpow2.f32 v37;
	[tilespmem:s11+$0x30] =	vst v42;
	s11 =	smov.u32 s12;
	s12 =	smov.u32 s28;
	s28 =	smov.u32 s1  }
0x4be: {  	v39 =	vmul.f32 $1.442695020e+00, v7;
	s1 =	smov.u32 s18;
	s18 =	smov.u32 s19;
	s19 =	smov.u32 s25;
	v18 =	vadd.f32 v32, v18;
	v6 =	vpop (erf);
	v32 =	vmul.f32 $-1.702000020e+00, v30  }
0x4bf: {  	s25 =	smov.u32 s29;
	s29 =	smov.u32 s2;
	s2 =	smov.u32 s9;
	v37 =	vmul.f32 $-1.702000020e+00, v13;
	v6 =	vmul.f32 v6, v33;
	v33 =	vadd.f32 v36, v41  }
0x4c0: {  	v41 =	vmul.f32 $-1.702000020e+00, v18;
	v38 =	vpop (erf);
	(erf) = vpow2.f32 v39  }
0x4c1: {  	v37 =	vmul.f32 $1.442695020e+00, v37;
	[tilespmem:s19+$0xFFFFFFD0] =	vst v6;
	v38 =	vadd.f32 $1.000000000e+00, v38;
	v7 =	vpop (erf);
	v6 =	vmul.f32 v9, v1  }
0x4c2: {  	v9 =	vmul.f32 $1.442695020e+00, v41;
	v36 =	vpop (erf);
	v39 =	vadd.f32 $1.000000000e+00, v7;
	v7 =	vmul.f32 v31, v1  }
0x4c3: {  	v1 =	vmovc v2;
	v2 =	vmovc v3;
	v3 =	vmov v4;
	v36 =	vmul.f32 v36, v35;
	(erf) = vrcp.f32 v38  }
0x4c4: {  	v4 =	vmovc v5;
	v5 =	vmov v8;
	v35 =	vmul.f32 $-1.702000020e+00, v33;
	(erf) = vrcp.f32 v39  }
0x4c5: {  	v29 =	vmul.f32 v29, v19;
	v19 =	vmov v24;
	[tilespmem:s19+$0xFFFFFFC0] =	vst v36;
	v8 =	vld [tilespmem:s19+$0xFFFFFFF0];
	(erf) = vrcp.f32 v34;
	v31 =	vpop (erf)  }
0x4c6: {  	v36 =	vmul.f32 $1.442695020e+00, v26;
	v26 =	vmov v32;
	v34 =	vld [tilespmem:s3+$0x510];
	v31 =	vmul.f32 v31, v22;
	v22 =	vpop (erf)  }
0x4c7: {  	(erf) = vpow2.f32 v9;
	v9 =	vmul.f32 $1.442695020e+00, v35;
	[tilespmem:s12+$0x10] =	vst v29;
	v38 =	vld [tilespmem:s12+$0x20];
	v35 =	vadd.f32 $1.000000000e+00, v22;
	v22 =	vmovc v23  }
0x4c8: {  	v24 =	vmul.f32 v33, v3;
	v39 =	vld [tilespmem:s19+$0xFFFFFFE0];
	(erf) = vpow2.f32 v36;
	[tilespmem:s12+$0x0] =	vst v31  }
0x4c9: {  	v32 =	vadd.f32 $1.000000000e+00, v40;
	v23 =	vmul.f32 v30, v3;
	v31 =	vld [tilespmem:s7+$0x530];
	(erf) = vrcp.f32 v35;
	v29 =	vpop (erf);
	s7 =	smov.u32 s4;
	s4 =	smov.u32 s26;
	s26 =	smov.u32 s16  }
0x4ca: {  	s16 =	smov.u32 s3;
	s3 =	smov.u32 s6;
	s6 =	smov.u32 s30;
	v30 =	vld [tilespmem:s8+$0x400];
	(erf) = vpow2.f32 v9;
	v9 =	vadd.f32 $1.000000000e+00, v29  }
.Ltmp10:
0x4cb: {  	s30 =	smov.u32 s21;
	s8 =	smov.u32 s0;
	(erf) = vpow2.f32 v25;
	v29 =	vshll.u32 v34, $0x10;
	v8 =	vadd.f32 v34, v8;
	v35 =	vld [tilespmem:s12+$0x30];
	v25 =	vmovc v37;
	(pc) =	sbr.rel @p2 .LBB2_13-.Ltmp10, $4  }
0x4cc: {  	s0 =	smov.u32 s22;
	v34 =	vadd.f32 $1.000000000e+00, v20;
	v20 =	vmov v15;
	v36 =	vpop (erf);
	(erf) = vrcp.f32 v9  }
0x4cd: {  	v33 =	vadd.f32 v29, v39;
	v37 =	vmul.f32 $-1.702000020e+00, v8;
	v9 =	vmul.f32 v36, v28;
	v15 =	vpop (erf)  }
0x4ce: {  	s24 =	sadd.s32 $0x4, s24;
	v28 =	vmul.f32 v8, v5;
	v36 =	vmul.f32 v15, v16;
	v29 =	vpop (erf);
	v15 =	vshll.u32 v31, $0x10  }
0x4cf: {  	s31 =	sadd.s32 $0x40, s31;
	s5 =	smov.u32 s17;
	s9 =	sadd.s32 $0x80, s9;
	v8 =	vperm.xlane v30, v27;
	v16 =	vmul.f32 $-1.702000020e+00, v33;
	[tilespmem:s18+$0xFFFFFFF0] =	vst v9;
	v30 =	vld [tilespmem:s18+$0x0];
	v9 =	vadd.f32 v15, v38;
	v27 =	vmovc v14  }
0x4d0: {  	v14 =	vmul.f32 $1.442695020e+00, v37  }
0x4d1: {  	(erf) = vrcp.f32 v32;
	v15 =	vmul.f32 $1.442695020e+00, v16  }
0x4d2: {  	(erf) = vpow2.f32 v14  }
0x4d3: {  	(erf) = vpow2.f32 v15  }
0x4d4: {  	v32 =	vpop (erf);
	(erf) = vrcp.f32 v34  }
0x4d5: {  	v62 =	vpop (erf)  }
0x4d6: {  	v14 =	vpop (erf)  }
0x4d7: {  	v44 =	vmul.f32 $-1.702000020e+00, v9;
	v63 =	vpop (erf)  }
0x4d8: {  	v45 =	vadd.f32 $1.000000000e+00, v62;
	v15 =	vadd.f32 v31, v35;
	v38 =	vpop (erf)  }
0x4d9: {  	v46 =	vmul.f32 $1.442695020e+00, v44;
	v16 =	vpop (erf)  }
0x4da: {  	v48 =	vmul.f32 $-1.702000020e+00, v15;
	v47 =	vpop (erf);
	(erf) = vrcp.f32 v45  }
0x4db: {  	[tilespmem:s18+$0xFFFFFFE0] =	vst v36;
	v40 =	vld [tilespmem:s18+$0x10];
	v17 =	vmul.f32 v17, v8;
	v49 =	vpop (erf);
	(erf) = vpow2.f32 v46  }
0x4dc: {  	v10 =	vmul.f32 v10, v8;
	v39 =	vld [tilespmem:s26+$0x520];
	v31 =	vmul.f32 $1.442695020e+00, v48;
	v50 =	vpop (erf)  }
0x4dd: {  	v17 =	vmul.f32 v47, v17;
	v51 =	vpop (erf)  }
0x4de: {  	(erf) = vpow2.f32 v31;
	v10 =	vmul.f32 v51, v10  }
0x4df: {  	[tilespmem:s25+$0xFFFFFFD0] =	vst v17  }
0x4e0: {  	v53 =	vld [tilespmem:s25+$0xFFFFFFF0];
	[tilespmem:s25+$0xFFFFFFC0] =	vst v10  }
0x4e1: {  	v52 =	vadd.f32 $1.000000000e+00, v49;
	v31 =	vadd.f32 v39, v40;
	v54 =	vld [tilespmem:s3+$0x510]  }
0x4e2: {  	v55 =	vld [tilespmem:s25+$0xFFFFFFE0];
	v26 =	vmul.f32 $1.442695020e+00, v26;
	v35 =	vadd.f32 $1.000000000e+00, v50  }
0x4e3: {  	v34 =	vadd.f32 $1.000000000e+00, v63;
	(erf) = vrcp.f32 v52;
	v56 =	vmul.f32 $-1.702000020e+00, v31;
	v57 =	vpop (erf)  }
0x4e4: {  	v19 =	vmul.f32 v29, v19;
	(erf) = vrcp.f32 v35;
	v58 =	vpop (erf)  }
0x4e5: {  	(erf) = vrcp.f32 v34;
	v59 =	vmul.f32 $1.442695020e+00, v56;
	v34 =	vadd.f32 $1.000000000e+00, v58  }
0x4e6: {  	(erf) = vpow2.f32 v26;
	v60 =	vshll.u32 v54, $0x10;
	v35 =	vadd.f32 v54, v53  }
0x4e7: {  	v61 =	vmul.f32 v57, v22;
	v62 =	vpop (erf);
	(erf) = vrcp.f32 v34;
	v34 =	vadd.f32 v60, v55  }
0x4e8: {  	[tilespmem:s28+$0x10] =	vst v19;
	v19 =	vadd.f32 $1.000000000e+00, v62;
	(erf) = vpow2.f32 v59;
	v36 =	vmul.f32 $-1.702000020e+00, v35  }
0x4e9: {  	v37 =	vadd.f32 $1.000000000e+00, v38;
	[tilespmem:s28+$0x0] =	vst v61;
	(erf) = vpow2.f32 v25;
	v38 =	vmul.f32 $-1.702000020e+00, v34  }
0x4ea: {  	v40 =	vld [tilespmem:s7+$0x530];
	(erf) = vrcp.f32 v19;
	v41 =	vmul.f32 $1.442695020e+00, v36  }
0x4eb: {  	v63 =	vld [tilespmem:s28+$0x20];
	(erf) = vrcp.f32 v37;
	v42 =	vmul.f32 $1.442695020e+00, v38  }
0x4ec: {  	v20 =	vadd.f32 $1.000000000e+00, v20;
	v44 =	vld [tilespmem:s8+$0x400];
	v43 =	vpop (erf);
	(erf) = vpow2.f32 v41  }
0x4ed: {  	v46 =	vld [tilespmem:s28+$0x30];
	v45 =	vpop (erf);
	(erf) = vpow2.f32 v42  }
0x4ee: {  	v47 =	vpop (erf);
	(erf) = vrcp.f32 v20  }
0x4ef: {  	v22 =	vmul.f32 v43, v28;
	v49 =	vpop (erf);
	v48 =	vshll.u32 v40, $0x10  }
0x4f0: {  	v17 =	vadd.f32 v48, v63;
	v19 =	vpop (erf)  }
0x4f1: {  	v50 =	vmul.f32 v33, v5;
	v10 =	vperm.xlane v44, v27;
	v51 =	vpop (erf)  }
0x4f2: {  	v52 =	vmul.f32 $-1.702000020e+00, v17;
	v20 =	vadd.f32 v40, v46;
	v53 =	vpop (erf)  }
0x4f3: {  	v11 =	vmul.f32 v11, v10;
	v29 =	vmul.f32 v45, v50;
	[tilespmem:s19+$0xFFFFFFF0] =	vst v22;
	v54 =	vadd.f32 $1.000000000e+00, v49;
	v22 =	vpop (erf)  }
0x4f4: {  	v25 =	vmul.f32 $1.442695020e+00, v52;
	v56 =	vmul.f32 $-1.702000020e+00, v20;
	v55 =	vpop (erf)  }
0x4f5: {  	v12 =	vmul.f32 v12, v10;
	v59 =	vld [tilespmem:s19+$0x10];
	[tilespmem:s19+$0xFFFFFFE0] =	vst v29;
	(erf) = vrcp.f32 v54;
	v57 =	vpop (erf)  }
0x4f6: {  	v38 =	vld [tilespmem:s16+$0x520];
	v26 =	vmul.f32 $1.442695020e+00, v56;
	(erf) = vpow2.f32 v25;
	v58 =	vpop (erf)  }
0x4f7: {  	v11 =	vmul.f32 v55, v11;
	v60 =	vpop (erf)  }
0x4f8: {  	(erf) = vpow2.f32 v26;
	v12 =	vmul.f32 v60, v12  }
0x4f9: {  	v61 =	vshll.u32 v39, $0x10;
	[tilespmem:s29+$0xFFFFFFD0] =	vst v11  }
0x4fa: {  	v30 =	vadd.f32 v61, v30;
	v63 =	vld [tilespmem:s29+$0xFFFFFFF0];
	[tilespmem:s29+$0xFFFFFFC0] =	vst v12  }
0x4fb: {  	v26 =	vadd.f32 v38, v59;
	v62 =	vadd.f32 $1.000000000e+00, v57;
	v40 =	vld [tilespmem:s6+$0x510]  }
0x4fc: {  	v24 =	vmul.f32 v47, v24;
	v41 =	vmul.f32 $-1.702000020e+00, v30;
	v42 =	vld [tilespmem:s29+$0xFFFFFFE0];
	v25 =	vadd.f32 $1.000000000e+00, v58  }
0x4fd: {  	v28 =	vadd.f32 $1.000000000e+00, v51;
	v43 =	vmul.f32 $-1.702000020e+00, v26;
	(erf) = vrcp.f32 v62  }
0x4fe: {  	v36 =	vmul.f32 $1.442695020e+00, v41;
	(erf) = vrcp.f32 v25;
	v44 =	vpop (erf)  }
0x4ff: {  	v47 =	vmul.f32 $1.442695020e+00, v43;
	(erf) = vrcp.f32 v28;
	v45 =	vpop (erf)  }
0x500: {  	v28 =	vadd.f32 $1.000000000e+00, v45;
	v46 =	vshll.u32 v40, $0x10;
	v29 =	vadd.f32 v40, v63  }
0x501: {  	(erf) = vpow2.f32 v36;
	v23 =	vmul.f32 v44, v23;
	v48 =	vpop (erf);
	v36 =	vadd.f32 v46, v42  }
0x502: {  	v49 =	vadd.f32 $1.000000000e+00, v48;
	(erf) = vrcp.f32 v28;
	v50 =	vmul.f32 $-1.702000020e+00, v29  }
0x503: {  	[tilespmem:s1+$0x10] =	vst v24;
	v27 =	vadd.f32 $1.000000000e+00, v53;
	(erf) = vpow2.f32 v47;
	v52 =	vmul.f32 $-1.702000020e+00, v36  }
0x504: {  	v56 =	vld [tilespmem:s0+$0x400];
	[tilespmem:s1+$0x0] =	vst v23;
	(erf) = vrcp.f32 v49;
	v53 =	vmul.f32 $1.442695020e+00, v50  }
0x505: {  	v54 =	vld [tilespmem:s4+$0x530];
	(erf) = vrcp.f32 v27;
	v12 =	vmul.f32 $1.442695020e+00, v52  }
0x506: {  	v51 =	vld [tilespmem:s1+$0x20];
	v55 =	vadd.f32 $1.000000000e+00, v32;
	(erf) = vpow2.f32 v53  }
0x507: {  	v59 =	vld [tilespmem:s1+$0x30];
	v57 =	vpop (erf);
	(erf) = vpow2.f32 v12  }
0x508: {  	v58 =	vpop (erf);
	(erf) = vrcp.f32 v55  }
0x509: {  	v32 =	vpop (erf)  }
0x50a: {  	v11 =	vperm.xlane v56, v21;
	v60 =	vpop (erf);
	v61 =	vshll.u32 v54, $0x10  }
0x50b: {  	v35 =	vmul.f32 v35, v8;
	v23 =	vadd.f32 v61, v51;
	v12 =	vpop (erf)  }
0x50c: {  	v34 =	vmul.f32 v34, v8;
	v18 =	vmul.f32 v18, v11;
	v24 =	vadd.f32 v54, v59;
	v63 =	vpop (erf)  }
0x50d: {  	v33 =	vld [tilespmem:s19+$0x0];
	v13 =	vmul.f32 v13, v11;
	v44 =	vmul.f32 $-1.702000020e+00, v23;
	v21 =	vpop (erf)  }
0x50e: {  	v62 =	vmul.f32 v57, v35;
	v45 =	vadd.f32 $1.000000000e+00, v60;
	v48 =	vmul.f32 $-1.702000020e+00, v24;
	v46 =	vpop (erf)  }
0x50f: {  	v28 =	vmul.f32 v58, v34;
	v34 =	vmul.f32 $1.442695020e+00, v44;
	v47 =	vpop (erf)  }
0x510: {  	v25 =	vmul.f32 $1.442695020e+00, v48;
	(erf) = vrcp.f32 v45;
	v49 =	vpop (erf)  }
0x511: {  	[tilespmem:s25+$0xFFFFFFF0] =	vst v62;
	v51 =	vshll.u32 v38, $0x10;
	(erf) = vpow2.f32 v34;
	v13 =	vmul.f32 v46, v13;
	v50 =	vpop (erf)  }
0x512: {  	[tilespmem:s25+$0xFFFFFFE0] =	vst v28;
	v52 =	vld [tilespmem:s25+$0x10];
	v28 =	vadd.f32 v51, v33;
	v18 =	vmul.f32 v50, v18  }
0x513: {  	v33 =	vld [tilespmem:s3+$0x520];
	(erf) = vpow2.f32 v25;
	[tilespmem:s2+$0xFFFFFFD0] =	vst v13;
	v53 =	vadd.f32 $1.000000000e+00, v47  }
0x514: {  	v56 =	vld [tilespmem:s2+$0xFFFFFFF0];
	v54 =	vmul.f32 $-1.702000020e+00, v28;
	v55 =	vadd.f32 $1.000000000e+00, v49;
	[tilespmem:s2+$0xFFFFFFC0] =	vst v18  }
0x515: {  	v27 =	vadd.f32 $1.000000000e+00, v63;
	(erf) = vrcp.f32 v53;
	v57 =	vld [tilespmem:s30+$0x510]  }
0x516: {  	v58 =	vld [tilespmem:s2+$0xFFFFFFE0];
	(erf) = vrcp.f32 v55;
	v18 =	vmul.f32 $1.442695020e+00, v54  }
0x517: {  	v31 =	vmul.f32 v31, v4;
	(erf) = vrcp.f32 v27  }
0x518: {  	v37 =	vadd.f32 v33, v52;
	(erf) = vpow2.f32 v18  }
0x519: {  	v59 =	vmul.f32 v30, v4;
	v60 =	vmul.f32 v32, v31;
	v61 =	vpop (erf)  }
0x51a: {  	v62 =	vmul.f32 $-1.702000020e+00, v37;
	v63 =	vpop (erf);
	v38 =	vshll.u32 v57, $0x10;
	v35 =	vadd.f32 v57, v56  }
0x51b: {  	v13 =	vmul.f32 v61, v59;
	v39 =	vadd.f32 $1.000000000e+00, v63;
	v31 =	vadd.f32 v38, v58  }
0x51c: {  	[tilespmem:s18+$0x10] =	vst v60;
	v41 =	vmul.f32 $1.442695020e+00, v62;
	v43 =	vpop (erf);
	v44 =	vmul.f32 $-1.702000020e+00, v35  }
0x51d: {  	[tilespmem:s18+$0x0] =	vst v13;
	v45 =	vadd.f32 $1.000000000e+00, v43;
	(erf) = vrcp.f32 v39;
	v46 =	vmul.f32 $-1.702000020e+00, v31  }
0x51e: {  	v47 =	vld [tilespmem:s26+$0x530];
	(erf) = vpow2.f32 v41;
	v48 =	vpop (erf);
	v49 =	vmul.f32 $1.442695020e+00, v44  }
0x51f: {  	v42 =	vld [tilespmem:s18+$0x20];
	(erf) = vrcp.f32 v45;
	v50 =	vpop (erf);
	v51 =	vmul.f32 $1.442695020e+00, v46  }
0x520: {  	v52 =	vld [tilespmem:s18+$0x30];
	v53 =	vpop (erf);
	(erf) = vpow2.f32 v49  }
0x521: {  	v54 =	vpop (erf);
	(erf) = vpow2.f32 v51  }
0x522: {  	v55 =	vadd.f32 $1.000000000e+00, v54  }
0x523: {  	v56 =	vshll.u32 v47, $0x10  }
0x524: {  	v40 =	vld [tilespmem:s25+$0x0];
	v18 =	vadd.f32 v56, v42;
	(erf) = vrcp.f32 v55  }
0x525: {  	v28 =	vmul.f32 v28, v5;
	v13 =	vadd.f32 v47, v52  }
0x526: {  	v62 =	vmul.f32 v26, v5;
	v59 =	vmul.f32 $-1.702000020e+00, v18;
	v25 =	vpop (erf)  }
0x527: {  	v57 =	vmul.f32 v29, v10;
	v61 =	vmul.f32 $-1.702000020e+00, v13;
	v60 =	vpop (erf)  }
0x528: {  	v33 =	vshll.u32 v33, $0x10;
	v58 =	vmul.f32 v36, v10;
	v30 =	vmul.f32 $1.442695020e+00, v59;
	v26 =	vpop (erf)  }
0x529: {  	v33 =	vadd.f32 v33, v40;
	v27 =	vmul.f32 v48, v57;
	v63 =	vmul.f32 $1.442695020e+00, v61;
	v43 =	vpop (erf)  }
0x52a: {  	v29 =	vmul.f32 v50, v58;
	(erf) = vpow2.f32 v30;
	v44 =	vadd.f32 $1.000000000e+00, v43;
	v45 =	vpop (erf)  }
0x52b: {  	v40 =	vmul.f32 $-1.702000020e+00, v33;
	[tilespmem:s29+$0xFFFFFFF0] =	vst v27;
	(erf) = vpow2.f32 v63;
	v46 =	vadd.f32 $1.000000000e+00, v45  }
0x52c: {  	v48 =	vmul.f32 v53, v62;
	[tilespmem:s29+$0xFFFFFFE0] =	vst v29;
	v47 =	vadd.f32 $1.000000000e+00, v60;
	(erf) = vrcp.f32 v44  }
0x52d: {  	v29 =	vld [tilespmem:s6+$0x520];
	v51 =	vmul.f32 $1.442695020e+00, v40;
	v50 =	vpop (erf);
	(erf) = vrcp.f32 v46  }
0x52e: {  	v49 =	vld [tilespmem:s29+$0x10];
	v27 =	vmul.f32 v50, v28;
	(erf) = vrcp.f32 v47  }
0x52f: {  	[tilespmem:s19+$0x10] =	vst v48;
	(erf) = vpow2.f32 v51  }
0x530: {  	[tilespmem:s19+$0x0] =	vst v27  }
0x531: {  	v30 =	vld [tilespmem:s16+$0x530]  }
0x532: {  	v52 =	vld [tilespmem:s19+$0x20]  }
0x533: {  	v32 =	vadd.f32 v29, v49;
	v53 =	vpop (erf)  }
0x534: {  	v54 =	vpop (erf)  }
0x535: {  	v34 =	vmul.f32 $-1.702000020e+00, v32;
	v27 =	vadd.f32 $1.000000000e+00, v53;
	v55 =	vpop (erf)  }
0x536: {  	v41 =	vshll.u32 v30, $0x10;
	v56 =	vpop (erf)  }
0x537: {  	v34 =	vmul.f32 $1.442695020e+00, v34;
	(erf) = vrcp.f32 v27;
	v27 =	vadd.f32 v41, v52;
	v42 =	vpop (erf)  }
0x538: {  	v35 =	vmul.f32 v35, v11;
	v57 =	vmul.f32 v31, v11;
	v60 =	vld [tilespmem:s19+$0x30];
	v58 =	vadd.f32 $1.000000000e+00, v54;
	v59 =	vpop (erf)  }
0x539: {  	(erf) = vpow2.f32 v34;
	v61 =	vmul.f32 $-1.702000020e+00, v27;
	v34 =	vadd.f32 $1.000000000e+00, v59  }
0x53a: {  	v36 =	vld [tilespmem:s29+$0x0];
	(erf) = vrcp.f32 v58;
	v28 =	vmul.f32 v56, v57  }
0x53b: {  	v62 =	vmul.f32 $1.442695020e+00, v61;
	(erf) = vrcp.f32 v34  }
0x53c: {  	v35 =	vmul.f32 v55, v35  }
0x53d: {  	[tilespmem:s2+$0xFFFFFFE0] =	vst v28;
	v28 =	vadd.f32 v30, v60;
	(erf) = vpow2.f32 v62  }
0x53e: {  	v29 =	vshll.u32 v29, $0x10;
	v45 =	vld [tilespmem:s2+$0x10];
	[tilespmem:s2+$0xFFFFFFF0] =	vst v35  }
0x53f: {  	v36 =	vadd.f32 v29, v36;
	v44 =	vld [tilespmem:s30+$0x520];
	v30 =	vmul.f32 $-1.702000020e+00, v28;
	_ =	sdelay $0x1  }
0x540: {  	v48 =	vmul.f32 $-1.702000020e+00, v36;
	v29 =	vpop (erf)  }
0x541: {  	v37 =	vmul.f32 v37, v8;
	v33 =	vmul.f32 v33, v8;
	v46 =	vpop (erf)  }
0x542: {  	v40 =	vmul.f32 $1.442695020e+00, v48;
	v47 =	vmul.f32 $1.442695020e+00, v30;
	v30 =	vpop (erf)  }
0x543: {  	v37 =	vmul.f32 v42, v37;
	v38 =	vadd.f32 $1.000000000e+00, v46;
	v35 =	vadd.f32 v44, v45;
	v49 =	vpop (erf)  }
0x544: {  	(erf) = vpow2.f32 v47;
	v33 =	vmul.f32 v49, v33  }
0x545: {  	[tilespmem:s25+$0x10] =	vst v37;
	v50 =	vmul.f32 $-1.702000020e+00, v35;
	(erf) = vrcp.f32 v38;
	v51 =	vpop (erf)  }
0x546: {  	v63 =	vld [tilespmem:s2+$0x0];
	(erf) = vpow2.f32 v40;
	v38 =	vadd.f32 $1.000000000e+00, v51;
	[tilespmem:s25+$0x0] =	vst v33  }
0x547: {  	v37 =	vmul.f32 $1.442695020e+00, v50;
	v33 =	vld [tilespmem:s3+$0x530]  }
0x548: {  	v52 =	vld [tilespmem:s25+$0x20];
	(erf) = vrcp.f32 v38  }
0x549: {  	v53 =	vld [tilespmem:s25+$0x30];
	(erf) = vpow2.f32 v37;
	_ =	sdelay $0x2  }
0x54a: {  	v54 =	vshll.u32 v33, $0x10  }
0x54b: {  	v31 =	vshll.u32 v44, $0x10;
	v55 =	vpop (erf);
	v38 =	vadd.f32 v54, v52  }
0x54c: {  	v31 =	vadd.f32 v31, v63;
	v56 =	vpop (erf);
	v33 =	vadd.f32 v33, v53  }
0x54d: {  	v57 =	vadd.f32 $1.000000000e+00, v55;
	v58 =	vpop (erf);
	v59 =	vmul.f32 $-1.702000020e+00, v38  }
0x54e: {  	v60 =	vmul.f32 $-1.702000020e+00, v31;
	v39 =	vadd.f32 $1.000000000e+00, v58;
	v61 =	vmul.f32 $-1.702000020e+00, v33  }
0x54f: {  	(erf) = vrcp.f32 v57;
	v37 =	vpop (erf);
	v40 =	vmul.f32 $1.442695020e+00, v59  }
0x550: {  	(erf) = vrcp.f32 v39;
	v62 =	vmul.f32 $1.442695020e+00, v61;
	v43 =	vpop (erf)  }
0x551: {  	v63 =	vadd.f32 $1.000000000e+00, v43;
	(erf) = vpow2.f32 v40  }
0x552: {  	v43 =	vmul.f32 $1.442695020e+00, v60;
	(erf) = vpow2.f32 v62  }
0x553: {  	(erf) = vrcp.f32 v63  }
0x554: {  	(erf) = vpow2.f32 v43;
	_ =	sdelay $0x3  }
0x555: {  	v39 =	vpop (erf)  }
0x556: {  	v32 =	vmul.f32 v32, v10;
	v44 =	vpop (erf)  }
0x557: {  	v36 =	vmul.f32 v36, v10;
	v45 =	vpop (erf)  }
0x558: {  	v32 =	vmul.f32 v56, v32;
	v46 =	vpop (erf)  }
0x559: {  	v36 =	vmul.f32 v44, v36;
	v47 =	vadd.f32 $1.000000000e+00, v45;
	v48 =	vpop (erf)  }
0x55a: {  	[tilespmem:s29+$0x10] =	vst v32;
	v41 =	vadd.f32 $1.000000000e+00, v46;
	v50 =	vpop (erf)  }
0x55b: {  	[tilespmem:s29+$0x0] =	vst v36;
	(erf) = vrcp.f32 v47;
	v51 =	vadd.f32 $1.000000000e+00, v50  }
0x55c: {  	v36 =	vld [tilespmem:s6+$0x530];
	(erf) = vrcp.f32 v41  }
0x55d: {  	v49 =	vld [tilespmem:s29+$0x20];
	(erf) = vrcp.f32 v51  }
0x55e: {  	v52 =	vld [tilespmem:s29+$0x30];
	_ =	sdelay $0x2  }
0x55f: {  	v53 =	vshll.u32 v36, $0x10  }
0x560: {  	v40 =	vadd.f32 v53, v49  }
0x561: {  	v32 =	vadd.f32 v36, v52  }
0x562: {  	v35 =	vmul.f32 v35, v11;
	v41 =	vmul.f32 $-1.702000020e+00, v40;
	v36 =	vpop (erf)  }
0x563: {  	v31 =	vmul.f32 v31, v11;
	v54 =	vmul.f32 $-1.702000020e+00, v32;
	v42 =	vpop (erf)  }
0x564: {  	v34 =	vmul.f32 v48, v35;
	v55 =	vmul.f32 $1.442695020e+00, v41;
	v56 =	vpop (erf)  }
0x565: {  	v43 =	vmul.f32 $1.442695020e+00, v54;
	v31 =	vmul.f32 v56, v31  }
0x566: {  	[tilespmem:s2+$0x10] =	vst v34;
	(erf) = vpow2.f32 v55  }
0x567: {  	(erf) = vpow2.f32 v43;
	[tilespmem:s2+$0x0] =	vst v31  }
0x568: {  	v31 =	vld [tilespmem:s30+$0x530]  }
0x569: {  	v57 =	vld [tilespmem:s2+$0x20]  }
0x56a: {  	v58 =	vld [tilespmem:s2+$0x30];
	_ =	sdelay $0x2  }
0x56b: {  	v59 =	vshll.u32 v31, $0x10  }
0x56c: {  	v34 =	vadd.f32 v59, v57  }
0x56d: {  	v60 =	vpop (erf);
	v31 =	vadd.f32 v31, v58  }
0x56e: {  	v61 =	vadd.f32 $1.000000000e+00, v60;
	v62 =	vpop (erf);
	v63 =	vmul.f32 $-1.702000020e+00, v34  }
0x56f: {  	v41 =	vadd.f32 $1.000000000e+00, v62;
	v44 =	vmul.f32 $-1.702000020e+00, v31  }
0x570: {  	(erf) = vrcp.f32 v61;
	v46 =	vmul.f32 $1.442695020e+00, v63  }
0x571: {  	(erf) = vrcp.f32 v41;
	v47 =	vmul.f32 $1.442695020e+00, v44  }
0x572: {  	(erf) = vpow2.f32 v46  }
0x573: {  	(erf) = vpow2.f32 v47;
	_ =	sdelay $0x3  }
0x574: {  	v6 =	vmul.f32 v14, v6;
	v7 =	vmul.f32 v16, v7  }
0x575: {  	v48 =	vmul.f32 v9, v1;
	v1 =	vmul.f32 v15, v1  }
0x576: {  	v52 =	vmul.f32 v23, v3;
	v3 =	vmul.f32 v24, v3;
	v49 =	vpop (erf)  }
0x577: {  	[tilespmem:s11+$0x20] =	vst v6;
	v50 =	vmul.f32 v17, v2;
	v9 =	vmul.f32 v19, v48;
	v51 =	vpop (erf)  }
0x578: {  	[tilespmem:s11+$0x30] =	vst v7;
	v2 =	vmul.f32 v20, v2;
	v1 =	vmul.f32 v22, v1;
	v53 =	vpop (erf)  }
0x579: {  	v3 =	vmul.f32 v26, v3;
	v6 =	vmul.f32 v12, v50;
	[tilespmem:s12+$0x20] =	vst v9;
	v54 =	vadd.f32 $1.000000000e+00, v53;
	v55 =	vpop (erf)  }
0x57a: {  	v2 =	vmul.f32 v21, v2;
	[tilespmem:s12+$0x30] =	vst v1;
	v1 =	vmul.f32 v25, v52;
	v56 =	vadd.f32 $1.000000000e+00, v55  }
0x57b: {  	[tilespmem:s1+$0x30] =	vst v3;
	v57 =	vmul.f32 v18, v4;
	(erf) = vrcp.f32 v54  }
0x57c: {  	[tilespmem:s28+$0x30] =	vst v2;
	v2 =	vmul.f32 v13, v4;
	(erf) = vrcp.f32 v56  }
0x57d: {  	[tilespmem:s1+$0x20] =	vst v1;
	v58 =	vmul.f32 v27, v5;
	v1 =	vmul.f32 v29, v57  }
0x57e: {  	v3 =	vmul.f32 v28, v5;
	[tilespmem:s28+$0x20] =	vst v6;
	v2 =	vmul.f32 v30, v2  }
0x57f: {  	v59 =	vmul.f32 v38, v8;
	[tilespmem:s18+$0x20] =	vst v1;
	v1 =	vmul.f32 v37, v58  }
0x580: {  	[tilespmem:s18+$0x30] =	vst v2;
	v2 =	vmul.f32 v39, v3;
	v3 =	vmul.f32 v33, v8  }
0x581: {  	v60 =	vmul.f32 v40, v10;
	[tilespmem:s19+$0x20] =	vst v1;
	v1 =	vmul.f32 v36, v59  }
0x582: {  	[tilespmem:s19+$0x30] =	vst v2;
	v2 =	vmul.f32 v42, v3;
	v3 =	vmul.f32 v32, v10  }
0x583: {  	v61 =	vmul.f32 v34, v11;
	[tilespmem:s25+$0x20] =	vst v1;
	v1 =	vmul.f32 v49, v60  }
0x584: {  	[tilespmem:s25+$0x30] =	vst v2;
	v2 =	vmul.f32 v51, v3;
	v3 =	vmul.f32 v31, v11;
	v62 =	vpop (erf)  }
0x585: {  	s0 =	sshll.u32 @!p1 s13, $0x5;
	[tilespmem:s29+$0x20] =	vst v1;
	v1 =	vmul.f32 v62, v61;
	v63 =	vpop (erf)  }
0x586: {  	s31 =	simm.s32 $0x4500;
	s0 =	sor.u32 @!p1 s10, s0;
	[tilespmem:s29+$0x30] =	vst v2;
	v2 =	vmul.f32 v63, v3  }
0x587: {  	s22 =	simm.s32 $0x80;
	s0 =	smin.u32 @!p1 s0, $0x9C3;
	s30 =	rddreg [dreg:$0x6];
	[tilespmem:s2+$0x20] =	vst v1  }
0x588: {  	s23 =	simm.s32 $0x300;
	s1 =	sshll.u32 @!p1 s0, $0xA;
	[tilespmem:s2+$0x30] =	vst v2;
	s2 =	rddreg [dreg:$0x1]  }
0x589: {  	[spmem:s30] =	stream.indirect.scatter.add.f32 [tilespmem:s31], [sflag:$0x9], $0x80, s23, s22, $0xb8;
	[tilespmem:$0x1FD80] =	vst v63  }
0x58a: {  	s3 =	simm.s32 @!p1 $0x500;
	s1 =	sadd.s32 @!p1 s2, s1;
	s2 =	simm.s32 @!p1 $0x0  }
0x58b: {  	[tilespmem:s3], [sflag:$0x5] =	stream.linear.gather @!p1 [hbm4b:s1+s2], $0x2000, $0x38;
	[tilespmem:$0x1FD80] =	vst v63  }
0x58c: {  	s0 =	sshll.u32 @!p1 s0, $0x4;
	s1 =	rddreg [dreg:$0x4]  }
0x58d: {  	p2 =	sgt.u32 @!p1 s15, $0x4E;
	s0 =	sadd.s32 @!p1 s1, s0;
	s1 =	simm.s32 @!p1 $0x400  }
0x58e: {  	[tilespmem:s1], [sflag:$0x5] =	stream.linear.gather @!p1 [hbm4b:s0+s2], $0x80, $0x38;
	[tilespmem:$0x1FD80] =	vst v63  }
0x58f: {  	p1 =	por p1, p2  }
.Ltmp11:
0x590: {  	_ = 	snop;
	(pc) =	sbr.rel @p1 .LBB2_18-.Ltmp11, $1  }
0x591: {  	_ =	sdelay $0x3  }
0x592: {  	s0 =	simm.s32 $0x1  }
0x593: {  	_ =	swait.ge [sflag:s0], $0x80  }
0x594: {  	[sflag:s0] =	ssyncset.done $0x0  }
0x595: {  	[sflag:s0] =	ssyncadd.s32 $0xFFFFFF80  }
0x596: {  	_ =	swait.ge [sflag:s0], $0x80  }
0x597: {  	[sflag:s0] =	ssyncset.done $0x0  }
0x598: {  	s12 =	simm.s32 $0x9;
	[sflag:s0] =	ssyncadd.s32 $0xFFFFFF80  }
0x599: {  	_ =	swait.ge [sflag:s12], $0x4000  }
0x59a: {  	[sflag:s12] =	ssyncset.done $0x0  }
0x59b: {  	s2 =	simm.s32 $0x0;
	[sflag:s12] =	ssyncadd.s32 $0xFFFFC000  }
0x59c: {  	s1 =	simm.s32 $0x4500;
	s13 =	sshll.u32 s14, $0x7;
	s0 =	rddreg [dreg:$0x0]  }
0x59d: {  	[tilespmem:s1], [sflag:$0x7] =	stream.indirect.gather [hbm4b:s0+s22], $0x80, s2, s22, $0xb8;
	[tilespmem:$0x1FD80] =	vst v63  }
0x59e: {  	s0 =	sor.u32 s10, s13  }
0x59f: {  	s1 =	sadd.s32 $0xA0, s0  }
0x5a0: {  	p1 =	slt.s32 s1, $0x9C3  }
0x5a1: {  	s1 =	simm.s32 @!p1 $0x9C3  }
0x5a2: {  	s16 =	rddreg [dreg:$0x2];
	s11 =	sshll.u32 s1, $0x4  }
0x5a3: {  	s17 =	rddreg [dreg:$0x3];
	s0 =	sadd.s32 s16, s11  }
0x5a4: {  	[tilespmem:s22], [sflag:$0x2] =	stream.linear.gather [hbm4b:s0+s2], $0x80, $0x38;
	[tilespmem:$0x1FD80] =	vst v63  }
0x5a5: {  	s3 =	simm.s32 $0x280;
	s18 =	simm.s32 $0x6;
	s0 =	sadd.s32 s17, s11  }
0x5a6: {  	[tilespmem:s3], [sflag:$0x2] =	stream.linear.gather [hbm4b:s0+s2], $0x80, $0x38;
	[tilespmem:$0x1FD80] =	vst v63  }
0x5a7: {  	_ =	swait.ge [sflag:s18], $0x2000  }
0x5a8: {  	[sflag:s18] =	ssyncset.done $0x0  }
0x5a9: {  	[sflag:s18] =	ssyncadd.s32 $0xFFFFE000  }
0x5aa: {  	_ =	swait.ge [sflag:s18], $0x80  }
0x5ab: {  	[sflag:s18] =	ssyncset.done $0x0  }
0x5ac: {  	s19 =	simm.s32 $0x8;
	[sflag:s18] =	ssyncadd.s32 $0xFFFFFF80  }
0x5ad: {  	_ =	swait.ge [sflag:s19], $0x4000  }
0x5ae: {  	[sflag:s19] =	ssyncset.done $0x0  }
0x5af: {  	[sflag:s19] =	ssyncadd.s32 $0xFFFFC000  }
0x5b0: {  	v1 =	vld [tilespmem:$0x480]  }
0x5b1: {  	v2 =	vld [tilespmem:$0x490]  }
0x5b2: {  	s21 =	sshll.u32 s15, $0x5;
	s24 =	rddreg [dreg:$0x1a];
	v3 =	vld [tilespmem:$0x4A0]  }
0x5b3: {  	s0 =	simm.f32 $1.000000000e+00;
	p1 =	slt.u32 s21, s24;
	v4 =	vld [tilespmem:$0x4B0]  }
0x5b4: {  	s0 =	simm.s32 @!p1 $0x0;
	v5 =	vld [tilespmem:$0x4C0]  }
0x5b5: {  	v6 =	vld [tilespmem:$0x4D0];
	v1 =	vmul.f32 s0, v1  }
0x5b6: {  	v7 =	vld [tilespmem:$0x4E0];
	v2 =	vmul.f32 s0, v2  }
0x5b7: {  	[tilespmem:$0x480] =	vst v1;
	v1 =	vmul.f32 s0, v3;
	v3 =	vld [tilespmem:$0x4F0]  }
0x5b8: {  	[tilespmem:$0x490] =	vst v2;
	v2 =	vmul.f32 s0, v4  }
0x5b9: {  	[tilespmem:$0x4A0] =	vst v1;
	v1 =	vmul.f32 s0, v5  }
0x5ba: {  	[tilespmem:$0x4B0] =	vst v2;
	v2 =	vmul.f32 s0, v6  }
0x5bb: {  	[tilespmem:$0x4C0] =	vst v1;
	v1 =	vmul.f32 s0, v7  }
0x5bc: {  	[tilespmem:$0x4D0] =	vst v2;
	v2 =	vmul.f32 s0, v3  }
0x5bd: {  	[tilespmem:$0x4E0] =	vst v1  }
0x5be: {  	s0 =	sand.u32 $0x1FC0, s2;
	[tilespmem:$0x4F0] =	vst v2  }
0x5bf: {  	s12 =	simm.s32 $0x0;
	v1 =	vld [tilespmem:s0+$0x2500]  }
0x5c0: {  	v2 =	vld [tilespmem:s12+$0x8510]  }
0x5c1: {  	v3 =	vld [tilespmem:s12+$0x8500];
	_ =	sdelay $0x3  }
0x5c2: {  	v4 =	vshll.u32 v1, $0x10;
	v1 =	vadd.f32 v1, v2  }
0x5c3: {  	v2 =	vadd.f32 v4, v3  }
0x5c4: {  	v3 =	vmul.f32 $-1.702000020e+00, v1  }
0x5c5: {  	v4 =	vmul.f32 $-1.702000020e+00, v2  }
0x5c6: {  	v3 =	vmul.f32 $1.442695020e+00, v3  }
0x5c7: {  	v4 =	vmul.f32 $1.442695020e+00, v4  }
0x5c8: {  	(erf) = vpow2.f32 v3  }
0x5c9: {  	(erf) = vpow2.f32 v4;
	_ =	sdelay $0x4  }
0x5ca: {  	s25 =	simm.s32 $0x40;
	s13 =	simm.s32 $0x80  }
0x5cb: {  	s8 =	sand.u32 $0x1FC0, s25;
	v5 =	vld [tilespmem:s13+$0x8510]  }
0x5cc: {  	v3 =	vld [tilespmem:s8+$0x2500]  }
0x5cd: {  	v7 =	vld [tilespmem:s13+$0x8500];
	v4 =	vpop (erf)  }
0x5ce: {  	v4 =	vadd.f32 $1.000000000e+00, v4;
	v6 =	vpop (erf)  }
0x5cf: {  	v6 =	vadd.f32 $1.000000000e+00, v6  }
0x5d0: {  	s26 =	sand.u32 $0x70, s2;
	(erf) = vrcp.f32 v4  }
0x5d1: {  	v4 =	vld [tilespmem:s26+$0x480];
	(erf) = vrcp.f32 v6;
	v6 =	vshll.u32 v3, $0x10;
	v3 =	vadd.f32 v3, v5  }
0x5d2: {  	v5 =	vadd.f32 v6, v7  }
0x5d3: {  	v6 =	vmul.f32 $-1.702000020e+00, v3  }
0x5d4: {  	v7 =	vmul.f32 $-1.702000020e+00, v5  }
0x5d5: {  	v8 =	vmov s2;
	v6 =	vmul.f32 $1.442695020e+00, v6  }
0x5d6: {  	v9 =	vperm.xlane v4, v8;
	v4 =	vmul.f32 $1.442695020e+00, v7  }
0x5d7: {  	(erf) = vpow2.f32 v6  }
0x5d8: {  	v1 =	vmul.f32 v1, v9  }
0x5d9: {  	v2 =	vmul.f32 v2, v9;
	(erf) = vpow2.f32 v4;
	v6 =	vpop (erf)  }
0x5da: {  	v4 =	vpop (erf);
	v1 =	vmul.f32 v6, v1  }
0x5db: {  	v2 =	vmul.f32 v4, v2  }
0x5dc: {  	[tilespmem:s12+$0x8510] =	vst v1  }
0x5dd: {  	[tilespmem:s12+$0x8500] =	vst v2  }
0x5de: {  	v4 =	vld [tilespmem:s0+$0x2510]  }
0x5df: {  	v1 =	vld [tilespmem:s12+$0x8520]  }
0x5e0: {  	v2 =	vpop (erf)  }
0x5e1: {  	s4 =	simm.s32 $0x80;
	v2 =	vadd.f32 $1.000000000e+00, v2  }
0x5e2: {  	s26 =	sand.u32 $0x1FC0, s4;
	v6 =	vpop (erf)  }
0x5e3: {  	s15 =	simm.s32 $0x100;
	v6 =	vadd.f32 $1.000000000e+00, v6;
	v8 =	vshll.u32 v4, $0x10;
	(erf) = vrcp.f32 v2;
	v2 =	vld [tilespmem:s26+$0x2500]  }
0x5e4: {  	s28 =	simm.s32 $0x1;
	v8 =	vadd.f32 v8, v1;
	v1 =	vld [tilespmem:s15+$0x8510]  }
0x5e5: {  	s29 =	sand.u32 $0x70, s28;
	(erf) = vrcp.f32 v6;
	v6 =	vld [tilespmem:s15+$0x8500]  }
0x5e6: {  	v7 =	vld [tilespmem:s29+$0x480];
	_ =	sdelay $0x1  }
0x5e7: {  	v10 =	vmul.f32 $-1.702000020e+00, v8  }
0x5e8: {  	v12 =	vshll.u32 v2, $0x10;
	v13 =	vadd.f32 v2, v1  }
0x5e9: {  	v11 =	vmov s28;
	v10 =	vmul.f32 $1.442695020e+00, v10;
	v6 =	vadd.f32 v12, v6  }
0x5ea: {  	v1 =	vperm.xlane v7, v11;
	v2 =	vmul.f32 $-1.702000020e+00, v13  }
0x5eb: {  	(erf) = vpow2.f32 v10;
	v10 =	vmul.f32 $-1.702000020e+00, v6  }
0x5ec: {  	v2 =	vmul.f32 $1.442695020e+00, v2  }
0x5ed: {  	v5 =	vmul.f32 v5, v1;
	v7 =	vpop (erf);
	v10 =	vmul.f32 $1.442695020e+00, v10  }
0x5ee: {  	v3 =	vmul.f32 v3, v1;
	v11 =	vpop (erf);
	(erf) = vpow2.f32 v2  }
0x5ef: {  	v5 =	vmul.f32 v11, v5;
	(erf) = vpow2.f32 v10  }
0x5f0: {  	v2 =	vmul.f32 v7, v3  }
0x5f1: {  	s18 =	simm.s32 $0x180;
	[tilespmem:s13+$0x8500] =	vst v5  }
0x5f2: {  	v7 =	vld [tilespmem:s18+$0x8510];
	[tilespmem:s13+$0x8510] =	vst v2  }
0x5f3: {  	s30 =	simm.s32 $0xC0;
	v10 =	vld [tilespmem:s8+$0x2510]  }
0x5f4: {  	s6 =	sand.u32 $0x1FC0, s30;
	v2 =	vld [tilespmem:s13+$0x8520];
	v3 =	vpop (erf)  }
0x5f5: {  	v5 =	vld [tilespmem:s6+$0x2500];
	v3 =	vadd.f32 $1.000000000e+00, v3;
	_ =	sdelay $0x1  }
0x5f6: {  	(erf) = vrcp.f32 v3;
	v3 =	vld [tilespmem:s18+$0x8500];
	v11 =	vpop (erf)  }
0x5f7: {  	v12 =	vshll.u32 v10, $0x10;
	v11 =	vadd.f32 $1.000000000e+00, v11;
	v14 =	vpop (erf)  }
0x5f8: {  	v12 =	vadd.f32 v12, v2;
	v2 =	vadd.f32 $1.000000000e+00, v14  }
0x5f9: {  	s31 =	simm.s32 $0x2;
	v7 =	vadd.f32 v5, v7;
	(erf) = vrcp.f32 v11  }
0x5fa: {  	s4 =	sand.u32 $0x70, s31;
	v14 =	vshll.u32 v5, $0x10;
	v5 =	vmul.f32 $-1.702000020e+00, v12;
	(erf) = vrcp.f32 v2  }
0x5fb: {  	v11 =	vadd.f32 v14, v3;
	v3 =	vld [tilespmem:s4+$0x480];
	v2 =	vmul.f32 $-1.702000020e+00, v7  }
0x5fc: {  	v5 =	vmul.f32 $1.442695020e+00, v5  }
0x5fd: {  	v14 =	vmul.f32 $-1.702000020e+00, v11;
	v2 =	vmul.f32 $1.442695020e+00, v2  }
0x5fe: {  	v8 =	vmul.f32 v8, v9;
	(erf) = vpow2.f32 v5  }
0x5ff: {  	v5 =	vmul.f32 $1.442695020e+00, v14;
	(erf) = vpow2.f32 v2;
	v2 =	vmov s31  }
0x600: {  	v15 =	vpop (erf);
	v2 =	vperm.xlane v3, v2  }
0x601: {  	v8 =	vmul.f32 v15, v8;
	(erf) = vpow2.f32 v5  }
0x602: {  	v5 =	vmul.f32 v6, v2;
	v6 =	vpop (erf)  }
0x603: {  	[tilespmem:s12+$0x8520] =	vst v8;
	v8 =	vmul.f32 v13, v2;
	v13 =	vpop (erf)  }
0x604: {  	v3 =	vld [tilespmem:s12+$0x8530];
	v5 =	vmul.f32 v13, v5  }
0x605: {  	v6 =	vmul.f32 v6, v8;
	_ =	sdelay $0x2  }
0x606: {  	[tilespmem:s15+$0x8500] =	vst v5;
	v5 =	vpop (erf)  }
0x607: {  	v4 =	vadd.f32 v4, v3;
	[tilespmem:s15+$0x8510] =	vst v6;
	v3 =	vadd.f32 $1.000000000e+00, v5;
	v6 =	vpop (erf)  }
0x608: {  	s5 =	simm.s32 $0x100;
	v14 =	vld [tilespmem:s15+$0x8520];
	v6 =	vadd.f32 $1.000000000e+00, v6;
	v8 =	vpop (erf)  }
0x609: {  	s4 =	sand.u32 $0x1FC0, s5;
	v13 =	vmul.f32 $-1.702000020e+00, v4;
	v5 =	vld [tilespmem:s26+$0x2510];
	(erf) = vrcp.f32 v3;
	v3 =	vadd.f32 $1.000000000e+00, v8  }
0x60a: {  	s19 =	simm.s32 $0x200;
	(erf) = vrcp.f32 v6;
	v6 =	vld [tilespmem:s4+$0x2500]  }
0x60b: {  	v8 =	vmul.f32 $1.442695020e+00, v13;
	(erf) = vrcp.f32 v3;
	v3 =	vld [tilespmem:s19+$0x8500]  }
0x60c: {  	v13 =	vld [tilespmem:s19+$0x8510]  }
0x60d: {  	(erf) = vpow2.f32 v8  }
0x60e: {  	v8 =	vshll.u32 v5, $0x10  }
0x60f: {  	v8 =	vadd.f32 v8, v14;
	v14 =	vshll.u32 v6, $0x10  }
0x610: {  	s7 =	simm.s32 $0x3;
	v14 =	vadd.f32 v14, v3  }
0x611: {  	s9 =	sand.u32 $0x70, s7;
	v6 =	vadd.f32 v6, v13  }
0x612: {  	v13 =	vmul.f32 $-1.702000020e+00, v8;
	v3 =	vld [tilespmem:s9+$0x480];
	v18 =	vmul.f32 $-1.702000020e+00, v14  }
0x613: {  	v16 =	vmul.f32 $-1.702000020e+00, v6;
	v15 =	vpop (erf)  }
0x614: {  	v13 =	vmul.f32 $1.442695020e+00, v13;
	v17 =	vpop (erf)  }
0x615: {  	v16 =	vmul.f32 $1.442695020e+00, v16;
	v19 =	vpop (erf)  }
0x616: {  	v20 =	vmov s7;
	(erf) = vpow2.f32 v13;
	v13 =	vmul.f32 $1.442695020e+00, v18;
	v18 =	vpop (erf)  }
0x617: {  	(erf) = vpow2.f32 v16;
	v3 =	vperm.xlane v3, v20;
	v16 =	vadd.f32 $1.000000000e+00, v18  }
0x618: {  	v12 =	vmul.f32 v12, v1;
	(erf) = vpow2.f32 v13  }
0x619: {  	v11 =	vmul.f32 v11, v3;
	(erf) = vrcp.f32 v16  }
0x61a: {  	v12 =	vmul.f32 v15, v12  }
0x61b: {  	v7 =	vmul.f32 v7, v3;
	v11 =	vmul.f32 v19, v11;
	_ =	sdelay $0x1  }
0x61c: {  	s16 =	simm.s32 $0x140;
	[tilespmem:s13+$0x8520] =	vst v12;
	v12 =	vld [tilespmem:s13+$0x8530];
	v7 =	vmul.f32 v17, v7  }
0x61d: {  	s3 =	sand.u32 $0x1FC0, s16;
	[tilespmem:s18+$0x8500] =	vst v11  }
0x61e: {  	v18 =	vld [tilespmem:s3+$0x2500];
	[tilespmem:s18+$0x8510] =	vst v7;
	v11 =	vpop (erf)  }
0x61f: {  	v7 =	vld [tilespmem:s6+$0x2510];
	v13 =	vpop (erf)  }
0x620: {  	s25 =	simm.s32 $0x280;
	v4 =	vmul.f32 v4, v9;
	v16 =	vld [tilespmem:s18+$0x8520];
	v15 =	vpop (erf)  }
0x621: {  	v10 =	vadd.f32 v10, v12;
	v12 =	vld [tilespmem:s25+$0x8510];
	v17 =	vpop (erf)  }
0x622: {  	v11 =	vadd.f32 $1.000000000e+00, v11;
	v4 =	vmul.f32 v17, v4  }
0x623: {  	v19 =	vmul.f32 $-1.702000020e+00, v10;
	v13 =	vadd.f32 $1.000000000e+00, v13;
	v17 =	vld [tilespmem:s25+$0x8500]  }
0x624: {  	(erf) = vrcp.f32 v11;
	v11 =	vld [tilespmem:s12+$0x8550];
	[tilespmem:s12+$0x8530] =	vst v4;
	v4 =	vadd.f32 $1.000000000e+00, v15;
	v15 =	vshll.u32 v7, $0x10  }
0x625: {  	(erf) = vrcp.f32 v13;
	v13 =	vmul.f32 $1.442695020e+00, v19;
	v19 =	vld [tilespmem:s0+$0x2520];
	v15 =	vadd.f32 v15, v16  }
0x626: {  	v16 =	vadd.f32 v18, v12;
	(erf) = vrcp.f32 v4;
	v4 =	vld [tilespmem:s12+$0x8540]  }
0x627: {  	v12 =	vshll.u32 v18, $0x10;
	(erf) = vpow2.f32 v13;
	v13 =	vmul.f32 $-1.702000020e+00, v15  }
0x628: {  	v17 =	vadd.f32 v12, v17  }
0x629: {  	v12 =	vmul.f32 $-1.702000020e+00, v16;
	v13 =	vmul.f32 $1.442695020e+00, v13  }
0x62a: {  	s17 =	simm.s32 $0x4;
	v18 =	vmul.f32 $-1.702000020e+00, v17;
	v11 =	vadd.f32 v19, v11;
	v19 =	vshll.u32 v19, $0x10  }
0x62b: {  	s5 =	sand.u32 $0x70, s17;
	v12 =	vmul.f32 $1.442695020e+00, v12;
	(erf) = vpow2.f32 v13;
	v13 =	vadd.f32 v19, v4  }
0x62c: {  	v19 =	vld [tilespmem:s5+$0x480];
	v18 =	vmul.f32 $1.442695020e+00, v18;
	v4 =	vmul.f32 $-1.702000020e+00, v11  }
0x62d: {  	(erf) = vpow2.f32 v12;
	v21 =	vmul.f32 $-1.702000020e+00, v13  }
0x62e: {  	v20 =	vpop (erf);
	(erf) = vpow2.f32 v18;
	v4 =	vmul.f32 $1.442695020e+00, v4  }
0x62f: {  	v12 =	vpop (erf)  }
0x630: {  	v8 =	vmul.f32 v8, v2;
	v22 =	vpop (erf);
	(erf) = vpow2.f32 v4;
	v4 =	vmov s17  }
0x631: {  	v18 =	vmul.f32 $1.442695020e+00, v21;
	v21 =	vpop (erf);
	v4 =	vperm.xlane v19, v4  }
0x632: {  	v8 =	vmul.f32 v20, v8;
	v21 =	vadd.f32 $1.000000000e+00, v21  }
0x633: {  	(erf) = vpow2.f32 v18;
	v14 =	vmul.f32 v14, v4  }
0x634: {  	v6 =	vmul.f32 v6, v4;
	(erf) = vrcp.f32 v21  }
0x635: {  	v18 =	vpop (erf);
	v14 =	vmul.f32 v22, v14  }
0x636: {  	[tilespmem:s15+$0x8520] =	vst v8;
	v6 =	vmul.f32 v12, v6;
	v8 =	vadd.f32 $1.000000000e+00, v18;
	v12 =	vpop (erf)  }
0x637: {  	s28 =	simm.s32 $0x180;
	[tilespmem:s19+$0x8500] =	vst v14;
	v14 =	vadd.f32 $1.000000000e+00, v12;
	v12 =	vpop (erf)  }
0x638: {  	s16 =	sand.u32 $0x1FC0, s28;
	s21 =	simm.s32 $0x5;
	v18 =	vld [tilespmem:s15+$0x8530];
	[tilespmem:s19+$0x8510] =	vst v6;
	v6 =	vadd.f32 $1.000000000e+00, v12  }
0x639: {  	s24 =	sand.u32 $0x70, s21;
	v20 =	vld [tilespmem:s16+$0x2500]  }
0x63a: {  	v19 =	vld [tilespmem:s24+$0x480];
	(erf) = vrcp.f32 v8;
	v8 =	vpop (erf)  }
0x63b: {  	v12 =	vld [tilespmem:s4+$0x2510];
	(erf) = vrcp.f32 v14;
	v8 =	vadd.f32 $1.000000000e+00, v8  }
0x63c: {  	v10 =	vmul.f32 v10, v1;
	v14 =	vld [tilespmem:s19+$0x8520];
	(erf) = vrcp.f32 v6;
	v6 =	vpop (erf)  }
0x63d: {  	s2 =	simm.s32 $0x300;
	v18 =	vadd.f32 v5, v18;
	(erf) = vrcp.f32 v8;
	v21 =	vpop (erf)  }
0x63e: {  	v8 =	vld [tilespmem:s2+$0x8510];
	v5 =	vadd.f32 $1.000000000e+00, v6;
	v6 =	vmul.f32 v21, v10  }
0x63f: {  	v10 =	vld [tilespmem:s2+$0x8500];
	v21 =	vmul.f32 $-1.702000020e+00, v18  }
0x640: {  	v22 =	vld [tilespmem:s13+$0x8550];
	(erf) = vrcp.f32 v5;
	v5 =	vmov s21;
	[tilespmem:s13+$0x8530] =	vst v6;
	v6 =	vshll.u32 v12, $0x10  }
0x641: {  	v23 =	vshll.u32 v20, $0x10;
	v5 =	vperm.xlane v19, v5;
	v14 =	vadd.f32 v6, v14;
	v19 =	vld [tilespmem:s8+$0x2520]  }
0x642: {  	v24 =	vld [tilespmem:s13+$0x8540];
	v6 =	vmul.f32 $1.442695020e+00, v21  }
0x643: {  	v11 =	vmul.f32 v11, v9;
	v8 =	vadd.f32 v20, v8;
	v21 =	vpop (erf);
	v20 =	vmul.f32 $-1.702000020e+00, v14  }
0x644: {  	v10 =	vadd.f32 v23, v10;
	v23 =	vpop (erf);
	(erf) = vpow2.f32 v6;
	v6 =	vmul.f32 v13, v9  }
0x645: {  	v13 =	vmul.f32 $-1.702000020e+00, v8;
	v25 =	vpop (erf);
	v20 =	vmul.f32 $1.442695020e+00, v20  }
0x646: {  	v26 =	vmul.f32 $-1.702000020e+00, v10;
	v27 =	vpop (erf);
	v22 =	vadd.f32 v19, v22;
	v19 =	vshll.u32 v19, $0x10  }
0x647: {  	v15 =	vmul.f32 v15, v3;
	v11 =	vmul.f32 v27, v11;
	v19 =	vadd.f32 v19, v24  }
0x648: {  	v13 =	vmul.f32 $1.442695020e+00, v13;
	(erf) = vpow2.f32 v20  }
0x649: {  	v20 =	vmul.f32 $1.442695020e+00, v26;
	[tilespmem:s12+$0x8550] =	vst v11;
	v11 =	vmul.f32 $-1.702000020e+00, v19  }
0x64a: {  	s29 =	simm.s32 $0x6;
	(erf) = vpow2.f32 v13;
	v24 =	vmul.f32 $-1.702000020e+00, v22;
	v26 =	vpop (erf)  }
0x64b: {  	s7 =	sand.u32 $0x70, s29;
	(erf) = vpow2.f32 v20;
	v6 =	vmul.f32 v26, v6  }
0x64c: {  	v18 =	vmul.f32 v18, v2;
	v13 =	vld [tilespmem:s7+$0x480];
	v24 =	vmul.f32 $1.442695020e+00, v24  }
0x64d: {  	v16 =	vmul.f32 v16, v5;
	v26 =	vld [tilespmem:s12+$0x8570];
	[tilespmem:s12+$0x8540] =	vst v6;
	v6 =	vmul.f32 $1.442695020e+00, v11;
	v11 =	vpop (erf)  }
0x64e: {  	v17 =	vmul.f32 v17, v5;
	(erf) = vpow2.f32 v24;
	v24 =	vld [tilespmem:s0+$0x2530];
	v11 =	vadd.f32 $1.000000000e+00, v11  }
0x64f: {  	v16 =	vmul.f32 v23, v16;
	(erf) = vpow2.f32 v6  }
0x650: {  	v17 =	vmul.f32 v25, v17;
	v25 =	vmov s29;
	v20 =	vld [tilespmem:s12+$0x8560];
	(erf) = vrcp.f32 v11  }
0x651: {  	[tilespmem:s25+$0x8510] =	vst v16;
	v6 =	vperm.xlane v13, v25;
	v11 =	vmul.f32 v21, v15;
	v13 =	vpop (erf)  }
0x652: {  	v14 =	vmul.f32 v14, v4;
	[tilespmem:s25+$0x8500] =	vst v17;
	v17 =	vmul.f32 v19, v1;
	v13 =	vadd.f32 $1.000000000e+00, v13  }
0x653: {  	v15 =	vmul.f32 v22, v1;
	v8 =	vmul.f32 v8, v6;
	v16 =	vpop (erf);
	v28 =	vadd.f32 v24, v26;
	[tilespmem:s18+$0x8520] =	vst v11;
	v11 =	vld [tilespmem:s3+$0x2510]  }
0x654: {  	s30 =	simm.s32 $0x1C0;
	v21 =	vld [tilespmem:s18+$0x8530];
	v16 =	vadd.f32 $1.000000000e+00, v16;
	v19 =	vpop (erf);
	v22 =	vshll.u32 v24, $0x10;
	(erf) = vrcp.f32 v13  }
0x655: {  	s0 =	sand.u32 $0x1FC0, s30;
	v24 =	vld [tilespmem:s25+$0x8520];
	v13 =	vadd.f32 $1.000000000e+00, v19;
	v19 =	vadd.f32 v22, v20;
	v23 =	vmul.f32 $-1.702000020e+00, v28  }
0x656: {  	s7 =	simm.s32 $0x380;
	v10 =	vmul.f32 v10, v6;
	(erf) = vrcp.f32 v16;
	v16 =	vld [tilespmem:s0+$0x2500]  }
0x657: {  	v20 =	vpop (erf);
	v25 =	vmul.f32 $-1.702000020e+00, v19;
	v22 =	vmul.f32 $1.442695020e+00, v23;
	v23 =	vld [tilespmem:s7+$0x8510]  }
0x658: {  	v27 =	vld [tilespmem:s7+$0x8500];
	(erf) = vrcp.f32 v13;
	v13 =	vadd.f32 $1.000000000e+00, v20;
	v20 =	vshll.u32 v11, $0x10;
	v26 =	vpop (erf)  }
0x659: {  	(erf) = vpow2.f32 v22;
	v22 =	vadd.f32 v7, v21;
	v7 =	vmul.f32 $1.442695020e+00, v25;
	v21 =	vpop (erf)  }
0x65a: {  	(erf) = vrcp.f32 v13;
	v13 =	vadd.f32 $1.000000000e+00, v26;
	v18 =	vmul.f32 v21, v18  }
0x65b: {  	v24 =	vadd.f32 v20, v24;
	(erf) = vpow2.f32 v7;
	v20 =	vmul.f32 $-1.702000020e+00, v22  }
0x65c: {  	(erf) = vrcp.f32 v13;
	v13 =	vshll.u32 v16, $0x10;
	v23 =	vadd.f32 v16, v23  }
0x65d: {  	v7 =	vmul.f32 v19, v9;
	v19 =	vld [tilespmem:s15+$0x8550];
	[tilespmem:s15+$0x8530] =	vst v18;
	v18 =	vmul.f32 $-1.702000020e+00, v24;
	v16 =	vadd.f32 v13, v27  }
0x65e: {  	v20 =	vmul.f32 $1.442695020e+00, v20;
	v21 =	vld [tilespmem:s26+$0x2520];
	v25 =	vmul.f32 $-1.702000020e+00, v23  }
0x65f: {  	v27 =	vld [tilespmem:s15+$0x8540];
	v13 =	vpop (erf);
	v18 =	vmul.f32 $1.442695020e+00, v18;
	v29 =	vmul.f32 $-1.702000020e+00, v16  }
0x660: {  	v26 =	vpop (erf);
	(erf) = vpow2.f32 v20;
	v20 =	vmul.f32 $1.442695020e+00, v25  }
0x661: {  	(erf) = vpow2.f32 v18;
	v18 =	vmul.f32 $1.442695020e+00, v29  }
0x662: {  	v13 =	vmul.f32 v13, v14;
	v8 =	vmul.f32 v26, v8;
	v25 =	vpop (erf)  }
0x663: {  	s31 =	simm.s32 $0x7;
	v14 =	vpop (erf);
	(erf) = vpow2.f32 v20;
	v29 =	vshll.u32 v21, $0x10;
	v19 =	vadd.f32 v21, v19  }
0x664: {  	s9 =	sand.u32 $0x70, s31;
	v10 =	vmul.f32 v25, v10;
	v20 =	vpop (erf);
	(erf) = vpow2.f32 v18;
	v25 =	vadd.f32 v29, v27  }
0x665: {  	v21 =	vld [tilespmem:s9+$0x480];
	v15 =	vmul.f32 v20, v15;
	v18 =	vpop (erf);
	v20 =	vmul.f32 $-1.702000020e+00, v19  }
0x666: {  	v14 =	vadd.f32 $1.000000000e+00, v14;
	[tilespmem:s2+$0x8500] =	vst v10;
	v26 =	vpop (erf);
	v18 =	vadd.f32 $1.000000000e+00, v18;
	v10 =	vmul.f32 $-1.702000020e+00, v25  }
0x667: {  	[tilespmem:s2+$0x8510] =	vst v8;
	v17 =	vmul.f32 v26, v17;
	v26 =	vmul.f32 $1.442695020e+00, v20  }
0x668: {  	v9 =	vmul.f32 v28, v9;
	v27 =	vld [tilespmem:s13+$0x8570];
	[tilespmem:s13+$0x8550] =	vst v15;
	(erf) = vrcp.f32 v18  }
0x669: {  	v8 =	vmov s31;
	v20 =	vld [tilespmem:s16+$0x2510];
	v10 =	vmul.f32 $1.442695020e+00, v10;
	[tilespmem:s13+$0x8540] =	vst v17;
	(erf) = vrcp.f32 v14  }
0x66a: {  	v8 =	vperm.xlane v21, v8;
	v14 =	vpop (erf);
	(erf) = vpow2.f32 v26;
	v29 =	vld [tilespmem:s8+$0x2530]  }
0x66b: {  	v21 =	vmul.f32 v19, v2;
	v17 =	vld [tilespmem:s2+$0x8520];
	v14 =	vadd.f32 $1.000000000e+00, v14;
	v26 =	vpop (erf);
	(erf) = vpow2.f32 v10  }
0x66c: {  	v15 =	vld [tilespmem:s13+$0x8560];
	v19 =	vmul.f32 v25, v2;
	v18 =	vmul.f32 v23, v8;
	v10 =	vadd.f32 $1.000000000e+00, v26  }
0x66d: {  	v23 =	vmul.f32 v22, v3;
	(erf) = vrcp.f32 v14  }
0x66e: {  	v22 =	vmul.f32 v24, v5;
	v24 =	vld [tilespmem:s19+$0x8530];
	v25 =	vpop (erf);
	(erf) = vrcp.f32 v10  }
0x66f: {  	[tilespmem:s19+$0x8520] =	vst v13;
	v13 =	vshll.u32 v20, $0x10;
	v26 =	vadd.f32 $1.000000000e+00, v25;
	v14 =	vpop (erf);
	v10 =	vadd.f32 v29, v27  }
0x670: {  	s24 =	simm.s32 $0x200;
	s9 =	simm.s32 $0x8;
	s8 =	simm.s32 $0x1000;
	v17 =	vadd.f32 v13, v17;
	v25 =	vadd.f32 $1.000000000e+00, v14;
	v27 =	vshll.u32 v29, $0x10  }
.LBB2_16:
0x671: {  	s21 =	sand.u32 $0x70, s9;
	s17 =	sand.u32 $0x1FC0, s24;
	s5 =	sshra.s32 s8, $0x2;
	(erf) = vrcp.f32 v26;
	v14 =	vadd.f32 v27, v15;
	v15 =	vmul.f32 $-1.702000020e+00, v10;
	v13 =	vpop (erf)  }
0x672: {  	p1 =	sne.s32 s8, $0xFE00;
	s8 =	sadd.s32 $0x200, s8;
	v27 =	vmul.f32 v16, v8;
	v26 =	vld [tilespmem:s17+$0x2500];
	v7 =	vmul.f32 v13, v7;
	v16 =	vpop (erf);
	v13 =	vmov v3  }
0x673: {  	v28 =	vld [tilespmem:s5+$0x8510];
	v24 =	vadd.f32 v12, v24;
	v3 =	vpop (erf);
	v30 =	vmul.f32 $-1.702000020e+00, v14;
	v31 =	vmul.f32 $1.442695020e+00, v15  }
0x674: {  	v32 =	vmul.f32 v16, v9;
	(erf) = vrcp.f32 v25;
	v33 =	vadd.f32 $1.000000000e+00, v3;
	v25 =	vpop (erf);
	[tilespmem:s12+$0x8560] =	vst v7  }
0x675: {  	v12 =	vmovc v11;
	v11 =	vmovc v20;
	v16 =	vld [tilespmem:s5+$0x8500];
	v25 =	vadd.f32 $1.000000000e+00, v25;
	v29 =	vmul.f32 $1.442695020e+00, v30;
	(erf) = vpow2.f32 v31  }
0x676: {  	v7 =	vmul.f32 v14, v1;
	v30 =	vmov s9;
	v15 =	vpop (erf);
	(erf) = vrcp.f32 v33;
	[tilespmem:s12+$0x8570] =	vst v32;
	s12 =	smov.u32 s13;
	s13 =	smov.u32 s15;
	s15 =	smov.u32 s18  }
0x677: {  	v3 =	vmov v4;
	s18 =	smov.u32 s19;
	s19 =	smov.u32 s25;
	s25 =	smov.u32 s2;
	v9 =	vpop (erf);
	v14 =	vmul.f32 v15, v23;
	(erf) = vpow2.f32 v29  }
0x678: {  	v4 =	vmovc v5;
	v5 =	vmovc v6;
	v6 =	vmov v8;
	s2 =	smov.u32 s7;
	s7 =	smov.u32 s5;
	v15 =	vmul.f32 $-1.702000020e+00, v24;
	(erf) = vrcp.f32 v25  }
0x679: {  	v20 =	vmul.f32 $-1.702000020e+00, v17;
	v25 =	vshll.u32 v26, $0x10;
	v23 =	vadd.f32 v26, v28;
	v28 =	vmovc v10;
	[tilespmem:s15+$0x8530] =	vst v14;
	v14 =	vld [tilespmem:s15+$0x8550]  }
0x67a: {  	v9 =	vmul.f32 v9, v22;
	v29 =	vmul.f32 $1.442695020e+00, v15;
	v16 =	vadd.f32 v25, v16;
	v8 =	vpop (erf);
	v15 =	vld [tilespmem:s6+$0x2520]  }
0x67b: {  	v20 =	vmul.f32 $1.442695020e+00, v20;
	v31 =	vmul.f32 $-1.702000020e+00, v23;
	v25 =	vld [tilespmem:s15+$0x8540]  }
0x67c: {  	v26 =	vmul.f32 $-1.702000020e+00, v16;
	[tilespmem:s19+$0x8520] =	vst v9;
	(erf) = vpow2.f32 v29  }
0x67d: {  	v9 =	vmul.f32 $1.442695020e+00, v31;
	v10 =	vpop (erf);
	(erf) = vpow2.f32 v20  }
0x67e: {  	v29 =	vmul.f32 $1.442695020e+00, v26;
	v10 =	vmul.f32 v10, v27;
	v22 =	vpop (erf)  }
0x67f: {  	(erf) = vpow2.f32 v9;
	v9 =	vshll.u32 v15, $0x10;
	v14 =	vadd.f32 v15, v14;
	v15 =	vpop (erf)  }
0x680: {  	v26 =	vld [tilespmem:s21+$0x480];
	(erf) = vpow2.f32 v29;
	[tilespmem:s2+$0x8500] =	vst v10;
	v9 =	vadd.f32 v9, v25;
	v10 =	vmul.f32 v15, v21;
	v15 =	vpop (erf)  }
0x681: {  	v8 =	vmul.f32 v8, v18;
	v18 =	vmul.f32 $-1.702000020e+00, v14;
	v20 =	vpop (erf);
	v21 =	vadd.f32 $1.000000000e+00, v15  }
0x682: {  	v29 =	vadd.f32 $1.000000000e+00, v22;
	v25 =	vmul.f32 $-1.702000020e+00, v9;
	v19 =	vmul.f32 v20, v19;
	[tilespmem:s13+$0x8550] =	vst v10;
	v15 =	vld [tilespmem:s13+$0x8560]  }
0x683: {  	[tilespmem:s2+$0x8510] =	vst v8;
	v18 =	vmul.f32 $1.442695020e+00, v18;
	v27 =	vld [tilespmem:s13+$0x8570];
	(erf) = vrcp.f32 v21  }
0x684: {  	v20 =	vld [tilespmem:s0+$0x2510];
	v22 =	vmul.f32 $1.442695020e+00, v25;
	[tilespmem:s13+$0x8540] =	vst v19;
	(erf) = vrcp.f32 v29  }
0x685: {  	v8 =	vperm.xlane v26, v30;
	v10 =	vpop (erf);
	(erf) = vpow2.f32 v18;
	v29 =	vld [tilespmem:s26+$0x2530];
	s26 =	smov.u32 s6;
	s6 =	smov.u32 s4;
	s4 =	smov.u32 s3  }
0x686: {  	v21 =	vmul.f32 v14, v13;
	s3 =	smov.u32 s16;
	s16 =	smov.u32 s0;
	s0 =	smov.u32 s17;
	v30 =	vld [tilespmem:s2+$0x8520];
	v19 =	vpop (erf);
	v10 =	vadd.f32 $1.000000000e+00, v10;
	(erf) = vpow2.f32 v22  }
.Ltmp12:
0x687: {  	v18 =	vmul.f32 v23, v8;
	v14 =	vadd.f32 $1.000000000e+00, v19;
	v19 =	vmul.f32 v9, v13;
	(pc) =	sbr.rel @p1 .LBB2_16-.Ltmp12, $4  }
0x688: {  	v23 =	vmul.f32 v24, v3;
	v9 =	vpop (erf);
	(erf) = vrcp.f32 v10  }
0x689: {  	v22 =	vmul.f32 v17, v5;
	v26 =	vadd.f32 $1.000000000e+00, v9;
	v9 =	vpop (erf);
	(erf) = vrcp.f32 v14;
	v24 =	vld [tilespmem:s19+$0x8530]  }
0x68a: {  	v25 =	vadd.f32 $1.000000000e+00, v9;
	v9 =	vshll.u32 v20, $0x10;
	v10 =	vadd.f32 v29, v27  }
0x68b: {  	s24 =	sadd.s32 $0x40, s24;
	s9 =	sadd.s32 $0x1, s9;
	v27 =	vshll.u32 v29, $0x10;
	v17 =	vadd.f32 v9, v30;
	v9 =	vmul.f32 v28, v1;
	v1 =	vmovc v2;
	v2 =	vmovc v13  }
0x68c: {  	v28 =	vmul.f32 $-1.702000020e+00, v10;
	v14 =	vpop (erf);
	v13 =	vadd.f32 v27, v15  }
0x68d: {  	(erf) = vrcp.f32 v26;
	v15 =	vpop (erf)  }
0x68e: {  	v44 =	vpop (erf);
	v45 =	vmul.f32 $1.442695020e+00, v28;
	v46 =	vmul.f32 $-1.702000020e+00, v13  }
0x68f: {  	(erf) = vrcp.f32 v25;
	v47 =	vadd.f32 $1.000000000e+00, v44  }
0x690: {  	v48 =	vpop (erf);
	(erf) = vpow2.f32 v45;
	v49 =	vmul.f32 $1.442695020e+00, v46  }
0x691: {  	v24 =	vadd.f32 v12, v24;
	v51 =	vadd.f32 $1.000000000e+00, v48;
	v50 =	vpop (erf);
	(erf) = vrcp.f32 v47  }
0x692: {  	v23 =	vmul.f32 v50, v23;
	(erf) = vpow2.f32 v49  }
0x693: {  	v52 =	vmul.f32 $-1.702000020e+00, v24;
	(erf) = vrcp.f32 v51  }
0x694: {  	v53 =	vld [tilespmem:s18+$0x8550];
	[tilespmem:s18+$0x8530] =	vst v23  }
0x695: {  	v25 =	vmul.f32 $1.442695020e+00, v52;
	v55 =	vld [tilespmem:s6+$0x2520]  }
0x696: {  	v57 =	vld [tilespmem:s18+$0x8540];
	v54 =	vpop (erf)  }
0x697: {  	(erf) = vpow2.f32 v25;
	v56 =	vpop (erf)  }
0x698: {  	v29 =	vmul.f32 $-1.702000020e+00, v17;
	v58 =	vpop (erf)  }
0x699: {  	v30 =	vpop (erf)  }
0x69a: {  	v29 =	vmul.f32 $1.442695020e+00, v29;
	v31 =	vpop (erf);
	v32 =	vshll.u32 v55, $0x10;
	v33 =	vadd.f32 v55, v53  }
0x69b: {  	v59 =	vmul.f32 v31, v21;
	v21 =	vadd.f32 v32, v57;
	v60 =	vpop (erf)  }
0x69c: {  	(erf) = vpow2.f32 v29;
	v61 =	vmul.f32 $-1.702000020e+00, v33;
	v62 =	vpop (erf);
	v26 =	vadd.f32 $1.000000000e+00, v60  }
0x69d: {  	v30 =	vadd.f32 $1.000000000e+00, v30;
	v63 =	vmul.f32 $-1.702000020e+00, v21;
	v19 =	vmul.f32 v62, v19  }
0x69e: {  	[tilespmem:s15+$0x8550] =	vst v59;
	v28 =	vmul.f32 $1.442695020e+00, v61;
	(erf) = vrcp.f32 v26  }
0x69f: {  	v35 =	vld [tilespmem:s15+$0x8570];
	[tilespmem:s15+$0x8540] =	vst v19;
	(erf) = vrcp.f32 v30  }
0x6a0: {  	v36 =	vpop (erf);
	v12 =	vmul.f32 $1.442695020e+00, v63;
	(erf) = vpow2.f32 v28;
	v37 =	vld [tilespmem:s26+$0x2530]  }
0x6a1: {  	v19 =	vadd.f32 $1.000000000e+00, v36  }
0x6a2: {  	v34 =	vld [tilespmem:s15+$0x8560];
	(erf) = vpow2.f32 v12  }
0x6a3: {  	v16 =	vmul.f32 v16, v8;
	(erf) = vrcp.f32 v19;
	_ =	sdelay $0x1  }
0x6a4: {  	v12 =	vadd.f32 v37, v35  }
0x6a5: {  	v43 =	vmul.f32 v56, v18;
	v39 =	vpop (erf);
	v41 =	vshll.u32 v37, $0x10  }
0x6a6: {  	v44 =	vld [tilespmem:s25+$0x8530];
	v40 =	vmul.f32 v58, v16;
	v19 =	vadd.f32 v41, v34;
	v42 =	vmul.f32 $-1.702000020e+00, v12;
	v16 =	vpop (erf)  }
0x6a7: {  	v38 =	vmul.f32 v54, v22;
	[tilespmem:s7+$0x8510] =	vst v43;
	v22 =	vadd.f32 $1.000000000e+00, v39;
	v18 =	vpop (erf)  }
0x6a8: {  	[tilespmem:s7+$0x8500] =	vst v40;
	v46 =	vmul.f32 $-1.702000020e+00, v19;
	v45 =	vpop (erf);
	v25 =	vmul.f32 $1.442695020e+00, v42  }
0x6a9: {  	v24 =	vmul.f32 v24, v4;
	v26 =	vld [tilespmem:s0+$0x2510];
	(erf) = vrcp.f32 v22;
	v23 =	vadd.f32 $1.000000000e+00, v45  }
0x6aa: {  	v48 =	vld [tilespmem:s7+$0x8520];
	v47 =	vpop (erf);
	v22 =	vmul.f32 $1.442695020e+00, v46;
	(erf) = vpow2.f32 v25  }
0x6ab: {  	v50 =	vadd.f32 v11, v44;
	v49 =	vpop (erf);
	v51 =	vadd.f32 $1.000000000e+00, v47;
	(erf) = vrcp.f32 v23  }
0x6ac: {  	v24 =	vmul.f32 v49, v24;
	(erf) = vpow2.f32 v22  }
0x6ad: {  	v52 =	vmul.f32 $-1.702000020e+00, v50;
	(erf) = vrcp.f32 v51  }
0x6ae: {  	v54 =	vld [tilespmem:s19+$0x8550];
	v53 =	vshll.u32 v26, $0x10;
	[tilespmem:s19+$0x8530] =	vst v24  }
0x6af: {  	v55 =	vmul.f32 $1.442695020e+00, v52;
	v25 =	vadd.f32 v53, v48;
	v56 =	vld [tilespmem:s4+$0x2520]  }
0x6b0: {  	v57 =	vld [tilespmem:s19+$0x8540]  }
0x6b1: {  	v59 =	vmul.f32 $-1.702000020e+00, v25;
	(erf) = vpow2.f32 v55  }
0x6b2: {  	v58 =	vpop (erf)  }
0x6b3: {  	v29 =	vmul.f32 $1.442695020e+00, v59;
	v61 =	vpop (erf)  }
0x6b4: {  	v60 =	vmul.f32 v33, v3;
	v63 =	vshll.u32 v56, $0x10;
	v24 =	vadd.f32 v56, v54;
	v62 =	vpop (erf)  }
0x6b5: {  	v21 =	vmul.f32 v21, v3;
	(erf) = vpow2.f32 v29;
	v27 =	vadd.f32 v63, v57;
	v33 =	vpop (erf)  }
0x6b6: {  	v11 =	vmul.f32 v62, v60;
	v34 =	vmul.f32 $-1.702000020e+00, v24;
	v35 =	vpop (erf);
	v22 =	vadd.f32 $1.000000000e+00, v33  }
0x6b7: {  	[tilespmem:s25+$0x8520] =	vst v38;
	v30 =	vadd.f32 $1.000000000e+00, v61;
	v36 =	vmul.f32 $-1.702000020e+00, v27;
	v21 =	vmul.f32 v35, v21  }
0x6b8: {  	[tilespmem:s18+$0x8550] =	vst v11;
	v29 =	vmul.f32 $1.442695020e+00, v34;
	(erf) = vrcp.f32 v22  }
0x6b9: {  	v38 =	vld [tilespmem:s18+$0x8570];
	[tilespmem:s18+$0x8540] =	vst v21;
	(erf) = vrcp.f32 v30  }
0x6ba: {  	v39 =	vpop (erf);
	v11 =	vmul.f32 $1.442695020e+00, v36;
	(erf) = vpow2.f32 v29;
	v40 =	vld [tilespmem:s6+$0x2530]  }
0x6bb: {  	v37 =	vld [tilespmem:s18+$0x8560];
	v21 =	vadd.f32 $1.000000000e+00, v39  }
0x6bc: {  	v41 =	vmul.f32 v17, v6;
	(erf) = vpow2.f32 v11  }
0x6bd: {  	(erf) = vrcp.f32 v21  }
0x6be: {  	v17 =	vmul.f32 v58, v41  }
0x6bf: {  	v11 =	vadd.f32 v40, v38;
	v43 =	vshll.u32 v40, $0x10  }
0x6c0: {  	[tilespmem:s2+$0x8520] =	vst v17;
	v42 =	vpop (erf);
	v17 =	vadd.f32 v43, v37  }
0x6c1: {  	v45 =	vld [tilespmem:s2+$0x8530];
	v28 =	vadd.f32 $1.000000000e+00, v42;
	v44 =	vmul.f32 $-1.702000020e+00, v11;
	v21 =	vpop (erf)  }
0x6c2: {  	v22 =	vpop (erf);
	v47 =	vmul.f32 $-1.702000020e+00, v17  }
0x6c3: {  	v46 =	vpop (erf);
	v29 =	vmul.f32 $1.442695020e+00, v44;
	(erf) = vrcp.f32 v28  }
0x6c4: {  	v23 =	vmul.f32 v50, v5;
	v31 =	vadd.f32 $1.000000000e+00, v46  }
0x6c5: {  	v48 =	vpop (erf);
	v28 =	vmul.f32 $1.442695020e+00, v47;
	(erf) = vpow2.f32 v29  }
0x6c6: {  	v30 =	vadd.f32 v20, v45;
	v49 =	vpop (erf);
	v50 =	vadd.f32 $1.000000000e+00, v48;
	(erf) = vrcp.f32 v31  }
0x6c7: {  	v23 =	vmul.f32 v49, v23;
	(erf) = vpow2.f32 v28  }
0x6c8: {  	v51 =	vmul.f32 $-1.702000020e+00, v30;
	(erf) = vrcp.f32 v50  }
0x6c9: {  	v52 =	vld [tilespmem:s25+$0x8550];
	[tilespmem:s25+$0x8530] =	vst v23  }
0x6ca: {  	v53 =	vmul.f32 $1.442695020e+00, v51;
	v54 =	vld [tilespmem:s3+$0x2520]  }
0x6cb: {  	v55 =	vld [tilespmem:s25+$0x8540]  }
0x6cc: {  	v56 =	vpop (erf);
	(erf) = vpow2.f32 v53;
	_ =	sdelay $0x1  }
0x6cd: {  	v58 =	vpop (erf)  }
0x6ce: {  	v57 =	vmul.f32 v24, v4;
	v60 =	vshll.u32 v54, $0x10;
	v28 =	vadd.f32 v54, v52;
	v59 =	vpop (erf)  }
0x6cf: {  	v62 =	vmul.f32 v27, v4;
	v63 =	vadd.f32 v60, v55;
	v36 =	vpop (erf)  }
0x6d0: {  	v61 =	vmul.f32 v59, v57;
	v37 =	vmul.f32 $-1.702000020e+00, v28;
	v38 =	vpop (erf);
	v29 =	vadd.f32 $1.000000000e+00, v36  }
0x6d1: {  	v24 =	vadd.f32 $1.000000000e+00, v58;
	v39 =	vmul.f32 $-1.702000020e+00, v63;
	v23 =	vmul.f32 v38, v62  }
0x6d2: {  	[tilespmem:s19+$0x8550] =	vst v61;
	v32 =	vmul.f32 $1.442695020e+00, v37;
	(erf) = vrcp.f32 v29  }
0x6d3: {  	v34 =	vld [tilespmem:s19+$0x8570];
	[tilespmem:s19+$0x8540] =	vst v23;
	(erf) = vrcp.f32 v24  }
0x6d4: {  	v20 =	vmul.f32 $1.442695020e+00, v39;
	v41 =	vpop (erf);
	(erf) = vpow2.f32 v32;
	v42 =	vld [tilespmem:s4+$0x2530]  }
0x6d5: {  	v23 =	vadd.f32 $1.000000000e+00, v41  }
0x6d6: {  	v40 =	vld [tilespmem:s19+$0x8560];
	(erf) = vpow2.f32 v20  }
0x6d7: {  	(erf) = vrcp.f32 v23;
	_ =	sdelay $0x1  }
0x6d8: {  	v20 =	vadd.f32 v42, v34;
	v24 =	vshll.u32 v42, $0x10;
	_ =	sdelay $0x1  }
0x6d9: {  	v43 =	vmul.f32 v25, v8;
	v46 =	vld [tilespmem:s7+$0x8530];
	v25 =	vadd.f32 v24, v40;
	v45 =	vmul.f32 $-1.702000020e+00, v20;
	v23 =	vpop (erf)  }
0x6da: {  	v24 =	vpop (erf)  }
0x6db: {  	v33 =	vmul.f32 $-1.702000020e+00, v25;
	v32 =	vpop (erf);
	v29 =	vmul.f32 $1.442695020e+00, v45  }
0x6dc: {  	v30 =	vmul.f32 v30, v6;
	v32 =	vadd.f32 $1.000000000e+00, v32  }
0x6dd: {  	v47 =	vpop (erf);
	v48 =	vmul.f32 $1.442695020e+00, v33;
	(erf) = vpow2.f32 v29  }
0x6de: {  	v26 =	vadd.f32 v26, v46;
	v50 =	vadd.f32 $1.000000000e+00, v47;
	v49 =	vpop (erf);
	(erf) = vrcp.f32 v32  }
0x6df: {  	v30 =	vmul.f32 v49, v30;
	(erf) = vpow2.f32 v48  }
0x6e0: {  	v51 =	vmul.f32 $-1.702000020e+00, v26;
	(erf) = vrcp.f32 v50  }
0x6e1: {  	v52 =	vld [tilespmem:s2+$0x8550];
	[tilespmem:s2+$0x8530] =	vst v30  }
0x6e2: {  	v29 =	vmul.f32 $1.442695020e+00, v51;
	v53 =	vld [tilespmem:s16+$0x2520]  }
0x6e3: {  	v54 =	vld [tilespmem:s2+$0x8540]  }
0x6e4: {  	(erf) = vpow2.f32 v29;
	_ =	sdelay $0x1  }
0x6e5: {  	v44 =	vmul.f32 v56, v43;
	v55 =	vpop (erf)  }
0x6e6: {  	v28 =	vmul.f32 v28, v5;
	v56 =	vpop (erf);
	v57 =	vshll.u32 v53, $0x10;
	v30 =	vadd.f32 v53, v52  }
0x6e7: {  	v27 =	vmul.f32 v63, v5;
	v58 =	vadd.f32 v57, v54;
	v59 =	vpop (erf)  }
0x6e8: {  	v28 =	vmul.f32 v56, v28;
	v60 =	vmul.f32 $-1.702000020e+00, v30;
	v61 =	vpop (erf);
	v32 =	vadd.f32 $1.000000000e+00, v59  }
0x6e9: {  	v29 =	vadd.f32 $1.000000000e+00, v55;
	v62 =	vmul.f32 $-1.702000020e+00, v58;
	v27 =	vmul.f32 v61, v27  }
0x6ea: {  	[tilespmem:s25+$0x8550] =	vst v28;
	v33 =	vmul.f32 $1.442695020e+00, v60;
	(erf) = vrcp.f32 v32  }
0x6eb: {  	v35 =	vld [tilespmem:s25+$0x8570];
	[tilespmem:s25+$0x8540] =	vst v27;
	(erf) = vrcp.f32 v29  }
0x6ec: {  	v37 =	vpop (erf);
	v36 =	vmul.f32 $1.442695020e+00, v62;
	(erf) = vpow2.f32 v33;
	v38 =	vld [tilespmem:s3+$0x2530]  }
0x6ed: {  	v28 =	vadd.f32 $1.000000000e+00, v37  }
0x6ee: {  	v63 =	vld [tilespmem:s25+$0x8560];
	(erf) = vpow2.f32 v36  }
0x6ef: {  	(erf) = vrcp.f32 v28;
	_ =	sdelay $0x1  }
0x6f0: {  	v27 =	vadd.f32 v38, v35  }
0x6f1: {  	v39 =	vshll.u32 v38, $0x10  }
0x6f2: {  	v28 =	vadd.f32 v39, v63;
	v40 =	vmul.f32 $-1.702000020e+00, v27;
	v32 =	vpop (erf)  }
0x6f3: {  	v33 =	vpop (erf)  }
0x6f4: {  	v42 =	vmul.f32 $-1.702000020e+00, v28;
	v41 =	vpop (erf);
	v29 =	vmul.f32 $1.442695020e+00, v40  }
0x6f5: {  	v26 =	vmul.f32 v26, v8;
	v34 =	vadd.f32 $1.000000000e+00, v41  }
0x6f6: {  	v36 =	vpop (erf);
	v43 =	vmul.f32 $1.442695020e+00, v42;
	(erf) = vpow2.f32 v29  }
0x6f7: {  	[tilespmem:s7+$0x8520] =	vst v44;
	v44 =	vpop (erf);
	v45 =	vadd.f32 $1.000000000e+00, v36;
	(erf) = vrcp.f32 v34  }
0x6f8: {  	v26 =	vmul.f32 v44, v26;
	(erf) = vpow2.f32 v43  }
0x6f9: {  	(erf) = vrcp.f32 v45  }
0x6fa: {  	v46 =	vld [tilespmem:s7+$0x8550];
	[tilespmem:s7+$0x8530] =	vst v26  }
0x6fb: {  	v47 =	vld [tilespmem:s0+$0x2520]  }
0x6fc: {  	v48 =	vld [tilespmem:s7+$0x8540];
	_ =	sdelay $0x2  }
0x6fd: {  	v49 =	vpop (erf)  }
0x6fe: {  	v30 =	vmul.f32 v30, v6;
	v26 =	vadd.f32 v47, v46;
	v29 =	vshll.u32 v47, $0x10;
	v50 =	vpop (erf)  }
0x6ff: {  	v31 =	vmul.f32 v58, v6;
	v29 =	vadd.f32 v29, v48;
	v51 =	vpop (erf)  }
0x700: {  	v30 =	vmul.f32 v50, v30;
	v37 =	vmul.f32 $-1.702000020e+00, v26;
	v38 =	vpop (erf);
	v36 =	vadd.f32 $1.000000000e+00, v51  }
0x701: {  	v54 =	vadd.f32 $1.000000000e+00, v49;
	v57 =	vmul.f32 $-1.702000020e+00, v29;
	v52 =	vmul.f32 v38, v31  }
0x702: {  	[tilespmem:s2+$0x8550] =	vst v30;
	v55 =	vmul.f32 $1.442695020e+00, v37;
	(erf) = vrcp.f32 v36  }
0x703: {  	v56 =	vld [tilespmem:s2+$0x8570];
	[tilespmem:s2+$0x8540] =	vst v52;
	(erf) = vrcp.f32 v54  }
0x704: {  	v58 =	vmul.f32 $1.442695020e+00, v57;
	(erf) = vpow2.f32 v55;
	v30 =	vld [tilespmem:s16+$0x2530];
	_ =	sdelay $0x1  }
0x705: {  	v53 =	vld [tilespmem:s2+$0x8560];
	(erf) = vpow2.f32 v58;
	_ =	sdelay $0x2  }
0x706: {  	v34 =	vadd.f32 v30, v56  }
0x707: {  	v30 =	vshll.u32 v30, $0x10  }
0x708: {  	v30 =	vadd.f32 v30, v53;
	v59 =	vmul.f32 $-1.702000020e+00, v34;
	v60 =	vpop (erf)  }
0x709: {  	v31 =	vpop (erf)  }
0x70a: {  	v62 =	vmul.f32 $-1.702000020e+00, v30;
	v61 =	vpop (erf);
	v35 =	vmul.f32 $1.442695020e+00, v59  }
0x70b: {  	v37 =	vadd.f32 $1.000000000e+00, v61  }
0x70c: {  	v63 =	vpop (erf);
	v38 =	vmul.f32 $1.442695020e+00, v62;
	(erf) = vpow2.f32 v35  }
0x70d: {  	v35 =	vadd.f32 $1.000000000e+00, v63;
	(erf) = vrcp.f32 v37  }
0x70e: {  	(erf) = vpow2.f32 v38  }
0x70f: {  	(erf) = vrcp.f32 v35;
	_ =	sdelay $0x5  }
0x710: {  	v40 =	vpop (erf)  }
0x711: {  	v26 =	vmul.f32 v26, v8;
	v37 =	vpop (erf)  }
0x712: {  	v29 =	vmul.f32 v29, v8;
	v41 =	vpop (erf)  }
0x713: {  	v26 =	vmul.f32 v37, v26;
	v42 =	vpop (erf)  }
0x714: {  	v43 =	vmul.f32 v42, v29  }
0x715: {  	[tilespmem:s7+$0x8550] =	vst v26  }
0x716: {  	v45 =	vld [tilespmem:s7+$0x8570];
	[tilespmem:s7+$0x8540] =	vst v43  }
0x717: {  	v26 =	vld [tilespmem:s0+$0x2530]  }
0x718: {  	v44 =	vld [tilespmem:s7+$0x8560];
	_ =	sdelay $0x3  }
0x719: {  	v38 =	vadd.f32 v26, v45;
	v26 =	vshll.u32 v26, $0x10  }
0x71a: {  	v26 =	vadd.f32 v26, v44  }
0x71b: {  	v46 =	vadd.f32 $1.000000000e+00, v41;
	v47 =	vmul.f32 $-1.702000020e+00, v38  }
0x71c: {  	v35 =	vadd.f32 $1.000000000e+00, v40;
	v39 =	vmul.f32 $-1.702000020e+00, v26  }
0x71d: {  	(erf) = vrcp.f32 v46;
	v48 =	vmul.f32 $1.442695020e+00, v47  }
0x71e: {  	(erf) = vrcp.f32 v35;
	v49 =	vmul.f32 $1.442695020e+00, v39  }
0x71f: {  	(erf) = vpow2.f32 v48  }
0x720: {  	(erf) = vpow2.f32 v49;
	_ =	sdelay $0x4  }
0x721: {  	v13 =	vmul.f32 v13, v1;
	v1 =	vmul.f32 v10, v1  }
0x722: {  	v50 =	vpop (erf)  }
0x723: {  	v1 =	vmul.f32 v18, v1;
	v51 =	vpop (erf)  }
0x724: {  	v7 =	vmul.f32 v14, v7;
	v9 =	vmul.f32 v15, v9;
	v52 =	vpop (erf)  }
0x725: {  	[tilespmem:s13+$0x8570] =	vst v1;
	v1 =	vmul.f32 v11, v3;
	v57 =	vmul.f32 v17, v3;
	v54 =	vpop (erf)  }
0x726: {  	v53 =	vmul.f32 v19, v2;
	v2 =	vmul.f32 v12, v2;
	v12 =	vadd.f32 $1.000000000e+00, v54  }
0x727: {  	[tilespmem:s12+$0x8560] =	vst v7;
	v1 =	vmul.f32 v24, v1;
	v3 =	vmul.f32 v23, v57;
	v10 =	vadd.f32 $1.000000000e+00, v52  }
0x728: {  	[tilespmem:s12+$0x8570] =	vst v9;
	v58 =	vmul.f32 v25, v4;
	(erf) = vrcp.f32 v12  }
0x729: {  	[tilespmem:s18+$0x8570] =	vst v1;
	v2 =	vmul.f32 v22, v2;
	(erf) = vrcp.f32 v10  }
0x72a: {  	v55 =	vmul.f32 v16, v13;
	[tilespmem:s18+$0x8560] =	vst v3  }
0x72b: {  	v3 =	vmul.f32 v32, v58;
	[tilespmem:s15+$0x8570] =	vst v2;
	v2 =	vmul.f32 v20, v4  }
0x72c: {  	[tilespmem:s13+$0x8560] =	vst v55;
	v56 =	vmul.f32 v21, v53;
	v59 =	vmul.f32 v28, v5  }
0x72d: {  	[tilespmem:s19+$0x8560] =	vst v3;
	v1 =	vmul.f32 v33, v2;
	v2 =	vmul.f32 v27, v5  }
0x72e: {  	[tilespmem:s15+$0x8560] =	vst v56;
	v3 =	vmul.f32 v60, v59;
	v60 =	vmul.f32 v30, v6  }
0x72f: {  	[tilespmem:s19+$0x8570] =	vst v1;
	v1 =	vmul.f32 v31, v2;
	v2 =	vmul.f32 v34, v6  }
0x730: {  	[tilespmem:s25+$0x8560] =	vst v3;
	v3 =	vmul.f32 v50, v60;
	v61 =	vmul.f32 v26, v8  }
0x731: {  	[tilespmem:s25+$0x8570] =	vst v1;
	v1 =	vmul.f32 v51, v2;
	v2 =	vmul.f32 v38, v8;
	v62 =	vpop (erf)  }
0x732: {  	[tilespmem:s2+$0x8560] =	vst v3;
	v3 =	vmul.f32 v62, v61;
	v63 =	vpop (erf)  }
0x733: {  	[tilespmem:s2+$0x8570] =	vst v1;
	v1 =	vmul.f32 v63, v2  }
0x734: {  	s21 =	simm.s32 $0x8500;
	[tilespmem:s7+$0x8560] =	vst v3  }
0x735: {  	s24 =	simm.s32 $0x380;
	s28 =	simm.s32 $0x0;
	s19 =	rddreg [dreg:$0x6];
	[tilespmem:s7+$0x8570] =	vst v1  }
0x736: {  	[spmem:s19] =	stream.indirect.scatter.add.f32 [tilespmem:s21], [sflag:$0xA], $0x80, s24, s22, $0xb8;
	[tilespmem:$0x1FD80] =	vst v63  }
.Ltmp13:
0x737: {  	s26 =	rddreg [dreg:$0x1];
	s25 =	sshll.u32 s1, $0xA;
	(pc) =	sbr.rel .LBB2_18-.Ltmp13, $4  }
0x738: {  	s29 =	simm.s32 $0x2500;
	s30 =	rddreg [dreg:$0x4];
	s0 =	sadd.s32 s26, s25  }
0x739: {  	[tilespmem:s29], [sflag:$0x6] =	stream.linear.gather [hbm4b:s0+s28], $0x2000, $0x38;
	[tilespmem:$0x1FD80] =	vst v63  }
0x73a: {  	s31 =	simm.s32 $0x480;
	s0 =	sadd.s32 s30, s11  }
0x73b: {  	[tilespmem:s31], [sflag:$0x6] =	stream.linear.gather [hbm4b:s0+s28], $0x80, $0x38;
	[tilespmem:$0x1FD80] =	vst v63  }
.LBB2_20:
0x73c: {  	_ =	sfence.sel $0x180000  }
0x73d: {  	[bflag:$0x0] =	sbarrier.arrive $0xFFFF  }
0x73e: {  	_ =	strace $0x90000047  }
0x73f: {  	s0 =	stileid.u32;
	[bflag:$0x2] =	sbarrier.arrive $0xFFFF  }
0x740: {  	p0 =	sne.s32 s0, $0x0;
	s0 =	rddreg [dreg:$0x7]  }
0x741: {  	s0 =	sadd.s32 @!p0 $0x100000, s0  }
0x742: {  	[sflag:s0] =	ssyncadd.tile.s32 @!p0 $0x1;
	_ =	shalt  }
.Lfunc_end2:
_tile_overlayer_lowered:
.L_overlay_start_2:
0x743: {  	(tag) =	ssettag $0x2  }
0x744: {  	s0 =	rddreg [dreg:$0x0];
	s2 =	stileid.u32  }
0x745: {  	s1 =	rddreg [dreg:$0x1];
	p0 =	sne.s32 s2, $0x0  }
0x746: {  	s3 =	rddreg [dreg:$0x2];
	[bflag:$0x3] =	sbarrier.arrive $0xFFFF;
	s2 =	simm.s32 @!p0 $0x1C0B  }
0x747: {  	[timem:s3], [sflag:s2] =	dma.local @!p0 [hbm:s0], s1  }
0x748: {  	s0 =	simm.s32 @!p0 $0xB  }
0x749: {  	_ =	swait.ge @!p0 [sflag:s0], s1  }
0x74a: {  	s1 =	ssub.s32 @!p0 $0x0, s1;
	[sflag:s0] =	ssyncset.done @!p0 $0x0  }
0x74b: {  	[sflag:s0] =	ssyncadd.s32 @!p0 s1  }
0x74c: {  	[bflag:$0x3] =	sbarrier.arrive $0xFFFF  }
0x74d: {  	_ =	shalt  }

</sc_bundles>
